<compile_context>
chip_gen: v7x
topology: tpu7x:2x2x1
jax: 0.10.2.dev20260603
libtpu: 0.0.44.dev20260713+nightly
codegen_flags: <defaults>
</compile_context>

<pallas_src>
import functools

import jax
import jax.numpy as jnp
from jax import lax
from jax.experimental import pallas as pl
from jax.experimental.pallas import tpu as pltpu
from jax.experimental.pallas import tpu_sc as plsc

E = 8
K = 2
H = 1024
I = 2048
T = 2048
BLK = 512
NB = (T * K) // BLK + (E - 1)
TE_PAD = NB * BLK


def _mlp_body(be_ref, x_ref, w1_ref, w3_ref, w2_ref, o_ref):
    x = x_ref[...]
    h1 = jax.lax.dot_general(x, w1_ref[...], (((1,), (1,)), ((), ())),
                             preferred_element_type=jnp.float32)
    h3 = jax.lax.dot_general(x, w3_ref[...], (((1,), (1,)), ((), ())),
                             preferred_element_type=jnp.float32)
    h = h1 * jax.nn.sigmoid(h1) * h3
    o_ref[...] = jax.lax.dot_general(h, w2_ref[...], (((1,), (1,)), ((), ())),
                                     preferred_element_type=jnp.float32)


def _grouped_mlp(block_expert, x_sorted, w1, w3, w2):
    grid_spec = pltpu.PrefetchScalarGridSpec(
        num_scalar_prefetch=1,
        grid=(NB,),
        in_specs=[
            pl.BlockSpec((BLK, H), lambda i, be: (i, 0)),
            pl.BlockSpec((None, I, H), lambda i, be: (be[i], 0, 0)),
            pl.BlockSpec((None, I, H), lambda i, be: (be[i], 0, 0)),
            pl.BlockSpec((None, H, I), lambda i, be: (be[i], 0, 0)),
        ],
        out_specs=pl.BlockSpec((BLK, H), lambda i, be: (i, 0)),
    )
    return pl.pallas_call(
        _mlp_body,
        grid_spec=grid_spec,
        out_shape=jax.ShapeDtypeStruct((TE_PAD, H), jnp.float32),
        compiler_params=pltpu.CompilerParams(
            vmem_limit_bytes=100 * 1024 * 1024),
    )(block_expert, x_sorted, w1, w3, w2)


def _sel_by(arr, idx, iota_e):
    return jnp.sum(jnp.where(iota_e == idx, arr, 0.0), axis=0, keepdims=True)


def _route_body(x_ref, g_ref, pos_ref, w_ref, be_ref):
    lT = jax.lax.dot_general(g_ref[...], x_ref[...], (((1,), (1,)), ((), ())),
                             preferred_element_type=jnp.float32)
    m = jnp.max(lT, axis=0, keepdims=True)
    p = jnp.exp(lT - m)
    p = p / jnp.sum(p, axis=0, keepdims=True)
    iota_e = jax.lax.broadcasted_iota(jnp.int32, (E, T), 0)
    m1 = jnp.max(p, axis=0, keepdims=True)
    a1 = jnp.min(jnp.where(p == m1, iota_e, E), axis=0, keepdims=True)
    p2 = jnp.where(iota_e == a1, -1.0, p)
    m2 = jnp.max(p2, axis=0, keepdims=True)
    a2 = jnp.min(jnp.where(p2 == m2, iota_e, E), axis=0, keepdims=True)
    s = m1 + m2
    w_ref[0:1, :] = m1 / s
    w_ref[1:2, :] = m2 / s
    oh0 = (iota_e == a1).astype(jnp.float32)
    oh1 = (iota_e == a2).astype(jnp.float32)
    c01 = oh0 + oh1
    cs = c01
    d = 1
    while d < T:
        cs = cs + jnp.concatenate(
            [jnp.zeros((E, d), jnp.float32), cs[:, :T - d]], axis=1)
        d *= 2
    excl = cs - c01
    counts = cs[:, T - 1:T]
    padded = jnp.floor((counts + (BLK - 1)) / BLK) * BLK
    cp = padded
    d = 1
    while d < E:
        cp = cp + jnp.concatenate(
            [jnp.zeros((d, 1), jnp.float32), cp[:E - d]], axis=0)
        d *= 2
    gstart = jnp.broadcast_to(cp - padded, (E, T))
    pos0 = _sel_by(gstart, a1, iota_e) + _sel_by(excl, a1, iota_e)
    pos1 = _sel_by(gstart, a2, iota_e) + _sel_by(excl, a2, iota_e) + \
        _sel_by(oh0, a2, iota_e)
    pos_ref[0:1, :] = pos0.astype(jnp.int32)
    pos_ref[1:2, :] = pos1.astype(jnp.int32)
    bstart = jax.lax.broadcasted_iota(jnp.int32, (1, NB), 1).astype(jnp.float32) * BLK
    be = jnp.sum((cp <= bstart).astype(jnp.float32), axis=0, keepdims=True)
    iota_e1 = jax.lax.broadcasted_iota(jnp.int32, (E, 1), 0).astype(jnp.float32)
    last_e = jnp.max(jnp.where(counts > 0, iota_e1, -1.0), axis=0, keepdims=True)
    be = jnp.where(bstart < cp[E - 1:E, :], be, last_e)
    be_ref[...] = be.astype(jnp.int32)


def _route(x, gate_w):
    return pl.pallas_call(
        _route_body,
        out_shape=(
            jax.ShapeDtypeStruct((K, T), jnp.int32),
            jax.ShapeDtypeStruct((K, T), jnp.float32),
            jax.ShapeDtypeStruct((1, NB), jnp.int32),
        ),
    )(x, gate_w)


_SC_MESH = plsc.VectorSubcoreMesh(core_axis_name="c", subcore_axis_name="s")
NW = 32
PW = (T * K) // NW
CH = 16


def _dispatch_body(x_hbm, pos_hbm, xs_hbm, posv, xb0, xb1,
                   gs0, gs1, ss0, ss1):
    wid = lax.axis_index("s") * 2 + lax.axis_index("c")
    base = wid * PW
    tok_base = (wid % 16) * PW
    pltpu.sync_copy(pos_hbm.at[pl.ds(base, PW)], posv)
    xb, gs, ss = (xb0, xb1), (gs0, gs1), (ss0, ss1)
    nch = PW // CH
    grabs, scats = {}, {}

    def start_gather(c):
        grabs[c] = pltpu.async_copy(
            x_hbm.at[pl.ds(tok_base + c * CH, CH)], xb[c % 2], gs[c % 2])

    start_gather(0)
    for c in range(nch):
        if c + 1 < nch:
            if c >= 1:
                scats[c - 1].wait()
            start_gather(c + 1)
        grabs[c].wait()
        idx = posv[pl.ds(c * CH, 16)]
        scats[c] = pltpu.async_copy(xb[c % 2], xs_hbm.at[idx], ss[c % 2])
    scats[nch - 2].wait()
    scats[nch - 1].wait()


def _sc_dispatch(x, pos_flat):
    return pl.kernel(
        _dispatch_body,
        out_type=jax.ShapeDtypeStruct((TE_PAD, H), jnp.float32),
        mesh=_SC_MESH,
        compiler_params=pltpu.CompilerParams(needs_layout_passes=False),
        scratch_types=[
            pltpu.VMEM((PW,), jnp.int32),
            pltpu.VMEM((CH, H), jnp.float32),
            pltpu.VMEM((CH, H), jnp.float32),
            pltpu.SemaphoreType.DMA,
            pltpu.SemaphoreType.DMA,
            pltpu.SemaphoreType.DMA,
            pltpu.SemaphoreType.DMA,
        ],
    )(x, pos_flat)


TPW = T // NW


def _combine_body(os_hbm, pos_hbm, w_hbm, out_hbm, p0v, p1v, w0v, w1v,
                  r0, r1, r0x, r1x, ob, sem0, sem1):
    wid = lax.axis_index("s") * 2 + lax.axis_index("c")
    tok_base = wid * TPW
    pltpu.sync_copy(pos_hbm.at[pl.ds(tok_base, TPW)], p0v)
    pltpu.sync_copy(pos_hbm.at[pl.ds(T + tok_base, TPW)], p1v)
    pltpu.sync_copy(w_hbm.at[pl.ds(tok_base, TPW)], w0v)
    pltpu.sync_copy(w_hbm.at[pl.ds(T + tok_base, TPW)], w1v)
    r0b, r1b, sems = (r0, r0x), (r1, r1x), (sem0, sem1)
    nch = TPW // CH
    cps = {}

    def start_gathers(c):
        i0 = p0v[pl.ds(c * CH, 16)]
        i1 = p1v[pl.ds(c * CH, 16)]
        cps[c] = (pltpu.async_copy(os_hbm.at[i0], r0b[c % 2], sems[c % 2]),
                  pltpu.async_copy(os_hbm.at[i1], r1b[c % 2], sems[c % 2]))

    start_gathers(0)
    for c in range(nch):
        if c + 1 < nch:
            start_gathers(c + 1)
        cps[c][0].wait()
        cps[c][1].wait()
        wc0 = w0v[pl.ds(c * CH, 16)]
        wc1 = w1v[pl.ds(c * CH, 16)]
        for r in range(CH):
            s0 = jnp.broadcast_to(wc0[r], (16,))
            s1 = jnp.broadcast_to(wc1[r], (16,))

            def add(j, _):
                ob[r, pl.ds(j * 16, 16)] = (
                    s0 * r0b[c % 2][r, pl.ds(j * 16, 16)] +
                    s1 * r1b[c % 2][r, pl.ds(j * 16, 16)])
                return 0
            lax.fori_loop(0, H // 16, add, 0)
        pltpu.sync_copy(ob, out_hbm.at[pl.ds(tok_base + c * CH, CH)])


def _sc_combine(out_sorted, pos_flat, w_flat):
    return pl.kernel(
        _combine_body,
        out_type=jax.ShapeDtypeStruct((T, H), jnp.float32),
        mesh=_SC_MESH,
        compiler_params=pltpu.CompilerParams(needs_layout_passes=False),
        scratch_types=[
            pltpu.VMEM((TPW,), jnp.int32),
            pltpu.VMEM((TPW,), jnp.int32),
            pltpu.VMEM((TPW,), jnp.float32),
            pltpu.VMEM((TPW,), jnp.float32),
            pltpu.VMEM((CH, H), jnp.float32),
            pltpu.VMEM((CH, H), jnp.float32),
            pltpu.VMEM((CH, H), jnp.float32),
            pltpu.VMEM((CH, H), jnp.float32),
            pltpu.VMEM((CH, H), jnp.float32),
            pltpu.SemaphoreType.DMA,
            pltpu.SemaphoreType.DMA,
        ],
    )(out_sorted, pos_flat, w_flat)


def kernel(hidden_states, gate_w, w1_weight, w3_weight, w2_weight):
    x = hidden_states
    pos_T, w_T, be = _route(x, gate_w)
    pos_flat = pos_T.reshape(T * K)
    w_flat = w_T.reshape(T * K)
    block_expert = be.reshape(NB)

    x_sorted = _sc_dispatch(x, pos_flat)
    out_sorted = _grouped_mlp(block_expert, x_sorted,
                              w1_weight, w3_weight, w2_weight)
    return _sc_combine(out_sorted, pos_flat, w_flat).astype(hidden_states.dtype)

# --- scband reference (transcript-rebuilt; emitter-appended) ---
"""Pipeline reference for scband-mixtral-mo-e-41832981463129 (READ-ONLY COPY).

The authoritative reference and input builder live on the scoring server;
editing this copy changes nothing except your own understanding.
"""

import jax, jax.numpy as jnp
import numpy as np

NUM_EXPERTS = 8
TOP_K = 2
HIDDEN = 1024
INTER = 2048
NUM_TOKENS = 2048


def setup_inputs(seed: int = 0) -> dict:
    key = jax.random.key(seed)
    k_x, k_g, k_w1, k_w3, k_w2 = jax.random.split(key, 5)
    hidden_states = jax.random.normal(k_x, (NUM_TOKENS, HIDDEN), dtype=jnp.float32)
    gate_w = jax.random.normal(k_g, (NUM_EXPERTS, HIDDEN), dtype=jnp.float32) / 10.0
    w1_weight = jax.random.normal(k_w1, (NUM_EXPERTS, INTER, HIDDEN), dtype=jnp.float32) / 10.0
    w3_weight = jax.random.normal(k_w3, (NUM_EXPERTS, INTER, HIDDEN), dtype=jnp.float32) / 10.0
    w2_weight = jax.random.normal(k_w2, (NUM_EXPERTS, HIDDEN, INTER), dtype=jnp.float32) / 10.0
    return {
        "hidden_states": hidden_states,
        "gate_w": gate_w,
        "w1_weight": w1_weight,
        "w3_weight": w3_weight,
        "w2_weight": w2_weight,
    }


def reference(hidden_states, gate_w, w1_weight, w3_weight, w2_weight):
    num_tokens, hidden_dim = hidden_states.shape
    # gate: Linear(hidden, num_experts, bias=False)
    router_logits = hidden_states @ gate_w.T  # [T, E]
    routing_weights = jax.nn.softmax(router_logits.astype(jnp.float32), axis=1)
    routing_weights, selected_experts = jax.lax.top_k(routing_weights, TOP_K)  # [T, k]
    routing_weights = routing_weights / jnp.sum(routing_weights, axis=-1, keepdims=True)
    routing_weights = routing_weights.astype(hidden_states.dtype)
    final_hidden_states = jnp.zeros((num_tokens, hidden_dim), dtype=hidden_states.dtype)
    for expert_idx in range(NUM_EXPERTS):
        # per-token combined routing weight for this expert (0 if not selected)
        mask = (selected_experts == expert_idx).astype(routing_weights.dtype)  # [T, k]
        per_tok_w = jnp.sum(routing_weights * mask, axis=-1)  # [T]
        # expert MLP (SwiGLU): identical math to ref_mlp, computed densely;
        # unselected tokens get weight 0, matching index_add semantics.
        w1_out = jax.nn.silu(hidden_states @ w1_weight[expert_idx].T)
        w3_out = hidden_states @ w3_weight[expert_idx].T
        cur = (w1_out * w3_out) @ w2_weight[expert_idx].T  # [T, H]
        final_hidden_states = final_hidden_states + cur * per_tok_w[:, None]
    return final_hidden_states

if __name__ == "__main__":
    import jax
    _d = setup_inputs()
    print(jax.jit(kernel)(*tuple(_d.values())))

</pallas_src>

<mosaic_0001>
#map = affine_map<(d0, d1) -> (0, 0)>
#map1 = affine_map<(d0, d1) -> (0)>
module attributes {stable_mosaic.version = 14 : i64} {
  func.func @_combine_body(%arg0: i32, %arg1: i32, %arg2: memref<7680x1024xf32, #tpu.memory_space<hbm>>, %arg3: memref<4096xi32, #tpu.memory_space<hbm>>, %arg4: memref<4096xf32, #tpu.memory_space<hbm>>, %arg5: memref<2048x1024xf32, #tpu.memory_space<hbm>>, %arg6: memref<64xi32, #tpu.memory_space<vmem>>, %arg7: memref<64xi32, #tpu.memory_space<vmem>>, %arg8: memref<64xf32, #tpu.memory_space<vmem>>, %arg9: memref<64xf32, #tpu.memory_space<vmem>>, %arg10: memref<16x1024xf32, #tpu.memory_space<vmem>>, %arg11: memref<16x1024xf32, #tpu.memory_space<vmem>>, %arg12: memref<16x1024xf32, #tpu.memory_space<vmem>>, %arg13: memref<16x1024xf32, #tpu.memory_space<vmem>>, %arg14: memref<16x1024xf32, #tpu.memory_space<vmem>>, %arg15: memref<!tpu.dma_semaphore, #tpu.memory_space<semaphore_mem>>, %arg16: memref<!tpu.dma_semaphore, #tpu.memory_space<semaphore_mem>>) attributes {dimension_semantics = [#tpu.dimension_semantics<core_parallel>, #tpu.dimension_semantics<subcore_parallel>], iteration_bounds = array<i64: 2, 16>, scalar_prefetch = 0 : i64, scratch_operands = 11 : i64, tpu.core_type = #tpu.core_type<sc_vector_subcore>, window_params = [{transform_indices = #map}, {transform_indices = #map1}, {transform_indices = #map1}, {transform_indices = #map}]} {
    %mul3A = arith.constant 2 : i32
    %mul3A_0 = arith.muli %arg1, %mul3A : i32
    %add3A = arith.addi %mul3A_0, %arg0 : i32
    %mul3A_1 = arith.constant 64 : i32
    %mul3A_2 = arith.muli %add3A, %mul3A_1 : i32
    "tpu.region"() ({
      %run_scoped3A = tpu.sem_alloc : memref<!tpu.dma_semaphore, #tpu.memory_space<semaphore_mem>>
      %dma_start3A_920 = tpu.memref_slice %arg3[%mul3A_2] : memref<4096xi32, #tpu.memory_space<hbm>> -> memref<64xi32, #tpu.memory_space<hbm>>
      %dma_start3A_921 = tpu.memref_slice %arg3[%mul3A_2] : memref<4096xi32, #tpu.memory_space<hbm>> -> memref<64xi32, #tpu.memory_space<hbm>>
      tpu.enqueue_dma source(%dma_start3A_921 : memref<64xi32, #tpu.memory_space<hbm>>) target(%arg6 : memref<64xi32, #tpu.memory_space<vmem>>) target_semaphore(%run_scoped3A : memref<!tpu.dma_semaphore, #tpu.memory_space<semaphore_mem>>)
      %dma_wait3A_922 = tpu.memref_slice %arg3[%mul3A_2] : memref<4096xi32, #tpu.memory_space<hbm>> -> memref<64xi32, #tpu.memory_space<hbm>>
      %dma_wait3A_923 = tpu.memref_slice %arg3[%mul3A_2] : memref<4096xi32, #tpu.memory_space<hbm>> -> memref<64xi32, #tpu.memory_space<hbm>>
      tpu.wait_dma2 semaphore(%run_scoped3A : memref<!tpu.dma_semaphore, #tpu.memory_space<semaphore_mem>>) src(%dma_wait3A_923 : memref<64xi32, #tpu.memory_space<hbm>>) dst(%arg6 : memref<64xi32, #tpu.memory_space<vmem>>)
      tpu.yield
    }) : () -> ()
    %add3A_3 = arith.constant 2048 : i32
    %add3A_4 = arith.addi %add3A_3, %mul3A_2 : i32
    "tpu.region"() ({
      %run_scoped3A = tpu.sem_alloc : memref<!tpu.dma_semaphore, #tpu.memory_space<semaphore_mem>>
      %dma_start3A_920 = tpu.memref_slice %arg3[%add3A_4] : memref<4096xi32, #tpu.memory_space<hbm>> -> memref<64xi32, #tpu.memory_space<hbm>>
      %dma_start3A_921 = tpu.memref_slice %arg3[%add3A_4] : memref<4096xi32, #tpu.memory_space<hbm>> -> memref<64xi32, #tpu.memory_space<hbm>>
      tpu.enqueue_dma source(%dma_start3A_921 : memref<64xi32, #tpu.memory_space<hbm>>) target(%arg7 : memref<64xi32, #tpu.memory_space<vmem>>) target_semaphore(%run_scoped3A : memref<!tpu.dma_semaphore, #tpu.memory_space<semaphore_mem>>)
      %dma_wait3A_922 = tpu.memref_slice %arg3[%add3A_4] : memref<4096xi32, #tpu.memory_space<hbm>> -> memref<64xi32, #tpu.memory_space<hbm>>
      %dma_wait3A_923 = tpu.memref_slice %arg3[%add3A_4] : memref<4096xi32, #tpu.memory_space<hbm>> -> memref<64xi32, #tpu.memory_space<hbm>>
      tpu.wait_dma2 semaphore(%run_scoped3A : memref<!tpu.dma_semaphore, #tpu.memory_space<semaphore_mem>>) src(%dma_wait3A_923 : memref<64xi32, #tpu.memory_space<hbm>>) dst(%arg7 : memref<64xi32, #tpu.memory_space<vmem>>)
      tpu.yield
    }) : () -> ()
    "tpu.region"() ({
      %run_scoped3A = tpu.sem_alloc : memref<!tpu.dma_semaphore, #tpu.memory_space<semaphore_mem>>
      %dma_start3A_920 = tpu.memref_slice %arg4[%mul3A_2] : memref<4096xf32, #tpu.memory_space<hbm>> -> memref<64xf32, #tpu.memory_space<hbm>>
      %dma_start3A_921 = tpu.memref_slice %arg4[%mul3A_2] : memref<4096xf32, #tpu.memory_space<hbm>> -> memref<64xf32, #tpu.memory_space<hbm>>
      tpu.enqueue_dma source(%dma_start3A_921 : memref<64xf32, #tpu.memory_space<hbm>>) target(%arg8 : memref<64xf32, #tpu.memory_space<vmem>>) target_semaphore(%run_scoped3A : memref<!tpu.dma_semaphore, #tpu.memory_space<semaphore_mem>>)
      %dma_wait3A_922 = tpu.memref_slice %arg4[%mul3A_2] : memref<4096xf32, #tpu.memory_space<hbm>> -> memref<64xf32, #tpu.memory_space<hbm>>
      %dma_wait3A_923 = tpu.memref_slice %arg4[%mul3A_2] : memref<4096xf32, #tpu.memory_space<hbm>> -> memref<64xf32, #tpu.memory_space<hbm>>
      tpu.wait_dma2 semaphore(%run_scoped3A : memref<!tpu.dma_semaphore, #tpu.memory_space<semaphore_mem>>) src(%dma_wait3A_923 : memref<64xf32, #tpu.memory_space<hbm>>) dst(%arg8 : memref<64xf32, #tpu.memory_space<vmem>>)
      tpu.yield
    }) : () -> ()
    %add3A_5 = arith.constant 2048 : i32
    %add3A_6 = arith.addi %add3A_5, %mul3A_2 : i32
    "tpu.region"() ({
      %run_scoped3A = tpu.sem_alloc : memref<!tpu.dma_semaphore, #tpu.memory_space<semaphore_mem>>
      %dma_start3A_920 = tpu.memref_slice %arg4[%add3A_6] : memref<4096xf32, #tpu.memory_space<hbm>> -> memref<64xf32, #tpu.memory_space<hbm>>
      %dma_start3A_921 = tpu.memref_slice %arg4[%add3A_6] : memref<4096xf32, #tpu.memory_space<hbm>> -> memref<64xf32, #tpu.memory_space<hbm>>
      tpu.enqueue_dma source(%dma_start3A_921 : memref<64xf32, #tpu.memory_space<hbm>>) target(%arg9 : memref<64xf32, #tpu.memory_space<vmem>>) target_semaphore(%run_scoped3A : memref<!tpu.dma_semaphore, #tpu.memory_space<semaphore_mem>>)
      %dma_wait3A_922 = tpu.memref_slice %arg4[%add3A_6] : memref<4096xf32, #tpu.memory_space<hbm>> -> memref<64xf32, #tpu.memory_space<hbm>>
      %dma_wait3A_923 = tpu.memref_slice %arg4[%add3A_6] : memref<4096xf32, #tpu.memory_space<hbm>> -> memref<64xf32, #tpu.memory_space<hbm>>
      tpu.wait_dma2 semaphore(%run_scoped3A : memref<!tpu.dma_semaphore, #tpu.memory_space<semaphore_mem>>) src(%dma_wait3A_923 : memref<64xf32, #tpu.memory_space<hbm>>) dst(%arg9 : memref<64xf32, #tpu.memory_space<vmem>>)
      tpu.yield
    }) : () -> ()
    %get3A = arith.constant 0 : index
    %get3A_7 = tpu.vector_load %arg6[%get3A] {strides = array<i32>} : memref<64xi32, #tpu.memory_space<vmem>>, vector<16xi32>,
    %get3A_8 = arith.constant 0 : index
    %get3A_9 = tpu.vector_load %arg7[%get3A_8] {strides = array<i32>} : memref<64xi32, #tpu.memory_space<vmem>>, vector<16xi32>,
    %dma_start3A = arith.constant 0 : i32
    %dma_start3A_10 = arith.constant 0 : i32
    %dma_start3A_11 = tpu.memref_slice %arg2[%dma_start3A, %dma_start3A_10] : memref<7680x1024xf32, #tpu.memory_space<hbm>> -> memref<7680x1024xf32, #tpu.memory_space<hbm>>
    tpu.enqueue_indirect_dma source(%dma_start3A_11 : memref<7680x1024xf32, #tpu.memory_space<hbm>>) target(%arg10 : memref<16x1024xf32, #tpu.memory_space<vmem>>) offsets(%get3A_7 : vector<16xi32>) semaphore(%arg15 : memref<!tpu.dma_semaphore, #tpu.memory_space<semaphore_mem>>)
    %dma_start3A_12 = arith.constant 0 : i32
    %dma_start3A_13 = arith.constant 0 : i32
    %dma_start3A_14 = tpu.memref_slice %arg2[%dma_start3A_12, %dma_start3A_13] : memref<7680x1024xf32, #tpu.memory_space<hbm>> -> memref<7680x1024xf32, #tpu.memory_space<hbm>>
    tpu.enqueue_indirect_dma source(%dma_start3A_14 : memref<7680x1024xf32, #tpu.memory_space<hbm>>) target(%arg11 : memref<16x1024xf32, #tpu.memory_space<vmem>>) offsets(%get3A_9 : vector<16xi32>) semaphore(%arg15 : memref<!tpu.dma_semaphore, #tpu.memory_space<semaphore_mem>>)
    %get3A_15 = arith.constant 16 : index
    %get3A_16 = tpu.vector_load %arg6[%get3A_15] {strides = array<i32>} : memref<64xi32, #tpu.memory_space<vmem>>, vector<16xi32>,
    %get3A_17 = arith.constant 16 : index
    %get3A_18 = tpu.vector_load %arg7[%get3A_17] {strides = array<i32>} : memref<64xi32, #tpu.memory_space<vmem>>, vector<16xi32>,
    %dma_start3A_19 = arith.constant 0 : i32
    %dma_start3A_20 = arith.constant 0 : i32
    %dma_start3A_21 = tpu.memref_slice %arg2[%dma_start3A_19, %dma_start3A_20] : memref<7680x1024xf32, #tpu.memory_space<hbm>> -> memref<7680x1024xf32, #tpu.memory_space<hbm>>
    tpu.enqueue_indirect_dma source(%dma_start3A_21 : memref<7680x1024xf32, #tpu.memory_space<hbm>>) target(%arg12 : memref<16x1024xf32, #tpu.memory_space<vmem>>) offsets(%get3A_16 : vector<16xi32>) semaphore(%arg16 : memref<!tpu.dma_semaphore, #tpu.memory_space<semaphore_mem>>)
    %dma_start3A_22 = arith.constant 0 : i32
    %dma_start3A_23 = arith.constant 0 : i32
    %dma_start3A_24 = tpu.memref_slice %arg2[%dma_start3A_22, %dma_start3A_23] : memref<7680x1024xf32, #tpu.memory_space<hbm>> -> memref<7680x1024xf32, #tpu.memory_space<hbm>>
    tpu.enqueue_indirect_dma source(%dma_start3A_24 : memref<7680x1024xf32, #tpu.memory_space<hbm>>) target(%arg13 : memref<16x1024xf32, #tpu.memory_space<vmem>>) offsets(%get3A_18 : vector<16xi32>) semaphore(%arg16 : memref<!tpu.dma_semaphore, #tpu.memory_space<semaphore_mem>>)
    %dma_wait3A = arith.constant 0 : i32
    %dma_wait3A_25 = arith.constant 0 : i32
    %dma_wait3A_26 = tpu.memref_slice %arg2[%dma_wait3A, %dma_wait3A_25] : memref<7680x1024xf32, #tpu.memory_space<hbm>> -> memref<7680x1024xf32, #tpu.memory_space<hbm>>
    tpu.wait_indirect_dma semaphore(%arg15 : memref<!tpu.dma_semaphore, #tpu.memory_space<semaphore_mem>>) src(%dma_wait3A_26 : memref<7680x1024xf32, #tpu.memory_space<hbm>>) dst(%arg10 : memref<16x1024xf32, #tpu.memory_space<vmem>>)
    %dma_wait3A_27 = arith.constant 0 : i32
    %dma_wait3A_28 = arith.constant 0 : i32
    %dma_wait3A_29 = tpu.memref_slice %arg2[%dma_wait3A_27, %dma_wait3A_28] : memref<7680x1024xf32, #tpu.memory_space<hbm>> -> memref<7680x1024xf32, #tpu.memory_space<hbm>>
    tpu.wait_indirect_dma semaphore(%arg15 : memref<!tpu.dma_semaphore, #tpu.memory_space<semaphore_mem>>) src(%dma_wait3A_29 : memref<7680x1024xf32, #tpu.memory_space<hbm>>) dst(%arg11 : memref<16x1024xf32, #tpu.memory_space<vmem>>)
    %get3A_30 = arith.constant 0 : index
    %get3A_31 = tpu.vector_load %arg8[%get3A_30] {strides = array<i32>} : memref<64xf32, #tpu.memory_space<vmem>>, vector<16xf32>,
    %get3A_32 = arith.constant 0 : index
    %get3A_33 = tpu.vector_load %arg9[%get3A_32] {strides = array<i32>} : memref<64xf32, #tpu.memory_space<vmem>>, vector<16xf32>,
    %slice3A = vector.extract_strided_slice %get3A_31 {offsets = [0], sizes = [1], strides = [1]} : vector<16xf32> to vector<1xf32>
    %squeeze3A = vector.extract %slice3A[0] : f32 from vector<1xf32>
    %broadcast_in_dim3A = vector.broadcast %squeeze3A : f32 to vector<16xf32>
    %slice3A_34 = vector.extract_strided_slice %get3A_33 {offsets = [0], sizes = [1], strides = [1]} : vector<16xf32> to vector<1xf32>
    %squeeze3A_35 = vector.extract %slice3A_34[0] : f32 from vector<1xf32>
    %broadcast_in_dim3A_36 = vector.broadcast %squeeze3A_35 : f32 to vector<16xf32>
    %scan3A = arith.constant 0 : i32
    %scan3A_37 = arith.constant 0 : i32
    %scan3A_38 = arith.constant 64 : i32
    %scan3A_39 = arith.addi %scan3A_37, %scan3A_38 : i32
    %scan3A_40 = arith.constant 1 : i32
    %scan3A_41 = scf.for %scan3A_920 = %scan3A_37 to %scan3A_39 step %scan3A_40 iter_args(%scan3A_921 = %scan3A) -> (i32)  : i32 {
      %mul3A_922 = arith.constant 16 : i32
      %mul3A_923 = arith.muli %scan3A_920, %mul3A_922 : i32
      %get3A_924 = arith.constant 0 : i32
      %get3A_925 = arith.index_cast %get3A_924 : i32 to index
      %get3A_926 = arith.index_cast %mul3A_923 : i32 to index
      %get3A_927 = tpu.vector_load %arg10[%get3A_925, %get3A_926] {strides = array<i32>} : memref<16x1024xf32, #tpu.memory_space<vmem>>, vector<16xf32>,
      %mul3A_928 = arith.mulf %broadcast_in_dim3A, %get3A_927 : vector<16xf32>
      %mul3A_929 = arith.constant 16 : i32
      %mul3A_930 = arith.muli %scan3A_920, %mul3A_929 : i32
      %get3A_931 = arith.constant 0 : i32
      %get3A_932 = arith.index_cast %get3A_931 : i32 to index
      %get3A_933 = arith.index_cast %mul3A_930 : i32 to index
      %get3A_934 = tpu.vector_load %arg11[%get3A_932, %get3A_933] {strides = array<i32>} : memref<16x1024xf32, #tpu.memory_space<vmem>>, vector<16xf32>,
      %mul3A_935 = arith.mulf %broadcast_in_dim3A_36, %get3A_934 : vector<16xf32>
      %add3A_936 = arith.addf %mul3A_928, %mul3A_935 : vector<16xf32>
      %mul3A_937 = arith.constant 16 : i32
      %mul3A_938 = arith.muli %scan3A_920, %mul3A_937 : i32
      %swap3A = arith.constant 0 : i32
      %swap3A_939 = arith.index_cast %swap3A : i32 to index
      %swap3A_940 = arith.index_cast %mul3A_938 : i32 to index
      %swap3A_941 = tpu.vector_load %arg14[%swap3A_939, %swap3A_940] {strides = array<i32>} : memref<16x1024xf32, #tpu.memory_space<vmem>>, vector<16xf32>,
      tpu.vector_store %arg14[%swap3A_939, %swap3A_940], %add3A_936 {strides = array<i32>} : memref<16x1024xf32, #tpu.memory_space<vmem>>, vector<16xf32>,
      %scan3A_942 = arith.constant 0 : i32
      scf.yield %scan3A_942 : i32
    }
    %scan3A_42 = arith.constant 64 : i32
    %slice3A_43 = vector.extract_strided_slice %get3A_31 {offsets = [1], sizes = [1], strides = [1]} : vector<16xf32> to vector<1xf32>
    %squeeze3A_44 = vector.extract %slice3A_43[0] : f32 from vector<1xf32>
    %broadcast_in_dim3A_45 = vector.broadcast %squeeze3A_44 : f32 to vector<16xf32>
    %slice3A_46 = vector.extract_strided_slice %get3A_33 {offsets = [1], sizes = [1], strides = [1]} : vector<16xf32> to vector<1xf32>
    %squeeze3A_47 = vector.extract %slice3A_46[0] : f32 from vector<1xf32>
    %broadcast_in_dim3A_48 = vector.broadcast %squeeze3A_47 : f32 to vector<16xf32>
    %scan3A_49 = arith.constant 0 : i32
    %scan3A_50 = arith.constant 0 : i32
    %scan3A_51 = arith.constant 64 : i32
    %scan3A_52 = arith.addi %scan3A_50, %scan3A_51 : i32
    %scan3A_53 = arith.constant 1 : i32
    %scan3A_54 = scf.for %scan3A_920 = %scan3A_50 to %scan3A_52 step %scan3A_53 iter_args(%scan3A_921 = %scan3A_49) -> (i32)  : i32 {
      %mul3A_922 = arith.constant 16 : i32
      %mul3A_923 = arith.muli %scan3A_920, %mul3A_922 : i32
      %get3A_924 = arith.constant 1 : i32
      %get3A_925 = arith.index_cast %get3A_924 : i32 to index
      %get3A_926 = arith.index_cast %mul3A_923 : i32 to index
      %get3A_927 = tpu.vector_load %arg10[%get3A_925, %get3A_926] {strides = array<i32>} : memref<16x1024xf32, #tpu.memory_space<vmem>>, vector<16xf32>,
      %mul3A_928 = arith.mulf %broadcast_in_dim3A_45, %get3A_927 : vector<16xf32>
      %mul3A_929 = arith.constant 16 : i32
      %mul3A_930 = arith.muli %scan3A_920, %mul3A_929 : i32
      %get3A_931 = arith.constant 1 : i32
      %get3A_932 = arith.index_cast %get3A_931 : i32 to index
      %get3A_933 = arith.index_cast %mul3A_930 : i32 to index
      %get3A_934 = tpu.vector_load %arg11[%get3A_932, %get3A_933] {strides = array<i32>} : memref<16x1024xf32, #tpu.memory_space<vmem>>, vector<16xf32>,
      %mul3A_935 = arith.mulf %broadcast_in_dim3A_48, %get3A_934 : vector<16xf32>
      %add3A_936 = arith.addf %mul3A_928, %mul3A_935 : vector<16xf32>
      %mul3A_937 = arith.constant 16 : i32
      %mul3A_938 = arith.muli %scan3A_920, %mul3A_937 : i32
      %swap3A = arith.constant 1 : i32
      %swap3A_939 = arith.index_cast %swap3A : i32 to index
      %swap3A_940 = arith.index_cast %mul3A_938 : i32 to index
      %swap3A_941 = tpu.vector_load %arg14[%swap3A_939, %swap3A_940] {strides = array<i32>} : memref<16x1024xf32, #tpu.memory_space<vmem>>, vector<16xf32>,
      tpu.vector_store %arg14[%swap3A_939, %swap3A_940], %add3A_936 {strides = array<i32>} : memref<16x1024xf32, #tpu.memory_space<vmem>>, vector<16xf32>,
      %scan3A_942 = arith.constant 0 : i32
      scf.yield %scan3A_942 : i32
    }
    %scan3A_55 = arith.constant 64 : i32
    %slice3A_56 = vector.extract_strided_slice %get3A_31 {offsets = [2], sizes = [1], strides = [1]} : vector<16xf32> to vector<1xf32>
    %squeeze3A_57 = vector.extract %slice3A_56[0] : f32 from vector<1xf32>
    %broadcast_in_dim3A_58 = vector.broadcast %squeeze3A_57 : f32 to vector<16xf32>
    %slice3A_59 = vector.extract_strided_slice %get3A_33 {offsets = [2], sizes = [1], strides = [1]} : vector<16xf32> to vector<1xf32>
    %squeeze3A_60 = vector.extract %slice3A_59[0] : f32 from vector<1xf32>
    %broadcast_in_dim3A_61 = vector.broadcast %squeeze3A_60 : f32 to vector<16xf32>
    %scan3A_62 = arith.constant 0 : i32
    %scan3A_63 = arith.constant 0 : i32
    %scan3A_64 = arith.constant 64 : i32
    %scan3A_65 = arith.addi %scan3A_63, %scan3A_64 : i32
    %scan3A_66 = arith.constant 1 : i32
    %scan3A_67 = scf.for %scan3A_920 = %scan3A_63 to %scan3A_65 step %scan3A_66 iter_args(%scan3A_921 = %scan3A_62) -> (i32)  : i32 {
      %mul3A_922 = arith.constant 16 : i32
      %mul3A_923 = arith.muli %scan3A_920, %mul3A_922 : i32
      %get3A_924 = arith.constant 2 : i32
      %get3A_925 = arith.index_cast %get3A_924 : i32 to index
      %get3A_926 = arith.index_cast %mul3A_923 : i32 to index
      %get3A_927 = tpu.vector_load %arg10[%get3A_925, %get3A_926] {strides = array<i32>} : memref<16x1024xf32, #tpu.memory_space<vmem>>, vector<16xf32>,
      %mul3A_928 = arith.mulf %broadcast_in_dim3A_58, %get3A_927 : vector<16xf32>
      %mul3A_929 = arith.constant 16 : i32
      %mul3A_930 = arith.muli %scan3A_920, %mul3A_929 : i32
      %get3A_931 = arith.constant 2 : i32
      %get3A_932 = arith.index_cast %get3A_931 : i32 to index
      %get3A_933 = arith.index_cast %mul3A_930 : i32 to index
      %get3A_934 = tpu.vector_load %arg11[%get3A_932, %get3A_933] {strides = array<i32>} : memref<16x1024xf32, #tpu.memory_space<vmem>>, vector<16xf32>,
      %mul3A_935 = arith.mulf %broadcast_in_dim3A_61, %get3A_934 : vector<16xf32>
      %add3A_936 = arith.addf %mul3A_928, %mul3A_935 : vector<16xf32>
      %mul3A_937 = arith.constant 16 : i32
      %mul3A_938 = arith.muli %scan3A_920, %mul3A_937 : i32
      %swap3A = arith.constant 2 : i32
      %swap3A_939 = arith.index_cast %swap3A : i32 to index
      %swap3A_940 = arith.index_cast %mul3A_938 : i32 to index
      %swap3A_941 = tpu.vector_load %arg14[%swap3A_939, %swap3A_940] {strides = array<i32>} : memref<16x1024xf32, #tpu.memory_space<vmem>>, vector<16xf32>,
      tpu.vector_store %arg14[%swap3A_939, %swap3A_940], %add3A_936 {strides = array<i32>} : memref<16x1024xf32, #tpu.memory_space<vmem>>, vector<16xf32>,
      %scan3A_942 = arith.constant 0 : i32
      scf.yield %scan3A_942 : i32
    }
    %scan3A_68 = arith.constant 64 : i32
    %slice3A_69 = vector.extract_strided_slice %get3A_31 {offsets = [3], sizes = [1], strides = [1]} : vector<16xf32> to vector<1xf32>
    %squeeze3A_70 = vector.extract %slice3A_69[0] : f32 from vector<1xf32>
    %broadcast_in_dim3A_71 = vector.broadcast %squeeze3A_70 : f32 to vector<16xf32>
    %slice3A_72 = vector.extract_strided_slice %get3A_33 {offsets = [3], sizes = [1], strides = [1]} : vector<16xf32> to vector<1xf32>
    %squeeze3A_73 = vector.extract %slice3A_72[0] : f32 from vector<1xf32>
    %broadcast_in_dim3A_74 = vector.broadcast %squeeze3A_73 : f32 to vector<16xf32>
    %scan3A_75 = arith.constant 0 : i32
    %scan3A_76 = arith.constant 0 : i32
    %scan3A_77 = arith.constant 64 : i32
    %scan3A_78 = arith.addi %scan3A_76, %scan3A_77 : i32
    %scan3A_79 = arith.constant 1 : i32
    %scan3A_80 = scf.for %scan3A_920 = %scan3A_76 to %scan3A_78 step %scan3A_79 iter_args(%scan3A_921 = %scan3A_75) -> (i32)  : i32 {
      %mul3A_922 = arith.constant 16 : i32
      %mul3A_923 = arith.muli %scan3A_920, %mul3A_922 : i32
      %get3A_924 = arith.constant 3 : i32
      %get3A_925 = arith.index_cast %get3A_924 : i32 to index
      %get3A_926 = arith.index_cast %mul3A_923 : i32 to index
      %get3A_927 = tpu.vector_load %arg10[%get3A_925, %get3A_926] {strides = array<i32>} : memref<16x1024xf32, #tpu.memory_space<vmem>>, vector<16xf32>,
      %mul3A_928 = arith.mulf %broadcast_in_dim3A_71, %get3A_927 : vector<16xf32>
      %mul3A_929 = arith.constant 16 : i32
      %mul3A_930 = arith.muli %scan3A_920, %mul3A_929 : i32
      %get3A_931 = arith.constant 3 : i32
      %get3A_932 = arith.index_cast %get3A_931 : i32 to index
      %get3A_933 = arith.index_cast %mul3A_930 : i32 to index
      %get3A_934 = tpu.vector_load %arg11[%get3A_932, %get3A_933] {strides = array<i32>} : memref<16x1024xf32, #tpu.memory_space<vmem>>, vector<16xf32>,
      %mul3A_935 = arith.mulf %broadcast_in_dim3A_74, %get3A_934 : vector<16xf32>
      %add3A_936 = arith.addf %mul3A_928, %mul3A_935 : vector<16xf32>
      %mul3A_937 = arith.constant 16 : i32
      %mul3A_938 = arith.muli %scan3A_920, %mul3A_937 : i32
      %swap3A = arith.constant 3 : i32
      %swap3A_939 = arith.index_cast %swap3A : i32 to index
      %swap3A_940 = arith.index_cast %mul3A_938 : i32 to index
      %swap3A_941 = tpu.vector_load %arg14[%swap3A_939, %swap3A_940] {strides = array<i32>} : memref<16x1024xf32, #tpu.memory_space<vmem>>, vector<16xf32>,
      tpu.vector_store %arg14[%swap3A_939, %swap3A_940], %add3A_936 {strides = array<i32>} : memref<16x1024xf32, #tpu.memory_space<vmem>>, vector<16xf32>,
      %scan3A_942 = arith.constant 0 : i32
      scf.yield %scan3A_942 : i32
    }
    %scan3A_81 = arith.constant 64 : i32
    %slice3A_82 = vector.extract_strided_slice %get3A_31 {offsets = [4], sizes = [1], strides = [1]} : vector<16xf32> to vector<1xf32>
    %squeeze3A_83 = vector.extract %slice3A_82[0] : f32 from vector<1xf32>
    %broadcast_in_dim3A_84 = vector.broadcast %squeeze3A_83 : f32 to vector<16xf32>
    %slice3A_85 = vector.extract_strided_slice %get3A_33 {offsets = [4], sizes = [1], strides = [1]} : vector<16xf32> to vector<1xf32>
    %squeeze3A_86 = vector.extract %slice3A_85[0] : f32 from vector<1xf32>
    %broadcast_in_dim3A_87 = vector.broadcast %squeeze3A_86 : f32 to vector<16xf32>
    %scan3A_88 = arith.constant 0 : i32
    %scan3A_89 = arith.constant 0 : i32
    %scan3A_90 = arith.constant 64 : i32
    %scan3A_91 = arith.addi %scan3A_89, %scan3A_90 : i32
    %scan3A_92 = arith.constant 1 : i32
    %scan3A_93 = scf.for %scan3A_920 = %scan3A_89 to %scan3A_91 step %scan3A_92 iter_args(%scan3A_921 = %scan3A_88) -> (i32)  : i32 {
      %mul3A_922 = arith.constant 16 : i32
      %mul3A_923 = arith.muli %scan3A_920, %mul3A_922 : i32
      %get3A_924 = arith.constant 4 : i32
      %get3A_925 = arith.index_cast %get3A_924 : i32 to index
      %get3A_926 = arith.index_cast %mul3A_923 : i32 to index
      %get3A_927 = tpu.vector_load %arg10[%get3A_925, %get3A_926] {strides = array<i32>} : memref<16x1024xf32, #tpu.memory_space<vmem>>, vector<16xf32>,
      %mul3A_928 = arith.mulf %broadcast_in_dim3A_84, %get3A_927 : vector<16xf32>
      %mul3A_929 = arith.constant 16 : i32
      %mul3A_930 = arith.muli %scan3A_920, %mul3A_929 : i32
      %get3A_931 = arith.constant 4 : i32
      %get3A_932 = arith.index_cast %get3A_931 : i32 to index
      %get3A_933 = arith.index_cast %mul3A_930 : i32 to index
      %get3A_934 = tpu.vector_load %arg11[%get3A_932, %get3A_933] {strides = array<i32>} : memref<16x1024xf32, #tpu.memory_space<vmem>>, vector<16xf32>,
      %mul3A_935 = arith.mulf %broadcast_in_dim3A_87, %get3A_934 : vector<16xf32>
      %add3A_936 = arith.addf %mul3A_928, %mul3A_935 : vector<16xf32>
      %mul3A_937 = arith.constant 16 : i32
      %mul3A_938 = arith.muli %scan3A_920, %mul3A_937 : i32
      %swap3A = arith.constant 4 : i32
      %swap3A_939 = arith.index_cast %swap3A : i32 to index
      %swap3A_940 = arith.index_cast %mul3A_938 : i32 to index
      %swap3A_941 = tpu.vector_load %arg14[%swap3A_939, %swap3A_940] {strides = array<i32>} : memref<16x1024xf32, #tpu.memory_space<vmem>>, vector<16xf32>,
      tpu.vector_store %arg14[%swap3A_939, %swap3A_940], %add3A_936 {strides = array<i32>} : memref<16x1024xf32, #tpu.memory_space<vmem>>, vector<16xf32>,
      %scan3A_942 = arith.constant 0 : i32
      scf.yield %scan3A_942 : i32
    }
    %scan3A_94 = arith.constant 64 : i32
    %slice3A_95 = vector.extract_strided_slice %get3A_31 {offsets = [5], sizes = [1], strides = [1]} : vector<16xf32> to vector<1xf32>
    %squeeze3A_96 = vector.extract %slice3A_95[0] : f32 from vector<1xf32>
    %broadcast_in_dim3A_97 = vector.broadcast %squeeze3A_96 : f32 to vector<16xf32>
    %slice3A_98 = vector.extract_strided_slice %get3A_33 {offsets = [5], sizes = [1], strides = [1]} : vector<16xf32> to vector<1xf32>
    %squeeze3A_99 = vector.extract %slice3A_98[0] : f32 from vector<1xf32>
    %broadcast_in_dim3A_100 = vector.broadcast %squeeze3A_99 : f32 to vector<16xf32>
    %scan3A_101 = arith.constant 0 : i32
    %scan3A_102 = arith.constant 0 : i32
    %scan3A_103 = arith.constant 64 : i32
    %scan3A_104 = arith.addi %scan3A_102, %scan3A_103 : i32
    %scan3A_105 = arith.constant 1 : i32
    %scan3A_106 = scf.for %scan3A_920 = %scan3A_102 to %scan3A_104 step %scan3A_105 iter_args(%scan3A_921 = %scan3A_101) -> (i32)  : i32 {
      %mul3A_922 = arith.constant 16 : i32
      %mul3A_923 = arith.muli %scan3A_920, %mul3A_922 : i32
      %get3A_924 = arith.constant 5 : i32
      %get3A_925 = arith.index_cast %get3A_924 : i32 to index
      %get3A_926 = arith.index_cast %mul3A_923 : i32 to index
      %get3A_927 = tpu.vector_load %arg10[%get3A_925, %get3A_926] {strides = array<i32>} : memref<16x1024xf32, #tpu.memory_space<vmem>>, vector<16xf32>,
      %mul3A_928 = arith.mulf %broadcast_in_dim3A_97, %get3A_927 : vector<16xf32>
      %mul3A_929 = arith.constant 16 : i32
      %mul3A_930 = arith.muli %scan3A_920, %mul3A_929 : i32
      %get3A_931 = arith.constant 5 : i32
      %get3A_932 = arith.index_cast %get3A_931 : i32 to index
      %get3A_933 = arith.index_cast %mul3A_930 : i32 to index
      %get3A_934 = tpu.vector_load %arg11[%get3A_932, %get3A_933] {strides = array<i32>} : memref<16x1024xf32, #tpu.memory_space<vmem>>, vector<16xf32>,
      %mul3A_935 = arith.mulf %broadcast_in_dim3A_100, %get3A_934 : vector<16xf32>
      %add3A_936 = arith.addf %mul3A_928, %mul3A_935 : vector<16xf32>
      %mul3A_937 = arith.constant 16 : i32
      %mul3A_938 = arith.muli %scan3A_920, %mul3A_937 : i32
      %swap3A = arith.constant 5 : i32
      %swap3A_939 = arith.index_cast %swap3A : i32 to index
      %swap3A_940 = arith.index_cast %mul3A_938 : i32 to index
      %swap3A_941 = tpu.vector_load %arg14[%swap3A_939, %swap3A_940] {strides = array<i32>} : memref<16x1024xf32, #tpu.memory_space<vmem>>, vector<16xf32>,
      tpu.vector_store %arg14[%swap3A_939, %swap3A_940], %add3A_936 {strides = array<i32>} : memref<16x1024xf32, #tpu.memory_space<vmem>>, vector<16xf32>,
      %scan3A_942 = arith.constant 0 : i32
      scf.yield %scan3A_942 : i32
    }
    %scan3A_107 = arith.constant 64 : i32
    %slice3A_108 = vector.extract_strided_slice %get3A_31 {offsets = [6], sizes = [1], strides = [1]} : vector<16xf32> to vector<1xf32>
    %squeeze3A_109 = vector.extract %slice3A_108[0] : f32 from vector<1xf32>
    %broadcast_in_dim3A_110 = vector.broadcast %squeeze3A_109 : f32 to vector<16xf32>
    %slice3A_111 = vector.extract_strided_slice %get3A_33 {offsets = [6], sizes = [1], strides = [1]} : vector<16xf32> to vector<1xf32>
    %squeeze3A_112 = vector.extract %slice3A_111[0] : f32 from vector<1xf32>
    %broadcast_in_dim3A_113 = vector.broadcast %squeeze3A_112 : f32 to vector<16xf32>
    %scan3A_114 = arith.constant 0 : i32
    %scan3A_115 = arith.constant 0 : i32
    %scan3A_116 = arith.constant 64 : i32
    %scan3A_117 = arith.addi %scan3A_115, %scan3A_116 : i32
    %scan3A_118 = arith.constant 1 : i32
    %scan3A_119 = scf.for %scan3A_920 = %scan3A_115 to %scan3A_117 step %scan3A_118 iter_args(%scan3A_921 = %scan3A_114) -> (i32)  : i32 {
      %mul3A_922 = arith.constant 16 : i32
      %mul3A_923 = arith.muli %scan3A_920, %mul3A_922 : i32
      %get3A_924 = arith.constant 6 : i32
      %get3A_925 = arith.index_cast %get3A_924 : i32 to index
      %get3A_926 = arith.index_cast %mul3A_923 : i32 to index
      %get3A_927 = tpu.vector_load %arg10[%get3A_925, %get3A_926] {strides = array<i32>} : memref<16x1024xf32, #tpu.memory_space<vmem>>, vector<16xf32>,
      %mul3A_928 = arith.mulf %broadcast_in_dim3A_110, %get3A_927 : vector<16xf32>
      %mul3A_929 = arith.constant 16 : i32
      %mul3A_930 = arith.muli %scan3A_920, %mul3A_929 : i32
      %get3A_931 = arith.constant 6 : i32
      %get3A_932 = arith.index_cast %get3A_931 : i32 to index
      %get3A_933 = arith.index_cast %mul3A_930 : i32 to index
      %get3A_934 = tpu.vector_load %arg11[%get3A_932, %get3A_933] {strides = array<i32>} : memref<16x1024xf32, #tpu.memory_space<vmem>>, vector<16xf32>,
      %mul3A_935 = arith.mulf %broadcast_in_dim3A_113, %get3A_934 : vector<16xf32>
      %add3A_936 = arith.addf %mul3A_928, %mul3A_935 : vector<16xf32>
      %mul3A_937 = arith.constant 16 : i32
      %mul3A_938 = arith.muli %scan3A_920, %mul3A_937 : i32
      %swap3A = arith.constant 6 : i32
      %swap3A_939 = arith.index_cast %swap3A : i32 to index
      %swap3A_940 = arith.index_cast %mul3A_938 : i32 to index
      %swap3A_941 = tpu.vector_load %arg14[%swap3A_939, %swap3A_940] {strides = array<i32>} : memref<16x1024xf32, #tpu.memory_space<vmem>>, vector<16xf32>,
      tpu.vector_store %arg14[%swap3A_939, %swap3A_940], %add3A_936 {strides = array<i32>} : memref<16x1024xf32, #tpu.memory_space<vmem>>, vector<16xf32>,
      %scan3A_942 = arith.constant 0 : i32
      scf.yield %scan3A_942 : i32
    }
    %scan3A_120 = arith.constant 64 : i32
    %slice3A_121 = vector.extract_strided_slice %get3A_31 {offsets = [7], sizes = [1], strides = [1]} : vector<16xf32> to vector<1xf32>
    %squeeze3A_122 = vector.extract %slice3A_121[0] : f32 from vector<1xf32>
    %broadcast_in_dim3A_123 = vector.broadcast %squeeze3A_122 : f32 to vector<16xf32>
    %slice3A_124 = vector.extract_strided_slice %get3A_33 {offsets = [7], sizes = [1], strides = [1]} : vector<16xf32> to vector<1xf32>
    %squeeze3A_125 = vector.extract %slice3A_124[0] : f32 from vector<1xf32>
    %broadcast_in_dim3A_126 = vector.broadcast %squeeze3A_125 : f32 to vector<16xf32>
    %scan3A_127 = arith.constant 0 : i32
    %scan3A_128 = arith.constant 0 : i32
    %scan3A_129 = arith.constant 64 : i32
    %scan3A_130 = arith.addi %scan3A_128, %scan3A_129 : i32
    %scan3A_131 = arith.constant 1 : i32
    %scan3A_132 = scf.for %scan3A_920 = %scan3A_128 to %scan3A_130 step %scan3A_131 iter_args(%scan3A_921 = %scan3A_127) -> (i32)  : i32 {
      %mul3A_922 = arith.constant 16 : i32
      %mul3A_923 = arith.muli %scan3A_920, %mul3A_922 : i32
      %get3A_924 = arith.constant 7 : i32
      %get3A_925 = arith.index_cast %get3A_924 : i32 to index
      %get3A_926 = arith.index_cast %mul3A_923 : i32 to index
      %get3A_927 = tpu.vector_load %arg10[%get3A_925, %get3A_926] {strides = array<i32>} : memref<16x1024xf32, #tpu.memory_space<vmem>>, vector<16xf32>,
      %mul3A_928 = arith.mulf %broadcast_in_dim3A_123, %get3A_927 : vector<16xf32>
      %mul3A_929 = arith.constant 16 : i32
      %mul3A_930 = arith.muli %scan3A_920, %mul3A_929 : i32
      %get3A_931 = arith.constant 7 : i32
      %get3A_932 = arith.index_cast %get3A_931 : i32 to index
      %get3A_933 = arith.index_cast %mul3A_930 : i32 to index
      %get3A_934 = tpu.vector_load %arg11[%get3A_932, %get3A_933] {strides = array<i32>} : memref<16x1024xf32, #tpu.memory_space<vmem>>, vector<16xf32>,
      %mul3A_935 = arith.mulf %broadcast_in_dim3A_126, %get3A_934 : vector<16xf32>
      %add3A_936 = arith.addf %mul3A_928, %mul3A_935 : vector<16xf32>
      %mul3A_937 = arith.constant 16 : i32
      %mul3A_938 = arith.muli %scan3A_920, %mul3A_937 : i32
      %swap3A = arith.constant 7 : i32
      %swap3A_939 = arith.index_cast %swap3A : i32 to index
      %swap3A_940 = arith.index_cast %mul3A_938 : i32 to index
      %swap3A_941 = tpu.vector_load %arg14[%swap3A_939, %swap3A_940] {strides = array<i32>} : memref<16x1024xf32, #tpu.memory_space<vmem>>, vector<16xf32>,
      tpu.vector_store %arg14[%swap3A_939, %swap3A_940], %add3A_936 {strides = array<i32>} : memref<16x1024xf32, #tpu.memory_space<vmem>>, vector<16xf32>,
      %scan3A_942 = arith.constant 0 : i32
      scf.yield %scan3A_942 : i32
    }
    %scan3A_133 = arith.constant 64 : i32
    %slice3A_134 = vector.extract_strided_slice %get3A_31 {offsets = [8], sizes = [1], strides = [1]} : vector<16xf32> to vector<1xf32>
    %squeeze3A_135 = vector.extract %slice3A_134[0] : f32 from vector<1xf32>
    %broadcast_in_dim3A_136 = vector.broadcast %squeeze3A_135 : f32 to vector<16xf32>
    %slice3A_137 = vector.extract_strided_slice %get3A_33 {offsets = [8], sizes = [1], strides = [1]} : vector<16xf32> to vector<1xf32>
    %squeeze3A_138 = vector.extract %slice3A_137[0] : f32 from vector<1xf32>
    %broadcast_in_dim3A_139 = vector.broadcast %squeeze3A_138 : f32 to vector<16xf32>
    %scan3A_140 = arith.constant 0 : i32
    %scan3A_141 = arith.constant 0 : i32
    %scan3A_142 = arith.constant 64 : i32
    %scan3A_143 = arith.addi %scan3A_141, %scan3A_142 : i32
    %scan3A_144 = arith.constant 1 : i32
    %scan3A_145 = scf.for %scan3A_920 = %scan3A_141 to %scan3A_143 step %scan3A_144 iter_args(%scan3A_921 = %scan3A_140) -> (i32)  : i32 {
      %mul3A_922 = arith.constant 16 : i32
      %mul3A_923 = arith.muli %scan3A_920, %mul3A_922 : i32
      %get3A_924 = arith.constant 8 : i32
      %get3A_925 = arith.index_cast %get3A_924 : i32 to index
      %get3A_926 = arith.index_cast %mul3A_923 : i32 to index
      %get3A_927 = tpu.vector_load %arg10[%get3A_925, %get3A_926] {strides = array<i32>} : memref<16x1024xf32, #tpu.memory_space<vmem>>, vector<16xf32>,
      %mul3A_928 = arith.mulf %broadcast_in_dim3A_136, %get3A_927 : vector<16xf32>
      %mul3A_929 = arith.constant 16 : i32
      %mul3A_930 = arith.muli %scan3A_920, %mul3A_929 : i32
      %get3A_931 = arith.constant 8 : i32
      %get3A_932 = arith.index_cast %get3A_931 : i32 to index
      %get3A_933 = arith.index_cast %mul3A_930 : i32 to index
      %get3A_934 = tpu.vector_load %arg11[%get3A_932, %get3A_933] {strides = array<i32>} : memref<16x1024xf32, #tpu.memory_space<vmem>>, vector<16xf32>,
      %mul3A_935 = arith.mulf %broadcast_in_dim3A_139, %get3A_934 : vector<16xf32>
      %add3A_936 = arith.addf %mul3A_928, %mul3A_935 : vector<16xf32>
      %mul3A_937 = arith.constant 16 : i32
      %mul3A_938 = arith.muli %scan3A_920, %mul3A_937 : i32
      %swap3A = arith.constant 8 : i32
      %swap3A_939 = arith.index_cast %swap3A : i32 to index
      %swap3A_940 = arith.index_cast %mul3A_938 : i32 to index
      %swap3A_941 = tpu.vector_load %arg14[%swap3A_939, %swap3A_940] {strides = array<i32>} : memref<16x1024xf32, #tpu.memory_space<vmem>>, vector<16xf32>,
      tpu.vector_store %arg14[%swap3A_939, %swap3A_940], %add3A_936 {strides = array<i32>} : memref<16x1024xf32, #tpu.memory_space<vmem>>, vector<16xf32>,
      %scan3A_942 = arith.constant 0 : i32
      scf.yield %scan3A_942 : i32
    }
    %scan3A_146 = arith.constant 64 : i32
    %slice3A_147 = vector.extract_strided_slice %get3A_31 {offsets = [9], sizes = [1], strides = [1]} : vector<16xf32> to vector<1xf32>
    %squeeze3A_148 = vector.extract %slice3A_147[0] : f32 from vector<1xf32>
    %broadcast_in_dim3A_149 = vector.broadcast %squeeze3A_148 : f32 to vector<16xf32>
    %slice3A_150 = vector.extract_strided_slice %get3A_33 {offsets = [9], sizes = [1], strides = [1]} : vector<16xf32> to vector<1xf32>
    %squeeze3A_151 = vector.extract %slice3A_150[0] : f32 from vector<1xf32>
    %broadcast_in_dim3A_152 = vector.broadcast %squeeze3A_151 : f32 to vector<16xf32>
    %scan3A_153 = arith.constant 0 : i32
    %scan3A_154 = arith.constant 0 : i32
    %scan3A_155 = arith.constant 64 : i32
    %scan3A_156 = arith.addi %scan3A_154, %scan3A_155 : i32
    %scan3A_157 = arith.constant 1 : i32
    %scan3A_158 = scf.for %scan3A_920 = %scan3A_154 to %scan3A_156 step %scan3A_157 iter_args(%scan3A_921 = %scan3A_153) -> (i32)  : i32 {
      %mul3A_922 = arith.constant 16 : i32
      %mul3A_923 = arith.muli %scan3A_920, %mul3A_922 : i32
      %get3A_924 = arith.constant 9 : i32
      %get3A_925 = arith.index_cast %get3A_924 : i32 to index
      %get3A_926 = arith.index_cast %mul3A_923 : i32 to index
      %get3A_927 = tpu.vector_load %arg10[%get3A_925, %get3A_926] {strides = array<i32>} : memref<16x1024xf32, #tpu.memory_space<vmem>>, vector<16xf32>,
      %mul3A_928 = arith.mulf %broadcast_in_dim3A_149, %get3A_927 : vector<16xf32>
      %mul3A_929 = arith.constant 16 : i32
      %mul3A_930 = arith.muli %scan3A_920, %mul3A_929 : i32
      %get3A_931 = arith.constant 9 : i32
      %get3A_932 = arith.index_cast %get3A_931 : i32 to index
      %get3A_933 = arith.index_cast %mul3A_930 : i32 to index
      %get3A_934 = tpu.vector_load %arg11[%get3A_932, %get3A_933] {strides = array<i32>} : memref<16x1024xf32, #tpu.memory_space<vmem>>, vector<16xf32>,
      %mul3A_935 = arith.mulf %broadcast_in_dim3A_152, %get3A_934 : vector<16xf32>
      %add3A_936 = arith.addf %mul3A_928, %mul3A_935 : vector<16xf32>
      %mul3A_937 = arith.constant 16 : i32
      %mul3A_938 = arith.muli %scan3A_920, %mul3A_937 : i32
      %swap3A = arith.constant 9 : i32
      %swap3A_939 = arith.index_cast %swap3A : i32 to index
      %swap3A_940 = arith.index_cast %mul3A_938 : i32 to index
      %swap3A_941 = tpu.vector_load %arg14[%swap3A_939, %swap3A_940] {strides = array<i32>} : memref<16x1024xf32, #tpu.memory_space<vmem>>, vector<16xf32>,
      tpu.vector_store %arg14[%swap3A_939, %swap3A_940], %add3A_936 {strides = array<i32>} : memref<16x1024xf32, #tpu.memory_space<vmem>>, vector<16xf32>,
      %scan3A_942 = arith.constant 0 : i32
      scf.yield %scan3A_942 : i32
    }
    %scan3A_159 = arith.constant 64 : i32
    %slice3A_160 = vector.extract_strided_slice %get3A_31 {offsets = [10], sizes = [1], strides = [1]} : vector<16xf32> to vector<1xf32>
    %squeeze3A_161 = vector.extract %slice3A_160[0] : f32 from vector<1xf32>
    %broadcast_in_dim3A_162 = vector.broadcast %squeeze3A_161 : f32 to vector<16xf32>
    %slice3A_163 = vector.extract_strided_slice %get3A_33 {offsets = [10], sizes = [1], strides = [1]} : vector<16xf32> to vector<1xf32>
    %squeeze3A_164 = vector.extract %slice3A_163[0] : f32 from vector<1xf32>
    %broadcast_in_dim3A_165 = vector.broadcast %squeeze3A_164 : f32 to vector<16xf32>
    %scan3A_166 = arith.constant 0 : i32
    %scan3A_167 = arith.constant 0 : i32
    %scan3A_168 = arith.constant 64 : i32
    %scan3A_169 = arith.addi %scan3A_167, %scan3A_168 : i32
    %scan3A_170 = arith.constant 1 : i32
    %scan3A_171 = scf.for %scan3A_920 = %scan3A_167 to %scan3A_169 step %scan3A_170 iter_args(%scan3A_921 = %scan3A_166) -> (i32)  : i32 {
      %mul3A_922 = arith.constant 16 : i32
      %mul3A_923 = arith.muli %scan3A_920, %mul3A_922 : i32
      %get3A_924 = arith.constant 10 : i32
      %get3A_925 = arith.index_cast %get3A_924 : i32 to index
      %get3A_926 = arith.index_cast %mul3A_923 : i32 to index
      %get3A_927 = tpu.vector_load %arg10[%get3A_925, %get3A_926] {strides = array<i32>} : memref<16x1024xf32, #tpu.memory_space<vmem>>, vector<16xf32>,
      %mul3A_928 = arith.mulf %broadcast_in_dim3A_162, %get3A_927 : vector<16xf32>
      %mul3A_929 = arith.constant 16 : i32
      %mul3A_930 = arith.muli %scan3A_920, %mul3A_929 : i32
      %get3A_931 = arith.constant 10 : i32
      %get3A_932 = arith.index_cast %get3A_931 : i32 to index
      %get3A_933 = arith.index_cast %mul3A_930 : i32 to index
      %get3A_934 = tpu.vector_load %arg11[%get3A_932, %get3A_933] {strides = array<i32>} : memref<16x1024xf32, #tpu.memory_space<vmem>>, vector<16xf32>,
      %mul3A_935 = arith.mulf %broadcast_in_dim3A_165, %get3A_934 : vector<16xf32>
      %add3A_936 = arith.addf %mul3A_928, %mul3A_935 : vector<16xf32>
      %mul3A_937 = arith.constant 16 : i32
      %mul3A_938 = arith.muli %scan3A_920, %mul3A_937 : i32
      %swap3A = arith.constant 10 : i32
      %swap3A_939 = arith.index_cast %swap3A : i32 to index
      %swap3A_940 = arith.index_cast %mul3A_938 : i32 to index
      %swap3A_941 = tpu.vector_load %arg14[%swap3A_939, %swap3A_940] {strides = array<i32>} : memref<16x1024xf32, #tpu.memory_space<vmem>>, vector<16xf32>,
      tpu.vector_store %arg14[%swap3A_939, %swap3A_940], %add3A_936 {strides = array<i32>} : memref<16x1024xf32, #tpu.memory_space<vmem>>, vector<16xf32>,
      %scan3A_942 = arith.constant 0 : i32
      scf.yield %scan3A_942 : i32
    }
    %scan3A_172 = arith.constant 64 : i32
    %slice3A_173 = vector.extract_strided_slice %get3A_31 {offsets = [11], sizes = [1], strides = [1]} : vector<16xf32> to vector<1xf32>
    %squeeze3A_174 = vector.extract %slice3A_173[0] : f32 from vector<1xf32>
    %broadcast_in_dim3A_175 = vector.broadcast %squeeze3A_174 : f32 to vector<16xf32>
    %slice3A_176 = vector.extract_strided_slice %get3A_33 {offsets = [11], sizes = [1], strides = [1]} : vector<16xf32> to vector<1xf32>
    %squeeze3A_177 = vector.extract %slice3A_176[0] : f32 from vector<1xf32>
    %broadcast_in_dim3A_178 = vector.broadcast %squeeze3A_177 : f32 to vector<16xf32>
    %scan3A_179 = arith.constant 0 : i32
    %scan3A_180 = arith.constant 0 : i32
    %scan3A_181 = arith.constant 64 : i32
    %scan3A_182 = arith.addi %scan3A_180, %scan3A_181 : i32
    %scan3A_183 = arith.constant 1 : i32
    %scan3A_184 = scf.for %scan3A_920 = %scan3A_180 to %scan3A_182 step %scan3A_183 iter_args(%scan3A_921 = %scan3A_179) -> (i32)  : i32 {
      %mul3A_922 = arith.constant 16 : i32
      %mul3A_923 = arith.muli %scan3A_920, %mul3A_922 : i32
      %get3A_924 = arith.constant 11 : i32
      %get3A_925 = arith.index_cast %get3A_924 : i32 to index
      %get3A_926 = arith.index_cast %mul3A_923 : i32 to index
      %get3A_927 = tpu.vector_load %arg10[%get3A_925, %get3A_926] {strides = array<i32>} : memref<16x1024xf32, #tpu.memory_space<vmem>>, vector<16xf32>,
      %mul3A_928 = arith.mulf %broadcast_in_dim3A_175, %get3A_927 : vector<16xf32>
      %mul3A_929 = arith.constant 16 : i32
      %mul3A_930 = arith.muli %scan3A_920, %mul3A_929 : i32
      %get3A_931 = arith.constant 11 : i32
      %get3A_932 = arith.index_cast %get3A_931 : i32 to index
      %get3A_933 = arith.index_cast %mul3A_930 : i32 to index
      %get3A_934 = tpu.vector_load %arg11[%get3A_932, %get3A_933] {strides = array<i32>} : memref<16x1024xf32, #tpu.memory_space<vmem>>, vector<16xf32>,
      %mul3A_935 = arith.mulf %broadcast_in_dim3A_178, %get3A_934 : vector<16xf32>
      %add3A_936 = arith.addf %mul3A_928, %mul3A_935 : vector<16xf32>
      %mul3A_937 = arith.constant 16 : i32
      %mul3A_938 = arith.muli %scan3A_920, %mul3A_937 : i32
      %swap3A = arith.constant 11 : i32
      %swap3A_939 = arith.index_cast %swap3A : i32 to index
      %swap3A_940 = arith.index_cast %mul3A_938 : i32 to index
      %swap3A_941 = tpu.vector_load %arg14[%swap3A_939, %swap3A_940] {strides = array<i32>} : memref<16x1024xf32, #tpu.memory_space<vmem>>, vector<16xf32>,
      tpu.vector_store %arg14[%swap3A_939, %swap3A_940], %add3A_936 {strides = array<i32>} : memref<16x1024xf32, #tpu.memory_space<vmem>>, vector<16xf32>,
      %scan3A_942 = arith.constant 0 : i32
      scf.yield %scan3A_942 : i32
    }
    %scan3A_185 = arith.constant 64 : i32
    %slice3A_186 = vector.extract_strided_slice %get3A_31 {offsets = [12], sizes = [1], strides = [1]} : vector<16xf32> to vector<1xf32>
    %squeeze3A_187 = vector.extract %slice3A_186[0] : f32 from vector<1xf32>
    %broadcast_in_dim3A_188 = vector.broadcast %squeeze3A_187 : f32 to vector<16xf32>
    %slice3A_189 = vector.extract_strided_slice %get3A_33 {offsets = [12], sizes = [1], strides = [1]} : vector<16xf32> to vector<1xf32>
    %squeeze3A_190 = vector.extract %slice3A_189[0] : f32 from vector<1xf32>
    %broadcast_in_dim3A_191 = vector.broadcast %squeeze3A_190 : f32 to vector<16xf32>
    %scan3A_192 = arith.constant 0 : i32
    %scan3A_193 = arith.constant 0 : i32
    %scan3A_194 = arith.constant 64 : i32
    %scan3A_195 = arith.addi %scan3A_193, %scan3A_194 : i32
    %scan3A_196 = arith.constant 1 : i32
    %scan3A_197 = scf.for %scan3A_920 = %scan3A_193 to %scan3A_195 step %scan3A_196 iter_args(%scan3A_921 = %scan3A_192) -> (i32)  : i32 {
      %mul3A_922 = arith.constant 16 : i32
      %mul3A_923 = arith.muli %scan3A_920, %mul3A_922 : i32
      %get3A_924 = arith.constant 12 : i32
      %get3A_925 = arith.index_cast %get3A_924 : i32 to index
      %get3A_926 = arith.index_cast %mul3A_923 : i32 to index
      %get3A_927 = tpu.vector_load %arg10[%get3A_925, %get3A_926] {strides = array<i32>} : memref<16x1024xf32, #tpu.memory_space<vmem>>, vector<16xf32>,
      %mul3A_928 = arith.mulf %broadcast_in_dim3A_188, %get3A_927 : vector<16xf32>
      %mul3A_929 = arith.constant 16 : i32
      %mul3A_930 = arith.muli %scan3A_920, %mul3A_929 : i32
      %get3A_931 = arith.constant 12 : i32
      %get3A_932 = arith.index_cast %get3A_931 : i32 to index
      %get3A_933 = arith.index_cast %mul3A_930 : i32 to index
      %get3A_934 = tpu.vector_load %arg11[%get3A_932, %get3A_933] {strides = array<i32>} : memref<16x1024xf32, #tpu.memory_space<vmem>>, vector<16xf32>,
      %mul3A_935 = arith.mulf %broadcast_in_dim3A_191, %get3A_934 : vector<16xf32>
      %add3A_936 = arith.addf %mul3A_928, %mul3A_935 : vector<16xf32>
      %mul3A_937 = arith.constant 16 : i32
      %mul3A_938 = arith.muli %scan3A_920, %mul3A_937 : i32
      %swap3A = arith.constant 12 : i32
      %swap3A_939 = arith.index_cast %swap3A : i32 to index
      %swap3A_940 = arith.index_cast %mul3A_938 : i32 to index
      %swap3A_941 = tpu.vector_load %arg14[%swap3A_939, %swap3A_940] {strides = array<i32>} : memref<16x1024xf32, #tpu.memory_space<vmem>>, vector<16xf32>,
      tpu.vector_store %arg14[%swap3A_939, %swap3A_940], %add3A_936 {strides = array<i32>} : memref<16x1024xf32, #tpu.memory_space<vmem>>, vector<16xf32>,
      %scan3A_942 = arith.constant 0 : i32
      scf.yield %scan3A_942 : i32
    }
    %scan3A_198 = arith.constant 64 : i32
    %slice3A_199 = vector.extract_strided_slice %get3A_31 {offsets = [13], sizes = [1], strides = [1]} : vector<16xf32> to vector<1xf32>
    %squeeze3A_200 = vector.extract %slice3A_199[0] : f32 from vector<1xf32>
    %broadcast_in_dim3A_201 = vector.broadcast %squeeze3A_200 : f32 to vector<16xf32>
    %slice3A_202 = vector.extract_strided_slice %get3A_33 {offsets = [13], sizes = [1], strides = [1]} : vector<16xf32> to vector<1xf32>
    %squeeze3A_203 = vector.extract %slice3A_202[0] : f32 from vector<1xf32>
    %broadcast_in_dim3A_204 = vector.broadcast %squeeze3A_203 : f32 to vector<16xf32>
    %scan3A_205 = arith.constant 0 : i32
    %scan3A_206 = arith.constant 0 : i32
    %scan3A_207 = arith.constant 64 : i32
    %scan3A_208 = arith.addi %scan3A_206, %scan3A_207 : i32
    %scan3A_209 = arith.constant 1 : i32
    %scan3A_210 = scf.for %scan3A_920 = %scan3A_206 to %scan3A_208 step %scan3A_209 iter_args(%scan3A_921 = %scan3A_205) -> (i32)  : i32 {
      %mul3A_922 = arith.constant 16 : i32
      %mul3A_923 = arith.muli %scan3A_920, %mul3A_922 : i32
      %get3A_924 = arith.constant 13 : i32
      %get3A_925 = arith.index_cast %get3A_924 : i32 to index
      %get3A_926 = arith.index_cast %mul3A_923 : i32 to index
      %get3A_927 = tpu.vector_load %arg10[%get3A_925, %get3A_926] {strides = array<i32>} : memref<16x1024xf32, #tpu.memory_space<vmem>>, vector<16xf32>,
      %mul3A_928 = arith.mulf %broadcast_in_dim3A_201, %get3A_927 : vector<16xf32>
      %mul3A_929 = arith.constant 16 : i32
      %mul3A_930 = arith.muli %scan3A_920, %mul3A_929 : i32
      %get3A_931 = arith.constant 13 : i32
      %get3A_932 = arith.index_cast %get3A_931 : i32 to index
      %get3A_933 = arith.index_cast %mul3A_930 : i32 to index
      %get3A_934 = tpu.vector_load %arg11[%get3A_932, %get3A_933] {strides = array<i32>} : memref<16x1024xf32, #tpu.memory_space<vmem>>, vector<16xf32>,
      %mul3A_935 = arith.mulf %broadcast_in_dim3A_204, %get3A_934 : vector<16xf32>
      %add3A_936 = arith.addf %mul3A_928, %mul3A_935 : vector<16xf32>
      %mul3A_937 = arith.constant 16 : i32
      %mul3A_938 = arith.muli %scan3A_920, %mul3A_937 : i32
      %swap3A = arith.constant 13 : i32
      %swap3A_939 = arith.index_cast %swap3A : i32 to index
      %swap3A_940 = arith.index_cast %mul3A_938 : i32 to index
      %swap3A_941 = tpu.vector_load %arg14[%swap3A_939, %swap3A_940] {strides = array<i32>} : memref<16x1024xf32, #tpu.memory_space<vmem>>, vector<16xf32>,
      tpu.vector_store %arg14[%swap3A_939, %swap3A_940], %add3A_936 {strides = array<i32>} : memref<16x1024xf32, #tpu.memory_space<vmem>>, vector<16xf32>,
      %scan3A_942 = arith.constant 0 : i32
      scf.yield %scan3A_942 : i32
    }
    %scan3A_211 = arith.constant 64 : i32
    %slice3A_212 = vector.extract_strided_slice %get3A_31 {offsets = [14], sizes = [1], strides = [1]} : vector<16xf32> to vector<1xf32>
    %squeeze3A_213 = vector.extract %slice3A_212[0] : f32 from vector<1xf32>
    %broadcast_in_dim3A_214 = vector.broadcast %squeeze3A_213 : f32 to vector<16xf32>
    %slice3A_215 = vector.extract_strided_slice %get3A_33 {offsets = [14], sizes = [1], strides = [1]} : vector<16xf32> to vector<1xf32>
    %squeeze3A_216 = vector.extract %slice3A_215[0] : f32 from vector<1xf32>
    %broadcast_in_dim3A_217 = vector.broadcast %squeeze3A_216 : f32 to vector<16xf32>
    %scan3A_218 = arith.constant 0 : i32
    %scan3A_219 = arith.constant 0 : i32
    %scan3A_220 = arith.constant 64 : i32
    %scan3A_221 = arith.addi %scan3A_219, %scan3A_220 : i32
    %scan3A_222 = arith.constant 1 : i32
    %scan3A_223 = scf.for %scan3A_920 = %scan3A_219 to %scan3A_221 step %scan3A_222 iter_args(%scan3A_921 = %scan3A_218) -> (i32)  : i32 {
      %mul3A_922 = arith.constant 16 : i32
      %mul3A_923 = arith.muli %scan3A_920, %mul3A_922 : i32
      %get3A_924 = arith.constant 14 : i32
      %get3A_925 = arith.index_cast %get3A_924 : i32 to index
      %get3A_926 = arith.index_cast %mul3A_923 : i32 to index
      %get3A_927 = tpu.vector_load %arg10[%get3A_925, %get3A_926] {strides = array<i32>} : memref<16x1024xf32, #tpu.memory_space<vmem>>, vector<16xf32>,
      %mul3A_928 = arith.mulf %broadcast_in_dim3A_214, %get3A_927 : vector<16xf32>
      %mul3A_929 = arith.constant 16 : i32
      %mul3A_930 = arith.muli %scan3A_920, %mul3A_929 : i32
      %get3A_931 = arith.constant 14 : i32
      %get3A_932 = arith.index_cast %get3A_931 : i32 to index
      %get3A_933 = arith.index_cast %mul3A_930 : i32 to index
      %get3A_934 = tpu.vector_load %arg11[%get3A_932, %get3A_933] {strides = array<i32>} : memref<16x1024xf32, #tpu.memory_space<vmem>>, vector<16xf32>,
      %mul3A_935 = arith.mulf %broadcast_in_dim3A_217, %get3A_934 : vector<16xf32>
      %add3A_936 = arith.addf %mul3A_928, %mul3A_935 : vector<16xf32>
      %mul3A_937 = arith.constant 16 : i32
      %mul3A_938 = arith.muli %scan3A_920, %mul3A_937 : i32
      %swap3A = arith.constant 14 : i32
      %swap3A_939 = arith.index_cast %swap3A : i32 to index
      %swap3A_940 = arith.index_cast %mul3A_938 : i32 to index
      %swap3A_941 = tpu.vector_load %arg14[%swap3A_939, %swap3A_940] {strides = array<i32>} : memref<16x1024xf32, #tpu.memory_space<vmem>>, vector<16xf32>,
      tpu.vector_store %arg14[%swap3A_939, %swap3A_940], %add3A_936 {strides = array<i32>} : memref<16x1024xf32, #tpu.memory_space<vmem>>, vector<16xf32>,
      %scan3A_942 = arith.constant 0 : i32
      scf.yield %scan3A_942 : i32
    }
    %scan3A_224 = arith.constant 64 : i32
    %slice3A_225 = vector.extract_strided_slice %get3A_31 {offsets = [15], sizes = [1], strides = [1]} : vector<16xf32> to vector<1xf32>
    %squeeze3A_226 = vector.extract %slice3A_225[0] : f32 from vector<1xf32>
    %broadcast_in_dim3A_227 = vector.broadcast %squeeze3A_226 : f32 to vector<16xf32>
    %slice3A_228 = vector.extract_strided_slice %get3A_33 {offsets = [15], sizes = [1], strides = [1]} : vector<16xf32> to vector<1xf32>
    %squeeze3A_229 = vector.extract %slice3A_228[0] : f32 from vector<1xf32>
    %broadcast_in_dim3A_230 = vector.broadcast %squeeze3A_229 : f32 to vector<16xf32>
    %scan3A_231 = arith.constant 0 : i32
    %scan3A_232 = arith.constant 0 : i32
    %scan3A_233 = arith.constant 64 : i32
    %scan3A_234 = arith.addi %scan3A_232, %scan3A_233 : i32
    %scan3A_235 = arith.constant 1 : i32
    %scan3A_236 = scf.for %scan3A_920 = %scan3A_232 to %scan3A_234 step %scan3A_235 iter_args(%scan3A_921 = %scan3A_231) -> (i32)  : i32 {
      %mul3A_922 = arith.constant 16 : i32
      %mul3A_923 = arith.muli %scan3A_920, %mul3A_922 : i32
      %get3A_924 = arith.constant 15 : i32
      %get3A_925 = arith.index_cast %get3A_924 : i32 to index
      %get3A_926 = arith.index_cast %mul3A_923 : i32 to index
      %get3A_927 = tpu.vector_load %arg10[%get3A_925, %get3A_926] {strides = array<i32>} : memref<16x1024xf32, #tpu.memory_space<vmem>>, vector<16xf32>,
      %mul3A_928 = arith.mulf %broadcast_in_dim3A_227, %get3A_927 : vector<16xf32>
      %mul3A_929 = arith.constant 16 : i32
      %mul3A_930 = arith.muli %scan3A_920, %mul3A_929 : i32
      %get3A_931 = arith.constant 15 : i32
      %get3A_932 = arith.index_cast %get3A_931 : i32 to index
      %get3A_933 = arith.index_cast %mul3A_930 : i32 to index
      %get3A_934 = tpu.vector_load %arg11[%get3A_932, %get3A_933] {strides = array<i32>} : memref<16x1024xf32, #tpu.memory_space<vmem>>, vector<16xf32>,
      %mul3A_935 = arith.mulf %broadcast_in_dim3A_230, %get3A_934 : vector<16xf32>
      %add3A_936 = arith.addf %mul3A_928, %mul3A_935 : vector<16xf32>
      %mul3A_937 = arith.constant 16 : i32
      %mul3A_938 = arith.muli %scan3A_920, %mul3A_937 : i32
      %swap3A = arith.constant 15 : i32
      %swap3A_939 = arith.index_cast %swap3A : i32 to index
      %swap3A_940 = arith.index_cast %mul3A_938 : i32 to index
      %swap3A_941 = tpu.vector_load %arg14[%swap3A_939, %swap3A_940] {strides = array<i32>} : memref<16x1024xf32, #tpu.memory_space<vmem>>, vector<16xf32>,
      tpu.vector_store %arg14[%swap3A_939, %swap3A_940], %add3A_936 {strides = array<i32>} : memref<16x1024xf32, #tpu.memory_space<vmem>>, vector<16xf32>,
      %scan3A_942 = arith.constant 0 : i32
      scf.yield %scan3A_942 : i32
    }
    %scan3A_237 = arith.constant 64 : i32
    %add3A_238 = arith.constant 0 : i32
    %add3A_239 = arith.addi %mul3A_2, %add3A_238 : i32
    "tpu.region"() ({
      %run_scoped3A = tpu.sem_alloc : memref<!tpu.dma_semaphore, #tpu.memory_space<semaphore_mem>>
      %dma_start3A_920 = arith.constant 0 : i32
      %dma_start3A_921 = tpu.memref_slice %arg5[%add3A_239, %dma_start3A_920] : memref<2048x1024xf32, #tpu.memory_space<hbm>> -> memref<16x1024xf32, #tpu.memory_space<hbm>>
      %dma_start3A_922 = arith.constant 0 : i32
      %dma_start3A_923 = tpu.memref_slice %arg5[%add3A_239, %dma_start3A_922] : memref<2048x1024xf32, #tpu.memory_space<hbm>> -> memref<16x1024xf32, #tpu.memory_space<hbm>>
      tpu.enqueue_dma source(%arg14 : memref<16x1024xf32, #tpu.memory_space<vmem>>) target(%dma_start3A_923 : memref<16x1024xf32, #tpu.memory_space<hbm>>) target_semaphore(%run_scoped3A : memref<!tpu.dma_semaphore, #tpu.memory_space<semaphore_mem>>)
      %dma_wait3A_924 = arith.constant 0 : i32
      %dma_wait3A_925 = tpu.memref_slice %arg5[%add3A_239, %dma_wait3A_924] : memref<2048x1024xf32, #tpu.memory_space<hbm>> -> memref<16x1024xf32, #tpu.memory_space<hbm>>
      %dma_wait3A_926 = arith.constant 0 : i32
      %dma_wait3A_927 = tpu.memref_slice %arg5[%add3A_239, %dma_wait3A_926] : memref<2048x1024xf32, #tpu.memory_space<hbm>> -> memref<16x1024xf32, #tpu.memory_space<hbm>>
      tpu.wait_dma2 semaphore(%run_scoped3A : memref<!tpu.dma_semaphore, #tpu.memory_space<semaphore_mem>>) src(%arg14 : memref<16x1024xf32, #tpu.memory_space<vmem>>) dst(%dma_wait3A_927 : memref<16x1024xf32, #tpu.memory_space<hbm>>)
      tpu.yield
    }) : () -> ()
    %get3A_240 = arith.constant 32 : index
    %get3A_241 = tpu.vector_load %arg6[%get3A_240] {strides = array<i32>} : memref<64xi32, #tpu.memory_space<vmem>>, vector<16xi32>,
    %get3A_242 = arith.constant 32 : index
    %get3A_243 = tpu.vector_load %arg7[%get3A_242] {strides = array<i32>} : memref<64xi32, #tpu.memory_space<vmem>>, vector<16xi32>,
    %dma_start3A_244 = arith.constant 0 : i32
    %dma_start3A_245 = arith.constant 0 : i32
    %dma_start3A_246 = tpu.memref_slice %arg2[%dma_start3A_244, %dma_start3A_245] : memref<7680x1024xf32, #tpu.memory_space<hbm>> -> memref<7680x1024xf32, #tpu.memory_space<hbm>>
    tpu.enqueue_indirect_dma source(%dma_start3A_246 : memref<7680x1024xf32, #tpu.memory_space<hbm>>) target(%arg10 : memref<16x1024xf32, #tpu.memory_space<vmem>>) offsets(%get3A_241 : vector<16xi32>) semaphore(%arg15 : memref<!tpu.dma_semaphore, #tpu.memory_space<semaphore_mem>>)
    %dma_start3A_247 = arith.constant 0 : i32
    %dma_start3A_248 = arith.constant 0 : i32
    %dma_start3A_249 = tpu.memref_slice %arg2[%dma_start3A_247, %dma_start3A_248] : memref<7680x1024xf32, #tpu.memory_space<hbm>> -> memref<7680x1024xf32, #tpu.memory_space<hbm>>
    tpu.enqueue_indirect_dma source(%dma_start3A_249 : memref<7680x1024xf32, #tpu.memory_space<hbm>>) target(%arg11 : memref<16x1024xf32, #tpu.memory_space<vmem>>) offsets(%get3A_243 : vector<16xi32>) semaphore(%arg15 : memref<!tpu.dma_semaphore, #tpu.memory_space<semaphore_mem>>)
    %dma_wait3A_250 = arith.constant 0 : i32
    %dma_wait3A_251 = arith.constant 0 : i32
    %dma_wait3A_252 = tpu.memref_slice %arg2[%dma_wait3A_250, %dma_wait3A_251] : memref<7680x1024xf32, #tpu.memory_space<hbm>> -> memref<7680x1024xf32, #tpu.memory_space<hbm>>
    tpu.wait_indirect_dma semaphore(%arg16 : memref<!tpu.dma_semaphore, #tpu.memory_space<semaphore_mem>>) src(%dma_wait3A_252 : memref<7680x1024xf32, #tpu.memory_space<hbm>>) dst(%arg12 : memref<16x1024xf32, #tpu.memory_space<vmem>>)
    %dma_wait3A_253 = arith.constant 0 : i32
    %dma_wait3A_254 = arith.constant 0 : i32
    %dma_wait3A_255 = tpu.memref_slice %arg2[%dma_wait3A_253, %dma_wait3A_254] : memref<7680x1024xf32, #tpu.memory_space<hbm>> -> memref<7680x1024xf32, #tpu.memory_space<hbm>>
    tpu.wait_indirect_dma semaphore(%arg16 : memref<!tpu.dma_semaphore, #tpu.memory_space<semaphore_mem>>) src(%dma_wait3A_255 : memref<7680x1024xf32, #tpu.memory_space<hbm>>) dst(%arg13 : memref<16x1024xf32, #tpu.memory_space<vmem>>)
    %get3A_256 = arith.constant 16 : index
    %get3A_257 = tpu.vector_load %arg8[%get3A_256] {strides = array<i32>} : memref<64xf32, #tpu.memory_space<vmem>>, vector<16xf32>,
    %get3A_258 = arith.constant 16 : index
    %get3A_259 = tpu.vector_load %arg9[%get3A_258] {strides = array<i32>} : memref<64xf32, #tpu.memory_space<vmem>>, vector<16xf32>,
    %slice3A_260 = vector.extract_strided_slice %get3A_257 {offsets = [0], sizes = [1], strides = [1]} : vector<16xf32> to vector<1xf32>
    %squeeze3A_261 = vector.extract %slice3A_260[0] : f32 from vector<1xf32>
    %broadcast_in_dim3A_262 = vector.broadcast %squeeze3A_261 : f32 to vector<16xf32>
    %slice3A_263 = vector.extract_strided_slice %get3A_259 {offsets = [0], sizes = [1], strides = [1]} : vector<16xf32> to vector<1xf32>
    %squeeze3A_264 = vector.extract %slice3A_263[0] : f32 from vector<1xf32>
    %broadcast_in_dim3A_265 = vector.broadcast %squeeze3A_264 : f32 to vector<16xf32>
    %scan3A_266 = arith.constant 0 : i32
    %scan3A_267 = arith.constant 0 : i32
    %scan3A_268 = arith.constant 64 : i32
    %scan3A_269 = arith.addi %scan3A_267, %scan3A_268 : i32
    %scan3A_270 = arith.constant 1 : i32
    %scan3A_271 = scf.for %scan3A_920 = %scan3A_267 to %scan3A_269 step %scan3A_270 iter_args(%scan3A_921 = %scan3A_266) -> (i32)  : i32 {
      %mul3A_922 = arith.constant 16 : i32
      %mul3A_923 = arith.muli %scan3A_920, %mul3A_922 : i32
      %get3A_924 = arith.constant 0 : i32
      %get3A_925 = arith.index_cast %get3A_924 : i32 to index
      %get3A_926 = arith.index_cast %mul3A_923 : i32 to index
      %get3A_927 = tpu.vector_load %arg12[%get3A_925, %get3A_926] {strides = array<i32>} : memref<16x1024xf32, #tpu.memory_space<vmem>>, vector<16xf32>,
      %mul3A_928 = arith.mulf %broadcast_in_dim3A_262, %get3A_927 : vector<16xf32>
      %mul3A_929 = arith.constant 16 : i32
      %mul3A_930 = arith.muli %scan3A_920, %mul3A_929 : i32
      %get3A_931 = arith.constant 0 : i32
      %get3A_932 = arith.index_cast %get3A_931 : i32 to index
      %get3A_933 = arith.index_cast %mul3A_930 : i32 to index
      %get3A_934 = tpu.vector_load %arg13[%get3A_932, %get3A_933] {strides = array<i32>} : memref<16x1024xf32, #tpu.memory_space<vmem>>, vector<16xf32>,
      %mul3A_935 = arith.mulf %broadcast_in_dim3A_265, %get3A_934 : vector<16xf32>
      %add3A_936 = arith.addf %mul3A_928, %mul3A_935 : vector<16xf32>
      %mul3A_937 = arith.constant 16 : i32
      %mul3A_938 = arith.muli %scan3A_920, %mul3A_937 : i32
      %swap3A = arith.constant 0 : i32
      %swap3A_939 = arith.index_cast %swap3A : i32 to index
      %swap3A_940 = arith.index_cast %mul3A_938 : i32 to index
      %swap3A_941 = tpu.vector_load %arg14[%swap3A_939, %swap3A_940] {strides = array<i32>} : memref<16x1024xf32, #tpu.memory_space<vmem>>, vector<16xf32>,
      tpu.vector_store %arg14[%swap3A_939, %swap3A_940], %add3A_936 {strides = array<i32>} : memref<16x1024xf32, #tpu.memory_space<vmem>>, vector<16xf32>,
      %scan3A_942 = arith.constant 0 : i32
      scf.yield %scan3A_942 : i32
    }
    %scan3A_272 = arith.constant 64 : i32
    %slice3A_273 = vector.extract_strided_slice %get3A_257 {offsets = [1], sizes = [1], strides = [1]} : vector<16xf32> to vector<1xf32>
    %squeeze3A_274 = vector.extract %slice3A_273[0] : f32 from vector<1xf32>
    %broadcast_in_dim3A_275 = vector.broadcast %squeeze3A_274 : f32 to vector<16xf32>
    %slice3A_276 = vector.extract_strided_slice %get3A_259 {offsets = [1], sizes = [1], strides = [1]} : vector<16xf32> to vector<1xf32>
    %squeeze3A_277 = vector.extract %slice3A_276[0] : f32 from vector<1xf32>
    %broadcast_in_dim3A_278 = vector.broadcast %squeeze3A_277 : f32 to vector<16xf32>
    %scan3A_279 = arith.constant 0 : i32
    %scan3A_280 = arith.constant 0 : i32
    %scan3A_281 = arith.constant 64 : i32
    %scan3A_282 = arith.addi %scan3A_280, %scan3A_281 : i32
    %scan3A_283 = arith.constant 1 : i32
    %scan3A_284 = scf.for %scan3A_920 = %scan3A_280 to %scan3A_282 step %scan3A_283 iter_args(%scan3A_921 = %scan3A_279) -> (i32)  : i32 {
      %mul3A_922 = arith.constant 16 : i32
      %mul3A_923 = arith.muli %scan3A_920, %mul3A_922 : i32
      %get3A_924 = arith.constant 1 : i32
      %get3A_925 = arith.index_cast %get3A_924 : i32 to index
      %get3A_926 = arith.index_cast %mul3A_923 : i32 to index
      %get3A_927 = tpu.vector_load %arg12[%get3A_925, %get3A_926] {strides = array<i32>} : memref<16x1024xf32, #tpu.memory_space<vmem>>, vector<16xf32>,
      %mul3A_928 = arith.mulf %broadcast_in_dim3A_275, %get3A_927 : vector<16xf32>
      %mul3A_929 = arith.constant 16 : i32
      %mul3A_930 = arith.muli %scan3A_920, %mul3A_929 : i32
      %get3A_931 = arith.constant 1 : i32
      %get3A_932 = arith.index_cast %get3A_931 : i32 to index
      %get3A_933 = arith.index_cast %mul3A_930 : i32 to index
      %get3A_934 = tpu.vector_load %arg13[%get3A_932, %get3A_933] {strides = array<i32>} : memref<16x1024xf32, #tpu.memory_space<vmem>>, vector<16xf32>,
      %mul3A_935 = arith.mulf %broadcast_in_dim3A_278, %get3A_934 : vector<16xf32>
      %add3A_936 = arith.addf %mul3A_928, %mul3A_935 : vector<16xf32>
      %mul3A_937 = arith.constant 16 : i32
      %mul3A_938 = arith.muli %scan3A_920, %mul3A_937 : i32
      %swap3A = arith.constant 1 : i32
      %swap3A_939 = arith.index_cast %swap3A : i32 to index
      %swap3A_940 = arith.index_cast %mul3A_938 : i32 to index
      %swap3A_941 = tpu.vector_load %arg14[%swap3A_939, %swap3A_940] {strides = array<i32>} : memref<16x1024xf32, #tpu.memory_space<vmem>>, vector<16xf32>,
      tpu.vector_store %arg14[%swap3A_939, %swap3A_940], %add3A_936 {strides = array<i32>} : memref<16x1024xf32, #tpu.memory_space<vmem>>, vector<16xf32>,
      %scan3A_942 = arith.constant 0 : i32
      scf.yield %scan3A_942 : i32
    }
    %scan3A_285 = arith.constant 64 : i32
    %slice3A_286 = vector.extract_strided_slice %get3A_257 {offsets = [2], sizes = [1], strides = [1]} : vector<16xf32> to vector<1xf32>
    %squeeze3A_287 = vector.extract %slice3A_286[0] : f32 from vector<1xf32>
    %broadcast_in_dim3A_288 = vector.broadcast %squeeze3A_287 : f32 to vector<16xf32>
    %slice3A_289 = vector.extract_strided_slice %get3A_259 {offsets = [2], sizes = [1], strides = [1]} : vector<16xf32> to vector<1xf32>
    %squeeze3A_290 = vector.extract %slice3A_289[0] : f32 from vector<1xf32>
    %broadcast_in_dim3A_291 = vector.broadcast %squeeze3A_290 : f32 to vector<16xf32>
    %scan3A_292 = arith.constant 0 : i32
    %scan3A_293 = arith.constant 0 : i32
    %scan3A_294 = arith.constant 64 : i32
    %scan3A_295 = arith.addi %scan3A_293, %scan3A_294 : i32
    %scan3A_296 = arith.constant 1 : i32
    %scan3A_297 = scf.for %scan3A_920 = %scan3A_293 to %scan3A_295 step %scan3A_296 iter_args(%scan3A_921 = %scan3A_292) -> (i32)  : i32 {
      %mul3A_922 = arith.constant 16 : i32
      %mul3A_923 = arith.muli %scan3A_920, %mul3A_922 : i32
      %get3A_924 = arith.constant 2 : i32
      %get3A_925 = arith.index_cast %get3A_924 : i32 to index
      %get3A_926 = arith.index_cast %mul3A_923 : i32 to index
      %get3A_927 = tpu.vector_load %arg12[%get3A_925, %get3A_926] {strides = array<i32>} : memref<16x1024xf32, #tpu.memory_space<vmem>>, vector<16xf32>,
      %mul3A_928 = arith.mulf %broadcast_in_dim3A_288, %get3A_927 : vector<16xf32>
      %mul3A_929 = arith.constant 16 : i32
      %mul3A_930 = arith.muli %scan3A_920, %mul3A_929 : i32
      %get3A_931 = arith.constant 2 : i32
      %get3A_932 = arith.index_cast %get3A_931 : i32 to index
      %get3A_933 = arith.index_cast %mul3A_930 : i32 to index
      %get3A_934 = tpu.vector_load %arg13[%get3A_932, %get3A_933] {strides = array<i32>} : memref<16x1024xf32, #tpu.memory_space<vmem>>, vector<16xf32>,
      %mul3A_935 = arith.mulf %broadcast_in_dim3A_291, %get3A_934 : vector<16xf32>
      %add3A_936 = arith.addf %mul3A_928, %mul3A_935 : vector<16xf32>
      %mul3A_937 = arith.constant 16 : i32
      %mul3A_938 = arith.muli %scan3A_920, %mul3A_937 : i32
      %swap3A = arith.constant 2 : i32
      %swap3A_939 = arith.index_cast %swap3A : i32 to index
      %swap3A_940 = arith.index_cast %mul3A_938 : i32 to index
      %swap3A_941 = tpu.vector_load %arg14[%swap3A_939, %swap3A_940] {strides = array<i32>} : memref<16x1024xf32, #tpu.memory_space<vmem>>, vector<16xf32>,
      tpu.vector_store %arg14[%swap3A_939, %swap3A_940], %add3A_936 {strides = array<i32>} : memref<16x1024xf32, #tpu.memory_space<vmem>>, vector<16xf32>,
      %scan3A_942 = arith.constant 0 : i32
      scf.yield %scan3A_942 : i32
    }
    %scan3A_298 = arith.constant 64 : i32
    %slice3A_299 = vector.extract_strided_slice %get3A_257 {offsets = [3], sizes = [1], strides = [1]} : vector<16xf32> to vector<1xf32>
    %squeeze3A_300 = vector.extract %slice3A_299[0] : f32 from vector<1xf32>
    %broadcast_in_dim3A_301 = vector.broadcast %squeeze3A_300 : f32 to vector<16xf32>
    %slice3A_302 = vector.extract_strided_slice %get3A_259 {offsets = [3], sizes = [1], strides = [1]} : vector<16xf32> to vector<1xf32>
    %squeeze3A_303 = vector.extract %slice3A_302[0] : f32 from vector<1xf32>
    %broadcast_in_dim3A_304 = vector.broadcast %squeeze3A_303 : f32 to vector<16xf32>
    %scan3A_305 = arith.constant 0 : i32
    %scan3A_306 = arith.constant 0 : i32
    %scan3A_307 = arith.constant 64 : i32
    %scan3A_308 = arith.addi %scan3A_306, %scan3A_307 : i32
    %scan3A_309 = arith.constant 1 : i32
    %scan3A_310 = scf.for %scan3A_920 = %scan3A_306 to %scan3A_308 step %scan3A_309 iter_args(%scan3A_921 = %scan3A_305) -> (i32)  : i32 {
      %mul3A_922 = arith.constant 16 : i32
      %mul3A_923 = arith.muli %scan3A_920, %mul3A_922 : i32
      %get3A_924 = arith.constant 3 : i32
      %get3A_925 = arith.index_cast %get3A_924 : i32 to index
      %get3A_926 = arith.index_cast %mul3A_923 : i32 to index
      %get3A_927 = tpu.vector_load %arg12[%get3A_925, %get3A_926] {strides = array<i32>} : memref<16x1024xf32, #tpu.memory_space<vmem>>, vector<16xf32>,
      %mul3A_928 = arith.mulf %broadcast_in_dim3A_301, %get3A_927 : vector<16xf32>
      %mul3A_929 = arith.constant 16 : i32
      %mul3A_930 = arith.muli %scan3A_920, %mul3A_929 : i32
      %get3A_931 = arith.constant 3 : i32
      %get3A_932 = arith.index_cast %get3A_931 : i32 to index
      %get3A_933 = arith.index_cast %mul3A_930 : i32 to index
      %get3A_934 = tpu.vector_load %arg13[%get3A_932, %get3A_933] {strides = array<i32>} : memref<16x1024xf32, #tpu.memory_space<vmem>>, vector<16xf32>,
      %mul3A_935 = arith.mulf %broadcast_in_dim3A_304, %get3A_934 : vector<16xf32>
      %add3A_936 = arith.addf %mul3A_928, %mul3A_935 : vector<16xf32>
      %mul3A_937 = arith.constant 16 : i32
      %mul3A_938 = arith.muli %scan3A_920, %mul3A_937 : i32
      %swap3A = arith.constant 3 : i32
      %swap3A_939 = arith.index_cast %swap3A : i32 to index
      %swap3A_940 = arith.index_cast %mul3A_938 : i32 to index
      %swap3A_941 = tpu.vector_load %arg14[%swap3A_939, %swap3A_940] {strides = array<i32>} : memref<16x1024xf32, #tpu.memory_space<vmem>>, vector<16xf32>,
      tpu.vector_store %arg14[%swap3A_939, %swap3A_940], %add3A_936 {strides = array<i32>} : memref<16x1024xf32, #tpu.memory_space<vmem>>, vector<16xf32>,
      %scan3A_942 = arith.constant 0 : i32
      scf.yield %scan3A_942 : i32
    }
    %scan3A_311 = arith.constant 64 : i32
    %slice3A_312 = vector.extract_strided_slice %get3A_257 {offsets = [4], sizes = [1], strides = [1]} : vector<16xf32> to vector<1xf32>
    %squeeze3A_313 = vector.extract %slice3A_312[0] : f32 from vector<1xf32>
    %broadcast_in_dim3A_314 = vector.broadcast %squeeze3A_313 : f32 to vector<16xf32>
    %slice3A_315 = vector.extract_strided_slice %get3A_259 {offsets = [4], sizes = [1], strides = [1]} : vector<16xf32> to vector<1xf32>
    %squeeze3A_316 = vector.extract %slice3A_315[0] : f32 from vector<1xf32>
    %broadcast_in_dim3A_317 = vector.broadcast %squeeze3A_316 : f32 to vector<16xf32>
    %scan3A_318 = arith.constant 0 : i32
    %scan3A_319 = arith.constant 0 : i32
    %scan3A_320 = arith.constant 64 : i32
    %scan3A_321 = arith.addi %scan3A_319, %scan3A_320 : i32
    %scan3A_322 = arith.constant 1 : i32
    %scan3A_323 = scf.for %scan3A_920 = %scan3A_319 to %scan3A_321 step %scan3A_322 iter_args(%scan3A_921 = %scan3A_318) -> (i32)  : i32 {
      %mul3A_922 = arith.constant 16 : i32
      %mul3A_923 = arith.muli %scan3A_920, %mul3A_922 : i32
      %get3A_924 = arith.constant 4 : i32
      %get3A_925 = arith.index_cast %get3A_924 : i32 to index
      %get3A_926 = arith.index_cast %mul3A_923 : i32 to index
      %get3A_927 = tpu.vector_load %arg12[%get3A_925, %get3A_926] {strides = array<i32>} : memref<16x1024xf32, #tpu.memory_space<vmem>>, vector<16xf32>,
      %mul3A_928 = arith.mulf %broadcast_in_dim3A_314, %get3A_927 : vector<16xf32>
      %mul3A_929 = arith.constant 16 : i32
      %mul3A_930 = arith.muli %scan3A_920, %mul3A_929 : i32
      %get3A_931 = arith.constant 4 : i32
      %get3A_932 = arith.index_cast %get3A_931 : i32 to index
      %get3A_933 = arith.index_cast %mul3A_930 : i32 to index
      %get3A_934 = tpu.vector_load %arg13[%get3A_932, %get3A_933] {strides = array<i32>} : memref<16x1024xf32, #tpu.memory_space<vmem>>, vector<16xf32>,
      %mul3A_935 = arith.mulf %broadcast_in_dim3A_317, %get3A_934 : vector<16xf32>
      %add3A_936 = arith.addf %mul3A_928, %mul3A_935 : vector<16xf32>
      %mul3A_937 = arith.constant 16 : i32
      %mul3A_938 = arith.muli %scan3A_920, %mul3A_937 : i32
      %swap3A = arith.constant 4 : i32
      %swap3A_939 = arith.index_cast %swap3A : i32 to index
      %swap3A_940 = arith.index_cast %mul3A_938 : i32 to index
      %swap3A_941 = tpu.vector_load %arg14[%swap3A_939, %swap3A_940] {strides = array<i32>} : memref<16x1024xf32, #tpu.memory_space<vmem>>, vector<16xf32>,
      tpu.vector_store %arg14[%swap3A_939, %swap3A_940], %add3A_936 {strides = array<i32>} : memref<16x1024xf32, #tpu.memory_space<vmem>>, vector<16xf32>,
      %scan3A_942 = arith.constant 0 : i32
      scf.yield %scan3A_942 : i32
    }
    %scan3A_324 = arith.constant 64 : i32
    %slice3A_325 = vector.extract_strided_slice %get3A_257 {offsets = [5], sizes = [1], strides = [1]} : vector<16xf32> to vector<1xf32>
    %squeeze3A_326 = vector.extract %slice3A_325[0] : f32 from vector<1xf32>
    %broadcast_in_dim3A_327 = vector.broadcast %squeeze3A_326 : f32 to vector<16xf32>
    %slice3A_328 = vector.extract_strided_slice %get3A_259 {offsets = [5], sizes = [1], strides = [1]} : vector<16xf32> to vector<1xf32>
    %squeeze3A_329 = vector.extract %slice3A_328[0] : f32 from vector<1xf32>
    %broadcast_in_dim3A_330 = vector.broadcast %squeeze3A_329 : f32 to vector<16xf32>
    %scan3A_331 = arith.constant 0 : i32
    %scan3A_332 = arith.constant 0 : i32
    %scan3A_333 = arith.constant 64 : i32
    %scan3A_334 = arith.addi %scan3A_332, %scan3A_333 : i32
    %scan3A_335 = arith.constant 1 : i32
    %scan3A_336 = scf.for %scan3A_920 = %scan3A_332 to %scan3A_334 step %scan3A_335 iter_args(%scan3A_921 = %scan3A_331) -> (i32)  : i32 {
      %mul3A_922 = arith.constant 16 : i32
      %mul3A_923 = arith.muli %scan3A_920, %mul3A_922 : i32
      %get3A_924 = arith.constant 5 : i32
      %get3A_925 = arith.index_cast %get3A_924 : i32 to index
      %get3A_926 = arith.index_cast %mul3A_923 : i32 to index
      %get3A_927 = tpu.vector_load %arg12[%get3A_925, %get3A_926] {strides = array<i32>} : memref<16x1024xf32, #tpu.memory_space<vmem>>, vector<16xf32>,
      %mul3A_928 = arith.mulf %broadcast_in_dim3A_327, %get3A_927 : vector<16xf32>
      %mul3A_929 = arith.constant 16 : i32
      %mul3A_930 = arith.muli %scan3A_920, %mul3A_929 : i32
      %get3A_931 = arith.constant 5 : i32
      %get3A_932 = arith.index_cast %get3A_931 : i32 to index
      %get3A_933 = arith.index_cast %mul3A_930 : i32 to index
      %get3A_934 = tpu.vector_load %arg13[%get3A_932, %get3A_933] {strides = array<i32>} : memref<16x1024xf32, #tpu.memory_space<vmem>>, vector<16xf32>,
      %mul3A_935 = arith.mulf %broadcast_in_dim3A_330, %get3A_934 : vector<16xf32>
      %add3A_936 = arith.addf %mul3A_928, %mul3A_935 : vector<16xf32>
      %mul3A_937 = arith.constant 16 : i32
      %mul3A_938 = arith.muli %scan3A_920, %mul3A_937 : i32
      %swap3A = arith.constant 5 : i32
      %swap3A_939 = arith.index_cast %swap3A : i32 to index
      %swap3A_940 = arith.index_cast %mul3A_938 : i32 to index
      %swap3A_941 = tpu.vector_load %arg14[%swap3A_939, %swap3A_940] {strides = array<i32>} : memref<16x1024xf32, #tpu.memory_space<vmem>>, vector<16xf32>,
      tpu.vector_store %arg14[%swap3A_939, %swap3A_940], %add3A_936 {strides = array<i32>} : memref<16x1024xf32, #tpu.memory_space<vmem>>, vector<16xf32>,
      %scan3A_942 = arith.constant 0 : i32
      scf.yield %scan3A_942 : i32
    }
    %scan3A_337 = arith.constant 64 : i32
    %slice3A_338 = vector.extract_strided_slice %get3A_257 {offsets = [6], sizes = [1], strides = [1]} : vector<16xf32> to vector<1xf32>
    %squeeze3A_339 = vector.extract %slice3A_338[0] : f32 from vector<1xf32>
    %broadcast_in_dim3A_340 = vector.broadcast %squeeze3A_339 : f32 to vector<16xf32>
    %slice3A_341 = vector.extract_strided_slice %get3A_259 {offsets = [6], sizes = [1], strides = [1]} : vector<16xf32> to vector<1xf32>
    %squeeze3A_342 = vector.extract %slice3A_341[0] : f32 from vector<1xf32>
    %broadcast_in_dim3A_343 = vector.broadcast %squeeze3A_342 : f32 to vector<16xf32>
    %scan3A_344 = arith.constant 0 : i32
    %scan3A_345 = arith.constant 0 : i32
    %scan3A_346 = arith.constant 64 : i32
    %scan3A_347 = arith.addi %scan3A_345, %scan3A_346 : i32
    %scan3A_348 = arith.constant 1 : i32
    %scan3A_349 = scf.for %scan3A_920 = %scan3A_345 to %scan3A_347 step %scan3A_348 iter_args(%scan3A_921 = %scan3A_344) -> (i32)  : i32 {
      %mul3A_922 = arith.constant 16 : i32
      %mul3A_923 = arith.muli %scan3A_920, %mul3A_922 : i32
      %get3A_924 = arith.constant 6 : i32
      %get3A_925 = arith.index_cast %get3A_924 : i32 to index
      %get3A_926 = arith.index_cast %mul3A_923 : i32 to index
      %get3A_927 = tpu.vector_load %arg12[%get3A_925, %get3A_926] {strides = array<i32>} : memref<16x1024xf32, #tpu.memory_space<vmem>>, vector<16xf32>,
      %mul3A_928 = arith.mulf %broadcast_in_dim3A_340, %get3A_927 : vector<16xf32>
      %mul3A_929 = arith.constant 16 : i32
      %mul3A_930 = arith.muli %scan3A_920, %mul3A_929 : i32
      %get3A_931 = arith.constant 6 : i32
      %get3A_932 = arith.index_cast %get3A_931 : i32 to index
      %get3A_933 = arith.index_cast %mul3A_930 : i32 to index
      %get3A_934 = tpu.vector_load %arg13[%get3A_932, %get3A_933] {strides = array<i32>} : memref<16x1024xf32, #tpu.memory_space<vmem>>, vector<16xf32>,
      %mul3A_935 = arith.mulf %broadcast_in_dim3A_343, %get3A_934 : vector<16xf32>
      %add3A_936 = arith.addf %mul3A_928, %mul3A_935 : vector<16xf32>
      %mul3A_937 = arith.constant 16 : i32
      %mul3A_938 = arith.muli %scan3A_920, %mul3A_937 : i32
      %swap3A = arith.constant 6 : i32
      %swap3A_939 = arith.index_cast %swap3A : i32 to index
      %swap3A_940 = arith.index_cast %mul3A_938 : i32 to index
      %swap3A_941 = tpu.vector_load %arg14[%swap3A_939, %swap3A_940] {strides = array<i32>} : memref<16x1024xf32, #tpu.memory_space<vmem>>, vector<16xf32>,
      tpu.vector_store %arg14[%swap3A_939, %swap3A_940], %add3A_936 {strides = array<i32>} : memref<16x1024xf32, #tpu.memory_space<vmem>>, vector<16xf32>,
      %scan3A_942 = arith.constant 0 : i32
      scf.yield %scan3A_942 : i32
    }
    %scan3A_350 = arith.constant 64 : i32
    %slice3A_351 = vector.extract_strided_slice %get3A_257 {offsets = [7], sizes = [1], strides = [1]} : vector<16xf32> to vector<1xf32>
    %squeeze3A_352 = vector.extract %slice3A_351[0] : f32 from vector<1xf32>
    %broadcast_in_dim3A_353 = vector.broadcast %squeeze3A_352 : f32 to vector<16xf32>
    %slice3A_354 = vector.extract_strided_slice %get3A_259 {offsets = [7], sizes = [1], strides = [1]} : vector<16xf32> to vector<1xf32>
    %squeeze3A_355 = vector.extract %slice3A_354[0] : f32 from vector<1xf32>
    %broadcast_in_dim3A_356 = vector.broadcast %squeeze3A_355 : f32 to vector<16xf32>
    %scan3A_357 = arith.constant 0 : i32
    %scan3A_358 = arith.constant 0 : i32
    %scan3A_359 = arith.constant 64 : i32
    %scan3A_360 = arith.addi %scan3A_358, %scan3A_359 : i32
    %scan3A_361 = arith.constant 1 : i32
    %scan3A_362 = scf.for %scan3A_920 = %scan3A_358 to %scan3A_360 step %scan3A_361 iter_args(%scan3A_921 = %scan3A_357) -> (i32)  : i32 {
      %mul3A_922 = arith.constant 16 : i32
      %mul3A_923 = arith.muli %scan3A_920, %mul3A_922 : i32
      %get3A_924 = arith.constant 7 : i32
      %get3A_925 = arith.index_cast %get3A_924 : i32 to index
      %get3A_926 = arith.index_cast %mul3A_923 : i32 to index
      %get3A_927 = tpu.vector_load %arg12[%get3A_925, %get3A_926] {strides = array<i32>} : memref<16x1024xf32, #tpu.memory_space<vmem>>, vector<16xf32>,
      %mul3A_928 = arith.mulf %broadcast_in_dim3A_353, %get3A_927 : vector<16xf32>
      %mul3A_929 = arith.constant 16 : i32
      %mul3A_930 = arith.muli %scan3A_920, %mul3A_929 : i32
      %get3A_931 = arith.constant 7 : i32
      %get3A_932 = arith.index_cast %get3A_931 : i32 to index
      %get3A_933 = arith.index_cast %mul3A_930 : i32 to index
      %get3A_934 = tpu.vector_load %arg13[%get3A_932, %get3A_933] {strides = array<i32>} : memref<16x1024xf32, #tpu.memory_space<vmem>>, vector<16xf32>,
      %mul3A_935 = arith.mulf %broadcast_in_dim3A_356, %get3A_934 : vector<16xf32>
      %add3A_936 = arith.addf %mul3A_928, %mul3A_935 : vector<16xf32>
      %mul3A_937 = arith.constant 16 : i32
      %mul3A_938 = arith.muli %scan3A_920, %mul3A_937 : i32
      %swap3A = arith.constant 7 : i32
      %swap3A_939 = arith.index_cast %swap3A : i32 to index
      %swap3A_940 = arith.index_cast %mul3A_938 : i32 to index
      %swap3A_941 = tpu.vector_load %arg14[%swap3A_939, %swap3A_940] {strides = array<i32>} : memref<16x1024xf32, #tpu.memory_space<vmem>>, vector<16xf32>,
      tpu.vector_store %arg14[%swap3A_939, %swap3A_940], %add3A_936 {strides = array<i32>} : memref<16x1024xf32, #tpu.memory_space<vmem>>, vector<16xf32>,
      %scan3A_942 = arith.constant 0 : i32
      scf.yield %scan3A_942 : i32
    }
    %scan3A_363 = arith.constant 64 : i32
    %slice3A_364 = vector.extract_strided_slice %get3A_257 {offsets = [8], sizes = [1], strides = [1]} : vector<16xf32> to vector<1xf32>
    %squeeze3A_365 = vector.extract %slice3A_364[0] : f32 from vector<1xf32>
    %broadcast_in_dim3A_366 = vector.broadcast %squeeze3A_365 : f32 to vector<16xf32>
    %slice3A_367 = vector.extract_strided_slice %get3A_259 {offsets = [8], sizes = [1], strides = [1]} : vector<16xf32> to vector<1xf32>
    %squeeze3A_368 = vector.extract %slice3A_367[0] : f32 from vector<1xf32>
    %broadcast_in_dim3A_369 = vector.broadcast %squeeze3A_368 : f32 to vector<16xf32>
    %scan3A_370 = arith.constant 0 : i32
    %scan3A_371 = arith.constant 0 : i32
    %scan3A_372 = arith.constant 64 : i32
    %scan3A_373 = arith.addi %scan3A_371, %scan3A_372 : i32
    %scan3A_374 = arith.constant 1 : i32
    %scan3A_375 = scf.for %scan3A_920 = %scan3A_371 to %scan3A_373 step %scan3A_374 iter_args(%scan3A_921 = %scan3A_370) -> (i32)  : i32 {
      %mul3A_922 = arith.constant 16 : i32
      %mul3A_923 = arith.muli %scan3A_920, %mul3A_922 : i32
      %get3A_924 = arith.constant 8 : i32
      %get3A_925 = arith.index_cast %get3A_924 : i32 to index
      %get3A_926 = arith.index_cast %mul3A_923 : i32 to index
      %get3A_927 = tpu.vector_load %arg12[%get3A_925, %get3A_926] {strides = array<i32>} : memref<16x1024xf32, #tpu.memory_space<vmem>>, vector<16xf32>,
      %mul3A_928 = arith.mulf %broadcast_in_dim3A_366, %get3A_927 : vector<16xf32>
      %mul3A_929 = arith.constant 16 : i32
      %mul3A_930 = arith.muli %scan3A_920, %mul3A_929 : i32
      %get3A_931 = arith.constant 8 : i32
      %get3A_932 = arith.index_cast %get3A_931 : i32 to index
      %get3A_933 = arith.index_cast %mul3A_930 : i32 to index
      %get3A_934 = tpu.vector_load %arg13[%get3A_932, %get3A_933] {strides = array<i32>} : memref<16x1024xf32, #tpu.memory_space<vmem>>, vector<16xf32>,
      %mul3A_935 = arith.mulf %broadcast_in_dim3A_369, %get3A_934 : vector<16xf32>
      %add3A_936 = arith.addf %mul3A_928, %mul3A_935 : vector<16xf32>
      %mul3A_937 = arith.constant 16 : i32
      %mul3A_938 = arith.muli %scan3A_920, %mul3A_937 : i32
      %swap3A = arith.constant 8 : i32
      %swap3A_939 = arith.index_cast %swap3A : i32 to index
      %swap3A_940 = arith.index_cast %mul3A_938 : i32 to index
      %swap3A_941 = tpu.vector_load %arg14[%swap3A_939, %swap3A_940] {strides = array<i32>} : memref<16x1024xf32, #tpu.memory_space<vmem>>, vector<16xf32>,
      tpu.vector_store %arg14[%swap3A_939, %swap3A_940], %add3A_936 {strides = array<i32>} : memref<16x1024xf32, #tpu.memory_space<vmem>>, vector<16xf32>,
      %scan3A_942 = arith.constant 0 : i32
      scf.yield %scan3A_942 : i32
    }
    %scan3A_376 = arith.constant 64 : i32
    %slice3A_377 = vector.extract_strided_slice %get3A_257 {offsets = [9], sizes = [1], strides = [1]} : vector<16xf32> to vector<1xf32>
    %squeeze3A_378 = vector.extract %slice3A_377[0] : f32 from vector<1xf32>
    %broadcast_in_dim3A_379 = vector.broadcast %squeeze3A_378 : f32 to vector<16xf32>
    %slice3A_380 = vector.extract_strided_slice %get3A_259 {offsets = [9], sizes = [1], strides = [1]} : vector<16xf32> to vector<1xf32>
    %squeeze3A_381 = vector.extract %slice3A_380[0] : f32 from vector<1xf32>
    %broadcast_in_dim3A_382 = vector.broadcast %squeeze3A_381 : f32 to vector<16xf32>
    %scan3A_383 = arith.constant 0 : i32
    %scan3A_384 = arith.constant 0 : i32
    %scan3A_385 = arith.constant 64 : i32
    %scan3A_386 = arith.addi %scan3A_384, %scan3A_385 : i32
    %scan3A_387 = arith.constant 1 : i32
    %scan3A_388 = scf.for %scan3A_920 = %scan3A_384 to %scan3A_386 step %scan3A_387 iter_args(%scan3A_921 = %scan3A_383) -> (i32)  : i32 {
      %mul3A_922 = arith.constant 16 : i32
      %mul3A_923 = arith.muli %scan3A_920, %mul3A_922 : i32
      %get3A_924 = arith.constant 9 : i32
      %get3A_925 = arith.index_cast %get3A_924 : i32 to index
      %get3A_926 = arith.index_cast %mul3A_923 : i32 to index
      %get3A_927 = tpu.vector_load %arg12[%get3A_925, %get3A_926] {strides = array<i32>} : memref<16x1024xf32, #tpu.memory_space<vmem>>, vector<16xf32>,
      %mul3A_928 = arith.mulf %broadcast_in_dim3A_379, %get3A_927 : vector<16xf32>
      %mul3A_929 = arith.constant 16 : i32
      %mul3A_930 = arith.muli %scan3A_920, %mul3A_929 : i32
      %get3A_931 = arith.constant 9 : i32
      %get3A_932 = arith.index_cast %get3A_931 : i32 to index
      %get3A_933 = arith.index_cast %mul3A_930 : i32 to index
      %get3A_934 = tpu.vector_load %arg13[%get3A_932, %get3A_933] {strides = array<i32>} : memref<16x1024xf32, #tpu.memory_space<vmem>>, vector<16xf32>,
      %mul3A_935 = arith.mulf %broadcast_in_dim3A_382, %get3A_934 : vector<16xf32>
      %add3A_936 = arith.addf %mul3A_928, %mul3A_935 : vector<16xf32>
      %mul3A_937 = arith.constant 16 : i32
      %mul3A_938 = arith.muli %scan3A_920, %mul3A_937 : i32
      %swap3A = arith.constant 9 : i32
      %swap3A_939 = arith.index_cast %swap3A : i32 to index
      %swap3A_940 = arith.index_cast %mul3A_938 : i32 to index
      %swap3A_941 = tpu.vector_load %arg14[%swap3A_939, %swap3A_940] {strides = array<i32>} : memref<16x1024xf32, #tpu.memory_space<vmem>>, vector<16xf32>,
      tpu.vector_store %arg14[%swap3A_939, %swap3A_940], %add3A_936 {strides = array<i32>} : memref<16x1024xf32, #tpu.memory_space<vmem>>, vector<16xf32>,
      %scan3A_942 = arith.constant 0 : i32
      scf.yield %scan3A_942 : i32
    }
    %scan3A_389 = arith.constant 64 : i32
    %slice3A_390 = vector.extract_strided_slice %get3A_257 {offsets = [10], sizes = [1], strides = [1]} : vector<16xf32> to vector<1xf32>
    %squeeze3A_391 = vector.extract %slice3A_390[0] : f32 from vector<1xf32>
    %broadcast_in_dim3A_392 = vector.broadcast %squeeze3A_391 : f32 to vector<16xf32>
    %slice3A_393 = vector.extract_strided_slice %get3A_259 {offsets = [10], sizes = [1], strides = [1]} : vector<16xf32> to vector<1xf32>
    %squeeze3A_394 = vector.extract %slice3A_393[0] : f32 from vector<1xf32>
    %broadcast_in_dim3A_395 = vector.broadcast %squeeze3A_394 : f32 to vector<16xf32>
    %scan3A_396 = arith.constant 0 : i32
    %scan3A_397 = arith.constant 0 : i32
    %scan3A_398 = arith.constant 64 : i32
    %scan3A_399 = arith.addi %scan3A_397, %scan3A_398 : i32
    %scan3A_400 = arith.constant 1 : i32
    %scan3A_401 = scf.for %scan3A_920 = %scan3A_397 to %scan3A_399 step %scan3A_400 iter_args(%scan3A_921 = %scan3A_396) -> (i32)  : i32 {
      %mul3A_922 = arith.constant 16 : i32
      %mul3A_923 = arith.muli %scan3A_920, %mul3A_922 : i32
      %get3A_924 = arith.constant 10 : i32
      %get3A_925 = arith.index_cast %get3A_924 : i32 to index
      %get3A_926 = arith.index_cast %mul3A_923 : i32 to index
      %get3A_927 = tpu.vector_load %arg12[%get3A_925, %get3A_926] {strides = array<i32>} : memref<16x1024xf32, #tpu.memory_space<vmem>>, vector<16xf32>,
      %mul3A_928 = arith.mulf %broadcast_in_dim3A_392, %get3A_927 : vector<16xf32>
      %mul3A_929 = arith.constant 16 : i32
      %mul3A_930 = arith.muli %scan3A_920, %mul3A_929 : i32
      %get3A_931 = arith.constant 10 : i32
      %get3A_932 = arith.index_cast %get3A_931 : i32 to index
      %get3A_933 = arith.index_cast %mul3A_930 : i32 to index
      %get3A_934 = tpu.vector_load %arg13[%get3A_932, %get3A_933] {strides = array<i32>} : memref<16x1024xf32, #tpu.memory_space<vmem>>, vector<16xf32>,
      %mul3A_935 = arith.mulf %broadcast_in_dim3A_395, %get3A_934 : vector<16xf32>
      %add3A_936 = arith.addf %mul3A_928, %mul3A_935 : vector<16xf32>
      %mul3A_937 = arith.constant 16 : i32
      %mul3A_938 = arith.muli %scan3A_920, %mul3A_937 : i32
      %swap3A = arith.constant 10 : i32
      %swap3A_939 = arith.index_cast %swap3A : i32 to index
      %swap3A_940 = arith.index_cast %mul3A_938 : i32 to index
      %swap3A_941 = tpu.vector_load %arg14[%swap3A_939, %swap3A_940] {strides = array<i32>} : memref<16x1024xf32, #tpu.memory_space<vmem>>, vector<16xf32>,
      tpu.vector_store %arg14[%swap3A_939, %swap3A_940], %add3A_936 {strides = array<i32>} : memref<16x1024xf32, #tpu.memory_space<vmem>>, vector<16xf32>,
      %scan3A_942 = arith.constant 0 : i32
      scf.yield %scan3A_942 : i32
    }
    %scan3A_402 = arith.constant 64 : i32
    %slice3A_403 = vector.extract_strided_slice %get3A_257 {offsets = [11], sizes = [1], strides = [1]} : vector<16xf32> to vector<1xf32>
    %squeeze3A_404 = vector.extract %slice3A_403[0] : f32 from vector<1xf32>
    %broadcast_in_dim3A_405 = vector.broadcast %squeeze3A_404 : f32 to vector<16xf32>
    %slice3A_406 = vector.extract_strided_slice %get3A_259 {offsets = [11], sizes = [1], strides = [1]} : vector<16xf32> to vector<1xf32>
    %squeeze3A_407 = vector.extract %slice3A_406[0] : f32 from vector<1xf32>
    %broadcast_in_dim3A_408 = vector.broadcast %squeeze3A_407 : f32 to vector<16xf32>
    %scan3A_409 = arith.constant 0 : i32
    %scan3A_410 = arith.constant 0 : i32
    %scan3A_411 = arith.constant 64 : i32
    %scan3A_412 = arith.addi %scan3A_410, %scan3A_411 : i32
    %scan3A_413 = arith.constant 1 : i32
    %scan3A_414 = scf.for %scan3A_920 = %scan3A_410 to %scan3A_412 step %scan3A_413 iter_args(%scan3A_921 = %scan3A_409) -> (i32)  : i32 {
      %mul3A_922 = arith.constant 16 : i32
      %mul3A_923 = arith.muli %scan3A_920, %mul3A_922 : i32
      %get3A_924 = arith.constant 11 : i32
      %get3A_925 = arith.index_cast %get3A_924 : i32 to index
      %get3A_926 = arith.index_cast %mul3A_923 : i32 to index
      %get3A_927 = tpu.vector_load %arg12[%get3A_925, %get3A_926] {strides = array<i32>} : memref<16x1024xf32, #tpu.memory_space<vmem>>, vector<16xf32>,
      %mul3A_928 = arith.mulf %broadcast_in_dim3A_405, %get3A_927 : vector<16xf32>
      %mul3A_929 = arith.constant 16 : i32
      %mul3A_930 = arith.muli %scan3A_920, %mul3A_929 : i32
      %get3A_931 = arith.constant 11 : i32
      %get3A_932 = arith.index_cast %get3A_931 : i32 to index
      %get3A_933 = arith.index_cast %mul3A_930 : i32 to index
      %get3A_934 = tpu.vector_load %arg13[%get3A_932, %get3A_933] {strides = array<i32>} : memref<16x1024xf32, #tpu.memory_space<vmem>>, vector<16xf32>,
      %mul3A_935 = arith.mulf %broadcast_in_dim3A_408, %get3A_934 : vector<16xf32>
      %add3A_936 = arith.addf %mul3A_928, %mul3A_935 : vector<16xf32>
      %mul3A_937 = arith.constant 16 : i32
      %mul3A_938 = arith.muli %scan3A_920, %mul3A_937 : i32
      %swap3A = arith.constant 11 : i32
      %swap3A_939 = arith.index_cast %swap3A : i32 to index
      %swap3A_940 = arith.index_cast %mul3A_938 : i32 to index
      %swap3A_941 = tpu.vector_load %arg14[%swap3A_939, %swap3A_940] {strides = array<i32>} : memref<16x1024xf32, #tpu.memory_space<vmem>>, vector<16xf32>,
      tpu.vector_store %arg14[%swap3A_939, %swap3A_940], %add3A_936 {strides = array<i32>} : memref<16x1024xf32, #tpu.memory_space<vmem>>, vector<16xf32>,
      %scan3A_942 = arith.constant 0 : i32
      scf.yield %scan3A_942 : i32
    }
    %scan3A_415 = arith.constant 64 : i32
    %slice3A_416 = vector.extract_strided_slice %get3A_257 {offsets = [12], sizes = [1], strides = [1]} : vector<16xf32> to vector<1xf32>
    %squeeze3A_417 = vector.extract %slice3A_416[0] : f32 from vector<1xf32>
    %broadcast_in_dim3A_418 = vector.broadcast %squeeze3A_417 : f32 to vector<16xf32>
    %slice3A_419 = vector.extract_strided_slice %get3A_259 {offsets = [12], sizes = [1], strides = [1]} : vector<16xf32> to vector<1xf32>
    %squeeze3A_420 = vector.extract %slice3A_419[0] : f32 from vector<1xf32>
    %broadcast_in_dim3A_421 = vector.broadcast %squeeze3A_420 : f32 to vector<16xf32>
    %scan3A_422 = arith.constant 0 : i32
    %scan3A_423 = arith.constant 0 : i32
    %scan3A_424 = arith.constant 64 : i32
    %scan3A_425 = arith.addi %scan3A_423, %scan3A_424 : i32
    %scan3A_426 = arith.constant 1 : i32
    %scan3A_427 = scf.for %scan3A_920 = %scan3A_423 to %scan3A_425 step %scan3A_426 iter_args(%scan3A_921 = %scan3A_422) -> (i32)  : i32 {
      %mul3A_922 = arith.constant 16 : i32
      %mul3A_923 = arith.muli %scan3A_920, %mul3A_922 : i32
      %get3A_924 = arith.constant 12 : i32
      %get3A_925 = arith.index_cast %get3A_924 : i32 to index
      %get3A_926 = arith.index_cast %mul3A_923 : i32 to index
      %get3A_927 = tpu.vector_load %arg12[%get3A_925, %get3A_926] {strides = array<i32>} : memref<16x1024xf32, #tpu.memory_space<vmem>>, vector<16xf32>,
      %mul3A_928 = arith.mulf %broadcast_in_dim3A_418, %get3A_927 : vector<16xf32>
      %mul3A_929 = arith.constant 16 : i32
      %mul3A_930 = arith.muli %scan3A_920, %mul3A_929 : i32
      %get3A_931 = arith.constant 12 : i32
      %get3A_932 = arith.index_cast %get3A_931 : i32 to index
      %get3A_933 = arith.index_cast %mul3A_930 : i32 to index
      %get3A_934 = tpu.vector_load %arg13[%get3A_932, %get3A_933] {strides = array<i32>} : memref<16x1024xf32, #tpu.memory_space<vmem>>, vector<16xf32>,
      %mul3A_935 = arith.mulf %broadcast_in_dim3A_421, %get3A_934 : vector<16xf32>
      %add3A_936 = arith.addf %mul3A_928, %mul3A_935 : vector<16xf32>
      %mul3A_937 = arith.constant 16 : i32
      %mul3A_938 = arith.muli %scan3A_920, %mul3A_937 : i32
      %swap3A = arith.constant 12 : i32
      %swap3A_939 = arith.index_cast %swap3A : i32 to index
      %swap3A_940 = arith.index_cast %mul3A_938 : i32 to index
      %swap3A_941 = tpu.vector_load %arg14[%swap3A_939, %swap3A_940] {strides = array<i32>} : memref<16x1024xf32, #tpu.memory_space<vmem>>, vector<16xf32>,
      tpu.vector_store %arg14[%swap3A_939, %swap3A_940], %add3A_936 {strides = array<i32>} : memref<16x1024xf32, #tpu.memory_space<vmem>>, vector<16xf32>,
      %scan3A_942 = arith.constant 0 : i32
      scf.yield %scan3A_942 : i32
    }
    %scan3A_428 = arith.constant 64 : i32
    %slice3A_429 = vector.extract_strided_slice %get3A_257 {offsets = [13], sizes = [1], strides = [1]} : vector<16xf32> to vector<1xf32>
    %squeeze3A_430 = vector.extract %slice3A_429[0] : f32 from vector<1xf32>
    %broadcast_in_dim3A_431 = vector.broadcast %squeeze3A_430 : f32 to vector<16xf32>
    %slice3A_432 = vector.extract_strided_slice %get3A_259 {offsets = [13], sizes = [1], strides = [1]} : vector<16xf32> to vector<1xf32>
    %squeeze3A_433 = vector.extract %slice3A_432[0] : f32 from vector<1xf32>
    %broadcast_in_dim3A_434 = vector.broadcast %squeeze3A_433 : f32 to vector<16xf32>
    %scan3A_435 = arith.constant 0 : i32
    %scan3A_436 = arith.constant 0 : i32
    %scan3A_437 = arith.constant 64 : i32
    %scan3A_438 = arith.addi %scan3A_436, %scan3A_437 : i32
    %scan3A_439 = arith.constant 1 : i32
    %scan3A_440 = scf.for %scan3A_920 = %scan3A_436 to %scan3A_438 step %scan3A_439 iter_args(%scan3A_921 = %scan3A_435) -> (i32)  : i32 {
      %mul3A_922 = arith.constant 16 : i32
      %mul3A_923 = arith.muli %scan3A_920, %mul3A_922 : i32
      %get3A_924 = arith.constant 13 : i32
      %get3A_925 = arith.index_cast %get3A_924 : i32 to index
      %get3A_926 = arith.index_cast %mul3A_923 : i32 to index
      %get3A_927 = tpu.vector_load %arg12[%get3A_925, %get3A_926] {strides = array<i32>} : memref<16x1024xf32, #tpu.memory_space<vmem>>, vector<16xf32>,
      %mul3A_928 = arith.mulf %broadcast_in_dim3A_431, %get3A_927 : vector<16xf32>
      %mul3A_929 = arith.constant 16 : i32
      %mul3A_930 = arith.muli %scan3A_920, %mul3A_929 : i32
      %get3A_931 = arith.constant 13 : i32
      %get3A_932 = arith.index_cast %get3A_931 : i32 to index
      %get3A_933 = arith.index_cast %mul3A_930 : i32 to index
      %get3A_934 = tpu.vector_load %arg13[%get3A_932, %get3A_933] {strides = array<i32>} : memref<16x1024xf32, #tpu.memory_space<vmem>>, vector<16xf32>,
      %mul3A_935 = arith.mulf %broadcast_in_dim3A_434, %get3A_934 : vector<16xf32>
      %add3A_936 = arith.addf %mul3A_928, %mul3A_935 : vector<16xf32>
      %mul3A_937 = arith.constant 16 : i32
      %mul3A_938 = arith.muli %scan3A_920, %mul3A_937 : i32
      %swap3A = arith.constant 13 : i32
      %swap3A_939 = arith.index_cast %swap3A : i32 to index
      %swap3A_940 = arith.index_cast %mul3A_938 : i32 to index
      %swap3A_941 = tpu.vector_load %arg14[%swap3A_939, %swap3A_940] {strides = array<i32>} : memref<16x1024xf32, #tpu.memory_space<vmem>>, vector<16xf32>,
      tpu.vector_store %arg14[%swap3A_939, %swap3A_940], %add3A_936 {strides = array<i32>} : memref<16x1024xf32, #tpu.memory_space<vmem>>, vector<16xf32>,
      %scan3A_942 = arith.constant 0 : i32
      scf.yield %scan3A_942 : i32
    }
    %scan3A_441 = arith.constant 64 : i32
    %slice3A_442 = vector.extract_strided_slice %get3A_257 {offsets = [14], sizes = [1], strides = [1]} : vector<16xf32> to vector<1xf32>
    %squeeze3A_443 = vector.extract %slice3A_442[0] : f32 from vector<1xf32>
    %broadcast_in_dim3A_444 = vector.broadcast %squeeze3A_443 : f32 to vector<16xf32>
    %slice3A_445 = vector.extract_strided_slice %get3A_259 {offsets = [14], sizes = [1], strides = [1]} : vector<16xf32> to vector<1xf32>
    %squeeze3A_446 = vector.extract %slice3A_445[0] : f32 from vector<1xf32>
    %broadcast_in_dim3A_447 = vector.broadcast %squeeze3A_446 : f32 to vector<16xf32>
    %scan3A_448 = arith.constant 0 : i32
    %scan3A_449 = arith.constant 0 : i32
    %scan3A_450 = arith.constant 64 : i32
    %scan3A_451 = arith.addi %scan3A_449, %scan3A_450 : i32
    %scan3A_452 = arith.constant 1 : i32
    %scan3A_453 = scf.for %scan3A_920 = %scan3A_449 to %scan3A_451 step %scan3A_452 iter_args(%scan3A_921 = %scan3A_448) -> (i32)  : i32 {
      %mul3A_922 = arith.constant 16 : i32
      %mul3A_923 = arith.muli %scan3A_920, %mul3A_922 : i32
      %get3A_924 = arith.constant 14 : i32
      %get3A_925 = arith.index_cast %get3A_924 : i32 to index
      %get3A_926 = arith.index_cast %mul3A_923 : i32 to index
      %get3A_927 = tpu.vector_load %arg12[%get3A_925, %get3A_926] {strides = array<i32>} : memref<16x1024xf32, #tpu.memory_space<vmem>>, vector<16xf32>,
      %mul3A_928 = arith.mulf %broadcast_in_dim3A_444, %get3A_927 : vector<16xf32>
      %mul3A_929 = arith.constant 16 : i32
      %mul3A_930 = arith.muli %scan3A_920, %mul3A_929 : i32
      %get3A_931 = arith.constant 14 : i32
      %get3A_932 = arith.index_cast %get3A_931 : i32 to index
      %get3A_933 = arith.index_cast %mul3A_930 : i32 to index
      %get3A_934 = tpu.vector_load %arg13[%get3A_932, %get3A_933] {strides = array<i32>} : memref<16x1024xf32, #tpu.memory_space<vmem>>, vector<16xf32>,
      %mul3A_935 = arith.mulf %broadcast_in_dim3A_447, %get3A_934 : vector<16xf32>
      %add3A_936 = arith.addf %mul3A_928, %mul3A_935 : vector<16xf32>
      %mul3A_937 = arith.constant 16 : i32
      %mul3A_938 = arith.muli %scan3A_920, %mul3A_937 : i32
      %swap3A = arith.constant 14 : i32
      %swap3A_939 = arith.index_cast %swap3A : i32 to index
      %swap3A_940 = arith.index_cast %mul3A_938 : i32 to index
      %swap3A_941 = tpu.vector_load %arg14[%swap3A_939, %swap3A_940] {strides = array<i32>} : memref<16x1024xf32, #tpu.memory_space<vmem>>, vector<16xf32>,
      tpu.vector_store %arg14[%swap3A_939, %swap3A_940], %add3A_936 {strides = array<i32>} : memref<16x1024xf32, #tpu.memory_space<vmem>>, vector<16xf32>,
      %scan3A_942 = arith.constant 0 : i32
      scf.yield %scan3A_942 : i32
    }
    %scan3A_454 = arith.constant 64 : i32
    %slice3A_455 = vector.extract_strided_slice %get3A_257 {offsets = [15], sizes = [1], strides = [1]} : vector<16xf32> to vector<1xf32>
    %squeeze3A_456 = vector.extract %slice3A_455[0] : f32 from vector<1xf32>
    %broadcast_in_dim3A_457 = vector.broadcast %squeeze3A_456 : f32 to vector<16xf32>
    %slice3A_458 = vector.extract_strided_slice %get3A_259 {offsets = [15], sizes = [1], strides = [1]} : vector<16xf32> to vector<1xf32>
    %squeeze3A_459 = vector.extract %slice3A_458[0] : f32 from vector<1xf32>
    %broadcast_in_dim3A_460 = vector.broadcast %squeeze3A_459 : f32 to vector<16xf32>
    %scan3A_461 = arith.constant 0 : i32
    %scan3A_462 = arith.constant 0 : i32
    %scan3A_463 = arith.constant 64 : i32
    %scan3A_464 = arith.addi %scan3A_462, %scan3A_463 : i32
    %scan3A_465 = arith.constant 1 : i32
    %scan3A_466 = scf.for %scan3A_920 = %scan3A_462 to %scan3A_464 step %scan3A_465 iter_args(%scan3A_921 = %scan3A_461) -> (i32)  : i32 {
      %mul3A_922 = arith.constant 16 : i32
      %mul3A_923 = arith.muli %scan3A_920, %mul3A_922 : i32
      %get3A_924 = arith.constant 15 : i32
      %get3A_925 = arith.index_cast %get3A_924 : i32 to index
      %get3A_926 = arith.index_cast %mul3A_923 : i32 to index
      %get3A_927 = tpu.vector_load %arg12[%get3A_925, %get3A_926] {strides = array<i32>} : memref<16x1024xf32, #tpu.memory_space<vmem>>, vector<16xf32>,
      %mul3A_928 = arith.mulf %broadcast_in_dim3A_457, %get3A_927 : vector<16xf32>
      %mul3A_929 = arith.constant 16 : i32
      %mul3A_930 = arith.muli %scan3A_920, %mul3A_929 : i32
      %get3A_931 = arith.constant 15 : i32
      %get3A_932 = arith.index_cast %get3A_931 : i32 to index
      %get3A_933 = arith.index_cast %mul3A_930 : i32 to index
      %get3A_934 = tpu.vector_load %arg13[%get3A_932, %get3A_933] {strides = array<i32>} : memref<16x1024xf32, #tpu.memory_space<vmem>>, vector<16xf32>,
      %mul3A_935 = arith.mulf %broadcast_in_dim3A_460, %get3A_934 : vector<16xf32>
      %add3A_936 = arith.addf %mul3A_928, %mul3A_935 : vector<16xf32>
      %mul3A_937 = arith.constant 16 : i32
      %mul3A_938 = arith.muli %scan3A_920, %mul3A_937 : i32
      %swap3A = arith.constant 15 : i32
      %swap3A_939 = arith.index_cast %swap3A : i32 to index
      %swap3A_940 = arith.index_cast %mul3A_938 : i32 to index
      %swap3A_941 = tpu.vector_load %arg14[%swap3A_939, %swap3A_940] {strides = array<i32>} : memref<16x1024xf32, #tpu.memory_space<vmem>>, vector<16xf32>,
      tpu.vector_store %arg14[%swap3A_939, %swap3A_940], %add3A_936 {strides = array<i32>} : memref<16x1024xf32, #tpu.memory_space<vmem>>, vector<16xf32>,
      %scan3A_942 = arith.constant 0 : i32
      scf.yield %scan3A_942 : i32
    }
    %scan3A_467 = arith.constant 64 : i32
    %add3A_468 = arith.constant 16 : i32
    %add3A_469 = arith.addi %mul3A_2, %add3A_468 : i32
    "tpu.region"() ({
      %run_scoped3A = tpu.sem_alloc : memref<!tpu.dma_semaphore, #tpu.memory_space<semaphore_mem>>
      %dma_start3A_920 = arith.constant 0 : i32
      %dma_start3A_921 = tpu.memref_slice %arg5[%add3A_469, %dma_start3A_920] : memref<2048x1024xf32, #tpu.memory_space<hbm>> -> memref<16x1024xf32, #tpu.memory_space<hbm>>
      %dma_start3A_922 = arith.constant 0 : i32
      %dma_start3A_923 = tpu.memref_slice %arg5[%add3A_469, %dma_start3A_922] : memref<2048x1024xf32, #tpu.memory_space<hbm>> -> memref<16x1024xf32, #tpu.memory_space<hbm>>
      tpu.enqueue_dma source(%arg14 : memref<16x1024xf32, #tpu.memory_space<vmem>>) target(%dma_start3A_923 : memref<16x1024xf32, #tpu.memory_space<hbm>>) target_semaphore(%run_scoped3A : memref<!tpu.dma_semaphore, #tpu.memory_space<semaphore_mem>>)
      %dma_wait3A_924 = arith.constant 0 : i32
      %dma_wait3A_925 = tpu.memref_slice %arg5[%add3A_469, %dma_wait3A_924] : memref<2048x1024xf32, #tpu.memory_space<hbm>> -> memref<16x1024xf32, #tpu.memory_space<hbm>>
      %dma_wait3A_926 = arith.constant 0 : i32
      %dma_wait3A_927 = tpu.memref_slice %arg5[%add3A_469, %dma_wait3A_926] : memref<2048x1024xf32, #tpu.memory_space<hbm>> -> memref<16x1024xf32, #tpu.memory_space<hbm>>
      tpu.wait_dma2 semaphore(%run_scoped3A : memref<!tpu.dma_semaphore, #tpu.memory_space<semaphore_mem>>) src(%arg14 : memref<16x1024xf32, #tpu.memory_space<vmem>>) dst(%dma_wait3A_927 : memref<16x1024xf32, #tpu.memory_space<hbm>>)
      tpu.yield
    }) : () -> ()
    %get3A_470 = arith.constant 48 : index
    %get3A_471 = tpu.vector_load %arg6[%get3A_470] {strides = array<i32>} : memref<64xi32, #tpu.memory_space<vmem>>, vector<16xi32>,
    %get3A_472 = arith.constant 48 : index
    %get3A_473 = tpu.vector_load %arg7[%get3A_472] {strides = array<i32>} : memref<64xi32, #tpu.memory_space<vmem>>, vector<16xi32>,
    %dma_start3A_474 = arith.constant 0 : i32
    %dma_start3A_475 = arith.constant 0 : i32
    %dma_start3A_476 = tpu.memref_slice %arg2[%dma_start3A_474, %dma_start3A_475] : memref<7680x1024xf32, #tpu.memory_space<hbm>> -> memref<7680x1024xf32, #tpu.memory_space<hbm>>
    tpu.enqueue_indirect_dma source(%dma_start3A_476 : memref<7680x1024xf32, #tpu.memory_space<hbm>>) target(%arg12 : memref<16x1024xf32, #tpu.memory_space<vmem>>) offsets(%get3A_471 : vector<16xi32>) semaphore(%arg16 : memref<!tpu.dma_semaphore, #tpu.memory_space<semaphore_mem>>)
    %dma_start3A_477 = arith.constant 0 : i32
    %dma_start3A_478 = arith.constant 0 : i32
    %dma_start3A_479 = tpu.memref_slice %arg2[%dma_start3A_477, %dma_start3A_478] : memref<7680x1024xf32, #tpu.memory_space<hbm>> -> memref<7680x1024xf32, #tpu.memory_space<hbm>>
    tpu.enqueue_indirect_dma source(%dma_start3A_479 : memref<7680x1024xf32, #tpu.memory_space<hbm>>) target(%arg13 : memref<16x1024xf32, #tpu.memory_space<vmem>>) offsets(%get3A_473 : vector<16xi32>) semaphore(%arg16 : memref<!tpu.dma_semaphore, #tpu.memory_space<semaphore_mem>>)
    %dma_wait3A_480 = arith.constant 0 : i32
    %dma_wait3A_481 = arith.constant 0 : i32
    %dma_wait3A_482 = tpu.memref_slice %arg2[%dma_wait3A_480, %dma_wait3A_481] : memref<7680x1024xf32, #tpu.memory_space<hbm>> -> memref<7680x1024xf32, #tpu.memory_space<hbm>>
    tpu.wait_indirect_dma semaphore(%arg15 : memref<!tpu.dma_semaphore, #tpu.memory_space<semaphore_mem>>) src(%dma_wait3A_482 : memref<7680x1024xf32, #tpu.memory_space<hbm>>) dst(%arg10 : memref<16x1024xf32, #tpu.memory_space<vmem>>)
    %dma_wait3A_483 = arith.constant 0 : i32
    %dma_wait3A_484 = arith.constant 0 : i32
    %dma_wait3A_485 = tpu.memref_slice %arg2[%dma_wait3A_483, %dma_wait3A_484] : memref<7680x1024xf32, #tpu.memory_space<hbm>> -> memref<7680x1024xf32, #tpu.memory_space<hbm>>
    tpu.wait_indirect_dma semaphore(%arg15 : memref<!tpu.dma_semaphore, #tpu.memory_space<semaphore_mem>>) src(%dma_wait3A_485 : memref<7680x1024xf32, #tpu.memory_space<hbm>>) dst(%arg11 : memref<16x1024xf32, #tpu.memory_space<vmem>>)
    %get3A_486 = arith.constant 32 : index
    %get3A_487 = tpu.vector_load %arg8[%get3A_486] {strides = array<i32>} : memref<64xf32, #tpu.memory_space<vmem>>, vector<16xf32>,
    %get3A_488 = arith.constant 32 : index
    %get3A_489 = tpu.vector_load %arg9[%get3A_488] {strides = array<i32>} : memref<64xf32, #tpu.memory_space<vmem>>, vector<16xf32>,
    %slice3A_490 = vector.extract_strided_slice %get3A_487 {offsets = [0], sizes = [1], strides = [1]} : vector<16xf32> to vector<1xf32>
    %squeeze3A_491 = vector.extract %slice3A_490[0] : f32 from vector<1xf32>
    %broadcast_in_dim3A_492 = vector.broadcast %squeeze3A_491 : f32 to vector<16xf32>
    %slice3A_493 = vector.extract_strided_slice %get3A_489 {offsets = [0], sizes = [1], strides = [1]} : vector<16xf32> to vector<1xf32>
    %squeeze3A_494 = vector.extract %slice3A_493[0] : f32 from vector<1xf32>
    %broadcast_in_dim3A_495 = vector.broadcast %squeeze3A_494 : f32 to vector<16xf32>
    %scan3A_496 = arith.constant 0 : i32
    %scan3A_497 = arith.constant 0 : i32
    %scan3A_498 = arith.constant 64 : i32
    %scan3A_499 = arith.addi %scan3A_497, %scan3A_498 : i32
    %scan3A_500 = arith.constant 1 : i32
    %scan3A_501 = scf.for %scan3A_920 = %scan3A_497 to %scan3A_499 step %scan3A_500 iter_args(%scan3A_921 = %scan3A_496) -> (i32)  : i32 {
      %mul3A_922 = arith.constant 16 : i32
      %mul3A_923 = arith.muli %scan3A_920, %mul3A_922 : i32
      %get3A_924 = arith.constant 0 : i32
      %get3A_925 = arith.index_cast %get3A_924 : i32 to index
      %get3A_926 = arith.index_cast %mul3A_923 : i32 to index
      %get3A_927 = tpu.vector_load %arg10[%get3A_925, %get3A_926] {strides = array<i32>} : memref<16x1024xf32, #tpu.memory_space<vmem>>, vector<16xf32>,
      %mul3A_928 = arith.mulf %broadcast_in_dim3A_492, %get3A_927 : vector<16xf32>
      %mul3A_929 = arith.constant 16 : i32
      %mul3A_930 = arith.muli %scan3A_920, %mul3A_929 : i32
      %get3A_931 = arith.constant 0 : i32
      %get3A_932 = arith.index_cast %get3A_931 : i32 to index
      %get3A_933 = arith.index_cast %mul3A_930 : i32 to index
      %get3A_934 = tpu.vector_load %arg11[%get3A_932, %get3A_933] {strides = array<i32>} : memref<16x1024xf32, #tpu.memory_space<vmem>>, vector<16xf32>,
      %mul3A_935 = arith.mulf %broadcast_in_dim3A_495, %get3A_934 : vector<16xf32>
      %add3A_936 = arith.addf %mul3A_928, %mul3A_935 : vector<16xf32>
      %mul3A_937 = arith.constant 16 : i32
      %mul3A_938 = arith.muli %scan3A_920, %mul3A_937 : i32
      %swap3A = arith.constant 0 : i32
      %swap3A_939 = arith.index_cast %swap3A : i32 to index
      %swap3A_940 = arith.index_cast %mul3A_938 : i32 to index
      %swap3A_941 = tpu.vector_load %arg14[%swap3A_939, %swap3A_940] {strides = array<i32>} : memref<16x1024xf32, #tpu.memory_space<vmem>>, vector<16xf32>,
      tpu.vector_store %arg14[%swap3A_939, %swap3A_940], %add3A_936 {strides = array<i32>} : memref<16x1024xf32, #tpu.memory_space<vmem>>, vector<16xf32>,
      %scan3A_942 = arith.constant 0 : i32
      scf.yield %scan3A_942 : i32
    }
    %scan3A_502 = arith.constant 64 : i32
    %slice3A_503 = vector.extract_strided_slice %get3A_487 {offsets = [1], sizes = [1], strides = [1]} : vector<16xf32> to vector<1xf32>
    %squeeze3A_504 = vector.extract %slice3A_503[0] : f32 from vector<1xf32>
    %broadcast_in_dim3A_505 = vector.broadcast %squeeze3A_504 : f32 to vector<16xf32>
    %slice3A_506 = vector.extract_strided_slice %get3A_489 {offsets = [1], sizes = [1], strides = [1]} : vector<16xf32> to vector<1xf32>
    %squeeze3A_507 = vector.extract %slice3A_506[0] : f32 from vector<1xf32>
    %broadcast_in_dim3A_508 = vector.broadcast %squeeze3A_507 : f32 to vector<16xf32>
    %scan3A_509 = arith.constant 0 : i32
    %scan3A_510 = arith.constant 0 : i32
    %scan3A_511 = arith.constant 64 : i32
    %scan3A_512 = arith.addi %scan3A_510, %scan3A_511 : i32
    %scan3A_513 = arith.constant 1 : i32
    %scan3A_514 = scf.for %scan3A_920 = %scan3A_510 to %scan3A_512 step %scan3A_513 iter_args(%scan3A_921 = %scan3A_509) -> (i32)  : i32 {
      %mul3A_922 = arith.constant 16 : i32
      %mul3A_923 = arith.muli %scan3A_920, %mul3A_922 : i32
      %get3A_924 = arith.constant 1 : i32
      %get3A_925 = arith.index_cast %get3A_924 : i32 to index
      %get3A_926 = arith.index_cast %mul3A_923 : i32 to index
      %get3A_927 = tpu.vector_load %arg10[%get3A_925, %get3A_926] {strides = array<i32>} : memref<16x1024xf32, #tpu.memory_space<vmem>>, vector<16xf32>,
      %mul3A_928 = arith.mulf %broadcast_in_dim3A_505, %get3A_927 : vector<16xf32>
      %mul3A_929 = arith.constant 16 : i32
      %mul3A_930 = arith.muli %scan3A_920, %mul3A_929 : i32
      %get3A_931 = arith.constant 1 : i32
      %get3A_932 = arith.index_cast %get3A_931 : i32 to index
      %get3A_933 = arith.index_cast %mul3A_930 : i32 to index
      %get3A_934 = tpu.vector_load %arg11[%get3A_932, %get3A_933] {strides = array<i32>} : memref<16x1024xf32, #tpu.memory_space<vmem>>, vector<16xf32>,
      %mul3A_935 = arith.mulf %broadcast_in_dim3A_508, %get3A_934 : vector<16xf32>
      %add3A_936 = arith.addf %mul3A_928, %mul3A_935 : vector<16xf32>
      %mul3A_937 = arith.constant 16 : i32
      %mul3A_938 = arith.muli %scan3A_920, %mul3A_937 : i32
      %swap3A = arith.constant 1 : i32
      %swap3A_939 = arith.index_cast %swap3A : i32 to index
      %swap3A_940 = arith.index_cast %mul3A_938 : i32 to index
      %swap3A_941 = tpu.vector_load %arg14[%swap3A_939, %swap3A_940] {strides = array<i32>} : memref<16x1024xf32, #tpu.memory_space<vmem>>, vector<16xf32>,
      tpu.vector_store %arg14[%swap3A_939, %swap3A_940], %add3A_936 {strides = array<i32>} : memref<16x1024xf32, #tpu.memory_space<vmem>>, vector<16xf32>,
      %scan3A_942 = arith.constant 0 : i32
      scf.yield %scan3A_942 : i32
    }
    %scan3A_515 = arith.constant 64 : i32
    %slice3A_516 = vector.extract_strided_slice %get3A_487 {offsets = [2], sizes = [1], strides = [1]} : vector<16xf32> to vector<1xf32>
    %squeeze3A_517 = vector.extract %slice3A_516[0] : f32 from vector<1xf32>
    %broadcast_in_dim3A_518 = vector.broadcast %squeeze3A_517 : f32 to vector<16xf32>
    %slice3A_519 = vector.extract_strided_slice %get3A_489 {offsets = [2], sizes = [1], strides = [1]} : vector<16xf32> to vector<1xf32>
    %squeeze3A_520 = vector.extract %slice3A_519[0] : f32 from vector<1xf32>
    %broadcast_in_dim3A_521 = vector.broadcast %squeeze3A_520 : f32 to vector<16xf32>
    %scan3A_522 = arith.constant 0 : i32
    %scan3A_523 = arith.constant 0 : i32
    %scan3A_524 = arith.constant 64 : i32
    %scan3A_525 = arith.addi %scan3A_523, %scan3A_524 : i32
    %scan3A_526 = arith.constant 1 : i32
    %scan3A_527 = scf.for %scan3A_920 = %scan3A_523 to %scan3A_525 step %scan3A_526 iter_args(%scan3A_921 = %scan3A_522) -> (i32)  : i32 {
      %mul3A_922 = arith.constant 16 : i32
      %mul3A_923 = arith.muli %scan3A_920, %mul3A_922 : i32
      %get3A_924 = arith.constant 2 : i32
      %get3A_925 = arith.index_cast %get3A_924 : i32 to index
      %get3A_926 = arith.index_cast %mul3A_923 : i32 to index
      %get3A_927 = tpu.vector_load %arg10[%get3A_925, %get3A_926] {strides = array<i32>} : memref<16x1024xf32, #tpu.memory_space<vmem>>, vector<16xf32>,
      %mul3A_928 = arith.mulf %broadcast_in_dim3A_518, %get3A_927 : vector<16xf32>
      %mul3A_929 = arith.constant 16 : i32
      %mul3A_930 = arith.muli %scan3A_920, %mul3A_929 : i32
      %get3A_931 = arith.constant 2 : i32
      %get3A_932 = arith.index_cast %get3A_931 : i32 to index
      %get3A_933 = arith.index_cast %mul3A_930 : i32 to index
      %get3A_934 = tpu.vector_load %arg11[%get3A_932, %get3A_933] {strides = array<i32>} : memref<16x1024xf32, #tpu.memory_space<vmem>>, vector<16xf32>,
      %mul3A_935 = arith.mulf %broadcast_in_dim3A_521, %get3A_934 : vector<16xf32>
      %add3A_936 = arith.addf %mul3A_928, %mul3A_935 : vector<16xf32>
      %mul3A_937 = arith.constant 16 : i32
      %mul3A_938 = arith.muli %scan3A_920, %mul3A_937 : i32
      %swap3A = arith.constant 2 : i32
      %swap3A_939 = arith.index_cast %swap3A : i32 to index
      %swap3A_940 = arith.index_cast %mul3A_938 : i32 to index
      %swap3A_941 = tpu.vector_load %arg14[%swap3A_939, %swap3A_940] {strides = array<i32>} : memref<16x1024xf32, #tpu.memory_space<vmem>>, vector<16xf32>,
      tpu.vector_store %arg14[%swap3A_939, %swap3A_940], %add3A_936 {strides = array<i32>} : memref<16x1024xf32, #tpu.memory_space<vmem>>, vector<16xf32>,
      %scan3A_942 = arith.constant 0 : i32
      scf.yield %scan3A_942 : i32
    }
    %scan3A_528 = arith.constant 64 : i32
    %slice3A_529 = vector.extract_strided_slice %get3A_487 {offsets = [3], sizes = [1], strides = [1]} : vector<16xf32> to vector<1xf32>
    %squeeze3A_530 = vector.extract %slice3A_529[0] : f32 from vector<1xf32>
    %broadcast_in_dim3A_531 = vector.broadcast %squeeze3A_530 : f32 to vector<16xf32>
    %slice3A_532 = vector.extract_strided_slice %get3A_489 {offsets = [3], sizes = [1], strides = [1]} : vector<16xf32> to vector<1xf32>
    %squeeze3A_533 = vector.extract %slice3A_532[0] : f32 from vector<1xf32>
    %broadcast_in_dim3A_534 = vector.broadcast %squeeze3A_533 : f32 to vector<16xf32>
    %scan3A_535 = arith.constant 0 : i32
    %scan3A_536 = arith.constant 0 : i32
    %scan3A_537 = arith.constant 64 : i32
    %scan3A_538 = arith.addi %scan3A_536, %scan3A_537 : i32
    %scan3A_539 = arith.constant 1 : i32
    %scan3A_540 = scf.for %scan3A_920 = %scan3A_536 to %scan3A_538 step %scan3A_539 iter_args(%scan3A_921 = %scan3A_535) -> (i32)  : i32 {
      %mul3A_922 = arith.constant 16 : i32
      %mul3A_923 = arith.muli %scan3A_920, %mul3A_922 : i32
      %get3A_924 = arith.constant 3 : i32
      %get3A_925 = arith.index_cast %get3A_924 : i32 to index
      %get3A_926 = arith.index_cast %mul3A_923 : i32 to index
      %get3A_927 = tpu.vector_load %arg10[%get3A_925, %get3A_926] {strides = array<i32>} : memref<16x1024xf32, #tpu.memory_space<vmem>>, vector<16xf32>,
      %mul3A_928 = arith.mulf %broadcast_in_dim3A_531, %get3A_927 : vector<16xf32>
      %mul3A_929 = arith.constant 16 : i32
      %mul3A_930 = arith.muli %scan3A_920, %mul3A_929 : i32
      %get3A_931 = arith.constant 3 : i32
      %get3A_932 = arith.index_cast %get3A_931 : i32 to index
      %get3A_933 = arith.index_cast %mul3A_930 : i32 to index
      %get3A_934 = tpu.vector_load %arg11[%get3A_932, %get3A_933] {strides = array<i32>} : memref<16x1024xf32, #tpu.memory_space<vmem>>, vector<16xf32>,
      %mul3A_935 = arith.mulf %broadcast_in_dim3A_534, %get3A_934 : vector<16xf32>
      %add3A_936 = arith.addf %mul3A_928, %mul3A_935 : vector<16xf32>
      %mul3A_937 = arith.constant 16 : i32
      %mul3A_938 = arith.muli %scan3A_920, %mul3A_937 : i32
      %swap3A = arith.constant 3 : i32
      %swap3A_939 = arith.index_cast %swap3A : i32 to index
      %swap3A_940 = arith.index_cast %mul3A_938 : i32 to index
      %swap3A_941 = tpu.vector_load %arg14[%swap3A_939, %swap3A_940] {strides = array<i32>} : memref<16x1024xf32, #tpu.memory_space<vmem>>, vector<16xf32>,
      tpu.vector_store %arg14[%swap3A_939, %swap3A_940], %add3A_936 {strides = array<i32>} : memref<16x1024xf32, #tpu.memory_space<vmem>>, vector<16xf32>,
      %scan3A_942 = arith.constant 0 : i32
      scf.yield %scan3A_942 : i32
    }
    %scan3A_541 = arith.constant 64 : i32
    %slice3A_542 = vector.extract_strided_slice %get3A_487 {offsets = [4], sizes = [1], strides = [1]} : vector<16xf32> to vector<1xf32>
    %squeeze3A_543 = vector.extract %slice3A_542[0] : f32 from vector<1xf32>
    %broadcast_in_dim3A_544 = vector.broadcast %squeeze3A_543 : f32 to vector<16xf32>
    %slice3A_545 = vector.extract_strided_slice %get3A_489 {offsets = [4], sizes = [1], strides = [1]} : vector<16xf32> to vector<1xf32>
    %squeeze3A_546 = vector.extract %slice3A_545[0] : f32 from vector<1xf32>
    %broadcast_in_dim3A_547 = vector.broadcast %squeeze3A_546 : f32 to vector<16xf32>
    %scan3A_548 = arith.constant 0 : i32
    %scan3A_549 = arith.constant 0 : i32
    %scan3A_550 = arith.constant 64 : i32
    %scan3A_551 = arith.addi %scan3A_549, %scan3A_550 : i32
    %scan3A_552 = arith.constant 1 : i32
    %scan3A_553 = scf.for %scan3A_920 = %scan3A_549 to %scan3A_551 step %scan3A_552 iter_args(%scan3A_921 = %scan3A_548) -> (i32)  : i32 {
      %mul3A_922 = arith.constant 16 : i32
      %mul3A_923 = arith.muli %scan3A_920, %mul3A_922 : i32
      %get3A_924 = arith.constant 4 : i32
      %get3A_925 = arith.index_cast %get3A_924 : i32 to index
      %get3A_926 = arith.index_cast %mul3A_923 : i32 to index
      %get3A_927 = tpu.vector_load %arg10[%get3A_925, %get3A_926] {strides = array<i32>} : memref<16x1024xf32, #tpu.memory_space<vmem>>, vector<16xf32>,
      %mul3A_928 = arith.mulf %broadcast_in_dim3A_544, %get3A_927 : vector<16xf32>
      %mul3A_929 = arith.constant 16 : i32
      %mul3A_930 = arith.muli %scan3A_920, %mul3A_929 : i32
      %get3A_931 = arith.constant 4 : i32
      %get3A_932 = arith.index_cast %get3A_931 : i32 to index
      %get3A_933 = arith.index_cast %mul3A_930 : i32 to index
      %get3A_934 = tpu.vector_load %arg11[%get3A_932, %get3A_933] {strides = array<i32>} : memref<16x1024xf32, #tpu.memory_space<vmem>>, vector<16xf32>,
      %mul3A_935 = arith.mulf %broadcast_in_dim3A_547, %get3A_934 : vector<16xf32>
      %add3A_936 = arith.addf %mul3A_928, %mul3A_935 : vector<16xf32>
      %mul3A_937 = arith.constant 16 : i32
      %mul3A_938 = arith.muli %scan3A_920, %mul3A_937 : i32
      %swap3A = arith.constant 4 : i32
      %swap3A_939 = arith.index_cast %swap3A : i32 to index
      %swap3A_940 = arith.index_cast %mul3A_938 : i32 to index
      %swap3A_941 = tpu.vector_load %arg14[%swap3A_939, %swap3A_940] {strides = array<i32>} : memref<16x1024xf32, #tpu.memory_space<vmem>>, vector<16xf32>,
      tpu.vector_store %arg14[%swap3A_939, %swap3A_940], %add3A_936 {strides = array<i32>} : memref<16x1024xf32, #tpu.memory_space<vmem>>, vector<16xf32>,
      %scan3A_942 = arith.constant 0 : i32
      scf.yield %scan3A_942 : i32
    }
    %scan3A_554 = arith.constant 64 : i32
    %slice3A_555 = vector.extract_strided_slice %get3A_487 {offsets = [5], sizes = [1], strides = [1]} : vector<16xf32> to vector<1xf32>
    %squeeze3A_556 = vector.extract %slice3A_555[0] : f32 from vector<1xf32>
    %broadcast_in_dim3A_557 = vector.broadcast %squeeze3A_556 : f32 to vector<16xf32>
    %slice3A_558 = vector.extract_strided_slice %get3A_489 {offsets = [5], sizes = [1], strides = [1]} : vector<16xf32> to vector<1xf32>
    %squeeze3A_559 = vector.extract %slice3A_558[0] : f32 from vector<1xf32>
    %broadcast_in_dim3A_560 = vector.broadcast %squeeze3A_559 : f32 to vector<16xf32>
    %scan3A_561 = arith.constant 0 : i32
    %scan3A_562 = arith.constant 0 : i32
    %scan3A_563 = arith.constant 64 : i32
    %scan3A_564 = arith.addi %scan3A_562, %scan3A_563 : i32
    %scan3A_565 = arith.constant 1 : i32
    %scan3A_566 = scf.for %scan3A_920 = %scan3A_562 to %scan3A_564 step %scan3A_565 iter_args(%scan3A_921 = %scan3A_561) -> (i32)  : i32 {
      %mul3A_922 = arith.constant 16 : i32
      %mul3A_923 = arith.muli %scan3A_920, %mul3A_922 : i32
      %get3A_924 = arith.constant 5 : i32
      %get3A_925 = arith.index_cast %get3A_924 : i32 to index
      %get3A_926 = arith.index_cast %mul3A_923 : i32 to index
      %get3A_927 = tpu.vector_load %arg10[%get3A_925, %get3A_926] {strides = array<i32>} : memref<16x1024xf32, #tpu.memory_space<vmem>>, vector<16xf32>,
      %mul3A_928 = arith.mulf %broadcast_in_dim3A_557, %get3A_927 : vector<16xf32>
      %mul3A_929 = arith.constant 16 : i32
      %mul3A_930 = arith.muli %scan3A_920, %mul3A_929 : i32
      %get3A_931 = arith.constant 5 : i32
      %get3A_932 = arith.index_cast %get3A_931 : i32 to index
      %get3A_933 = arith.index_cast %mul3A_930 : i32 to index
      %get3A_934 = tpu.vector_load %arg11[%get3A_932, %get3A_933] {strides = array<i32>} : memref<16x1024xf32, #tpu.memory_space<vmem>>, vector<16xf32>,
      %mul3A_935 = arith.mulf %broadcast_in_dim3A_560, %get3A_934 : vector<16xf32>
      %add3A_936 = arith.addf %mul3A_928, %mul3A_935 : vector<16xf32>
      %mul3A_937 = arith.constant 16 : i32
      %mul3A_938 = arith.muli %scan3A_920, %mul3A_937 : i32
      %swap3A = arith.constant 5 : i32
      %swap3A_939 = arith.index_cast %swap3A : i32 to index
      %swap3A_940 = arith.index_cast %mul3A_938 : i32 to index
      %swap3A_941 = tpu.vector_load %arg14[%swap3A_939, %swap3A_940] {strides = array<i32>} : memref<16x1024xf32, #tpu.memory_space<vmem>>, vector<16xf32>,
      tpu.vector_store %arg14[%swap3A_939, %swap3A_940], %add3A_936 {strides = array<i32>} : memref<16x1024xf32, #tpu.memory_space<vmem>>, vector<16xf32>,
      %scan3A_942 = arith.constant 0 : i32
      scf.yield %scan3A_942 : i32
    }
    %scan3A_567 = arith.constant 64 : i32
    %slice3A_568 = vector.extract_strided_slice %get3A_487 {offsets = [6], sizes = [1], strides = [1]} : vector<16xf32> to vector<1xf32>
    %squeeze3A_569 = vector.extract %slice3A_568[0] : f32 from vector<1xf32>
    %broadcast_in_dim3A_570 = vector.broadcast %squeeze3A_569 : f32 to vector<16xf32>
    %slice3A_571 = vector.extract_strided_slice %get3A_489 {offsets = [6], sizes = [1], strides = [1]} : vector<16xf32> to vector<1xf32>
    %squeeze3A_572 = vector.extract %slice3A_571[0] : f32 from vector<1xf32>
    %broadcast_in_dim3A_573 = vector.broadcast %squeeze3A_572 : f32 to vector<16xf32>
    %scan3A_574 = arith.constant 0 : i32
    %scan3A_575 = arith.constant 0 : i32
    %scan3A_576 = arith.constant 64 : i32
    %scan3A_577 = arith.addi %scan3A_575, %scan3A_576 : i32
    %scan3A_578 = arith.constant 1 : i32
    %scan3A_579 = scf.for %scan3A_920 = %scan3A_575 to %scan3A_577 step %scan3A_578 iter_args(%scan3A_921 = %scan3A_574) -> (i32)  : i32 {
      %mul3A_922 = arith.constant 16 : i32
      %mul3A_923 = arith.muli %scan3A_920, %mul3A_922 : i32
      %get3A_924 = arith.constant 6 : i32
      %get3A_925 = arith.index_cast %get3A_924 : i32 to index
      %get3A_926 = arith.index_cast %mul3A_923 : i32 to index
      %get3A_927 = tpu.vector_load %arg10[%get3A_925, %get3A_926] {strides = array<i32>} : memref<16x1024xf32, #tpu.memory_space<vmem>>, vector<16xf32>,
      %mul3A_928 = arith.mulf %broadcast_in_dim3A_570, %get3A_927 : vector<16xf32>
      %mul3A_929 = arith.constant 16 : i32
      %mul3A_930 = arith.muli %scan3A_920, %mul3A_929 : i32
      %get3A_931 = arith.constant 6 : i32
      %get3A_932 = arith.index_cast %get3A_931 : i32 to index
      %get3A_933 = arith.index_cast %mul3A_930 : i32 to index
      %get3A_934 = tpu.vector_load %arg11[%get3A_932, %get3A_933] {strides = array<i32>} : memref<16x1024xf32, #tpu.memory_space<vmem>>, vector<16xf32>,
      %mul3A_935 = arith.mulf %broadcast_in_dim3A_573, %get3A_934 : vector<16xf32>
      %add3A_936 = arith.addf %mul3A_928, %mul3A_935 : vector<16xf32>
      %mul3A_937 = arith.constant 16 : i32
      %mul3A_938 = arith.muli %scan3A_920, %mul3A_937 : i32
      %swap3A = arith.constant 6 : i32
      %swap3A_939 = arith.index_cast %swap3A : i32 to index
      %swap3A_940 = arith.index_cast %mul3A_938 : i32 to index
      %swap3A_941 = tpu.vector_load %arg14[%swap3A_939, %swap3A_940] {strides = array<i32>} : memref<16x1024xf32, #tpu.memory_space<vmem>>, vector<16xf32>,
      tpu.vector_store %arg14[%swap3A_939, %swap3A_940], %add3A_936 {strides = array<i32>} : memref<16x1024xf32, #tpu.memory_space<vmem>>, vector<16xf32>,
      %scan3A_942 = arith.constant 0 : i32
      scf.yield %scan3A_942 : i32
    }
    %scan3A_580 = arith.constant 64 : i32
    %slice3A_581 = vector.extract_strided_slice %get3A_487 {offsets = [7], sizes = [1], strides = [1]} : vector<16xf32> to vector<1xf32>
    %squeeze3A_582 = vector.extract %slice3A_581[0] : f32 from vector<1xf32>
    %broadcast_in_dim3A_583 = vector.broadcast %squeeze3A_582 : f32 to vector<16xf32>
    %slice3A_584 = vector.extract_strided_slice %get3A_489 {offsets = [7], sizes = [1], strides = [1]} : vector<16xf32> to vector<1xf32>
    %squeeze3A_585 = vector.extract %slice3A_584[0] : f32 from vector<1xf32>
    %broadcast_in_dim3A_586 = vector.broadcast %squeeze3A_585 : f32 to vector<16xf32>
    %scan3A_587 = arith.constant 0 : i32
    %scan3A_588 = arith.constant 0 : i32
    %scan3A_589 = arith.constant 64 : i32
    %scan3A_590 = arith.addi %scan3A_588, %scan3A_589 : i32
    %scan3A_591 = arith.constant 1 : i32
    %scan3A_592 = scf.for %scan3A_920 = %scan3A_588 to %scan3A_590 step %scan3A_591 iter_args(%scan3A_921 = %scan3A_587) -> (i32)  : i32 {
      %mul3A_922 = arith.constant 16 : i32
      %mul3A_923 = arith.muli %scan3A_920, %mul3A_922 : i32
      %get3A_924 = arith.constant 7 : i32
      %get3A_925 = arith.index_cast %get3A_924 : i32 to index
      %get3A_926 = arith.index_cast %mul3A_923 : i32 to index
      %get3A_927 = tpu.vector_load %arg10[%get3A_925, %get3A_926] {strides = array<i32>} : memref<16x1024xf32, #tpu.memory_space<vmem>>, vector<16xf32>,
      %mul3A_928 = arith.mulf %broadcast_in_dim3A_583, %get3A_927 : vector<16xf32>
      %mul3A_929 = arith.constant 16 : i32
      %mul3A_930 = arith.muli %scan3A_920, %mul3A_929 : i32
      %get3A_931 = arith.constant 7 : i32
      %get3A_932 = arith.index_cast %get3A_931 : i32 to index
      %get3A_933 = arith.index_cast %mul3A_930 : i32 to index
      %get3A_934 = tpu.vector_load %arg11[%get3A_932, %get3A_933] {strides = array<i32>} : memref<16x1024xf32, #tpu.memory_space<vmem>>, vector<16xf32>,
      %mul3A_935 = arith.mulf %broadcast_in_dim3A_586, %get3A_934 : vector<16xf32>
      %add3A_936 = arith.addf %mul3A_928, %mul3A_935 : vector<16xf32>
      %mul3A_937 = arith.constant 16 : i32
      %mul3A_938 = arith.muli %scan3A_920, %mul3A_937 : i32
      %swap3A = arith.constant 7 : i32
      %swap3A_939 = arith.index_cast %swap3A : i32 to index
      %swap3A_940 = arith.index_cast %mul3A_938 : i32 to index
      %swap3A_941 = tpu.vector_load %arg14[%swap3A_939, %swap3A_940] {strides = array<i32>} : memref<16x1024xf32, #tpu.memory_space<vmem>>, vector<16xf32>,
      tpu.vector_store %arg14[%swap3A_939, %swap3A_940], %add3A_936 {strides = array<i32>} : memref<16x1024xf32, #tpu.memory_space<vmem>>, vector<16xf32>,
      %scan3A_942 = arith.constant 0 : i32
      scf.yield %scan3A_942 : i32
    }
    %scan3A_593 = arith.constant 64 : i32
    %slice3A_594 = vector.extract_strided_slice %get3A_487 {offsets = [8], sizes = [1], strides = [1]} : vector<16xf32> to vector<1xf32>
    %squeeze3A_595 = vector.extract %slice3A_594[0] : f32 from vector<1xf32>
    %broadcast_in_dim3A_596 = vector.broadcast %squeeze3A_595 : f32 to vector<16xf32>
    %slice3A_597 = vector.extract_strided_slice %get3A_489 {offsets = [8], sizes = [1], strides = [1]} : vector<16xf32> to vector<1xf32>
    %squeeze3A_598 = vector.extract %slice3A_597[0] : f32 from vector<1xf32>
    %broadcast_in_dim3A_599 = vector.broadcast %squeeze3A_598 : f32 to vector<16xf32>
    %scan3A_600 = arith.constant 0 : i32
    %scan3A_601 = arith.constant 0 : i32
    %scan3A_602 = arith.constant 64 : i32
    %scan3A_603 = arith.addi %scan3A_601, %scan3A_602 : i32
    %scan3A_604 = arith.constant 1 : i32
    %scan3A_605 = scf.for %scan3A_920 = %scan3A_601 to %scan3A_603 step %scan3A_604 iter_args(%scan3A_921 = %scan3A_600) -> (i32)  : i32 {
      %mul3A_922 = arith.constant 16 : i32
      %mul3A_923 = arith.muli %scan3A_920, %mul3A_922 : i32
      %get3A_924 = arith.constant 8 : i32
      %get3A_925 = arith.index_cast %get3A_924 : i32 to index
      %get3A_926 = arith.index_cast %mul3A_923 : i32 to index
      %get3A_927 = tpu.vector_load %arg10[%get3A_925, %get3A_926] {strides = array<i32>} : memref<16x1024xf32, #tpu.memory_space<vmem>>, vector<16xf32>,
      %mul3A_928 = arith.mulf %broadcast_in_dim3A_596, %get3A_927 : vector<16xf32>
      %mul3A_929 = arith.constant 16 : i32
      %mul3A_930 = arith.muli %scan3A_920, %mul3A_929 : i32
      %get3A_931 = arith.constant 8 : i32
      %get3A_932 = arith.index_cast %get3A_931 : i32 to index
      %get3A_933 = arith.index_cast %mul3A_930 : i32 to index
      %get3A_934 = tpu.vector_load %arg11[%get3A_932, %get3A_933] {strides = array<i32>} : memref<16x1024xf32, #tpu.memory_space<vmem>>, vector<16xf32>,
      %mul3A_935 = arith.mulf %broadcast_in_dim3A_599, %get3A_934 : vector<16xf32>
      %add3A_936 = arith.addf %mul3A_928, %mul3A_935 : vector<16xf32>
      %mul3A_937 = arith.constant 16 : i32
      %mul3A_938 = arith.muli %scan3A_920, %mul3A_937 : i32
      %swap3A = arith.constant 8 : i32
      %swap3A_939 = arith.index_cast %swap3A : i32 to index
      %swap3A_940 = arith.index_cast %mul3A_938 : i32 to index
      %swap3A_941 = tpu.vector_load %arg14[%swap3A_939, %swap3A_940] {strides = array<i32>} : memref<16x1024xf32, #tpu.memory_space<vmem>>, vector<16xf32>,
      tpu.vector_store %arg14[%swap3A_939, %swap3A_940], %add3A_936 {strides = array<i32>} : memref<16x1024xf32, #tpu.memory_space<vmem>>, vector<16xf32>,
      %scan3A_942 = arith.constant 0 : i32
      scf.yield %scan3A_942 : i32
    }
    %scan3A_606 = arith.constant 64 : i32
    %slice3A_607 = vector.extract_strided_slice %get3A_487 {offsets = [9], sizes = [1], strides = [1]} : vector<16xf32> to vector<1xf32>
    %squeeze3A_608 = vector.extract %slice3A_607[0] : f32 from vector<1xf32>
    %broadcast_in_dim3A_609 = vector.broadcast %squeeze3A_608 : f32 to vector<16xf32>
    %slice3A_610 = vector.extract_strided_slice %get3A_489 {offsets = [9], sizes = [1], strides = [1]} : vector<16xf32> to vector<1xf32>
    %squeeze3A_611 = vector.extract %slice3A_610[0] : f32 from vector<1xf32>
    %broadcast_in_dim3A_612 = vector.broadcast %squeeze3A_611 : f32 to vector<16xf32>
    %scan3A_613 = arith.constant 0 : i32
    %scan3A_614 = arith.constant 0 : i32
    %scan3A_615 = arith.constant 64 : i32
    %scan3A_616 = arith.addi %scan3A_614, %scan3A_615 : i32
    %scan3A_617 = arith.constant 1 : i32
    %scan3A_618 = scf.for %scan3A_920 = %scan3A_614 to %scan3A_616 step %scan3A_617 iter_args(%scan3A_921 = %scan3A_613) -> (i32)  : i32 {
      %mul3A_922 = arith.constant 16 : i32
      %mul3A_923 = arith.muli %scan3A_920, %mul3A_922 : i32
      %get3A_924 = arith.constant 9 : i32
      %get3A_925 = arith.index_cast %get3A_924 : i32 to index
      %get3A_926 = arith.index_cast %mul3A_923 : i32 to index
      %get3A_927 = tpu.vector_load %arg10[%get3A_925, %get3A_926] {strides = array<i32>} : memref<16x1024xf32, #tpu.memory_space<vmem>>, vector<16xf32>,
      %mul3A_928 = arith.mulf %broadcast_in_dim3A_609, %get3A_927 : vector<16xf32>
      %mul3A_929 = arith.constant 16 : i32
      %mul3A_930 = arith.muli %scan3A_920, %mul3A_929 : i32
      %get3A_931 = arith.constant 9 : i32
      %get3A_932 = arith.index_cast %get3A_931 : i32 to index
      %get3A_933 = arith.index_cast %mul3A_930 : i32 to index
      %get3A_934 = tpu.vector_load %arg11[%get3A_932, %get3A_933] {strides = array<i32>} : memref<16x1024xf32, #tpu.memory_space<vmem>>, vector<16xf32>,
      %mul3A_935 = arith.mulf %broadcast_in_dim3A_612, %get3A_934 : vector<16xf32>
      %add3A_936 = arith.addf %mul3A_928, %mul3A_935 : vector<16xf32>
      %mul3A_937 = arith.constant 16 : i32
      %mul3A_938 = arith.muli %scan3A_920, %mul3A_937 : i32
      %swap3A = arith.constant 9 : i32
      %swap3A_939 = arith.index_cast %swap3A : i32 to index
      %swap3A_940 = arith.index_cast %mul3A_938 : i32 to index
      %swap3A_941 = tpu.vector_load %arg14[%swap3A_939, %swap3A_940] {strides = array<i32>} : memref<16x1024xf32, #tpu.memory_space<vmem>>, vector<16xf32>,
      tpu.vector_store %arg14[%swap3A_939, %swap3A_940], %add3A_936 {strides = array<i32>} : memref<16x1024xf32, #tpu.memory_space<vmem>>, vector<16xf32>,
      %scan3A_942 = arith.constant 0 : i32
      scf.yield %scan3A_942 : i32
    }
    %scan3A_619 = arith.constant 64 : i32
    %slice3A_620 = vector.extract_strided_slice %get3A_487 {offsets = [10], sizes = [1], strides = [1]} : vector<16xf32> to vector<1xf32>
    %squeeze3A_621 = vector.extract %slice3A_620[0] : f32 from vector<1xf32>
    %broadcast_in_dim3A_622 = vector.broadcast %squeeze3A_621 : f32 to vector<16xf32>
    %slice3A_623 = vector.extract_strided_slice %get3A_489 {offsets = [10], sizes = [1], strides = [1]} : vector<16xf32> to vector<1xf32>
    %squeeze3A_624 = vector.extract %slice3A_623[0] : f32 from vector<1xf32>
    %broadcast_in_dim3A_625 = vector.broadcast %squeeze3A_624 : f32 to vector<16xf32>
    %scan3A_626 = arith.constant 0 : i32
    %scan3A_627 = arith.constant 0 : i32
    %scan3A_628 = arith.constant 64 : i32
    %scan3A_629 = arith.addi %scan3A_627, %scan3A_628 : i32
    %scan3A_630 = arith.constant 1 : i32
    %scan3A_631 = scf.for %scan3A_920 = %scan3A_627 to %scan3A_629 step %scan3A_630 iter_args(%scan3A_921 = %scan3A_626) -> (i32)  : i32 {
      %mul3A_922 = arith.constant 16 : i32
      %mul3A_923 = arith.muli %scan3A_920, %mul3A_922 : i32
      %get3A_924 = arith.constant 10 : i32
      %get3A_925 = arith.index_cast %get3A_924 : i32 to index
      %get3A_926 = arith.index_cast %mul3A_923 : i32 to index
      %get3A_927 = tpu.vector_load %arg10[%get3A_925, %get3A_926] {strides = array<i32>} : memref<16x1024xf32, #tpu.memory_space<vmem>>, vector<16xf32>,
      %mul3A_928 = arith.mulf %broadcast_in_dim3A_622, %get3A_927 : vector<16xf32>
      %mul3A_929 = arith.constant 16 : i32
      %mul3A_930 = arith.muli %scan3A_920, %mul3A_929 : i32
      %get3A_931 = arith.constant 10 : i32
      %get3A_932 = arith.index_cast %get3A_931 : i32 to index
      %get3A_933 = arith.index_cast %mul3A_930 : i32 to index
      %get3A_934 = tpu.vector_load %arg11[%get3A_932, %get3A_933] {strides = array<i32>} : memref<16x1024xf32, #tpu.memory_space<vmem>>, vector<16xf32>,
      %mul3A_935 = arith.mulf %broadcast_in_dim3A_625, %get3A_934 : vector<16xf32>
      %add3A_936 = arith.addf %mul3A_928, %mul3A_935 : vector<16xf32>
      %mul3A_937 = arith.constant 16 : i32
      %mul3A_938 = arith.muli %scan3A_920, %mul3A_937 : i32
      %swap3A = arith.constant 10 : i32
      %swap3A_939 = arith.index_cast %swap3A : i32 to index
      %swap3A_940 = arith.index_cast %mul3A_938 : i32 to index
      %swap3A_941 = tpu.vector_load %arg14[%swap3A_939, %swap3A_940] {strides = array<i32>} : memref<16x1024xf32, #tpu.memory_space<vmem>>, vector<16xf32>,
      tpu.vector_store %arg14[%swap3A_939, %swap3A_940], %add3A_936 {strides = array<i32>} : memref<16x1024xf32, #tpu.memory_space<vmem>>, vector<16xf32>,
      %scan3A_942 = arith.constant 0 : i32
      scf.yield %scan3A_942 : i32
    }
    %scan3A_632 = arith.constant 64 : i32
    %slice3A_633 = vector.extract_strided_slice %get3A_487 {offsets = [11], sizes = [1], strides = [1]} : vector<16xf32> to vector<1xf32>
    %squeeze3A_634 = vector.extract %slice3A_633[0] : f32 from vector<1xf32>
    %broadcast_in_dim3A_635 = vector.broadcast %squeeze3A_634 : f32 to vector<16xf32>
    %slice3A_636 = vector.extract_strided_slice %get3A_489 {offsets = [11], sizes = [1], strides = [1]} : vector<16xf32> to vector<1xf32>
    %squeeze3A_637 = vector.extract %slice3A_636[0] : f32 from vector<1xf32>
    %broadcast_in_dim3A_638 = vector.broadcast %squeeze3A_637 : f32 to vector<16xf32>
    %scan3A_639 = arith.constant 0 : i32
    %scan3A_640 = arith.constant 0 : i32
    %scan3A_641 = arith.constant 64 : i32
    %scan3A_642 = arith.addi %scan3A_640, %scan3A_641 : i32
    %scan3A_643 = arith.constant 1 : i32
    %scan3A_644 = scf.for %scan3A_920 = %scan3A_640 to %scan3A_642 step %scan3A_643 iter_args(%scan3A_921 = %scan3A_639) -> (i32)  : i32 {
      %mul3A_922 = arith.constant 16 : i32
      %mul3A_923 = arith.muli %scan3A_920, %mul3A_922 : i32
      %get3A_924 = arith.constant 11 : i32
      %get3A_925 = arith.index_cast %get3A_924 : i32 to index
      %get3A_926 = arith.index_cast %mul3A_923 : i32 to index
      %get3A_927 = tpu.vector_load %arg10[%get3A_925, %get3A_926] {strides = array<i32>} : memref<16x1024xf32, #tpu.memory_space<vmem>>, vector<16xf32>,
      %mul3A_928 = arith.mulf %broadcast_in_dim3A_635, %get3A_927 : vector<16xf32>
      %mul3A_929 = arith.constant 16 : i32
      %mul3A_930 = arith.muli %scan3A_920, %mul3A_929 : i32
      %get3A_931 = arith.constant 11 : i32
      %get3A_932 = arith.index_cast %get3A_931 : i32 to index
      %get3A_933 = arith.index_cast %mul3A_930 : i32 to index
      %get3A_934 = tpu.vector_load %arg11[%get3A_932, %get3A_933] {strides = array<i32>} : memref<16x1024xf32, #tpu.memory_space<vmem>>, vector<16xf32>,
      %mul3A_935 = arith.mulf %broadcast_in_dim3A_638, %get3A_934 : vector<16xf32>
      %add3A_936 = arith.addf %mul3A_928, %mul3A_935 : vector<16xf32>
      %mul3A_937 = arith.constant 16 : i32
      %mul3A_938 = arith.muli %scan3A_920, %mul3A_937 : i32
      %swap3A = arith.constant 11 : i32
      %swap3A_939 = arith.index_cast %swap3A : i32 to index
      %swap3A_940 = arith.index_cast %mul3A_938 : i32 to index
      %swap3A_941 = tpu.vector_load %arg14[%swap3A_939, %swap3A_940] {strides = array<i32>} : memref<16x1024xf32, #tpu.memory_space<vmem>>, vector<16xf32>,
      tpu.vector_store %arg14[%swap3A_939, %swap3A_940], %add3A_936 {strides = array<i32>} : memref<16x1024xf32, #tpu.memory_space<vmem>>, vector<16xf32>,
      %scan3A_942 = arith.constant 0 : i32
      scf.yield %scan3A_942 : i32
    }
    %scan3A_645 = arith.constant 64 : i32
    %slice3A_646 = vector.extract_strided_slice %get3A_487 {offsets = [12], sizes = [1], strides = [1]} : vector<16xf32> to vector<1xf32>
    %squeeze3A_647 = vector.extract %slice3A_646[0] : f32 from vector<1xf32>
    %broadcast_in_dim3A_648 = vector.broadcast %squeeze3A_647 : f32 to vector<16xf32>
    %slice3A_649 = vector.extract_strided_slice %get3A_489 {offsets = [12], sizes = [1], strides = [1]} : vector<16xf32> to vector<1xf32>
    %squeeze3A_650 = vector.extract %slice3A_649[0] : f32 from vector<1xf32>
    %broadcast_in_dim3A_651 = vector.broadcast %squeeze3A_650 : f32 to vector<16xf32>
    %scan3A_652 = arith.constant 0 : i32
    %scan3A_653 = arith.constant 0 : i32
    %scan3A_654 = arith.constant 64 : i32
    %scan3A_655 = arith.addi %scan3A_653, %scan3A_654 : i32
    %scan3A_656 = arith.constant 1 : i32
    %scan3A_657 = scf.for %scan3A_920 = %scan3A_653 to %scan3A_655 step %scan3A_656 iter_args(%scan3A_921 = %scan3A_652) -> (i32)  : i32 {
      %mul3A_922 = arith.constant 16 : i32
      %mul3A_923 = arith.muli %scan3A_920, %mul3A_922 : i32
      %get3A_924 = arith.constant 12 : i32
      %get3A_925 = arith.index_cast %get3A_924 : i32 to index
      %get3A_926 = arith.index_cast %mul3A_923 : i32 to index
      %get3A_927 = tpu.vector_load %arg10[%get3A_925, %get3A_926] {strides = array<i32>} : memref<16x1024xf32, #tpu.memory_space<vmem>>, vector<16xf32>,
      %mul3A_928 = arith.mulf %broadcast_in_dim3A_648, %get3A_927 : vector<16xf32>
      %mul3A_929 = arith.constant 16 : i32
      %mul3A_930 = arith.muli %scan3A_920, %mul3A_929 : i32
      %get3A_931 = arith.constant 12 : i32
      %get3A_932 = arith.index_cast %get3A_931 : i32 to index
      %get3A_933 = arith.index_cast %mul3A_930 : i32 to index
      %get3A_934 = tpu.vector_load %arg11[%get3A_932, %get3A_933] {strides = array<i32>} : memref<16x1024xf32, #tpu.memory_space<vmem>>, vector<16xf32>,
      %mul3A_935 = arith.mulf %broadcast_in_dim3A_651, %get3A_934 : vector<16xf32>
      %add3A_936 = arith.addf %mul3A_928, %mul3A_935 : vector<16xf32>
      %mul3A_937 = arith.constant 16 : i32
      %mul3A_938 = arith.muli %scan3A_920, %mul3A_937 : i32
      %swap3A = arith.constant 12 : i32
      %swap3A_939 = arith.index_cast %swap3A : i32 to index
      %swap3A_940 = arith.index_cast %mul3A_938 : i32 to index
      %swap3A_941 = tpu.vector_load %arg14[%swap3A_939, %swap3A_940] {strides = array<i32>} : memref<16x1024xf32, #tpu.memory_space<vmem>>, vector<16xf32>,
      tpu.vector_store %arg14[%swap3A_939, %swap3A_940], %add3A_936 {strides = array<i32>} : memref<16x1024xf32, #tpu.memory_space<vmem>>, vector<16xf32>,
      %scan3A_942 = arith.constant 0 : i32
      scf.yield %scan3A_942 : i32
    }
    %scan3A_658 = arith.constant 64 : i32
    %slice3A_659 = vector.extract_strided_slice %get3A_487 {offsets = [13], sizes = [1], strides = [1]} : vector<16xf32> to vector<1xf32>
    %squeeze3A_660 = vector.extract %slice3A_659[0] : f32 from vector<1xf32>
    %broadcast_in_dim3A_661 = vector.broadcast %squeeze3A_660 : f32 to vector<16xf32>
    %slice3A_662 = vector.extract_strided_slice %get3A_489 {offsets = [13], sizes = [1], strides = [1]} : vector<16xf32> to vector<1xf32>
    %squeeze3A_663 = vector.extract %slice3A_662[0] : f32 from vector<1xf32>
    %broadcast_in_dim3A_664 = vector.broadcast %squeeze3A_663 : f32 to vector<16xf32>
    %scan3A_665 = arith.constant 0 : i32
    %scan3A_666 = arith.constant 0 : i32
    %scan3A_667 = arith.constant 64 : i32
    %scan3A_668 = arith.addi %scan3A_666, %scan3A_667 : i32
    %scan3A_669 = arith.constant 1 : i32
    %scan3A_670 = scf.for %scan3A_920 = %scan3A_666 to %scan3A_668 step %scan3A_669 iter_args(%scan3A_921 = %scan3A_665) -> (i32)  : i32 {
      %mul3A_922 = arith.constant 16 : i32
      %mul3A_923 = arith.muli %scan3A_920, %mul3A_922 : i32
      %get3A_924 = arith.constant 13 : i32
      %get3A_925 = arith.index_cast %get3A_924 : i32 to index
      %get3A_926 = arith.index_cast %mul3A_923 : i32 to index
      %get3A_927 = tpu.vector_load %arg10[%get3A_925, %get3A_926] {strides = array<i32>} : memref<16x1024xf32, #tpu.memory_space<vmem>>, vector<16xf32>,
      %mul3A_928 = arith.mulf %broadcast_in_dim3A_661, %get3A_927 : vector<16xf32>
      %mul3A_929 = arith.constant 16 : i32
      %mul3A_930 = arith.muli %scan3A_920, %mul3A_929 : i32
      %get3A_931 = arith.constant 13 : i32
      %get3A_932 = arith.index_cast %get3A_931 : i32 to index
      %get3A_933 = arith.index_cast %mul3A_930 : i32 to index
      %get3A_934 = tpu.vector_load %arg11[%get3A_932, %get3A_933] {strides = array<i32>} : memref<16x1024xf32, #tpu.memory_space<vmem>>, vector<16xf32>,
      %mul3A_935 = arith.mulf %broadcast_in_dim3A_664, %get3A_934 : vector<16xf32>
      %add3A_936 = arith.addf %mul3A_928, %mul3A_935 : vector<16xf32>
      %mul3A_937 = arith.constant 16 : i32
      %mul3A_938 = arith.muli %scan3A_920, %mul3A_937 : i32
      %swap3A = arith.constant 13 : i32
      %swap3A_939 = arith.index_cast %swap3A : i32 to index
      %swap3A_940 = arith.index_cast %mul3A_938 : i32 to index
      %swap3A_941 = tpu.vector_load %arg14[%swap3A_939, %swap3A_940] {strides = array<i32>} : memref<16x1024xf32, #tpu.memory_space<vmem>>, vector<16xf32>,
      tpu.vector_store %arg14[%swap3A_939, %swap3A_940], %add3A_936 {strides = array<i32>} : memref<16x1024xf32, #tpu.memory_space<vmem>>, vector<16xf32>,
      %scan3A_942 = arith.constant 0 : i32
      scf.yield %scan3A_942 : i32
    }
    %scan3A_671 = arith.constant 64 : i32
    %slice3A_672 = vector.extract_strided_slice %get3A_487 {offsets = [14], sizes = [1], strides = [1]} : vector<16xf32> to vector<1xf32>
    %squeeze3A_673 = vector.extract %slice3A_672[0] : f32 from vector<1xf32>
    %broadcast_in_dim3A_674 = vector.broadcast %squeeze3A_673 : f32 to vector<16xf32>
    %slice3A_675 = vector.extract_strided_slice %get3A_489 {offsets = [14], sizes = [1], strides = [1]} : vector<16xf32> to vector<1xf32>
    %squeeze3A_676 = vector.extract %slice3A_675[0] : f32 from vector<1xf32>
    %broadcast_in_dim3A_677 = vector.broadcast %squeeze3A_676 : f32 to vector<16xf32>
    %scan3A_678 = arith.constant 0 : i32
    %scan3A_679 = arith.constant 0 : i32
    %scan3A_680 = arith.constant 64 : i32
    %scan3A_681 = arith.addi %scan3A_679, %scan3A_680 : i32
    %scan3A_682 = arith.constant 1 : i32
    %scan3A_683 = scf.for %scan3A_920 = %scan3A_679 to %scan3A_681 step %scan3A_682 iter_args(%scan3A_921 = %scan3A_678) -> (i32)  : i32 {
      %mul3A_922 = arith.constant 16 : i32
      %mul3A_923 = arith.muli %scan3A_920, %mul3A_922 : i32
      %get3A_924 = arith.constant 14 : i32
      %get3A_925 = arith.index_cast %get3A_924 : i32 to index
      %get3A_926 = arith.index_cast %mul3A_923 : i32 to index
      %get3A_927 = tpu.vector_load %arg10[%get3A_925, %get3A_926] {strides = array<i32>} : memref<16x1024xf32, #tpu.memory_space<vmem>>, vector<16xf32>,
      %mul3A_928 = arith.mulf %broadcast_in_dim3A_674, %get3A_927 : vector<16xf32>
      %mul3A_929 = arith.constant 16 : i32
      %mul3A_930 = arith.muli %scan3A_920, %mul3A_929 : i32
      %get3A_931 = arith.constant 14 : i32
      %get3A_932 = arith.index_cast %get3A_931 : i32 to index
      %get3A_933 = arith.index_cast %mul3A_930 : i32 to index
      %get3A_934 = tpu.vector_load %arg11[%get3A_932, %get3A_933] {strides = array<i32>} : memref<16x1024xf32, #tpu.memory_space<vmem>>, vector<16xf32>,
      %mul3A_935 = arith.mulf %broadcast_in_dim3A_677, %get3A_934 : vector<16xf32>
      %add3A_936 = arith.addf %mul3A_928, %mul3A_935 : vector<16xf32>
      %mul3A_937 = arith.constant 16 : i32
      %mul3A_938 = arith.muli %scan3A_920, %mul3A_937 : i32
      %swap3A = arith.constant 14 : i32
      %swap3A_939 = arith.index_cast %swap3A : i32 to index
      %swap3A_940 = arith.index_cast %mul3A_938 : i32 to index
      %swap3A_941 = tpu.vector_load %arg14[%swap3A_939, %swap3A_940] {strides = array<i32>} : memref<16x1024xf32, #tpu.memory_space<vmem>>, vector<16xf32>,
      tpu.vector_store %arg14[%swap3A_939, %swap3A_940], %add3A_936 {strides = array<i32>} : memref<16x1024xf32, #tpu.memory_space<vmem>>, vector<16xf32>,
      %scan3A_942 = arith.constant 0 : i32
      scf.yield %scan3A_942 : i32
    }
    %scan3A_684 = arith.constant 64 : i32
    %slice3A_685 = vector.extract_strided_slice %get3A_487 {offsets = [15], sizes = [1], strides = [1]} : vector<16xf32> to vector<1xf32>
    %squeeze3A_686 = vector.extract %slice3A_685[0] : f32 from vector<1xf32>
    %broadcast_in_dim3A_687 = vector.broadcast %squeeze3A_686 : f32 to vector<16xf32>
    %slice3A_688 = vector.extract_strided_slice %get3A_489 {offsets = [15], sizes = [1], strides = [1]} : vector<16xf32> to vector<1xf32>
    %squeeze3A_689 = vector.extract %slice3A_688[0] : f32 from vector<1xf32>
    %broadcast_in_dim3A_690 = vector.broadcast %squeeze3A_689 : f32 to vector<16xf32>
    %scan3A_691 = arith.constant 0 : i32
    %scan3A_692 = arith.constant 0 : i32
    %scan3A_693 = arith.constant 64 : i32
    %scan3A_694 = arith.addi %scan3A_692, %scan3A_693 : i32
    %scan3A_695 = arith.constant 1 : i32
    %scan3A_696 = scf.for %scan3A_920 = %scan3A_692 to %scan3A_694 step %scan3A_695 iter_args(%scan3A_921 = %scan3A_691) -> (i32)  : i32 {
      %mul3A_922 = arith.constant 16 : i32
      %mul3A_923 = arith.muli %scan3A_920, %mul3A_922 : i32
      %get3A_924 = arith.constant 15 : i32
      %get3A_925 = arith.index_cast %get3A_924 : i32 to index
      %get3A_926 = arith.index_cast %mul3A_923 : i32 to index
      %get3A_927 = tpu.vector_load %arg10[%get3A_925, %get3A_926] {strides = array<i32>} : memref<16x1024xf32, #tpu.memory_space<vmem>>, vector<16xf32>,
      %mul3A_928 = arith.mulf %broadcast_in_dim3A_687, %get3A_927 : vector<16xf32>
      %mul3A_929 = arith.constant 16 : i32
      %mul3A_930 = arith.muli %scan3A_920, %mul3A_929 : i32
      %get3A_931 = arith.constant 15 : i32
      %get3A_932 = arith.index_cast %get3A_931 : i32 to index
      %get3A_933 = arith.index_cast %mul3A_930 : i32 to index
      %get3A_934 = tpu.vector_load %arg11[%get3A_932, %get3A_933] {strides = array<i32>} : memref<16x1024xf32, #tpu.memory_space<vmem>>, vector<16xf32>,
      %mul3A_935 = arith.mulf %broadcast_in_dim3A_690, %get3A_934 : vector<16xf32>
      %add3A_936 = arith.addf %mul3A_928, %mul3A_935 : vector<16xf32>
      %mul3A_937 = arith.constant 16 : i32
      %mul3A_938 = arith.muli %scan3A_920, %mul3A_937 : i32
      %swap3A = arith.constant 15 : i32
      %swap3A_939 = arith.index_cast %swap3A : i32 to index
      %swap3A_940 = arith.index_cast %mul3A_938 : i32 to index
      %swap3A_941 = tpu.vector_load %arg14[%swap3A_939, %swap3A_940] {strides = array<i32>} : memref<16x1024xf32, #tpu.memory_space<vmem>>, vector<16xf32>,
      tpu.vector_store %arg14[%swap3A_939, %swap3A_940], %add3A_936 {strides = array<i32>} : memref<16x1024xf32, #tpu.memory_space<vmem>>, vector<16xf32>,
      %scan3A_942 = arith.constant 0 : i32
      scf.yield %scan3A_942 : i32
    }
    %scan3A_697 = arith.constant 64 : i32
    %add3A_698 = arith.constant 32 : i32
    %add3A_699 = arith.addi %mul3A_2, %add3A_698 : i32
    "tpu.region"() ({
      %run_scoped3A = tpu.sem_alloc : memref<!tpu.dma_semaphore, #tpu.memory_space<semaphore_mem>>
      %dma_start3A_920 = arith.constant 0 : i32
      %dma_start3A_921 = tpu.memref_slice %arg5[%add3A_699, %dma_start3A_920] : memref<2048x1024xf32, #tpu.memory_space<hbm>> -> memref<16x1024xf32, #tpu.memory_space<hbm>>
      %dma_start3A_922 = arith.constant 0 : i32
      %dma_start3A_923 = tpu.memref_slice %arg5[%add3A_699, %dma_start3A_922] : memref<2048x1024xf32, #tpu.memory_space<hbm>> -> memref<16x1024xf32, #tpu.memory_space<hbm>>
      tpu.enqueue_dma source(%arg14 : memref<16x1024xf32, #tpu.memory_space<vmem>>) target(%dma_start3A_923 : memref<16x1024xf32, #tpu.memory_space<hbm>>) target_semaphore(%run_scoped3A : memref<!tpu.dma_semaphore, #tpu.memory_space<semaphore_mem>>)
      %dma_wait3A_924 = arith.constant 0 : i32
      %dma_wait3A_925 = tpu.memref_slice %arg5[%add3A_699, %dma_wait3A_924] : memref<2048x1024xf32, #tpu.memory_space<hbm>> -> memref<16x1024xf32, #tpu.memory_space<hbm>>
      %dma_wait3A_926 = arith.constant 0 : i32
      %dma_wait3A_927 = tpu.memref_slice %arg5[%add3A_699, %dma_wait3A_926] : memref<2048x1024xf32, #tpu.memory_space<hbm>> -> memref<16x1024xf32, #tpu.memory_space<hbm>>
      tpu.wait_dma2 semaphore(%run_scoped3A : memref<!tpu.dma_semaphore, #tpu.memory_space<semaphore_mem>>) src(%arg14 : memref<16x1024xf32, #tpu.memory_space<vmem>>) dst(%dma_wait3A_927 : memref<16x1024xf32, #tpu.memory_space<hbm>>)
      tpu.yield
    }) : () -> ()
    %dma_wait3A_700 = arith.constant 0 : i32
    %dma_wait3A_701 = arith.constant 0 : i32
    %dma_wait3A_702 = tpu.memref_slice %arg2[%dma_wait3A_700, %dma_wait3A_701] : memref<7680x1024xf32, #tpu.memory_space<hbm>> -> memref<7680x1024xf32, #tpu.memory_space<hbm>>
    tpu.wait_indirect_dma semaphore(%arg16 : memref<!tpu.dma_semaphore, #tpu.memory_space<semaphore_mem>>) src(%dma_wait3A_702 : memref<7680x1024xf32, #tpu.memory_space<hbm>>) dst(%arg12 : memref<16x1024xf32, #tpu.memory_space<vmem>>)
    %dma_wait3A_703 = arith.constant 0 : i32
    %dma_wait3A_704 = arith.constant 0 : i32
    %dma_wait3A_705 = tpu.memref_slice %arg2[%dma_wait3A_703, %dma_wait3A_704] : memref<7680x1024xf32, #tpu.memory_space<hbm>> -> memref<7680x1024xf32, #tpu.memory_space<hbm>>
    tpu.wait_indirect_dma semaphore(%arg16 : memref<!tpu.dma_semaphore, #tpu.memory_space<semaphore_mem>>) src(%dma_wait3A_705 : memref<7680x1024xf32, #tpu.memory_space<hbm>>) dst(%arg13 : memref<16x1024xf32, #tpu.memory_space<vmem>>)
    %get3A_706 = arith.constant 48 : index
    %get3A_707 = tpu.vector_load %arg8[%get3A_706] {strides = array<i32>} : memref<64xf32, #tpu.memory_space<vmem>>, vector<16xf32>,
    %get3A_708 = arith.constant 48 : index
    %get3A_709 = tpu.vector_load %arg9[%get3A_708] {strides = array<i32>} : memref<64xf32, #tpu.memory_space<vmem>>, vector<16xf32>,
    %slice3A_710 = vector.extract_strided_slice %get3A_707 {offsets = [0], sizes = [1], strides = [1]} : vector<16xf32> to vector<1xf32>
    %squeeze3A_711 = vector.extract %slice3A_710[0] : f32 from vector<1xf32>
    %broadcast_in_dim3A_712 = vector.broadcast %squeeze3A_711 : f32 to vector<16xf32>
    %slice3A_713 = vector.extract_strided_slice %get3A_709 {offsets = [0], sizes = [1], strides = [1]} : vector<16xf32> to vector<1xf32>
    %squeeze3A_714 = vector.extract %slice3A_713[0] : f32 from vector<1xf32>
    %broadcast_in_dim3A_715 = vector.broadcast %squeeze3A_714 : f32 to vector<16xf32>
    %scan3A_716 = arith.constant 0 : i32
    %scan3A_717 = arith.constant 0 : i32
    %scan3A_718 = arith.constant 64 : i32
    %scan3A_719 = arith.addi %scan3A_717, %scan3A_718 : i32
    %scan3A_720 = arith.constant 1 : i32
    %scan3A_721 = scf.for %scan3A_920 = %scan3A_717 to %scan3A_719 step %scan3A_720 iter_args(%scan3A_921 = %scan3A_716) -> (i32)  : i32 {
      %mul3A_922 = arith.constant 16 : i32
      %mul3A_923 = arith.muli %scan3A_920, %mul3A_922 : i32
      %get3A_924 = arith.constant 0 : i32
      %get3A_925 = arith.index_cast %get3A_924 : i32 to index
      %get3A_926 = arith.index_cast %mul3A_923 : i32 to index
      %get3A_927 = tpu.vector_load %arg12[%get3A_925, %get3A_926] {strides = array<i32>} : memref<16x1024xf32, #tpu.memory_space<vmem>>, vector<16xf32>,
      %mul3A_928 = arith.mulf %broadcast_in_dim3A_712, %get3A_927 : vector<16xf32>
      %mul3A_929 = arith.constant 16 : i32
      %mul3A_930 = arith.muli %scan3A_920, %mul3A_929 : i32
      %get3A_931 = arith.constant 0 : i32
      %get3A_932 = arith.index_cast %get3A_931 : i32 to index
      %get3A_933 = arith.index_cast %mul3A_930 : i32 to index
      %get3A_934 = tpu.vector_load %arg13[%get3A_932, %get3A_933] {strides = array<i32>} : memref<16x1024xf32, #tpu.memory_space<vmem>>, vector<16xf32>,
      %mul3A_935 = arith.mulf %broadcast_in_dim3A_715, %get3A_934 : vector<16xf32>
      %add3A_936 = arith.addf %mul3A_928, %mul3A_935 : vector<16xf32>
      %mul3A_937 = arith.constant 16 : i32
      %mul3A_938 = arith.muli %scan3A_920, %mul3A_937 : i32
      %swap3A = arith.constant 0 : i32
      %swap3A_939 = arith.index_cast %swap3A : i32 to index
      %swap3A_940 = arith.index_cast %mul3A_938 : i32 to index
      %swap3A_941 = tpu.vector_load %arg14[%swap3A_939, %swap3A_940] {strides = array<i32>} : memref<16x1024xf32, #tpu.memory_space<vmem>>, vector<16xf32>,
      tpu.vector_store %arg14[%swap3A_939, %swap3A_940], %add3A_936 {strides = array<i32>} : memref<16x1024xf32, #tpu.memory_space<vmem>>, vector<16xf32>,
      %scan3A_942 = arith.constant 0 : i32
      scf.yield %scan3A_942 : i32
    }
    %scan3A_722 = arith.constant 64 : i32
    %slice3A_723 = vector.extract_strided_slice %get3A_707 {offsets = [1], sizes = [1], strides = [1]} : vector<16xf32> to vector<1xf32>
    %squeeze3A_724 = vector.extract %slice3A_723[0] : f32 from vector<1xf32>
    %broadcast_in_dim3A_725 = vector.broadcast %squeeze3A_724 : f32 to vector<16xf32>
    %slice3A_726 = vector.extract_strided_slice %get3A_709 {offsets = [1], sizes = [1], strides = [1]} : vector<16xf32> to vector<1xf32>
    %squeeze3A_727 = vector.extract %slice3A_726[0] : f32 from vector<1xf32>
    %broadcast_in_dim3A_728 = vector.broadcast %squeeze3A_727 : f32 to vector<16xf32>
    %scan3A_729 = arith.constant 0 : i32
    %scan3A_730 = arith.constant 0 : i32
    %scan3A_731 = arith.constant 64 : i32
    %scan3A_732 = arith.addi %scan3A_730, %scan3A_731 : i32
    %scan3A_733 = arith.constant 1 : i32
    %scan3A_734 = scf.for %scan3A_920 = %scan3A_730 to %scan3A_732 step %scan3A_733 iter_args(%scan3A_921 = %scan3A_729) -> (i32)  : i32 {
      %mul3A_922 = arith.constant 16 : i32
      %mul3A_923 = arith.muli %scan3A_920, %mul3A_922 : i32
      %get3A_924 = arith.constant 1 : i32
      %get3A_925 = arith.index_cast %get3A_924 : i32 to index
      %get3A_926 = arith.index_cast %mul3A_923 : i32 to index
      %get3A_927 = tpu.vector_load %arg12[%get3A_925, %get3A_926] {strides = array<i32>} : memref<16x1024xf32, #tpu.memory_space<vmem>>, vector<16xf32>,
      %mul3A_928 = arith.mulf %broadcast_in_dim3A_725, %get3A_927 : vector<16xf32>
      %mul3A_929 = arith.constant 16 : i32
      %mul3A_930 = arith.muli %scan3A_920, %mul3A_929 : i32
      %get3A_931 = arith.constant 1 : i32
      %get3A_932 = arith.index_cast %get3A_931 : i32 to index
      %get3A_933 = arith.index_cast %mul3A_930 : i32 to index
      %get3A_934 = tpu.vector_load %arg13[%get3A_932, %get3A_933] {strides = array<i32>} : memref<16x1024xf32, #tpu.memory_space<vmem>>, vector<16xf32>,
      %mul3A_935 = arith.mulf %broadcast_in_dim3A_728, %get3A_934 : vector<16xf32>
      %add3A_936 = arith.addf %mul3A_928, %mul3A_935 : vector<16xf32>
      %mul3A_937 = arith.constant 16 : i32
      %mul3A_938 = arith.muli %scan3A_920, %mul3A_937 : i32
      %swap3A = arith.constant 1 : i32
      %swap3A_939 = arith.index_cast %swap3A : i32 to index
      %swap3A_940 = arith.index_cast %mul3A_938 : i32 to index
      %swap3A_941 = tpu.vector_load %arg14[%swap3A_939, %swap3A_940] {strides = array<i32>} : memref<16x1024xf32, #tpu.memory_space<vmem>>, vector<16xf32>,
      tpu.vector_store %arg14[%swap3A_939, %swap3A_940], %add3A_936 {strides = array<i32>} : memref<16x1024xf32, #tpu.memory_space<vmem>>, vector<16xf32>,
      %scan3A_942 = arith.constant 0 : i32
      scf.yield %scan3A_942 : i32
    }
    %scan3A_735 = arith.constant 64 : i32
    %slice3A_736 = vector.extract_strided_slice %get3A_707 {offsets = [2], sizes = [1], strides = [1]} : vector<16xf32> to vector<1xf32>
    %squeeze3A_737 = vector.extract %slice3A_736[0] : f32 from vector<1xf32>
    %broadcast_in_dim3A_738 = vector.broadcast %squeeze3A_737 : f32 to vector<16xf32>
    %slice3A_739 = vector.extract_strided_slice %get3A_709 {offsets = [2], sizes = [1], strides = [1]} : vector<16xf32> to vector<1xf32>
    %squeeze3A_740 = vector.extract %slice3A_739[0] : f32 from vector<1xf32>
    %broadcast_in_dim3A_741 = vector.broadcast %squeeze3A_740 : f32 to vector<16xf32>
    %scan3A_742 = arith.constant 0 : i32
    %scan3A_743 = arith.constant 0 : i32
    %scan3A_744 = arith.constant 64 : i32
    %scan3A_745 = arith.addi %scan3A_743, %scan3A_744 : i32
    %scan3A_746 = arith.constant 1 : i32
    %scan3A_747 = scf.for %scan3A_920 = %scan3A_743 to %scan3A_745 step %scan3A_746 iter_args(%scan3A_921 = %scan3A_742) -> (i32)  : i32 {
      %mul3A_922 = arith.constant 16 : i32
      %mul3A_923 = arith.muli %scan3A_920, %mul3A_922 : i32
      %get3A_924 = arith.constant 2 : i32
      %get3A_925 = arith.index_cast %get3A_924 : i32 to index
      %get3A_926 = arith.index_cast %mul3A_923 : i32 to index
      %get3A_927 = tpu.vector_load %arg12[%get3A_925, %get3A_926] {strides = array<i32>} : memref<16x1024xf32, #tpu.memory_space<vmem>>, vector<16xf32>,
      %mul3A_928 = arith.mulf %broadcast_in_dim3A_738, %get3A_927 : vector<16xf32>
      %mul3A_929 = arith.constant 16 : i32
      %mul3A_930 = arith.muli %scan3A_920, %mul3A_929 : i32
      %get3A_931 = arith.constant 2 : i32
      %get3A_932 = arith.index_cast %get3A_931 : i32 to index
      %get3A_933 = arith.index_cast %mul3A_930 : i32 to index
      %get3A_934 = tpu.vector_load %arg13[%get3A_932, %get3A_933] {strides = array<i32>} : memref<16x1024xf32, #tpu.memory_space<vmem>>, vector<16xf32>,
      %mul3A_935 = arith.mulf %broadcast_in_dim3A_741, %get3A_934 : vector<16xf32>
      %add3A_936 = arith.addf %mul3A_928, %mul3A_935 : vector<16xf32>
      %mul3A_937 = arith.constant 16 : i32
      %mul3A_938 = arith.muli %scan3A_920, %mul3A_937 : i32
      %swap3A = arith.constant 2 : i32
      %swap3A_939 = arith.index_cast %swap3A : i32 to index
      %swap3A_940 = arith.index_cast %mul3A_938 : i32 to index
      %swap3A_941 = tpu.vector_load %arg14[%swap3A_939, %swap3A_940] {strides = array<i32>} : memref<16x1024xf32, #tpu.memory_space<vmem>>, vector<16xf32>,
      tpu.vector_store %arg14[%swap3A_939, %swap3A_940], %add3A_936 {strides = array<i32>} : memref<16x1024xf32, #tpu.memory_space<vmem>>, vector<16xf32>,
      %scan3A_942 = arith.constant 0 : i32
      scf.yield %scan3A_942 : i32
    }
    %scan3A_748 = arith.constant 64 : i32
    %slice3A_749 = vector.extract_strided_slice %get3A_707 {offsets = [3], sizes = [1], strides = [1]} : vector<16xf32> to vector<1xf32>
    %squeeze3A_750 = vector.extract %slice3A_749[0] : f32 from vector<1xf32>
    %broadcast_in_dim3A_751 = vector.broadcast %squeeze3A_750 : f32 to vector<16xf32>
    %slice3A_752 = vector.extract_strided_slice %get3A_709 {offsets = [3], sizes = [1], strides = [1]} : vector<16xf32> to vector<1xf32>
    %squeeze3A_753 = vector.extract %slice3A_752[0] : f32 from vector<1xf32>
    %broadcast_in_dim3A_754 = vector.broadcast %squeeze3A_753 : f32 to vector<16xf32>
    %scan3A_755 = arith.constant 0 : i32
    %scan3A_756 = arith.constant 0 : i32
    %scan3A_757 = arith.constant 64 : i32
    %scan3A_758 = arith.addi %scan3A_756, %scan3A_757 : i32
    %scan3A_759 = arith.constant 1 : i32
    %scan3A_760 = scf.for %scan3A_920 = %scan3A_756 to %scan3A_758 step %scan3A_759 iter_args(%scan3A_921 = %scan3A_755) -> (i32)  : i32 {
      %mul3A_922 = arith.constant 16 : i32
      %mul3A_923 = arith.muli %scan3A_920, %mul3A_922 : i32
      %get3A_924 = arith.constant 3 : i32
      %get3A_925 = arith.index_cast %get3A_924 : i32 to index
      %get3A_926 = arith.index_cast %mul3A_923 : i32 to index
      %get3A_927 = tpu.vector_load %arg12[%get3A_925, %get3A_926] {strides = array<i32>} : memref<16x1024xf32, #tpu.memory_space<vmem>>, vector<16xf32>,
      %mul3A_928 = arith.mulf %broadcast_in_dim3A_751, %get3A_927 : vector<16xf32>
      %mul3A_929 = arith.constant 16 : i32
      %mul3A_930 = arith.muli %scan3A_920, %mul3A_929 : i32
      %get3A_931 = arith.constant 3 : i32
      %get3A_932 = arith.index_cast %get3A_931 : i32 to index
      %get3A_933 = arith.index_cast %mul3A_930 : i32 to index
      %get3A_934 = tpu.vector_load %arg13[%get3A_932, %get3A_933] {strides = array<i32>} : memref<16x1024xf32, #tpu.memory_space<vmem>>, vector<16xf32>,
      %mul3A_935 = arith.mulf %broadcast_in_dim3A_754, %get3A_934 : vector<16xf32>
      %add3A_936 = arith.addf %mul3A_928, %mul3A_935 : vector<16xf32>
      %mul3A_937 = arith.constant 16 : i32
      %mul3A_938 = arith.muli %scan3A_920, %mul3A_937 : i32
      %swap3A = arith.constant 3 : i32
      %swap3A_939 = arith.index_cast %swap3A : i32 to index
      %swap3A_940 = arith.index_cast %mul3A_938 : i32 to index
      %swap3A_941 = tpu.vector_load %arg14[%swap3A_939, %swap3A_940] {strides = array<i32>} : memref<16x1024xf32, #tpu.memory_space<vmem>>, vector<16xf32>,
      tpu.vector_store %arg14[%swap3A_939, %swap3A_940], %add3A_936 {strides = array<i32>} : memref<16x1024xf32, #tpu.memory_space<vmem>>, vector<16xf32>,
      %scan3A_942 = arith.constant 0 : i32
      scf.yield %scan3A_942 : i32
    }
    %scan3A_761 = arith.constant 64 : i32
    %slice3A_762 = vector.extract_strided_slice %get3A_707 {offsets = [4], sizes = [1], strides = [1]} : vector<16xf32> to vector<1xf32>
    %squeeze3A_763 = vector.extract %slice3A_762[0] : f32 from vector<1xf32>
    %broadcast_in_dim3A_764 = vector.broadcast %squeeze3A_763 : f32 to vector<16xf32>
    %slice3A_765 = vector.extract_strided_slice %get3A_709 {offsets = [4], sizes = [1], strides = [1]} : vector<16xf32> to vector<1xf32>
    %squeeze3A_766 = vector.extract %slice3A_765[0] : f32 from vector<1xf32>
    %broadcast_in_dim3A_767 = vector.broadcast %squeeze3A_766 : f32 to vector<16xf32>
    %scan3A_768 = arith.constant 0 : i32
    %scan3A_769 = arith.constant 0 : i32
    %scan3A_770 = arith.constant 64 : i32
    %scan3A_771 = arith.addi %scan3A_769, %scan3A_770 : i32
    %scan3A_772 = arith.constant 1 : i32
    %scan3A_773 = scf.for %scan3A_920 = %scan3A_769 to %scan3A_771 step %scan3A_772 iter_args(%scan3A_921 = %scan3A_768) -> (i32)  : i32 {
      %mul3A_922 = arith.constant 16 : i32
      %mul3A_923 = arith.muli %scan3A_920, %mul3A_922 : i32
      %get3A_924 = arith.constant 4 : i32
      %get3A_925 = arith.index_cast %get3A_924 : i32 to index
      %get3A_926 = arith.index_cast %mul3A_923 : i32 to index
      %get3A_927 = tpu.vector_load %arg12[%get3A_925, %get3A_926] {strides = array<i32>} : memref<16x1024xf32, #tpu.memory_space<vmem>>, vector<16xf32>,
      %mul3A_928 = arith.mulf %broadcast_in_dim3A_764, %get3A_927 : vector<16xf32>
      %mul3A_929 = arith.constant 16 : i32
      %mul3A_930 = arith.muli %scan3A_920, %mul3A_929 : i32
      %get3A_931 = arith.constant 4 : i32
      %get3A_932 = arith.index_cast %get3A_931 : i32 to index
      %get3A_933 = arith.index_cast %mul3A_930 : i32 to index
      %get3A_934 = tpu.vector_load %arg13[%get3A_932, %get3A_933] {strides = array<i32>} : memref<16x1024xf32, #tpu.memory_space<vmem>>, vector<16xf32>,
      %mul3A_935 = arith.mulf %broadcast_in_dim3A_767, %get3A_934 : vector<16xf32>
      %add3A_936 = arith.addf %mul3A_928, %mul3A_935 : vector<16xf32>
      %mul3A_937 = arith.constant 16 : i32
      %mul3A_938 = arith.muli %scan3A_920, %mul3A_937 : i32
      %swap3A = arith.constant 4 : i32
      %swap3A_939 = arith.index_cast %swap3A : i32 to index
      %swap3A_940 = arith.index_cast %mul3A_938 : i32 to index
      %swap3A_941 = tpu.vector_load %arg14[%swap3A_939, %swap3A_940] {strides = array<i32>} : memref<16x1024xf32, #tpu.memory_space<vmem>>, vector<16xf32>,
      tpu.vector_store %arg14[%swap3A_939, %swap3A_940], %add3A_936 {strides = array<i32>} : memref<16x1024xf32, #tpu.memory_space<vmem>>, vector<16xf32>,
      %scan3A_942 = arith.constant 0 : i32
      scf.yield %scan3A_942 : i32
    }
    %scan3A_774 = arith.constant 64 : i32
    %slice3A_775 = vector.extract_strided_slice %get3A_707 {offsets = [5], sizes = [1], strides = [1]} : vector<16xf32> to vector<1xf32>
    %squeeze3A_776 = vector.extract %slice3A_775[0] : f32 from vector<1xf32>
    %broadcast_in_dim3A_777 = vector.broadcast %squeeze3A_776 : f32 to vector<16xf32>
    %slice3A_778 = vector.extract_strided_slice %get3A_709 {offsets = [5], sizes = [1], strides = [1]} : vector<16xf32> to vector<1xf32>
    %squeeze3A_779 = vector.extract %slice3A_778[0] : f32 from vector<1xf32>
    %broadcast_in_dim3A_780 = vector.broadcast %squeeze3A_779 : f32 to vector<16xf32>
    %scan3A_781 = arith.constant 0 : i32
    %scan3A_782 = arith.constant 0 : i32
    %scan3A_783 = arith.constant 64 : i32
    %scan3A_784 = arith.addi %scan3A_782, %scan3A_783 : i32
    %scan3A_785 = arith.constant 1 : i32
    %scan3A_786 = scf.for %scan3A_920 = %scan3A_782 to %scan3A_784 step %scan3A_785 iter_args(%scan3A_921 = %scan3A_781) -> (i32)  : i32 {
      %mul3A_922 = arith.constant 16 : i32
      %mul3A_923 = arith.muli %scan3A_920, %mul3A_922 : i32
      %get3A_924 = arith.constant 5 : i32
      %get3A_925 = arith.index_cast %get3A_924 : i32 to index
      %get3A_926 = arith.index_cast %mul3A_923 : i32 to index
      %get3A_927 = tpu.vector_load %arg12[%get3A_925, %get3A_926] {strides = array<i32>} : memref<16x1024xf32, #tpu.memory_space<vmem>>, vector<16xf32>,
      %mul3A_928 = arith.mulf %broadcast_in_dim3A_777, %get3A_927 : vector<16xf32>
      %mul3A_929 = arith.constant 16 : i32
      %mul3A_930 = arith.muli %scan3A_920, %mul3A_929 : i32
      %get3A_931 = arith.constant 5 : i32
      %get3A_932 = arith.index_cast %get3A_931 : i32 to index
      %get3A_933 = arith.index_cast %mul3A_930 : i32 to index
      %get3A_934 = tpu.vector_load %arg13[%get3A_932, %get3A_933] {strides = array<i32>} : memref<16x1024xf32, #tpu.memory_space<vmem>>, vector<16xf32>,
      %mul3A_935 = arith.mulf %broadcast_in_dim3A_780, %get3A_934 : vector<16xf32>
      %add3A_936 = arith.addf %mul3A_928, %mul3A_935 : vector<16xf32>
      %mul3A_937 = arith.constant 16 : i32
      %mul3A_938 = arith.muli %scan3A_920, %mul3A_937 : i32
      %swap3A = arith.constant 5 : i32
      %swap3A_939 = arith.index_cast %swap3A : i32 to index
      %swap3A_940 = arith.index_cast %mul3A_938 : i32 to index
      %swap3A_941 = tpu.vector_load %arg14[%swap3A_939, %swap3A_940] {strides = array<i32>} : memref<16x1024xf32, #tpu.memory_space<vmem>>, vector<16xf32>,
      tpu.vector_store %arg14[%swap3A_939, %swap3A_940], %add3A_936 {strides = array<i32>} : memref<16x1024xf32, #tpu.memory_space<vmem>>, vector<16xf32>,
      %scan3A_942 = arith.constant 0 : i32
      scf.yield %scan3A_942 : i32
    }
    %scan3A_787 = arith.constant 64 : i32
    %slice3A_788 = vector.extract_strided_slice %get3A_707 {offsets = [6], sizes = [1], strides = [1]} : vector<16xf32> to vector<1xf32>
    %squeeze3A_789 = vector.extract %slice3A_788[0] : f32 from vector<1xf32>
    %broadcast_in_dim3A_790 = vector.broadcast %squeeze3A_789 : f32 to vector<16xf32>
    %slice3A_791 = vector.extract_strided_slice %get3A_709 {offsets = [6], sizes = [1], strides = [1]} : vector<16xf32> to vector<1xf32>
    %squeeze3A_792 = vector.extract %slice3A_791[0] : f32 from vector<1xf32>
    %broadcast_in_dim3A_793 = vector.broadcast %squeeze3A_792 : f32 to vector<16xf32>
    %scan3A_794 = arith.constant 0 : i32
    %scan3A_795 = arith.constant 0 : i32
    %scan3A_796 = arith.constant 64 : i32
    %scan3A_797 = arith.addi %scan3A_795, %scan3A_796 : i32
    %scan3A_798 = arith.constant 1 : i32
    %scan3A_799 = scf.for %scan3A_920 = %scan3A_795 to %scan3A_797 step %scan3A_798 iter_args(%scan3A_921 = %scan3A_794) -> (i32)  : i32 {
      %mul3A_922 = arith.constant 16 : i32
      %mul3A_923 = arith.muli %scan3A_920, %mul3A_922 : i32
      %get3A_924 = arith.constant 6 : i32
      %get3A_925 = arith.index_cast %get3A_924 : i32 to index
      %get3A_926 = arith.index_cast %mul3A_923 : i32 to index
      %get3A_927 = tpu.vector_load %arg12[%get3A_925, %get3A_926] {strides = array<i32>} : memref<16x1024xf32, #tpu.memory_space<vmem>>, vector<16xf32>,
      %mul3A_928 = arith.mulf %broadcast_in_dim3A_790, %get3A_927 : vector<16xf32>
      %mul3A_929 = arith.constant 16 : i32
      %mul3A_930 = arith.muli %scan3A_920, %mul3A_929 : i32
      %get3A_931 = arith.constant 6 : i32
      %get3A_932 = arith.index_cast %get3A_931 : i32 to index
      %get3A_933 = arith.index_cast %mul3A_930 : i32 to index
      %get3A_934 = tpu.vector_load %arg13[%get3A_932, %get3A_933] {strides = array<i32>} : memref<16x1024xf32, #tpu.memory_space<vmem>>, vector<16xf32>,
      %mul3A_935 = arith.mulf %broadcast_in_dim3A_793, %get3A_934 : vector<16xf32>
      %add3A_936 = arith.addf %mul3A_928, %mul3A_935 : vector<16xf32>
      %mul3A_937 = arith.constant 16 : i32
      %mul3A_938 = arith.muli %scan3A_920, %mul3A_937 : i32
      %swap3A = arith.constant 6 : i32
      %swap3A_939 = arith.index_cast %swap3A : i32 to index
      %swap3A_940 = arith.index_cast %mul3A_938 : i32 to index
      %swap3A_941 = tpu.vector_load %arg14[%swap3A_939, %swap3A_940] {strides = array<i32>} : memref<16x1024xf32, #tpu.memory_space<vmem>>, vector<16xf32>,
      tpu.vector_store %arg14[%swap3A_939, %swap3A_940], %add3A_936 {strides = array<i32>} : memref<16x1024xf32, #tpu.memory_space<vmem>>, vector<16xf32>,
      %scan3A_942 = arith.constant 0 : i32
      scf.yield %scan3A_942 : i32
    }
    %scan3A_800 = arith.constant 64 : i32
    %slice3A_801 = vector.extract_strided_slice %get3A_707 {offsets = [7], sizes = [1], strides = [1]} : vector<16xf32> to vector<1xf32>
    %squeeze3A_802 = vector.extract %slice3A_801[0] : f32 from vector<1xf32>
    %broadcast_in_dim3A_803 = vector.broadcast %squeeze3A_802 : f32 to vector<16xf32>
    %slice3A_804 = vector.extract_strided_slice %get3A_709 {offsets = [7], sizes = [1], strides = [1]} : vector<16xf32> to vector<1xf32>
    %squeeze3A_805 = vector.extract %slice3A_804[0] : f32 from vector<1xf32>
    %broadcast_in_dim3A_806 = vector.broadcast %squeeze3A_805 : f32 to vector<16xf32>
    %scan3A_807 = arith.constant 0 : i32
    %scan3A_808 = arith.constant 0 : i32
    %scan3A_809 = arith.constant 64 : i32
    %scan3A_810 = arith.addi %scan3A_808, %scan3A_809 : i32
    %scan3A_811 = arith.constant 1 : i32
    %scan3A_812 = scf.for %scan3A_920 = %scan3A_808 to %scan3A_810 step %scan3A_811 iter_args(%scan3A_921 = %scan3A_807) -> (i32)  : i32 {
      %mul3A_922 = arith.constant 16 : i32
      %mul3A_923 = arith.muli %scan3A_920, %mul3A_922 : i32
      %get3A_924 = arith.constant 7 : i32
      %get3A_925 = arith.index_cast %get3A_924 : i32 to index
      %get3A_926 = arith.index_cast %mul3A_923 : i32 to index
      %get3A_927 = tpu.vector_load %arg12[%get3A_925, %get3A_926] {strides = array<i32>} : memref<16x1024xf32, #tpu.memory_space<vmem>>, vector<16xf32>,
      %mul3A_928 = arith.mulf %broadcast_in_dim3A_803, %get3A_927 : vector<16xf32>
      %mul3A_929 = arith.constant 16 : i32
      %mul3A_930 = arith.muli %scan3A_920, %mul3A_929 : i32
      %get3A_931 = arith.constant 7 : i32
      %get3A_932 = arith.index_cast %get3A_931 : i32 to index
      %get3A_933 = arith.index_cast %mul3A_930 : i32 to index
      %get3A_934 = tpu.vector_load %arg13[%get3A_932, %get3A_933] {strides = array<i32>} : memref<16x1024xf32, #tpu.memory_space<vmem>>, vector<16xf32>,
      %mul3A_935 = arith.mulf %broadcast_in_dim3A_806, %get3A_934 : vector<16xf32>
      %add3A_936 = arith.addf %mul3A_928, %mul3A_935 : vector<16xf32>
      %mul3A_937 = arith.constant 16 : i32
      %mul3A_938 = arith.muli %scan3A_920, %mul3A_937 : i32
      %swap3A = arith.constant 7 : i32
      %swap3A_939 = arith.index_cast %swap3A : i32 to index
      %swap3A_940 = arith.index_cast %mul3A_938 : i32 to index
      %swap3A_941 = tpu.vector_load %arg14[%swap3A_939, %swap3A_940] {strides = array<i32>} : memref<16x1024xf32, #tpu.memory_space<vmem>>, vector<16xf32>,
      tpu.vector_store %arg14[%swap3A_939, %swap3A_940], %add3A_936 {strides = array<i32>} : memref<16x1024xf32, #tpu.memory_space<vmem>>, vector<16xf32>,
      %scan3A_942 = arith.constant 0 : i32
      scf.yield %scan3A_942 : i32
    }
    %scan3A_813 = arith.constant 64 : i32
    %slice3A_814 = vector.extract_strided_slice %get3A_707 {offsets = [8], sizes = [1], strides = [1]} : vector<16xf32> to vector<1xf32>
    %squeeze3A_815 = vector.extract %slice3A_814[0] : f32 from vector<1xf32>
    %broadcast_in_dim3A_816 = vector.broadcast %squeeze3A_815 : f32 to vector<16xf32>
    %slice3A_817 = vector.extract_strided_slice %get3A_709 {offsets = [8], sizes = [1], strides = [1]} : vector<16xf32> to vector<1xf32>
    %squeeze3A_818 = vector.extract %slice3A_817[0] : f32 from vector<1xf32>
    %broadcast_in_dim3A_819 = vector.broadcast %squeeze3A_818 : f32 to vector<16xf32>
    %scan3A_820 = arith.constant 0 : i32
    %scan3A_821 = arith.constant 0 : i32
    %scan3A_822 = arith.constant 64 : i32
    %scan3A_823 = arith.addi %scan3A_821, %scan3A_822 : i32
    %scan3A_824 = arith.constant 1 : i32
    %scan3A_825 = scf.for %scan3A_920 = %scan3A_821 to %scan3A_823 step %scan3A_824 iter_args(%scan3A_921 = %scan3A_820) -> (i32)  : i32 {
      %mul3A_922 = arith.constant 16 : i32
      %mul3A_923 = arith.muli %scan3A_920, %mul3A_922 : i32
      %get3A_924 = arith.constant 8 : i32
      %get3A_925 = arith.index_cast %get3A_924 : i32 to index
      %get3A_926 = arith.index_cast %mul3A_923 : i32 to index
      %get3A_927 = tpu.vector_load %arg12[%get3A_925, %get3A_926] {strides = array<i32>} : memref<16x1024xf32, #tpu.memory_space<vmem>>, vector<16xf32>,
      %mul3A_928 = arith.mulf %broadcast_in_dim3A_816, %get3A_927 : vector<16xf32>
      %mul3A_929 = arith.constant 16 : i32
      %mul3A_930 = arith.muli %scan3A_920, %mul3A_929 : i32
      %get3A_931 = arith.constant 8 : i32
      %get3A_932 = arith.index_cast %get3A_931 : i32 to index
      %get3A_933 = arith.index_cast %mul3A_930 : i32 to index
      %get3A_934 = tpu.vector_load %arg13[%get3A_932, %get3A_933] {strides = array<i32>} : memref<16x1024xf32, #tpu.memory_space<vmem>>, vector<16xf32>,
      %mul3A_935 = arith.mulf %broadcast_in_dim3A_819, %get3A_934 : vector<16xf32>
      %add3A_936 = arith.addf %mul3A_928, %mul3A_935 : vector<16xf32>
      %mul3A_937 = arith.constant 16 : i32
      %mul3A_938 = arith.muli %scan3A_920, %mul3A_937 : i32
      %swap3A = arith.constant 8 : i32
      %swap3A_939 = arith.index_cast %swap3A : i32 to index
      %swap3A_940 = arith.index_cast %mul3A_938 : i32 to index
      %swap3A_941 = tpu.vector_load %arg14[%swap3A_939, %swap3A_940] {strides = array<i32>} : memref<16x1024xf32, #tpu.memory_space<vmem>>, vector<16xf32>,
      tpu.vector_store %arg14[%swap3A_939, %swap3A_940], %add3A_936 {strides = array<i32>} : memref<16x1024xf32, #tpu.memory_space<vmem>>, vector<16xf32>,
      %scan3A_942 = arith.constant 0 : i32
      scf.yield %scan3A_942 : i32
    }
    %scan3A_826 = arith.constant 64 : i32
    %slice3A_827 = vector.extract_strided_slice %get3A_707 {offsets = [9], sizes = [1], strides = [1]} : vector<16xf32> to vector<1xf32>
    %squeeze3A_828 = vector.extract %slice3A_827[0] : f32 from vector<1xf32>
    %broadcast_in_dim3A_829 = vector.broadcast %squeeze3A_828 : f32 to vector<16xf32>
    %slice3A_830 = vector.extract_strided_slice %get3A_709 {offsets = [9], sizes = [1], strides = [1]} : vector<16xf32> to vector<1xf32>
    %squeeze3A_831 = vector.extract %slice3A_830[0] : f32 from vector<1xf32>
    %broadcast_in_dim3A_832 = vector.broadcast %squeeze3A_831 : f32 to vector<16xf32>
    %scan3A_833 = arith.constant 0 : i32
    %scan3A_834 = arith.constant 0 : i32
    %scan3A_835 = arith.constant 64 : i32
    %scan3A_836 = arith.addi %scan3A_834, %scan3A_835 : i32
    %scan3A_837 = arith.constant 1 : i32
    %scan3A_838 = scf.for %scan3A_920 = %scan3A_834 to %scan3A_836 step %scan3A_837 iter_args(%scan3A_921 = %scan3A_833) -> (i32)  : i32 {
      %mul3A_922 = arith.constant 16 : i32
      %mul3A_923 = arith.muli %scan3A_920, %mul3A_922 : i32
      %get3A_924 = arith.constant 9 : i32
      %get3A_925 = arith.index_cast %get3A_924 : i32 to index
      %get3A_926 = arith.index_cast %mul3A_923 : i32 to index
      %get3A_927 = tpu.vector_load %arg12[%get3A_925, %get3A_926] {strides = array<i32>} : memref<16x1024xf32, #tpu.memory_space<vmem>>, vector<16xf32>,
      %mul3A_928 = arith.mulf %broadcast_in_dim3A_829, %get3A_927 : vector<16xf32>
      %mul3A_929 = arith.constant 16 : i32
      %mul3A_930 = arith.muli %scan3A_920, %mul3A_929 : i32
      %get3A_931 = arith.constant 9 : i32
      %get3A_932 = arith.index_cast %get3A_931 : i32 to index
      %get3A_933 = arith.index_cast %mul3A_930 : i32 to index
      %get3A_934 = tpu.vector_load %arg13[%get3A_932, %get3A_933] {strides = array<i32>} : memref<16x1024xf32, #tpu.memory_space<vmem>>, vector<16xf32>,
      %mul3A_935 = arith.mulf %broadcast_in_dim3A_832, %get3A_934 : vector<16xf32>
      %add3A_936 = arith.addf %mul3A_928, %mul3A_935 : vector<16xf32>
      %mul3A_937 = arith.constant 16 : i32
      %mul3A_938 = arith.muli %scan3A_920, %mul3A_937 : i32
      %swap3A = arith.constant 9 : i32
      %swap3A_939 = arith.index_cast %swap3A : i32 to index
      %swap3A_940 = arith.index_cast %mul3A_938 : i32 to index
      %swap3A_941 = tpu.vector_load %arg14[%swap3A_939, %swap3A_940] {strides = array<i32>} : memref<16x1024xf32, #tpu.memory_space<vmem>>, vector<16xf32>,
      tpu.vector_store %arg14[%swap3A_939, %swap3A_940], %add3A_936 {strides = array<i32>} : memref<16x1024xf32, #tpu.memory_space<vmem>>, vector<16xf32>,
      %scan3A_942 = arith.constant 0 : i32
      scf.yield %scan3A_942 : i32
    }
    %scan3A_839 = arith.constant 64 : i32
    %slice3A_840 = vector.extract_strided_slice %get3A_707 {offsets = [10], sizes = [1], strides = [1]} : vector<16xf32> to vector<1xf32>
    %squeeze3A_841 = vector.extract %slice3A_840[0] : f32 from vector<1xf32>
    %broadcast_in_dim3A_842 = vector.broadcast %squeeze3A_841 : f32 to vector<16xf32>
    %slice3A_843 = vector.extract_strided_slice %get3A_709 {offsets = [10], sizes = [1], strides = [1]} : vector<16xf32> to vector<1xf32>
    %squeeze3A_844 = vector.extract %slice3A_843[0] : f32 from vector<1xf32>
    %broadcast_in_dim3A_845 = vector.broadcast %squeeze3A_844 : f32 to vector<16xf32>
    %scan3A_846 = arith.constant 0 : i32
    %scan3A_847 = arith.constant 0 : i32
    %scan3A_848 = arith.constant 64 : i32
    %scan3A_849 = arith.addi %scan3A_847, %scan3A_848 : i32
    %scan3A_850 = arith.constant 1 : i32
    %scan3A_851 = scf.for %scan3A_920 = %scan3A_847 to %scan3A_849 step %scan3A_850 iter_args(%scan3A_921 = %scan3A_846) -> (i32)  : i32 {
      %mul3A_922 = arith.constant 16 : i32
      %mul3A_923 = arith.muli %scan3A_920, %mul3A_922 : i32
      %get3A_924 = arith.constant 10 : i32
      %get3A_925 = arith.index_cast %get3A_924 : i32 to index
      %get3A_926 = arith.index_cast %mul3A_923 : i32 to index
      %get3A_927 = tpu.vector_load %arg12[%get3A_925, %get3A_926] {strides = array<i32>} : memref<16x1024xf32, #tpu.memory_space<vmem>>, vector<16xf32>,
      %mul3A_928 = arith.mulf %broadcast_in_dim3A_842, %get3A_927 : vector<16xf32>
      %mul3A_929 = arith.constant 16 : i32
      %mul3A_930 = arith.muli %scan3A_920, %mul3A_929 : i32
      %get3A_931 = arith.constant 10 : i32
      %get3A_932 = arith.index_cast %get3A_931 : i32 to index
      %get3A_933 = arith.index_cast %mul3A_930 : i32 to index
      %get3A_934 = tpu.vector_load %arg13[%get3A_932, %get3A_933] {strides = array<i32>} : memref<16x1024xf32, #tpu.memory_space<vmem>>, vector<16xf32>,
      %mul3A_935 = arith.mulf %broadcast_in_dim3A_845, %get3A_934 : vector<16xf32>
      %add3A_936 = arith.addf %mul3A_928, %mul3A_935 : vector<16xf32>
      %mul3A_937 = arith.constant 16 : i32
      %mul3A_938 = arith.muli %scan3A_920, %mul3A_937 : i32
      %swap3A = arith.constant 10 : i32
      %swap3A_939 = arith.index_cast %swap3A : i32 to index
      %swap3A_940 = arith.index_cast %mul3A_938 : i32 to index
      %swap3A_941 = tpu.vector_load %arg14[%swap3A_939, %swap3A_940] {strides = array<i32>} : memref<16x1024xf32, #tpu.memory_space<vmem>>, vector<16xf32>,
      tpu.vector_store %arg14[%swap3A_939, %swap3A_940], %add3A_936 {strides = array<i32>} : memref<16x1024xf32, #tpu.memory_space<vmem>>, vector<16xf32>,
      %scan3A_942 = arith.constant 0 : i32
      scf.yield %scan3A_942 : i32
    }
    %scan3A_852 = arith.constant 64 : i32
    %slice3A_853 = vector.extract_strided_slice %get3A_707 {offsets = [11], sizes = [1], strides = [1]} : vector<16xf32> to vector<1xf32>
    %squeeze3A_854 = vector.extract %slice3A_853[0] : f32 from vector<1xf32>
    %broadcast_in_dim3A_855 = vector.broadcast %squeeze3A_854 : f32 to vector<16xf32>
    %slice3A_856 = vector.extract_strided_slice %get3A_709 {offsets = [11], sizes = [1], strides = [1]} : vector<16xf32> to vector<1xf32>
    %squeeze3A_857 = vector.extract %slice3A_856[0] : f32 from vector<1xf32>
    %broadcast_in_dim3A_858 = vector.broadcast %squeeze3A_857 : f32 to vector<16xf32>
    %scan3A_859 = arith.constant 0 : i32
    %scan3A_860 = arith.constant 0 : i32
    %scan3A_861 = arith.constant 64 : i32
    %scan3A_862 = arith.addi %scan3A_860, %scan3A_861 : i32
    %scan3A_863 = arith.constant 1 : i32
    %scan3A_864 = scf.for %scan3A_920 = %scan3A_860 to %scan3A_862 step %scan3A_863 iter_args(%scan3A_921 = %scan3A_859) -> (i32)  : i32 {
      %mul3A_922 = arith.constant 16 : i32
      %mul3A_923 = arith.muli %scan3A_920, %mul3A_922 : i32
      %get3A_924 = arith.constant 11 : i32
      %get3A_925 = arith.index_cast %get3A_924 : i32 to index
      %get3A_926 = arith.index_cast %mul3A_923 : i32 to index
      %get3A_927 = tpu.vector_load %arg12[%get3A_925, %get3A_926] {strides = array<i32>} : memref<16x1024xf32, #tpu.memory_space<vmem>>, vector<16xf32>,
      %mul3A_928 = arith.mulf %broadcast_in_dim3A_855, %get3A_927 : vector<16xf32>
      %mul3A_929 = arith.constant 16 : i32
      %mul3A_930 = arith.muli %scan3A_920, %mul3A_929 : i32
      %get3A_931 = arith.constant 11 : i32
      %get3A_932 = arith.index_cast %get3A_931 : i32 to index
      %get3A_933 = arith.index_cast %mul3A_930 : i32 to index
      %get3A_934 = tpu.vector_load %arg13[%get3A_932, %get3A_933] {strides = array<i32>} : memref<16x1024xf32, #tpu.memory_space<vmem>>, vector<16xf32>,
      %mul3A_935 = arith.mulf %broadcast_in_dim3A_858, %get3A_934 : vector<16xf32>
      %add3A_936 = arith.addf %mul3A_928, %mul3A_935 : vector<16xf32>
      %mul3A_937 = arith.constant 16 : i32
      %mul3A_938 = arith.muli %scan3A_920, %mul3A_937 : i32
      %swap3A = arith.constant 11 : i32
      %swap3A_939 = arith.index_cast %swap3A : i32 to index
      %swap3A_940 = arith.index_cast %mul3A_938 : i32 to index
      %swap3A_941 = tpu.vector_load %arg14[%swap3A_939, %swap3A_940] {strides = array<i32>} : memref<16x1024xf32, #tpu.memory_space<vmem>>, vector<16xf32>,
      tpu.vector_store %arg14[%swap3A_939, %swap3A_940], %add3A_936 {strides = array<i32>} : memref<16x1024xf32, #tpu.memory_space<vmem>>, vector<16xf32>,
      %scan3A_942 = arith.constant 0 : i32
      scf.yield %scan3A_942 : i32
    }
    %scan3A_865 = arith.constant 64 : i32
    %slice3A_866 = vector.extract_strided_slice %get3A_707 {offsets = [12], sizes = [1], strides = [1]} : vector<16xf32> to vector<1xf32>
    %squeeze3A_867 = vector.extract %slice3A_866[0] : f32 from vector<1xf32>
    %broadcast_in_dim3A_868 = vector.broadcast %squeeze3A_867 : f32 to vector<16xf32>
    %slice3A_869 = vector.extract_strided_slice %get3A_709 {offsets = [12], sizes = [1], strides = [1]} : vector<16xf32> to vector<1xf32>
    %squeeze3A_870 = vector.extract %slice3A_869[0] : f32 from vector<1xf32>
    %broadcast_in_dim3A_871 = vector.broadcast %squeeze3A_870 : f32 to vector<16xf32>
    %scan3A_872 = arith.constant 0 : i32
    %scan3A_873 = arith.constant 0 : i32
    %scan3A_874 = arith.constant 64 : i32
    %scan3A_875 = arith.addi %scan3A_873, %scan3A_874 : i32
    %scan3A_876 = arith.constant 1 : i32
    %scan3A_877 = scf.for %scan3A_920 = %scan3A_873 to %scan3A_875 step %scan3A_876 iter_args(%scan3A_921 = %scan3A_872) -> (i32)  : i32 {
      %mul3A_922 = arith.constant 16 : i32
      %mul3A_923 = arith.muli %scan3A_920, %mul3A_922 : i32
      %get3A_924 = arith.constant 12 : i32
      %get3A_925 = arith.index_cast %get3A_924 : i32 to index
      %get3A_926 = arith.index_cast %mul3A_923 : i32 to index
      %get3A_927 = tpu.vector_load %arg12[%get3A_925, %get3A_926] {strides = array<i32>} : memref<16x1024xf32, #tpu.memory_space<vmem>>, vector<16xf32>,
      %mul3A_928 = arith.mulf %broadcast_in_dim3A_868, %get3A_927 : vector<16xf32>
      %mul3A_929 = arith.constant 16 : i32
      %mul3A_930 = arith.muli %scan3A_920, %mul3A_929 : i32
      %get3A_931 = arith.constant 12 : i32
      %get3A_932 = arith.index_cast %get3A_931 : i32 to index
      %get3A_933 = arith.index_cast %mul3A_930 : i32 to index
      %get3A_934 = tpu.vector_load %arg13[%get3A_932, %get3A_933] {strides = array<i32>} : memref<16x1024xf32, #tpu.memory_space<vmem>>, vector<16xf32>,
      %mul3A_935 = arith.mulf %broadcast_in_dim3A_871, %get3A_934 : vector<16xf32>
      %add3A_936 = arith.addf %mul3A_928, %mul3A_935 : vector<16xf32>
      %mul3A_937 = arith.constant 16 : i32
      %mul3A_938 = arith.muli %scan3A_920, %mul3A_937 : i32
      %swap3A = arith.constant 12 : i32
      %swap3A_939 = arith.index_cast %swap3A : i32 to index
      %swap3A_940 = arith.index_cast %mul3A_938 : i32 to index
      %swap3A_941 = tpu.vector_load %arg14[%swap3A_939, %swap3A_940] {strides = array<i32>} : memref<16x1024xf32, #tpu.memory_space<vmem>>, vector<16xf32>,
      tpu.vector_store %arg14[%swap3A_939, %swap3A_940], %add3A_936 {strides = array<i32>} : memref<16x1024xf32, #tpu.memory_space<vmem>>, vector<16xf32>,
      %scan3A_942 = arith.constant 0 : i32
      scf.yield %scan3A_942 : i32
    }
    %scan3A_878 = arith.constant 64 : i32
    %slice3A_879 = vector.extract_strided_slice %get3A_707 {offsets = [13], sizes = [1], strides = [1]} : vector<16xf32> to vector<1xf32>
    %squeeze3A_880 = vector.extract %slice3A_879[0] : f32 from vector<1xf32>
    %broadcast_in_dim3A_881 = vector.broadcast %squeeze3A_880 : f32 to vector<16xf32>
    %slice3A_882 = vector.extract_strided_slice %get3A_709 {offsets = [13], sizes = [1], strides = [1]} : vector<16xf32> to vector<1xf32>
    %squeeze3A_883 = vector.extract %slice3A_882[0] : f32 from vector<1xf32>
    %broadcast_in_dim3A_884 = vector.broadcast %squeeze3A_883 : f32 to vector<16xf32>
    %scan3A_885 = arith.constant 0 : i32
    %scan3A_886 = arith.constant 0 : i32
    %scan3A_887 = arith.constant 64 : i32
    %scan3A_888 = arith.addi %scan3A_886, %scan3A_887 : i32
    %scan3A_889 = arith.constant 1 : i32
    %scan3A_890 = scf.for %scan3A_920 = %scan3A_886 to %scan3A_888 step %scan3A_889 iter_args(%scan3A_921 = %scan3A_885) -> (i32)  : i32 {
      %mul3A_922 = arith.constant 16 : i32
      %mul3A_923 = arith.muli %scan3A_920, %mul3A_922 : i32
      %get3A_924 = arith.constant 13 : i32
      %get3A_925 = arith.index_cast %get3A_924 : i32 to index
      %get3A_926 = arith.index_cast %mul3A_923 : i32 to index
      %get3A_927 = tpu.vector_load %arg12[%get3A_925, %get3A_926] {strides = array<i32>} : memref<16x1024xf32, #tpu.memory_space<vmem>>, vector<16xf32>,
      %mul3A_928 = arith.mulf %broadcast_in_dim3A_881, %get3A_927 : vector<16xf32>
      %mul3A_929 = arith.constant 16 : i32
      %mul3A_930 = arith.muli %scan3A_920, %mul3A_929 : i32
      %get3A_931 = arith.constant 13 : i32
      %get3A_932 = arith.index_cast %get3A_931 : i32 to index
      %get3A_933 = arith.index_cast %mul3A_930 : i32 to index
      %get3A_934 = tpu.vector_load %arg13[%get3A_932, %get3A_933] {strides = array<i32>} : memref<16x1024xf32, #tpu.memory_space<vmem>>, vector<16xf32>,
      %mul3A_935 = arith.mulf %broadcast_in_dim3A_884, %get3A_934 : vector<16xf32>
      %add3A_936 = arith.addf %mul3A_928, %mul3A_935 : vector<16xf32>
      %mul3A_937 = arith.constant 16 : i32
      %mul3A_938 = arith.muli %scan3A_920, %mul3A_937 : i32
      %swap3A = arith.constant 13 : i32
      %swap3A_939 = arith.index_cast %swap3A : i32 to index
      %swap3A_940 = arith.index_cast %mul3A_938 : i32 to index
      %swap3A_941 = tpu.vector_load %arg14[%swap3A_939, %swap3A_940] {strides = array<i32>} : memref<16x1024xf32, #tpu.memory_space<vmem>>, vector<16xf32>,
      tpu.vector_store %arg14[%swap3A_939, %swap3A_940], %add3A_936 {strides = array<i32>} : memref<16x1024xf32, #tpu.memory_space<vmem>>, vector<16xf32>,
      %scan3A_942 = arith.constant 0 : i32
      scf.yield %scan3A_942 : i32
    }
    %scan3A_891 = arith.constant 64 : i32
    %slice3A_892 = vector.extract_strided_slice %get3A_707 {offsets = [14], sizes = [1], strides = [1]} : vector<16xf32> to vector<1xf32>
    %squeeze3A_893 = vector.extract %slice3A_892[0] : f32 from vector<1xf32>
    %broadcast_in_dim3A_894 = vector.broadcast %squeeze3A_893 : f32 to vector<16xf32>
    %slice3A_895 = vector.extract_strided_slice %get3A_709 {offsets = [14], sizes = [1], strides = [1]} : vector<16xf32> to vector<1xf32>
    %squeeze3A_896 = vector.extract %slice3A_895[0] : f32 from vector<1xf32>
    %broadcast_in_dim3A_897 = vector.broadcast %squeeze3A_896 : f32 to vector<16xf32>
    %scan3A_898 = arith.constant 0 : i32
    %scan3A_899 = arith.constant 0 : i32
    %scan3A_900 = arith.constant 64 : i32
    %scan3A_901 = arith.addi %scan3A_899, %scan3A_900 : i32
    %scan3A_902 = arith.constant 1 : i32
    %scan3A_903 = scf.for %scan3A_920 = %scan3A_899 to %scan3A_901 step %scan3A_902 iter_args(%scan3A_921 = %scan3A_898) -> (i32)  : i32 {
      %mul3A_922 = arith.constant 16 : i32
      %mul3A_923 = arith.muli %scan3A_920, %mul3A_922 : i32
      %get3A_924 = arith.constant 14 : i32
      %get3A_925 = arith.index_cast %get3A_924 : i32 to index
      %get3A_926 = arith.index_cast %mul3A_923 : i32 to index
      %get3A_927 = tpu.vector_load %arg12[%get3A_925, %get3A_926] {strides = array<i32>} : memref<16x1024xf32, #tpu.memory_space<vmem>>, vector<16xf32>,
      %mul3A_928 = arith.mulf %broadcast_in_dim3A_894, %get3A_927 : vector<16xf32>
      %mul3A_929 = arith.constant 16 : i32
      %mul3A_930 = arith.muli %scan3A_920, %mul3A_929 : i32
      %get3A_931 = arith.constant 14 : i32
      %get3A_932 = arith.index_cast %get3A_931 : i32 to index
      %get3A_933 = arith.index_cast %mul3A_930 : i32 to index
      %get3A_934 = tpu.vector_load %arg13[%get3A_932, %get3A_933] {strides = array<i32>} : memref<16x1024xf32, #tpu.memory_space<vmem>>, vector<16xf32>,
      %mul3A_935 = arith.mulf %broadcast_in_dim3A_897, %get3A_934 : vector<16xf32>
      %add3A_936 = arith.addf %mul3A_928, %mul3A_935 : vector<16xf32>
      %mul3A_937 = arith.constant 16 : i32
      %mul3A_938 = arith.muli %scan3A_920, %mul3A_937 : i32
      %swap3A = arith.constant 14 : i32
      %swap3A_939 = arith.index_cast %swap3A : i32 to index
      %swap3A_940 = arith.index_cast %mul3A_938 : i32 to index
      %swap3A_941 = tpu.vector_load %arg14[%swap3A_939, %swap3A_940] {strides = array<i32>} : memref<16x1024xf32, #tpu.memory_space<vmem>>, vector<16xf32>,
      tpu.vector_store %arg14[%swap3A_939, %swap3A_940], %add3A_936 {strides = array<i32>} : memref<16x1024xf32, #tpu.memory_space<vmem>>, vector<16xf32>,
      %scan3A_942 = arith.constant 0 : i32
      scf.yield %scan3A_942 : i32
    }
    %scan3A_904 = arith.constant 64 : i32
    %slice3A_905 = vector.extract_strided_slice %get3A_707 {offsets = [15], sizes = [1], strides = [1]} : vector<16xf32> to vector<1xf32>
    %squeeze3A_906 = vector.extract %slice3A_905[0] : f32 from vector<1xf32>
    %broadcast_in_dim3A_907 = vector.broadcast %squeeze3A_906 : f32 to vector<16xf32>
    %slice3A_908 = vector.extract_strided_slice %get3A_709 {offsets = [15], sizes = [1], strides = [1]} : vector<16xf32> to vector<1xf32>
    %squeeze3A_909 = vector.extract %slice3A_908[0] : f32 from vector<1xf32>
    %broadcast_in_dim3A_910 = vector.broadcast %squeeze3A_909 : f32 to vector<16xf32>
    %scan3A_911 = arith.constant 0 : i32
    %scan3A_912 = arith.constant 0 : i32
    %scan3A_913 = arith.constant 64 : i32
    %scan3A_914 = arith.addi %scan3A_912, %scan3A_913 : i32
    %scan3A_915 = arith.constant 1 : i32
    %scan3A_916 = scf.for %scan3A_920 = %scan3A_912 to %scan3A_914 step %scan3A_915 iter_args(%scan3A_921 = %scan3A_911) -> (i32)  : i32 {
      %mul3A_922 = arith.constant 16 : i32
      %mul3A_923 = arith.muli %scan3A_920, %mul3A_922 : i32
      %get3A_924 = arith.constant 15 : i32
      %get3A_925 = arith.index_cast %get3A_924 : i32 to index
      %get3A_926 = arith.index_cast %mul3A_923 : i32 to index
      %get3A_927 = tpu.vector_load %arg12[%get3A_925, %get3A_926] {strides = array<i32>} : memref<16x1024xf32, #tpu.memory_space<vmem>>, vector<16xf32>,
      %mul3A_928 = arith.mulf %broadcast_in_dim3A_907, %get3A_927 : vector<16xf32>
      %mul3A_929 = arith.constant 16 : i32
      %mul3A_930 = arith.muli %scan3A_920, %mul3A_929 : i32
      %get3A_931 = arith.constant 15 : i32
      %get3A_932 = arith.index_cast %get3A_931 : i32 to index
      %get3A_933 = arith.index_cast %mul3A_930 : i32 to index
      %get3A_934 = tpu.vector_load %arg13[%get3A_932, %get3A_933] {strides = array<i32>} : memref<16x1024xf32, #tpu.memory_space<vmem>>, vector<16xf32>,
      %mul3A_935 = arith.mulf %broadcast_in_dim3A_910, %get3A_934 : vector<16xf32>
      %add3A_936 = arith.addf %mul3A_928, %mul3A_935 : vector<16xf32>
      %mul3A_937 = arith.constant 16 : i32
      %mul3A_938 = arith.muli %scan3A_920, %mul3A_937 : i32
      %swap3A = arith.constant 15 : i32
      %swap3A_939 = arith.index_cast %swap3A : i32 to index
      %swap3A_940 = arith.index_cast %mul3A_938 : i32 to index
      %swap3A_941 = tpu.vector_load %arg14[%swap3A_939, %swap3A_940] {strides = array<i32>} : memref<16x1024xf32, #tpu.memory_space<vmem>>, vector<16xf32>,
      tpu.vector_store %arg14[%swap3A_939, %swap3A_940], %add3A_936 {strides = array<i32>} : memref<16x1024xf32, #tpu.memory_space<vmem>>, vector<16xf32>,
      %scan3A_942 = arith.constant 0 : i32
      scf.yield %scan3A_942 : i32
    }
    %scan3A_917 = arith.constant 64 : i32
    %add3A_918 = arith.constant 48 : i32
    %add3A_919 = arith.addi %mul3A_2, %add3A_918 : i32
    "tpu.region"() ({
      %run_scoped3A = tpu.sem_alloc : memref<!tpu.dma_semaphore, #tpu.memory_space<semaphore_mem>>
      %dma_start3A_920 = arith.constant 0 : i32
      %dma_start3A_921 = tpu.memref_slice %arg5[%add3A_919, %dma_start3A_920] : memref<2048x1024xf32, #tpu.memory_space<hbm>> -> memref<16x1024xf32, #tpu.memory_space<hbm>>
      %dma_start3A_922 = arith.constant 0 : i32
      %dma_start3A_923 = tpu.memref_slice %arg5[%add3A_919, %dma_start3A_922] : memref<2048x1024xf32, #tpu.memory_space<hbm>> -> memref<16x1024xf32, #tpu.memory_space<hbm>>
      tpu.enqueue_dma source(%arg14 : memref<16x1024xf32, #tpu.memory_space<vmem>>) target(%dma_start3A_923 : memref<16x1024xf32, #tpu.memory_space<hbm>>) target_semaphore(%run_scoped3A : memref<!tpu.dma_semaphore, #tpu.memory_space<semaphore_mem>>)
      %dma_wait3A_924 = arith.constant 0 : i32
      %dma_wait3A_925 = tpu.memref_slice %arg5[%add3A_919, %dma_wait3A_924] : memref<2048x1024xf32, #tpu.memory_space<hbm>> -> memref<16x1024xf32, #tpu.memory_space<hbm>>
      %dma_wait3A_926 = arith.constant 0 : i32
      %dma_wait3A_927 = tpu.memref_slice %arg5[%add3A_919, %dma_wait3A_926] : memref<2048x1024xf32, #tpu.memory_space<hbm>> -> memref<16x1024xf32, #tpu.memory_space<hbm>>
      tpu.wait_dma2 semaphore(%run_scoped3A : memref<!tpu.dma_semaphore, #tpu.memory_space<semaphore_mem>>) src(%arg14 : memref<16x1024xf32, #tpu.memory_space<vmem>>) dst(%dma_wait3A_927 : memref<16x1024xf32, #tpu.memory_space<hbm>>)
      tpu.yield
    }) : () -> ()
    return
  }
}

#map = affine_map<(d0, d1) -> (0, 0)>
#map1 = affine_map<(d0, d1) -> (0)>
module attributes {stable_mosaic.version = 14 : i64} {
  func.func @_dispatch_body(%arg0: i32, %arg1: i32, %arg2: memref<2048x1024xf32, #tpu.memory_space<hbm>>, %arg3: memref<4096xi32, #tpu.memory_space<hbm>>, %arg4: memref<7680x1024xf32, #tpu.memory_space<hbm>>, %arg5: memref<128xi32, #tpu.memory_space<vmem>>, %arg6: memref<16x1024xf32, #tpu.memory_space<vmem>>, %arg7: memref<16x1024xf32, #tpu.memory_space<vmem>>, %arg8: memref<!tpu.dma_semaphore, #tpu.memory_space<semaphore_mem>>, %arg9: memref<!tpu.dma_semaphore, #tpu.memory_space<semaphore_mem>>, %arg10: memref<!tpu.dma_semaphore, #tpu.memory_space<semaphore_mem>>, %arg11: memref<!tpu.dma_semaphore, #tpu.memory_space<semaphore_mem>>) attributes {dimension_semantics = [#tpu.dimension_semantics<core_parallel>, #tpu.dimension_semantics<subcore_parallel>], iteration_bounds = array<i64: 2, 16>, scalar_prefetch = 0 : i64, scratch_operands = 7 : i64, tpu.core_type = #tpu.core_type<sc_vector_subcore>, window_params = [{transform_indices = #map}, {transform_indices = #map1}, {transform_indices = #map}]} {
    %mul3A = arith.constant 2 : i32
    %mul3A_0 = arith.muli %arg1, %mul3A : i32
    %add3A = arith.addi %mul3A_0, %arg0 : i32
    %mul3A_1 = arith.constant 128 : i32
    %mul3A_2 = arith.muli %add3A, %mul3A_1 : i32
    %jit3A = arith.constant 16 : i32
    %eq3A = arith.constant 0 : i32
    %eq3A_3 = arith.cmpi eq, %jit3A, %eq3A : i32
    %jit3A_4 = arith.constant 1 : i32
    %select_n3A = arith.select %eq3A_3, %jit3A_4, %jit3A : i32
    %rem3A = arith.remsi %add3A, %select_n3A : i32
    %ne3A = arith.constant 0 : i32
    %ne3A_5 = arith.cmpi ne, %rem3A, %ne3A : i32
    %lt3A = arith.constant 0 : i32
    %lt3A_6 = arith.cmpi slt, %rem3A, %lt3A : i32
    %lt3A_7 = arith.constant 0 : i32
    %lt3A_8 = arith.cmpi slt, %select_n3A, %lt3A_7 : i32
    %ne3A_9 = arith.xori %lt3A_6, %lt3A_8 : i1
    %and3A = arith.andi %ne3A_9, %ne3A_5 : i1
    %add3A_10 = arith.addi %rem3A, %select_n3A : i32
    %select_n3A_11 = arith.select %and3A, %add3A_10, %rem3A : i32
    %mul3A_12 = arith.constant 128 : i32
    %mul3A_13 = arith.muli %select_n3A_11, %mul3A_12 : i32
    "tpu.region"() ({
      %run_scoped3A = tpu.sem_alloc : memref<!tpu.dma_semaphore, #tpu.memory_space<semaphore_mem>>
      %dma_start3A_155 = tpu.memref_slice %arg3[%mul3A_2] : memref<4096xi32, #tpu.memory_space<hbm>> -> memref<128xi32, #tpu.memory_space<hbm>>
      %dma_start3A_156 = tpu.memref_slice %arg3[%mul3A_2] : memref<4096xi32, #tpu.memory_space<hbm>> -> memref<128xi32, #tpu.memory_space<hbm>>
      tpu.enqueue_dma source(%dma_start3A_156 : memref<128xi32, #tpu.memory_space<hbm>>) target(%arg5 : memref<128xi32, #tpu.memory_space<vmem>>) target_semaphore(%run_scoped3A : memref<!tpu.dma_semaphore, #tpu.memory_space<semaphore_mem>>)
      %dma_wait3A_157 = tpu.memref_slice %arg3[%mul3A_2] : memref<4096xi32, #tpu.memory_space<hbm>> -> memref<128xi32, #tpu.memory_space<hbm>>
      %dma_wait3A_158 = tpu.memref_slice %arg3[%mul3A_2] : memref<4096xi32, #tpu.memory_space<hbm>> -> memref<128xi32, #tpu.memory_space<hbm>>
      tpu.wait_dma2 semaphore(%run_scoped3A : memref<!tpu.dma_semaphore, #tpu.memory_space<semaphore_mem>>) src(%dma_wait3A_158 : memref<128xi32, #tpu.memory_space<hbm>>) dst(%arg5 : memref<128xi32, #tpu.memory_space<vmem>>)
      tpu.yield
    }) : () -> ()
    %add3A_14 = arith.constant 0 : i32
    %add3A_15 = arith.addi %mul3A_13, %add3A_14 : i32
    %dma_start3A = arith.constant 0 : i32
    %dma_start3A_16 = tpu.memref_slice %arg2[%add3A_15, %dma_start3A] : memref<2048x1024xf32, #tpu.memory_space<hbm>> -> memref<16x1024xf32, #tpu.memory_space<hbm>>
    %dma_start3A_17 = arith.constant 0 : i32
    %dma_start3A_18 = tpu.memref_slice %arg2[%add3A_15, %dma_start3A_17] : memref<2048x1024xf32, #tpu.memory_space<hbm>> -> memref<16x1024xf32, #tpu.memory_space<hbm>>
    tpu.enqueue_dma source(%dma_start3A_18 : memref<16x1024xf32, #tpu.memory_space<hbm>>) target(%arg6 : memref<16x1024xf32, #tpu.memory_space<vmem>>) target_semaphore(%arg8 : memref<!tpu.dma_semaphore, #tpu.memory_space<semaphore_mem>>)
    %add3A_19 = arith.constant 16 : i32
    %add3A_20 = arith.addi %mul3A_13, %add3A_19 : i32
    %dma_start3A_21 = arith.constant 0 : i32
    %dma_start3A_22 = tpu.memref_slice %arg2[%add3A_20, %dma_start3A_21] : memref<2048x1024xf32, #tpu.memory_space<hbm>> -> memref<16x1024xf32, #tpu.memory_space<hbm>>
    %dma_start3A_23 = arith.constant 0 : i32
    %dma_start3A_24 = tpu.memref_slice %arg2[%add3A_20, %dma_start3A_23] : memref<2048x1024xf32, #tpu.memory_space<hbm>> -> memref<16x1024xf32, #tpu.memory_space<hbm>>
    tpu.enqueue_dma source(%dma_start3A_24 : memref<16x1024xf32, #tpu.memory_space<hbm>>) target(%arg7 : memref<16x1024xf32, #tpu.memory_space<vmem>>) target_semaphore(%arg9 : memref<!tpu.dma_semaphore, #tpu.memory_space<semaphore_mem>>)
    %dma_wait3A = arith.constant 0 : i32
    %dma_wait3A_25 = tpu.memref_slice %arg2[%add3A_15, %dma_wait3A] : memref<2048x1024xf32, #tpu.memory_space<hbm>> -> memref<16x1024xf32, #tpu.memory_space<hbm>>
    %dma_wait3A_26 = arith.constant 0 : i32
    %dma_wait3A_27 = tpu.memref_slice %arg2[%add3A_15, %dma_wait3A_26] : memref<2048x1024xf32, #tpu.memory_space<hbm>> -> memref<16x1024xf32, #tpu.memory_space<hbm>>
    tpu.wait_dma2 semaphore(%arg8 : memref<!tpu.dma_semaphore, #tpu.memory_space<semaphore_mem>>) src(%dma_wait3A_27 : memref<16x1024xf32, #tpu.memory_space<hbm>>) dst(%arg6 : memref<16x1024xf32, #tpu.memory_space<vmem>>)
    %get3A = arith.constant 0 : index
    %get3A_28 = tpu.vector_load %arg5[%get3A] {strides = array<i32>} : memref<128xi32, #tpu.memory_space<vmem>>, vector<16xi32>,
    %dma_start3A_29 = arith.constant 0 : i32
    %dma_start3A_30 = arith.constant 0 : i32
    %dma_start3A_31 = tpu.memref_slice %arg4[%dma_start3A_29, %dma_start3A_30] : memref<7680x1024xf32, #tpu.memory_space<hbm>> -> memref<7680x1024xf32, #tpu.memory_space<hbm>>
    tpu.enqueue_indirect_dma source(%arg6 : memref<16x1024xf32, #tpu.memory_space<vmem>>) target(%dma_start3A_31 : memref<7680x1024xf32, #tpu.memory_space<hbm>>) offsets(%get3A_28 : vector<16xi32>) semaphore(%arg10 : memref<!tpu.dma_semaphore, #tpu.memory_space<semaphore_mem>>)
    %dma_wait3A_32 = arith.constant 0 : i32
    %dma_wait3A_33 = arith.constant 0 : i32
    %dma_wait3A_34 = tpu.memref_slice %arg4[%dma_wait3A_32, %dma_wait3A_33] : memref<7680x1024xf32, #tpu.memory_space<hbm>> -> memref<7680x1024xf32, #tpu.memory_space<hbm>>
    tpu.wait_indirect_dma semaphore(%arg10 : memref<!tpu.dma_semaphore, #tpu.memory_space<semaphore_mem>>) src(%arg6 : memref<16x1024xf32, #tpu.memory_space<vmem>>) dst(%dma_wait3A_34 : memref<7680x1024xf32, #tpu.memory_space<hbm>>)
    %add3A_35 = arith.constant 32 : i32
    %add3A_36 = arith.addi %mul3A_13, %add3A_35 : i32
    %dma_start3A_37 = arith.constant 0 : i32
    %dma_start3A_38 = tpu.memref_slice %arg2[%add3A_36, %dma_start3A_37] : memref<2048x1024xf32, #tpu.memory_space<hbm>> -> memref<16x1024xf32, #tpu.memory_space<hbm>>
    %dma_start3A_39 = arith.constant 0 : i32
    %dma_start3A_40 = tpu.memref_slice %arg2[%add3A_36, %dma_start3A_39] : memref<2048x1024xf32, #tpu.memory_space<hbm>> -> memref<16x1024xf32, #tpu.memory_space<hbm>>
    tpu.enqueue_dma source(%dma_start3A_40 : memref<16x1024xf32, #tpu.memory_space<hbm>>) target(%arg6 : memref<16x1024xf32, #tpu.memory_space<vmem>>) target_semaphore(%arg8 : memref<!tpu.dma_semaphore, #tpu.memory_space<semaphore_mem>>)
    %dma_wait3A_41 = arith.constant 0 : i32
    %dma_wait3A_42 = tpu.memref_slice %arg2[%add3A_20, %dma_wait3A_41] : memref<2048x1024xf32, #tpu.memory_space<hbm>> -> memref<16x1024xf32, #tpu.memory_space<hbm>>
    %dma_wait3A_43 = arith.constant 0 : i32
    %dma_wait3A_44 = tpu.memref_slice %arg2[%add3A_20, %dma_wait3A_43] : memref<2048x1024xf32, #tpu.memory_space<hbm>> -> memref<16x1024xf32, #tpu.memory_space<hbm>>
    tpu.wait_dma2 semaphore(%arg9 : memref<!tpu.dma_semaphore, #tpu.memory_space<semaphore_mem>>) src(%dma_wait3A_44 : memref<16x1024xf32, #tpu.memory_space<hbm>>) dst(%arg7 : memref<16x1024xf32, #tpu.memory_space<vmem>>)
    %get3A_45 = arith.constant 16 : index
    %get3A_46 = tpu.vector_load %arg5[%get3A_45] {strides = array<i32>} : memref<128xi32, #tpu.memory_space<vmem>>, vector<16xi32>,
    %dma_start3A_47 = arith.constant 0 : i32
    %dma_start3A_48 = arith.constant 0 : i32
    %dma_start3A_49 = tpu.memref_slice %arg4[%dma_start3A_47, %dma_start3A_48] : memref<7680x1024xf32, #tpu.memory_space<hbm>> -> memref<7680x1024xf32, #tpu.memory_space<hbm>>
    tpu.enqueue_indirect_dma source(%arg7 : memref<16x1024xf32, #tpu.memory_space<vmem>>) target(%dma_start3A_49 : memref<7680x1024xf32, #tpu.memory_space<hbm>>) offsets(%get3A_46 : vector<16xi32>) semaphore(%arg11 : memref<!tpu.dma_semaphore, #tpu.memory_space<semaphore_mem>>)
    %dma_wait3A_50 = arith.constant 0 : i32
    %dma_wait3A_51 = arith.constant 0 : i32
    %dma_wait3A_52 = tpu.memref_slice %arg4[%dma_wait3A_50, %dma_wait3A_51] : memref<7680x1024xf32, #tpu.memory_space<hbm>> -> memref<7680x1024xf32, #tpu.memory_space<hbm>>
    tpu.wait_indirect_dma semaphore(%arg11 : memref<!tpu.dma_semaphore, #tpu.memory_space<semaphore_mem>>) src(%arg7 : memref<16x1024xf32, #tpu.memory_space<vmem>>) dst(%dma_wait3A_52 : memref<7680x1024xf32, #tpu.memory_space<hbm>>)
    %add3A_53 = arith.constant 48 : i32
    %add3A_54 = arith.addi %mul3A_13, %add3A_53 : i32
    %dma_start3A_55 = arith.constant 0 : i32
    %dma_start3A_56 = tpu.memref_slice %arg2[%add3A_54, %dma_start3A_55] : memref<2048x1024xf32, #tpu.memory_space<hbm>> -> memref<16x1024xf32, #tpu.memory_space<hbm>>
    %dma_start3A_57 = arith.constant 0 : i32
    %dma_start3A_58 = tpu.memref_slice %arg2[%add3A_54, %dma_start3A_57] : memref<2048x1024xf32, #tpu.memory_space<hbm>> -> memref<16x1024xf32, #tpu.memory_space<hbm>>
    tpu.enqueue_dma source(%dma_start3A_58 : memref<16x1024xf32, #tpu.memory_space<hbm>>) target(%arg7 : memref<16x1024xf32, #tpu.memory_space<vmem>>) target_semaphore(%arg9 : memref<!tpu.dma_semaphore, #tpu.memory_space<semaphore_mem>>)
    %dma_wait3A_59 = arith.constant 0 : i32
    %dma_wait3A_60 = tpu.memref_slice %arg2[%add3A_36, %dma_wait3A_59] : memref<2048x1024xf32, #tpu.memory_space<hbm>> -> memref<16x1024xf32, #tpu.memory_space<hbm>>
    %dma_wait3A_61 = arith.constant 0 : i32
    %dma_wait3A_62 = tpu.memref_slice %arg2[%add3A_36, %dma_wait3A_61] : memref<2048x1024xf32, #tpu.memory_space<hbm>> -> memref<16x1024xf32, #tpu.memory_space<hbm>>
    tpu.wait_dma2 semaphore(%arg8 : memref<!tpu.dma_semaphore, #tpu.memory_space<semaphore_mem>>) src(%dma_wait3A_62 : memref<16x1024xf32, #tpu.memory_space<hbm>>) dst(%arg6 : memref<16x1024xf32, #tpu.memory_space<vmem>>)
    %get3A_63 = arith.constant 32 : index
    %get3A_64 = tpu.vector_load %arg5[%get3A_63] {strides = array<i32>} : memref<128xi32, #tpu.memory_space<vmem>>, vector<16xi32>,
    %dma_start3A_65 = arith.constant 0 : i32
    %dma_start3A_66 = arith.constant 0 : i32
    %dma_start3A_67 = tpu.memref_slice %arg4[%dma_start3A_65, %dma_start3A_66] : memref<7680x1024xf32, #tpu.memory_space<hbm>> -> memref<7680x1024xf32, #tpu.memory_space<hbm>>
    tpu.enqueue_indirect_dma source(%arg6 : memref<16x1024xf32, #tpu.memory_space<vmem>>) target(%dma_start3A_67 : memref<7680x1024xf32, #tpu.memory_space<hbm>>) offsets(%get3A_64 : vector<16xi32>) semaphore(%arg10 : memref<!tpu.dma_semaphore, #tpu.memory_space<semaphore_mem>>)
    %dma_wait3A_68 = arith.constant 0 : i32
    %dma_wait3A_69 = arith.constant 0 : i32
    %dma_wait3A_70 = tpu.memref_slice %arg4[%dma_wait3A_68, %dma_wait3A_69] : memref<7680x1024xf32, #tpu.memory_space<hbm>> -> memref<7680x1024xf32, #tpu.memory_space<hbm>>
    tpu.wait_indirect_dma semaphore(%arg10 : memref<!tpu.dma_semaphore, #tpu.memory_space<semaphore_mem>>) src(%arg6 : memref<16x1024xf32, #tpu.memory_space<vmem>>) dst(%dma_wait3A_70 : memref<7680x1024xf32, #tpu.memory_space<hbm>>)
    %add3A_71 = arith.constant 64 : i32
    %add3A_72 = arith.addi %mul3A_13, %add3A_71 : i32
    %dma_start3A_73 = arith.constant 0 : i32
    %dma_start3A_74 = tpu.memref_slice %arg2[%add3A_72, %dma_start3A_73] : memref<2048x1024xf32, #tpu.memory_space<hbm>> -> memref<16x1024xf32, #tpu.memory_space<hbm>>
    %dma_start3A_75 = arith.constant 0 : i32
    %dma_start3A_76 = tpu.memref_slice %arg2[%add3A_72, %dma_start3A_75] : memref<2048x1024xf32, #tpu.memory_space<hbm>> -> memref<16x1024xf32, #tpu.memory_space<hbm>>
    tpu.enqueue_dma source(%dma_start3A_76 : memref<16x1024xf32, #tpu.memory_space<hbm>>) target(%arg6 : memref<16x1024xf32, #tpu.memory_space<vmem>>) target_semaphore(%arg8 : memref<!tpu.dma_semaphore, #tpu.memory_space<semaphore_mem>>)
    %dma_wait3A_77 = arith.constant 0 : i32
    %dma_wait3A_78 = tpu.memref_slice %arg2[%add3A_54, %dma_wait3A_77] : memref<2048x1024xf32, #tpu.memory_space<hbm>> -> memref<16x1024xf32, #tpu.memory_space<hbm>>
    %dma_wait3A_79 = arith.constant 0 : i32
    %dma_wait3A_80 = tpu.memref_slice %arg2[%add3A_54, %dma_wait3A_79] : memref<2048x1024xf32, #tpu.memory_space<hbm>> -> memref<16x1024xf32, #tpu.memory_space<hbm>>
    tpu.wait_dma2 semaphore(%arg9 : memref<!tpu.dma_semaphore, #tpu.memory_space<semaphore_mem>>) src(%dma_wait3A_80 : memref<16x1024xf32, #tpu.memory_space<hbm>>) dst(%arg7 : memref<16x1024xf32, #tpu.memory_space<vmem>>)
    %get3A_81 = arith.constant 48 : index
    %get3A_82 = tpu.vector_load %arg5[%get3A_81] {strides = array<i32>} : memref<128xi32, #tpu.memory_space<vmem>>, vector<16xi32>,
    %dma_start3A_83 = arith.constant 0 : i32
    %dma_start3A_84 = arith.constant 0 : i32
    %dma_start3A_85 = tpu.memref_slice %arg4[%dma_start3A_83, %dma_start3A_84] : memref<7680x1024xf32, #tpu.memory_space<hbm>> -> memref<7680x1024xf32, #tpu.memory_space<hbm>>
    tpu.enqueue_indirect_dma source(%arg7 : memref<16x1024xf32, #tpu.memory_space<vmem>>) target(%dma_start3A_85 : memref<7680x1024xf32, #tpu.memory_space<hbm>>) offsets(%get3A_82 : vector<16xi32>) semaphore(%arg11 : memref<!tpu.dma_semaphore, #tpu.memory_space<semaphore_mem>>)
    %dma_wait3A_86 = arith.constant 0 : i32
    %dma_wait3A_87 = arith.constant 0 : i32
    %dma_wait3A_88 = tpu.memref_slice %arg4[%dma_wait3A_86, %dma_wait3A_87] : memref<7680x1024xf32, #tpu.memory_space<hbm>> -> memref<7680x1024xf32, #tpu.memory_space<hbm>>
    tpu.wait_indirect_dma semaphore(%arg11 : memref<!tpu.dma_semaphore, #tpu.memory_space<semaphore_mem>>) src(%arg7 : memref<16x1024xf32, #tpu.memory_space<vmem>>) dst(%dma_wait3A_88 : memref<7680x1024xf32, #tpu.memory_space<hbm>>)
    %add3A_89 = arith.constant 80 : i32
    %add3A_90 = arith.addi %mul3A_13, %add3A_89 : i32
    %dma_start3A_91 = arith.constant 0 : i32
    %dma_start3A_92 = tpu.memref_slice %arg2[%add3A_90, %dma_start3A_91] : memref<2048x1024xf32, #tpu.memory_space<hbm>> -> memref<16x1024xf32, #tpu.memory_space<hbm>>
    %dma_start3A_93 = arith.constant 0 : i32
    %dma_start3A_94 = tpu.memref_slice %arg2[%add3A_90, %dma_start3A_93] : memref<2048x1024xf32, #tpu.memory_space<hbm>> -> memref<16x1024xf32, #tpu.memory_space<hbm>>
    tpu.enqueue_dma source(%dma_start3A_94 : memref<16x1024xf32, #tpu.memory_space<hbm>>) target(%arg7 : memref<16x1024xf32, #tpu.memory_space<vmem>>) target_semaphore(%arg9 : memref<!tpu.dma_semaphore, #tpu.memory_space<semaphore_mem>>)
    %dma_wait3A_95 = arith.constant 0 : i32
    %dma_wait3A_96 = tpu.memref_slice %arg2[%add3A_72, %dma_wait3A_95] : memref<2048x1024xf32, #tpu.memory_space<hbm>> -> memref<16x1024xf32, #tpu.memory_space<hbm>>
    %dma_wait3A_97 = arith.constant 0 : i32
    %dma_wait3A_98 = tpu.memref_slice %arg2[%add3A_72, %dma_wait3A_97] : memref<2048x1024xf32, #tpu.memory_space<hbm>> -> memref<16x1024xf32, #tpu.memory_space<hbm>>
    tpu.wait_dma2 semaphore(%arg8 : memref<!tpu.dma_semaphore, #tpu.memory_space<semaphore_mem>>) src(%dma_wait3A_98 : memref<16x1024xf32, #tpu.memory_space<hbm>>) dst(%arg6 : memref<16x1024xf32, #tpu.memory_space<vmem>>)
    %get3A_99 = arith.constant 64 : index
    %get3A_100 = tpu.vector_load %arg5[%get3A_99] {strides = array<i32>} : memref<128xi32, #tpu.memory_space<vmem>>, vector<16xi32>,
    %dma_start3A_101 = arith.constant 0 : i32
    %dma_start3A_102 = arith.constant 0 : i32
    %dma_start3A_103 = tpu.memref_slice %arg4[%dma_start3A_101, %dma_start3A_102] : memref<7680x1024xf32, #tpu.memory_space<hbm>> -> memref<7680x1024xf32, #tpu.memory_space<hbm>>
    tpu.enqueue_indirect_dma source(%arg6 : memref<16x1024xf32, #tpu.memory_space<vmem>>) target(%dma_start3A_103 : memref<7680x1024xf32, #tpu.memory_space<hbm>>) offsets(%get3A_100 : vector<16xi32>) semaphore(%arg10 : memref<!tpu.dma_semaphore, #tpu.memory_space<semaphore_mem>>)
    %dma_wait3A_104 = arith.constant 0 : i32
    %dma_wait3A_105 = arith.constant 0 : i32
    %dma_wait3A_106 = tpu.memref_slice %arg4[%dma_wait3A_104, %dma_wait3A_105] : memref<7680x1024xf32, #tpu.memory_space<hbm>> -> memref<7680x1024xf32, #tpu.memory_space<hbm>>
    tpu.wait_indirect_dma semaphore(%arg10 : memref<!tpu.dma_semaphore, #tpu.memory_space<semaphore_mem>>) src(%arg6 : memref<16x1024xf32, #tpu.memory_space<vmem>>) dst(%dma_wait3A_106 : memref<7680x1024xf32, #tpu.memory_space<hbm>>)
    %add3A_107 = arith.constant 96 : i32
    %add3A_108 = arith.addi %mul3A_13, %add3A_107 : i32
    %dma_start3A_109 = arith.constant 0 : i32
    %dma_start3A_110 = tpu.memref_slice %arg2[%add3A_108, %dma_start3A_109] : memref<2048x1024xf32, #tpu.memory_space<hbm>> -> memref<16x1024xf32, #tpu.memory_space<hbm>>
    %dma_start3A_111 = arith.constant 0 : i32
    %dma_start3A_112 = tpu.memref_slice %arg2[%add3A_108, %dma_start3A_111] : memref<2048x1024xf32, #tpu.memory_space<hbm>> -> memref<16x1024xf32, #tpu.memory_space<hbm>>
    tpu.enqueue_dma source(%dma_start3A_112 : memref<16x1024xf32, #tpu.memory_space<hbm>>) target(%arg6 : memref<16x1024xf32, #tpu.memory_space<vmem>>) target_semaphore(%arg8 : memref<!tpu.dma_semaphore, #tpu.memory_space<semaphore_mem>>)
    %dma_wait3A_113 = arith.constant 0 : i32
    %dma_wait3A_114 = tpu.memref_slice %arg2[%add3A_90, %dma_wait3A_113] : memref<2048x1024xf32, #tpu.memory_space<hbm>> -> memref<16x1024xf32, #tpu.memory_space<hbm>>
    %dma_wait3A_115 = arith.constant 0 : i32
    %dma_wait3A_116 = tpu.memref_slice %arg2[%add3A_90, %dma_wait3A_115] : memref<2048x1024xf32, #tpu.memory_space<hbm>> -> memref<16x1024xf32, #tpu.memory_space<hbm>>
    tpu.wait_dma2 semaphore(%arg9 : memref<!tpu.dma_semaphore, #tpu.memory_space<semaphore_mem>>) src(%dma_wait3A_116 : memref<16x1024xf32, #tpu.memory_space<hbm>>) dst(%arg7 : memref<16x1024xf32, #tpu.memory_space<vmem>>)
    %get3A_117 = arith.constant 80 : index
    %get3A_118 = tpu.vector_load %arg5[%get3A_117] {strides = array<i32>} : memref<128xi32, #tpu.memory_space<vmem>>, vector<16xi32>,
    %dma_start3A_119 = arith.constant 0 : i32
    %dma_start3A_120 = arith.constant 0 : i32
    %dma_start3A_121 = tpu.memref_slice %arg4[%dma_start3A_119, %dma_start3A_120] : memref<7680x1024xf32, #tpu.memory_space<hbm>> -> memref<7680x1024xf32, #tpu.memory_space<hbm>>
    tpu.enqueue_indirect_dma source(%arg7 : memref<16x1024xf32, #tpu.memory_space<vmem>>) target(%dma_start3A_121 : memref<7680x1024xf32, #tpu.memory_space<hbm>>) offsets(%get3A_118 : vector<16xi32>) semaphore(%arg11 : memref<!tpu.dma_semaphore, #tpu.memory_space<semaphore_mem>>)
    %dma_wait3A_122 = arith.constant 0 : i32
    %dma_wait3A_123 = arith.constant 0 : i32
    %dma_wait3A_124 = tpu.memref_slice %arg4[%dma_wait3A_122, %dma_wait3A_123] : memref<7680x1024xf32, #tpu.memory_space<hbm>> -> memref<7680x1024xf32, #tpu.memory_space<hbm>>
    tpu.wait_indirect_dma semaphore(%arg11 : memref<!tpu.dma_semaphore, #tpu.memory_space<semaphore_mem>>) src(%arg7 : memref<16x1024xf32, #tpu.memory_space<vmem>>) dst(%dma_wait3A_124 : memref<7680x1024xf32, #tpu.memory_space<hbm>>)
    %add3A_125 = arith.constant 112 : i32
    %add3A_126 = arith.addi %mul3A_13, %add3A_125 : i32
    %dma_start3A_127 = arith.constant 0 : i32
    %dma_start3A_128 = tpu.memref_slice %arg2[%add3A_126, %dma_start3A_127] : memref<2048x1024xf32, #tpu.memory_space<hbm>> -> memref<16x1024xf32, #tpu.memory_space<hbm>>
    %dma_start3A_129 = arith.constant 0 : i32
    %dma_start3A_130 = tpu.memref_slice %arg2[%add3A_126, %dma_start3A_129] : memref<2048x1024xf32, #tpu.memory_space<hbm>> -> memref<16x1024xf32, #tpu.memory_space<hbm>>
    tpu.enqueue_dma source(%dma_start3A_130 : memref<16x1024xf32, #tpu.memory_space<hbm>>) target(%arg7 : memref<16x1024xf32, #tpu.memory_space<vmem>>) target_semaphore(%arg9 : memref<!tpu.dma_semaphore, #tpu.memory_space<semaphore_mem>>)
    %dma_wait3A_131 = arith.constant 0 : i32
    %dma_wait3A_132 = tpu.memref_slice %arg2[%add3A_108, %dma_wait3A_131] : memref<2048x1024xf32, #tpu.memory_space<hbm>> -> memref<16x1024xf32, #tpu.memory_space<hbm>>
    %dma_wait3A_133 = arith.constant 0 : i32
    %dma_wait3A_134 = tpu.memref_slice %arg2[%add3A_108, %dma_wait3A_133] : memref<2048x1024xf32, #tpu.memory_space<hbm>> -> memref<16x1024xf32, #tpu.memory_space<hbm>>
    tpu.wait_dma2 semaphore(%arg8 : memref<!tpu.dma_semaphore, #tpu.memory_space<semaphore_mem>>) src(%dma_wait3A_134 : memref<16x1024xf32, #tpu.memory_space<hbm>>) dst(%arg6 : memref<16x1024xf32, #tpu.memory_space<vmem>>)
    %get3A_135 = arith.constant 96 : index
    %get3A_136 = tpu.vector_load %arg5[%get3A_135] {strides = array<i32>} : memref<128xi32, #tpu.memory_space<vmem>>, vector<16xi32>,
    %dma_start3A_137 = arith.constant 0 : i32
    %dma_start3A_138 = arith.constant 0 : i32
    %dma_start3A_139 = tpu.memref_slice %arg4[%dma_start3A_137, %dma_start3A_138] : memref<7680x1024xf32, #tpu.memory_space<hbm>> -> memref<7680x1024xf32, #tpu.memory_space<hbm>>
    tpu.enqueue_indirect_dma source(%arg6 : memref<16x1024xf32, #tpu.memory_space<vmem>>) target(%dma_start3A_139 : memref<7680x1024xf32, #tpu.memory_space<hbm>>) offsets(%get3A_136 : vector<16xi32>) semaphore(%arg10 : memref<!tpu.dma_semaphore, #tpu.memory_space<semaphore_mem>>)
    %dma_wait3A_140 = arith.constant 0 : i32
    %dma_wait3A_141 = tpu.memref_slice %arg2[%add3A_126, %dma_wait3A_140] : memref<2048x1024xf32, #tpu.memory_space<hbm>> -> memref<16x1024xf32, #tpu.memory_space<hbm>>
    %dma_wait3A_142 = arith.constant 0 : i32
    %dma_wait3A_143 = tpu.memref_slice %arg2[%add3A_126, %dma_wait3A_142] : memref<2048x1024xf32, #tpu.memory_space<hbm>> -> memref<16x1024xf32, #tpu.memory_space<hbm>>
    tpu.wait_dma2 semaphore(%arg9 : memref<!tpu.dma_semaphore, #tpu.memory_space<semaphore_mem>>) src(%dma_wait3A_143 : memref<16x1024xf32, #tpu.memory_space<hbm>>) dst(%arg7 : memref<16x1024xf32, #tpu.memory_space<vmem>>)
    %get3A_144 = arith.constant 112 : index
    %get3A_145 = tpu.vector_load %arg5[%get3A_144] {strides = array<i32>} : memref<128xi32, #tpu.memory_space<vmem>>, vector<16xi32>,
    %dma_start3A_146 = arith.constant 0 : i32
    %dma_start3A_147 = arith.constant 0 : i32
    %dma_start3A_148 = tpu.memref_slice %arg4[%dma_start3A_146, %dma_start3A_147] : memref<7680x1024xf32, #tpu.memory_space<hbm>> -> memref<7680x1024xf32, #tpu.memory_space<hbm>>
    tpu.enqueue_indirect_dma source(%arg7 : memref<16x1024xf32, #tpu.memory_space<vmem>>) target(%dma_start3A_148 : memref<7680x1024xf32, #tpu.memory_space<hbm>>) offsets(%get3A_145 : vector<16xi32>) semaphore(%arg11 : memref<!tpu.dma_semaphore, #tpu.memory_space<semaphore_mem>>)
    %dma_wait3A_149 = arith.constant 0 : i32
    %dma_wait3A_150 = arith.constant 0 : i32
    %dma_wait3A_151 = tpu.memref_slice %arg4[%dma_wait3A_149, %dma_wait3A_150] : memref<7680x1024xf32, #tpu.memory_space<hbm>> -> memref<7680x1024xf32, #tpu.memory_space<hbm>>
    tpu.wait_indirect_dma semaphore(%arg10 : memref<!tpu.dma_semaphore, #tpu.memory_space<semaphore_mem>>) src(%arg6 : memref<16x1024xf32, #tpu.memory_space<vmem>>) dst(%dma_wait3A_151 : memref<7680x1024xf32, #tpu.memory_space<hbm>>)
    %dma_wait3A_152 = arith.constant 0 : i32
    %dma_wait3A_153 = arith.constant 0 : i32
    %dma_wait3A_154 = tpu.memref_slice %arg4[%dma_wait3A_152, %dma_wait3A_153] : memref<7680x1024xf32, #tpu.memory_space<hbm>> -> memref<7680x1024xf32, #tpu.memory_space<hbm>>
    tpu.wait_indirect_dma semaphore(%arg11 : memref<!tpu.dma_semaphore, #tpu.memory_space<semaphore_mem>>) src(%arg7 : memref<16x1024xf32, #tpu.memory_space<vmem>>) dst(%dma_wait3A_154 : memref<7680x1024xf32, #tpu.memory_space<hbm>>)
    return
  }
}

module attributes {stable_mosaic.version = 14 : i64} {
  func.func @_mlp_body(%arg0: i32, %arg1: memref<15xi32, #tpu.memory_space<smem>>, %arg2: memref<512x1024xf32, #tpu.memory_space<vmem>>, %arg3: memref<1x2048x1024xf32, #tpu.memory_space<vmem>>, %arg4: memref<1x2048x1024xf32, #tpu.memory_space<vmem>>, %arg5: memref<1x1024x2048xf32, #tpu.memory_space<vmem>>, %arg6: memref<512x1024xf32, #tpu.memory_space<vmem>>) attributes {dimension_semantics = [#tpu.dimension_semantics<arbitrary>], iteration_bounds = array<i64: 15>, scalar_prefetch = 1 : i64, scratch_operands = 0 : i64, tpu.core_type = #tpu.core_type<tc>, window_params = [{transform_indices = @transform_0, window_bounds = array<i64: 512, 1024>}, {transform_indices = @transform_1, window_bounds = array<i64: 1, 2048, 1024>}, {transform_indices = @transform_2, window_bounds = array<i64: 1, 2048, 1024>}, {transform_indices = @transform_3, window_bounds = array<i64: 1, 1024, 2048>}, {transform_indices = @transform_4, window_bounds = array<i64: 512, 1024>}]} {
    %get3A = arith.constant 0 : index
    %get3A_0 = arith.constant 0 : index
    %get3A_1 = vector.load %arg2[%get3A, %get3A_0] : memref<512x1024xf32, #tpu.memory_space<vmem>>, vector<512x1024xf32>
    %get3A_2 = arith.constant 0 : index
    %get3A_3 = arith.constant 0 : index
    %get3A_4 = arith.constant 0 : index
    %get3A_5 = vector.load %arg3[%get3A_2, %get3A_3, %get3A_4] : memref<1x2048x1024xf32, #tpu.memory_space<vmem>>, vector<1x2048x1024xf32>
    %get3A_6 = vector.shape_cast %get3A_5 : vector<1x2048x1024xf32> to vector<2048x1024xf32>
    %dot_general3A = arith.constant dense<0.000000e+00> : vector<512x2048xf32>
    %dot_general3A_7 = tpu.matmul %get3A_1, %get3A_6, %dot_general3A {dimension_numbers = #tpu.dot_dimension_numbers<[1], [1], [0], [0], [0, 0, 1, 0], [], []>, transpose_lhs_hint = false} : vector<512x1024xf32>, vector<2048x1024xf32>, vector<512x2048xf32> -> vector<512x2048xf32>
    %get3A_8 = arith.constant 0 : index
    %get3A_9 = arith.constant 0 : index
    %get3A_10 = arith.constant 0 : index
    %get3A_11 = vector.load %arg4[%get3A_8, %get3A_9, %get3A_10] : memref<1x2048x1024xf32, #tpu.memory_space<vmem>>, vector<1x2048x1024xf32>
    %get3A_12 = vector.shape_cast %get3A_11 : vector<1x2048x1024xf32> to vector<2048x1024xf32>
    %dot_general3A_13 = arith.constant dense<0.000000e+00> : vector<512x2048xf32>
    %dot_general3A_14 = tpu.matmul %get3A_1, %get3A_12, %dot_general3A_13 {dimension_numbers = #tpu.dot_dimension_numbers<[1], [1], [0], [0], [0, 0, 1, 0], [], []>, transpose_lhs_hint = false} : vector<512x1024xf32>, vector<2048x1024xf32>, vector<512x2048xf32> -> vector<512x2048xf32>
    %logistic3A = arith.negf %dot_general3A_7 : vector<512x2048xf32>
    %logistic3A_15 = math.exp %logistic3A : vector<512x2048xf32>
    %logistic3A_16 = arith.constant 1.000000e+00 : f32
    %logistic3A_17 = vector.broadcast %logistic3A_16 : f32 to vector<512x2048xf32>
    %logistic3A_18 = arith.addf %logistic3A_17, %logistic3A_15 : vector<512x2048xf32>
    %logistic3A_19 = arith.divf %logistic3A_17, %logistic3A_18 : vector<512x2048xf32>
    %mul3A = arith.mulf %dot_general3A_7, %logistic3A_19 : vector<512x2048xf32>
    %mul3A_20 = arith.mulf %mul3A, %dot_general3A_14 : vector<512x2048xf32>
    %get3A_21 = arith.constant 0 : index
    %get3A_22 = arith.constant 0 : index
    %get3A_23 = arith.constant 0 : index
    %get3A_24 = vector.load %arg5[%get3A_21, %get3A_22, %get3A_23] : memref<1x1024x2048xf32, #tpu.memory_space<vmem>>, vector<1x1024x2048xf32>
    %get3A_25 = vector.shape_cast %get3A_24 : vector<1x1024x2048xf32> to vector<1024x2048xf32>
    %dot_general3A_26 = arith.constant dense<0.000000e+00> : vector<512x1024xf32>
    %dot_general3A_27 = tpu.matmul %mul3A_20, %get3A_25, %dot_general3A_26 {dimension_numbers = #tpu.dot_dimension_numbers<[1], [1], [0], [0], [0, 0, 1, 0], [], []>, transpose_lhs_hint = false} : vector<512x2048xf32>, vector<1024x2048xf32>, vector<512x1024xf32> -> vector<512x1024xf32>
    %swap3A = arith.constant 0 : index
    %swap3A_28 = arith.constant 0 : index
    %swap3A_29 = vector.load %arg6[%swap3A, %swap3A_28] : memref<512x1024xf32, #tpu.memory_space<vmem>>, vector<512x1024xf32>
    tpu.vector_store %arg6[%swap3A, %swap3A_28], %dot_general3A_27 {strides = array<i32>} : memref<512x1024xf32, #tpu.memory_space<vmem>>, vector<512x1024xf32>,
    return
  }
  func.func @transform_0(%arg0: i32, %arg1: memref<15xi32, #tpu.memory_space<smem>>) -> (i32, i32) {
    %c0_i32 = arith.constant 0 : i32
    %c0_i32_0 = arith.constant 0 : i32
    return %arg0, %c0_i32 : i32, i32
  }
  func.func @transform_1(%arg0: i32, %arg1: memref<15xi32, #tpu.memory_space<smem>>) -> (i32, i32, i32) {
    %get3A = arith.index_cast %arg0 : i32 to index
    %get3A_0 = memref.load %arg1[%get3A] : memref<15xi32, #tpu.memory_space<smem>>
    %c0_i32 = arith.constant 0 : i32
    %c0_i32_1 = arith.constant 0 : i32
    %c0_i32_2 = arith.constant 0 : i32
    return %get3A_0, %c0_i32, %c0_i32_1 : i32, i32, i32
  }
  func.func @transform_2(%arg0: i32, %arg1: memref<15xi32, #tpu.memory_space<smem>>) -> (i32, i32, i32) {
    %get3A = arith.index_cast %arg0 : i32 to index
    %get3A_0 = memref.load %arg1[%get3A] : memref<15xi32, #tpu.memory_space<smem>>
    %c0_i32 = arith.constant 0 : i32
    %c0_i32_1 = arith.constant 0 : i32
    %c0_i32_2 = arith.constant 0 : i32
    return %get3A_0, %c0_i32, %c0_i32_1 : i32, i32, i32
  }
  func.func @transform_3(%arg0: i32, %arg1: memref<15xi32, #tpu.memory_space<smem>>) -> (i32, i32, i32) {
    %get3A = arith.index_cast %arg0 : i32 to index
    %get3A_0 = memref.load %arg1[%get3A] : memref<15xi32, #tpu.memory_space<smem>>
    %c0_i32 = arith.constant 0 : i32
    %c0_i32_1 = arith.constant 0 : i32
    %c0_i32_2 = arith.constant 0 : i32
    return %get3A_0, %c0_i32, %c0_i32_1 : i32, i32, i32
  }
  func.func @transform_4(%arg0: i32, %arg1: memref<15xi32, #tpu.memory_space<smem>>) -> (i32, i32) {
    %c0_i32 = arith.constant 0 : i32
    %c0_i32_0 = arith.constant 0 : i32
    return %arg0, %c0_i32 : i32, i32
  }
}

module attributes {stable_mosaic.version = 14 : i64} {
  func.func @_route_body(%arg0: memref<2048x1024xf32, #tpu.memory_space<vmem>>, %arg1: memref<8x1024xf32, #tpu.memory_space<vmem>>, %arg2: memref<2x2048xi32, #tpu.memory_space<vmem>>, %arg3: memref<2x2048xf32, #tpu.memory_space<vmem>>, %arg4: memref<1x15xi32, #tpu.memory_space<vmem>>) attributes {dimension_semantics = [], scalar_prefetch = 0 : i64, scratch_operands = 0 : i64, tpu.core_type = #tpu.core_type<tc>} {
    %get3A = arith.constant 0 : index
    %get3A_0 = arith.constant 0 : index
    %get3A_1 = vector.load %arg1[%get3A, %get3A_0] : memref<8x1024xf32, #tpu.memory_space<vmem>>, vector<8x1024xf32>
    %get3A_2 = arith.constant 0 : index
    %get3A_3 = arith.constant 0 : index
    %get3A_4 = vector.load %arg0[%get3A_2, %get3A_3] : memref<2048x1024xf32, #tpu.memory_space<vmem>>, vector<2048x1024xf32>
    %dot_general3A = arith.constant dense<0.000000e+00> : vector<8x2048xf32>
    %dot_general3A_5 = tpu.matmul %get3A_1, %get3A_4, %dot_general3A {dimension_numbers = #tpu.dot_dimension_numbers<[1], [1], [0], [0], [0, 0, 1, 0], [], []>, transpose_lhs_hint = false} : vector<8x1024xf32>, vector<2048x1024xf32>, vector<8x2048xf32> -> vector<8x2048xf32>
    %reduce_max3A = arith.constant dense<0xFF800000> : vector<2048xf32>
    %reduce_max3A_6 = vector.multi_reduction <maximumf>, %dot_general3A_5, %reduce_max3A [0] : vector<8x2048xf32> to vector<2048xf32>
    %broadcast_in_dim3A = vector.shape_cast %reduce_max3A_6 : vector<2048xf32> to vector<1x2048xf32>
    %sub3A = vector.broadcast %broadcast_in_dim3A : vector<1x2048xf32> to vector<8x2048xf32>
    %sub3A_7 = arith.subf %dot_general3A_5, %sub3A : vector<8x2048xf32>
    %exp3A = math.exp %sub3A_7 : vector<8x2048xf32>
    %reduce_sum3A = arith.constant dense<0.000000e+00> : vector<2048xf32>
    %reduce_sum3A_8 = vector.multi_reduction <add>, %exp3A, %reduce_sum3A [0] : vector<8x2048xf32> to vector<2048xf32>
    %broadcast_in_dim3A_9 = vector.shape_cast %reduce_sum3A_8 : vector<2048xf32> to vector<1x2048xf32>
    %div3A = vector.broadcast %broadcast_in_dim3A_9 : vector<1x2048xf32> to vector<8x2048xf32>
    %div3A_10 = arith.divf %exp3A, %div3A : vector<8x2048xf32>
    %iota3A = tpu.iota {dimensions = array<i32: 0>} : vector<8x2048xi32>
    %reduce_max3A_11 = arith.constant dense<0xFF800000> : vector<2048xf32>
    %reduce_max3A_12 = vector.multi_reduction <maximumf>, %div3A_10, %reduce_max3A_11 [0] : vector<8x2048xf32> to vector<2048xf32>
    %broadcast_in_dim3A_13 = vector.shape_cast %reduce_max3A_12 : vector<2048xf32> to vector<1x2048xf32>
    %eq3A = vector.broadcast %broadcast_in_dim3A_13 : vector<1x2048xf32> to vector<8x2048xf32>
    %eq3A_14 = arith.cmpf oeq, %div3A_10, %eq3A : vector<8x2048xf32>
    %jit3A = arith.constant 8 : i32
    %broadcast_in_dim3A_15 = vector.broadcast %jit3A : i32 to vector<8x2048xi32>
    %select_n3A = arith.select %eq3A_14, %iota3A, %broadcast_in_dim3A_15 : vector<8x2048xi1>, vector<8x2048xi32>
    %reduce_min3A = arith.constant dense<2147483647> : vector<2048xi32>
    %reduce_min3A_16 = vector.multi_reduction <minsi>, %select_n3A, %reduce_min3A [0] : vector<8x2048xi32> to vector<2048xi32>
    %broadcast_in_dim3A_17 = vector.shape_cast %reduce_min3A_16 : vector<2048xi32> to vector<1x2048xi32>
    %eq3A_18 = vector.broadcast %broadcast_in_dim3A_17 : vector<1x2048xi32> to vector<8x2048xi32>
    %eq3A_19 = arith.cmpi eq, %iota3A, %eq3A_18 : vector<8x2048xi32>
    %jit3A_20 = arith.constant -1.000000e+00 : f32
    %broadcast_in_dim3A_21 = vector.broadcast %jit3A_20 : f32 to vector<8x2048xf32>
    %select_n3A_22 = arith.select %eq3A_19, %broadcast_in_dim3A_21, %div3A_10 : vector<8x2048xi1>, vector<8x2048xf32>
    %reduce_max3A_23 = arith.constant dense<0xFF800000> : vector<2048xf32>
    %reduce_max3A_24 = vector.multi_reduction <maximumf>, %select_n3A_22, %reduce_max3A_23 [0] : vector<8x2048xf32> to vector<2048xf32>
    %broadcast_in_dim3A_25 = vector.shape_cast %reduce_max3A_24 : vector<2048xf32> to vector<1x2048xf32>
    %eq3A_26 = vector.broadcast %broadcast_in_dim3A_25 : vector<1x2048xf32> to vector<8x2048xf32>
    %eq3A_27 = arith.cmpf oeq, %select_n3A_22, %eq3A_26 : vector<8x2048xf32>
    %jit3A_28 = arith.constant 8 : i32
    %broadcast_in_dim3A_29 = vector.broadcast %jit3A_28 : i32 to vector<8x2048xi32>
    %select_n3A_30 = arith.select %eq3A_27, %iota3A, %broadcast_in_dim3A_29 : vector<8x2048xi1>, vector<8x2048xi32>
    %reduce_min3A_31 = arith.constant dense<2147483647> : vector<2048xi32>
    %reduce_min3A_32 = vector.multi_reduction <minsi>, %select_n3A_30, %reduce_min3A_31 [0] : vector<8x2048xi32> to vector<2048xi32>
    %broadcast_in_dim3A_33 = vector.shape_cast %reduce_min3A_32 : vector<2048xi32> to vector<1x2048xi32>
    %add3A = arith.addf %broadcast_in_dim3A_13, %broadcast_in_dim3A_25 : vector<1x2048xf32>
    %div3A_34 = arith.divf %broadcast_in_dim3A_13, %add3A : vector<1x2048xf32>
    %swap3A = arith.constant 0 : index
    %swap3A_35 = arith.constant 0 : index
    %swap3A_36 = vector.load %arg3[%swap3A, %swap3A_35] : memref<2x2048xf32, #tpu.memory_space<vmem>>, vector<1x2048xf32>
    tpu.vector_store %arg3[%swap3A, %swap3A_35], %div3A_34 {strides = array<i32>} : memref<2x2048xf32, #tpu.memory_space<vmem>>, vector<1x2048xf32>,
    %div3A_37 = arith.divf %broadcast_in_dim3A_25, %add3A : vector<1x2048xf32>
    %swap3A_38 = arith.constant 1 : index
    %swap3A_39 = arith.constant 0 : index
    %swap3A_40 = vector.load %arg3[%swap3A_38, %swap3A_39] : memref<2x2048xf32, #tpu.memory_space<vmem>>, vector<1x2048xf32>
    tpu.vector_store %arg3[%swap3A_38, %swap3A_39], %div3A_37 {strides = array<i32>} : memref<2x2048xf32, #tpu.memory_space<vmem>>, vector<1x2048xf32>,
    %eq3A_41 = vector.broadcast %broadcast_in_dim3A_17 : vector<1x2048xi32> to vector<8x2048xi32>
    %eq3A_42 = arith.cmpi eq, %iota3A, %eq3A_41 : vector<8x2048xi32>
    %convert_element_type3A = arith.extui %eq3A_42 : vector<8x2048xi1> to vector<8x2048xi32>
    %convert_element_type3A_43 = arith.sitofp %convert_element_type3A : vector<8x2048xi32> to vector<8x2048xf32>
    %eq3A_44 = vector.broadcast %broadcast_in_dim3A_33 : vector<1x2048xi32> to vector<8x2048xi32>
    %eq3A_45 = arith.cmpi eq, %iota3A, %eq3A_44 : vector<8x2048xi32>
    %convert_element_type3A_46 = arith.extui %eq3A_45 : vector<8x2048xi1> to vector<8x2048xi32>
    %convert_element_type3A_47 = arith.sitofp %convert_element_type3A_46 : vector<8x2048xi32> to vector<8x2048xf32>
    %add3A_48 = arith.addf %convert_element_type3A_43, %convert_element_type3A_47 : vector<8x2048xf32>
    %broadcast_in_dim3A_49 = arith.constant 0.000000e+00 : f32
    %broadcast_in_dim3A_50 = vector.broadcast %broadcast_in_dim3A_49 : f32 to vector<8x1xf32>
    %slice3A = vector.extract_strided_slice %add3A_48 {offsets = [0, 0], sizes = [8, 2047], strides = [1, 1]} : vector<8x2048xf32> to vector<8x2047xf32>
    %concatenate3A = tpu.concatenate %broadcast_in_dim3A_50, %slice3A in 1 : vector<8x1xf32>, vector<8x2047xf32> -> vector<8x2048xf32>
    %add3A_51 = arith.addf %add3A_48, %concatenate3A : vector<8x2048xf32>
    %broadcast_in_dim3A_52 = arith.constant 0.000000e+00 : f32
    %broadcast_in_dim3A_53 = vector.broadcast %broadcast_in_dim3A_52 : f32 to vector<8x2xf32>
    %slice3A_54 = vector.extract_strided_slice %add3A_51 {offsets = [0, 0], sizes = [8, 2046], strides = [1, 1]} : vector<8x2048xf32> to vector<8x2046xf32>
    %concatenate3A_55 = tpu.concatenate %broadcast_in_dim3A_53, %slice3A_54 in 1 : vector<8x2xf32>, vector<8x2046xf32> -> vector<8x2048xf32>
    %add3A_56 = arith.addf %add3A_51, %concatenate3A_55 : vector<8x2048xf32>
    %broadcast_in_dim3A_57 = arith.constant 0.000000e+00 : f32
    %broadcast_in_dim3A_58 = vector.broadcast %broadcast_in_dim3A_57 : f32 to vector<8x4xf32>
    %slice3A_59 = vector.extract_strided_slice %add3A_56 {offsets = [0, 0], sizes = [8, 2044], strides = [1, 1]} : vector<8x2048xf32> to vector<8x2044xf32>
    %concatenate3A_60 = tpu.concatenate %broadcast_in_dim3A_58, %slice3A_59 in 1 : vector<8x4xf32>, vector<8x2044xf32> -> vector<8x2048xf32>
    %add3A_61 = arith.addf %add3A_56, %concatenate3A_60 : vector<8x2048xf32>
    %broadcast_in_dim3A_62 = arith.constant 0.000000e+00 : f32
    %broadcast_in_dim3A_63 = vector.broadcast %broadcast_in_dim3A_62 : f32 to vector<8x8xf32>
    %slice3A_64 = vector.extract_strided_slice %add3A_61 {offsets = [0, 0], sizes = [8, 2040], strides = [1, 1]} : vector<8x2048xf32> to vector<8x2040xf32>
    %concatenate3A_65 = tpu.concatenate %broadcast_in_dim3A_63, %slice3A_64 in 1 : vector<8x8xf32>, vector<8x2040xf32> -> vector<8x2048xf32>
    %add3A_66 = arith.addf %add3A_61, %concatenate3A_65 : vector<8x2048xf32>
    %broadcast_in_dim3A_67 = arith.constant 0.000000e+00 : f32
    %broadcast_in_dim3A_68 = vector.broadcast %broadcast_in_dim3A_67 : f32 to vector<8x16xf32>
    %slice3A_69 = vector.extract_strided_slice %add3A_66 {offsets = [0, 0], sizes = [8, 2032], strides = [1, 1]} : vector<8x2048xf32> to vector<8x2032xf32>
    %concatenate3A_70 = tpu.concatenate %broadcast_in_dim3A_68, %slice3A_69 in 1 : vector<8x16xf32>, vector<8x2032xf32> -> vector<8x2048xf32>
    %add3A_71 = arith.addf %add3A_66, %concatenate3A_70 : vector<8x2048xf32>
    %broadcast_in_dim3A_72 = arith.constant 0.000000e+00 : f32
    %broadcast_in_dim3A_73 = vector.broadcast %broadcast_in_dim3A_72 : f32 to vector<8x32xf32>
    %slice3A_74 = vector.extract_strided_slice %add3A_71 {offsets = [0, 0], sizes = [8, 2016], strides = [1, 1]} : vector<8x2048xf32> to vector<8x2016xf32>
    %concatenate3A_75 = tpu.concatenate %broadcast_in_dim3A_73, %slice3A_74 in 1 : vector<8x32xf32>, vector<8x2016xf32> -> vector<8x2048xf32>
    %add3A_76 = arith.addf %add3A_71, %concatenate3A_75 : vector<8x2048xf32>
    %broadcast_in_dim3A_77 = arith.constant 0.000000e+00 : f32
    %broadcast_in_dim3A_78 = vector.broadcast %broadcast_in_dim3A_77 : f32 to vector<8x64xf32>
    %slice3A_79 = vector.extract_strided_slice %add3A_76 {offsets = [0, 0], sizes = [8, 1984], strides = [1, 1]} : vector<8x2048xf32> to vector<8x1984xf32>
    %concatenate3A_80 = tpu.concatenate %broadcast_in_dim3A_78, %slice3A_79 in 1 : vector<8x64xf32>, vector<8x1984xf32> -> vector<8x2048xf32>
    %add3A_81 = arith.addf %add3A_76, %concatenate3A_80 : vector<8x2048xf32>
    %broadcast_in_dim3A_82 = arith.constant 0.000000e+00 : f32
    %broadcast_in_dim3A_83 = vector.broadcast %broadcast_in_dim3A_82 : f32 to vector<8x128xf32>
    %slice3A_84 = vector.extract_strided_slice %add3A_81 {offsets = [0, 0], sizes = [8, 1920], strides = [1, 1]} : vector<8x2048xf32> to vector<8x1920xf32>
    %concatenate3A_85 = tpu.concatenate %broadcast_in_dim3A_83, %slice3A_84 in 1 : vector<8x128xf32>, vector<8x1920xf32> -> vector<8x2048xf32>
    %add3A_86 = arith.addf %add3A_81, %concatenate3A_85 : vector<8x2048xf32>
    %broadcast_in_dim3A_87 = arith.constant 0.000000e+00 : f32
    %broadcast_in_dim3A_88 = vector.broadcast %broadcast_in_dim3A_87 : f32 to vector<8x256xf32>
    %slice3A_89 = vector.extract_strided_slice %add3A_86 {offsets = [0, 0], sizes = [8, 1792], strides = [1, 1]} : vector<8x2048xf32> to vector<8x1792xf32>
    %concatenate3A_90 = tpu.concatenate %broadcast_in_dim3A_88, %slice3A_89 in 1 : vector<8x256xf32>, vector<8x1792xf32> -> vector<8x2048xf32>
    %add3A_91 = arith.addf %add3A_86, %concatenate3A_90 : vector<8x2048xf32>
    %broadcast_in_dim3A_92 = arith.constant 0.000000e+00 : f32
    %broadcast_in_dim3A_93 = vector.broadcast %broadcast_in_dim3A_92 : f32 to vector<8x512xf32>
    %slice3A_94 = vector.extract_strided_slice %add3A_91 {offsets = [0, 0], sizes = [8, 1536], strides = [1, 1]} : vector<8x2048xf32> to vector<8x1536xf32>
    %concatenate3A_95 = tpu.concatenate %broadcast_in_dim3A_93, %slice3A_94 in 1 : vector<8x512xf32>, vector<8x1536xf32> -> vector<8x2048xf32>
    %add3A_96 = arith.addf %add3A_91, %concatenate3A_95 : vector<8x2048xf32>
    %broadcast_in_dim3A_97 = arith.constant 0.000000e+00 : f32
    %broadcast_in_dim3A_98 = vector.broadcast %broadcast_in_dim3A_97 : f32 to vector<8x1024xf32>
    %slice3A_99 = vector.extract_strided_slice %add3A_96 {offsets = [0, 0], sizes = [8, 1024], strides = [1, 1]} : vector<8x2048xf32> to vector<8x1024xf32>
    %concatenate3A_100 = tpu.concatenate %broadcast_in_dim3A_98, %slice3A_99 in 1 : vector<8x1024xf32>, vector<8x1024xf32> -> vector<8x2048xf32>
    %add3A_101 = arith.addf %add3A_96, %concatenate3A_100 : vector<8x2048xf32>
    %sub3A_102 = arith.subf %add3A_101, %add3A_48 : vector<8x2048xf32>
    %slice3A_103 = vector.extract_strided_slice %add3A_101 {offsets = [0, 2047], sizes = [8, 1], strides = [1, 1]} : vector<8x2048xf32> to vector<8x1xf32>
    %add3A_104 = arith.constant 5.110000e+02 : f32
    %add3A_105 = vector.broadcast %add3A_104 : f32 to vector<8x1xf32>
    %add3A_106 = arith.addf %slice3A_103, %add3A_105 : vector<8x1xf32>
    %div3A_107 = arith.constant 5.120000e+02 : f32
    %div3A_108 = vector.broadcast %div3A_107 : f32 to vector<8x1xf32>
    %div3A_109 = arith.divf %add3A_106, %div3A_108 : vector<8x1xf32>
    %floor3A = math.floor %div3A_109 : vector<8x1xf32>
    %mul3A = arith.constant 5.120000e+02 : f32
    %mul3A_110 = vector.broadcast %mul3A : f32 to vector<8x1xf32>
    %mul3A_111 = arith.mulf %floor3A, %mul3A_110 : vector<8x1xf32>
    %broadcast_in_dim3A_112 = arith.constant 0.000000e+00 : f32
    %broadcast_in_dim3A_113 = vector.broadcast %broadcast_in_dim3A_112 : f32 to vector<1x1xf32>
    %slice3A_114 = vector.extract_strided_slice %mul3A_111 {offsets = [0, 0], sizes = [7, 1], strides = [1, 1]} : vector<8x1xf32> to vector<7x1xf32>
    %concatenate3A_115 = tpu.concatenate %broadcast_in_dim3A_113, %slice3A_114 in 0 : vector<1x1xf32>, vector<7x1xf32> -> vector<8x1xf32>
    %add3A_116 = arith.addf %mul3A_111, %concatenate3A_115 : vector<8x1xf32>
    %broadcast_in_dim3A_117 = arith.constant 0.000000e+00 : f32
    %broadcast_in_dim3A_118 = vector.broadcast %broadcast_in_dim3A_117 : f32 to vector<2x1xf32>
    %slice3A_119 = vector.extract_strided_slice %add3A_116 {offsets = [0, 0], sizes = [6, 1], strides = [1, 1]} : vector<8x1xf32> to vector<6x1xf32>
    %concatenate3A_120 = tpu.concatenate %broadcast_in_dim3A_118, %slice3A_119 in 0 : vector<2x1xf32>, vector<6x1xf32> -> vector<8x1xf32>
    %add3A_121 = arith.addf %add3A_116, %concatenate3A_120 : vector<8x1xf32>
    %broadcast_in_dim3A_122 = arith.constant 0.000000e+00 : f32
    %broadcast_in_dim3A_123 = vector.broadcast %broadcast_in_dim3A_122 : f32 to vector<4x1xf32>
    %slice3A_124 = vector.extract_strided_slice %add3A_121 {offsets = [0, 0], sizes = [4, 1], strides = [1, 1]} : vector<8x1xf32> to vector<4x1xf32>
    %concatenate3A_125 = tpu.concatenate %broadcast_in_dim3A_123, %slice3A_124 in 0 : vector<4x1xf32>, vector<4x1xf32> -> vector<8x1xf32>
    %add3A_126 = arith.addf %add3A_121, %concatenate3A_125 : vector<8x1xf32>
    %sub3A_127 = arith.subf %add3A_126, %mul3A_111 : vector<8x1xf32>
    %broadcast_in_dim3A_128 = vector.shape_cast %sub3A_127 : vector<8x1xf32> to vector<8x1xf32>
    %broadcast_in_dim3A_129 = vector.broadcast %broadcast_in_dim3A_128 : vector<8x1xf32> to vector<8x2048xf32>
    %eq3A_130 = vector.broadcast %broadcast_in_dim3A_17 : vector<1x2048xi32> to vector<8x2048xi32>
    %eq3A_131 = arith.cmpi eq, %iota3A, %eq3A_130 : vector<8x2048xi32>
    %jit3A_132 = arith.constant 0.000000e+00 : f32
    %broadcast_in_dim3A_133 = vector.broadcast %jit3A_132 : f32 to vector<8x2048xf32>
    %select_n3A_134 = arith.select %eq3A_131, %broadcast_in_dim3A_129, %broadcast_in_dim3A_133 : vector<8x2048xi1>, vector<8x2048xf32>
    %reduce_sum3A_135 = arith.constant dense<0.000000e+00> : vector<2048xf32>
    %reduce_sum3A_136 = vector.multi_reduction <add>, %select_n3A_134, %reduce_sum3A_135 [0] : vector<8x2048xf32> to vector<2048xf32>
    %broadcast_in_dim3A_137 = vector.shape_cast %reduce_sum3A_136 : vector<2048xf32> to vector<1x2048xf32>
    %eq3A_138 = vector.broadcast %broadcast_in_dim3A_17 : vector<1x2048xi32> to vector<8x2048xi32>
    %eq3A_139 = arith.cmpi eq, %iota3A, %eq3A_138 : vector<8x2048xi32>
    %jit3A_140 = arith.constant 0.000000e+00 : f32
    %broadcast_in_dim3A_141 = vector.broadcast %jit3A_140 : f32 to vector<8x2048xf32>
    %select_n3A_142 = arith.select %eq3A_139, %sub3A_102, %broadcast_in_dim3A_141 : vector<8x2048xi1>, vector<8x2048xf32>
    %reduce_sum3A_143 = arith.constant dense<0.000000e+00> : vector<2048xf32>
    %reduce_sum3A_144 = vector.multi_reduction <add>, %select_n3A_142, %reduce_sum3A_143 [0] : vector<8x2048xf32> to vector<2048xf32>
    %broadcast_in_dim3A_145 = vector.shape_cast %reduce_sum3A_144 : vector<2048xf32> to vector<1x2048xf32>
    %add3A_146 = arith.addf %broadcast_in_dim3A_137, %broadcast_in_dim3A_145 : vector<1x2048xf32>
    %eq3A_147 = vector.broadcast %broadcast_in_dim3A_33 : vector<1x2048xi32> to vector<8x2048xi32>
    %eq3A_148 = arith.cmpi eq, %iota3A, %eq3A_147 : vector<8x2048xi32>
    %jit3A_149 = arith.constant 0.000000e+00 : f32
    %broadcast_in_dim3A_150 = vector.broadcast %jit3A_149 : f32 to vector<8x2048xf32>
    %select_n3A_151 = arith.select %eq3A_148, %broadcast_in_dim3A_129, %broadcast_in_dim3A_150 : vector<8x2048xi1>, vector<8x2048xf32>
    %reduce_sum3A_152 = arith.constant dense<0.000000e+00> : vector<2048xf32>
    %reduce_sum3A_153 = vector.multi_reduction <add>, %select_n3A_151, %reduce_sum3A_152 [0] : vector<8x2048xf32> to vector<2048xf32>
    %broadcast_in_dim3A_154 = vector.shape_cast %reduce_sum3A_153 : vector<2048xf32> to vector<1x2048xf32>
    %eq3A_155 = vector.broadcast %broadcast_in_dim3A_33 : vector<1x2048xi32> to vector<8x2048xi32>
    %eq3A_156 = arith.cmpi eq, %iota3A, %eq3A_155 : vector<8x2048xi32>
    %jit3A_157 = arith.constant 0.000000e+00 : f32
    %broadcast_in_dim3A_158 = vector.broadcast %jit3A_157 : f32 to vector<8x2048xf32>
    %select_n3A_159 = arith.select %eq3A_156, %sub3A_102, %broadcast_in_dim3A_158 : vector<8x2048xi1>, vector<8x2048xf32>
    %reduce_sum3A_160 = arith.constant dense<0.000000e+00> : vector<2048xf32>
    %reduce_sum3A_161 = vector.multi_reduction <add>, %select_n3A_159, %reduce_sum3A_160 [0] : vector<8x2048xf32> to vector<2048xf32>
    %broadcast_in_dim3A_162 = vector.shape_cast %reduce_sum3A_161 : vector<2048xf32> to vector<1x2048xf32>
    %add3A_163 = arith.addf %broadcast_in_dim3A_154, %broadcast_in_dim3A_162 : vector<1x2048xf32>
    %eq3A_164 = vector.broadcast %broadcast_in_dim3A_33 : vector<1x2048xi32> to vector<8x2048xi32>
    %eq3A_165 = arith.cmpi eq, %iota3A, %eq3A_164 : vector<8x2048xi32>
    %jit3A_166 = arith.constant 0.000000e+00 : f32
    %broadcast_in_dim3A_167 = vector.broadcast %jit3A_166 : f32 to vector<8x2048xf32>
    %select_n3A_168 = arith.select %eq3A_165, %convert_element_type3A_43, %broadcast_in_dim3A_167 : vector<8x2048xi1>, vector<8x2048xf32>
    %reduce_sum3A_169 = arith.constant dense<0.000000e+00> : vector<2048xf32>
    %reduce_sum3A_170 = vector.multi_reduction <add>, %select_n3A_168, %reduce_sum3A_169 [0] : vector<8x2048xf32> to vector<2048xf32>
    %broadcast_in_dim3A_171 = vector.shape_cast %reduce_sum3A_170 : vector<2048xf32> to vector<1x2048xf32>
    %add3A_172 = arith.addf %add3A_163, %broadcast_in_dim3A_171 : vector<1x2048xf32>
    %convert_element_type3A_173 = arith.fptosi %add3A_146 : vector<1x2048xf32> to vector<1x2048xi32>
    %swap3A_174 = arith.constant 0 : index
    %swap3A_175 = arith.constant 0 : index
    %swap3A_176 = vector.load %arg2[%swap3A_174, %swap3A_175] : memref<2x2048xi32, #tpu.memory_space<vmem>>, vector<1x2048xi32>
    tpu.vector_store %arg2[%swap3A_174, %swap3A_175], %convert_element_type3A_173 {strides = array<i32>} : memref<2x2048xi32, #tpu.memory_space<vmem>>, vector<1x2048xi32>,
    %convert_element_type3A_177 = arith.fptosi %add3A_172 : vector<1x2048xf32> to vector<1x2048xi32>
    %swap3A_178 = arith.constant 1 : index
    %swap3A_179 = arith.constant 0 : index
    %swap3A_180 = vector.load %arg2[%swap3A_178, %swap3A_179] : memref<2x2048xi32, #tpu.memory_space<vmem>>, vector<1x2048xi32>
    tpu.vector_store %arg2[%swap3A_178, %swap3A_179], %convert_element_type3A_177 {strides = array<i32>} : memref<2x2048xi32, #tpu.memory_space<vmem>>, vector<1x2048xi32>,
    %iota3A_181 = tpu.iota {dimensions = array<i32: 1>} : vector<1x15xi32>
    %convert_element_type3A_182 = arith.sitofp %iota3A_181 : vector<1x15xi32> to vector<1x15xf32>
    %mul3A_183 = arith.constant 5.120000e+02 : f32
    %mul3A_184 = vector.broadcast %mul3A_183 : f32 to vector<1x15xf32>
    %mul3A_185 = arith.mulf %convert_element_type3A_182, %mul3A_184 : vector<1x15xf32>
    %le3A = vector.broadcast %add3A_126 : vector<8x1xf32> to vector<8x15xf32>
    %le3A_186 = vector.broadcast %mul3A_185 : vector<1x15xf32> to vector<8x15xf32>
    %le3A_187 = arith.cmpf ole, %le3A, %le3A_186 : vector<8x15xf32>
    %convert_element_type3A_188 = arith.extui %le3A_187 : vector<8x15xi1> to vector<8x15xi32>
    %convert_element_type3A_189 = arith.sitofp %convert_element_type3A_188 : vector<8x15xi32> to vector<8x15xf32>
    %reduce_sum3A_190 = arith.constant dense<0.000000e+00> : vector<15xf32>
    %reduce_sum3A_191 = vector.multi_reduction <add>, %convert_element_type3A_189, %reduce_sum3A_190 [0] : vector<8x15xf32> to vector<15xf32>
    %broadcast_in_dim3A_192 = vector.shape_cast %reduce_sum3A_191 : vector<15xf32> to vector<1x15xf32>
    %iota3A_193 = tpu.iota {dimensions = array<i32: 0>} : vector<8x1xi32>
    %convert_element_type3A_194 = arith.sitofp %iota3A_193 : vector<8x1xi32> to vector<8x1xf32>
    %gt3A = arith.constant 0.000000e+00 : f32
    %gt3A_195 = vector.broadcast %gt3A : f32 to vector<8x1xf32>
    %gt3A_196 = arith.cmpf ogt, %slice3A_103, %gt3A_195 : vector<8x1xf32>
    %jit3A_197 = arith.constant -1.000000e+00 : f32
    %broadcast_in_dim3A_198 = vector.broadcast %jit3A_197 : f32 to vector<8x1xf32>
    %select_n3A_199 = arith.select %gt3A_196, %convert_element_type3A_194, %broadcast_in_dim3A_198 : vector<8x1xi1>, vector<8x1xf32>
    %reduce_max3A_200 = arith.constant dense<0xFF800000> : vector<1xf32>
    %reduce_max3A_201 = vector.multi_reduction <maximumf>, %select_n3A_199, %reduce_max3A_200 [0] : vector<8x1xf32> to vector<1xf32>
    %broadcast_in_dim3A_202 = vector.shape_cast %reduce_max3A_201 : vector<1xf32> to vector<1x1xf32>
    %slice3A_203 = vector.extract_strided_slice %add3A_126 {offsets = [7, 0], sizes = [1, 1], strides = [1, 1]} : vector<8x1xf32> to vector<1x1xf32>
    %lt3A = vector.broadcast %slice3A_203 : vector<1x1xf32> to vector<1x15xf32>
    %lt3A_204 = arith.cmpf olt, %mul3A_185, %lt3A : vector<1x15xf32>
    %broadcast_in_dim3A_205 = vector.shape_cast %broadcast_in_dim3A_202 : vector<1x1xf32> to vector<1x1xf32>
    %broadcast_in_dim3A_206 = vector.broadcast %broadcast_in_dim3A_205 : vector<1x1xf32> to vector<1x15xf32>
    %select_n3A_207 = arith.select %lt3A_204, %broadcast_in_dim3A_192, %broadcast_in_dim3A_206 : vector<1x15xi1>, vector<1x15xf32>
    %convert_element_type3A_208 = arith.fptosi %select_n3A_207 : vector<1x15xf32> to vector<1x15xi32>
    %swap3A_209 = arith.constant 0 : index
    %swap3A_210 = arith.constant 0 : index
    %swap3A_211 = vector.load %arg4[%swap3A_209, %swap3A_210] : memref<1x15xi32, #tpu.memory_space<vmem>>, vector<1x15xi32>
    tpu.vector_store %arg4[%swap3A_209, %swap3A_210], %convert_element_type3A_208 {strides = array<i32>} : memref<1x15xi32, #tpu.memory_space<vmem>>, vector<1x15xi32>,
    return
  }
}

</mosaic_0001>

<sc_bundles>
// kernel: kernel.6.cloned.1.call-start
scs
__scs_entry_jumppad:
0x0: {  	(pc) =	sbr.rel $0x88, $3  }
0x1: {  	(tag) =	ssettag $0x0;
	lr =	simm.s32 $0x1  }
0x2: {  	[smem:$0x3F9C] =	sst lr;
	_ =	strace $0xD0000000  }
0x3: {  	_ = 	snop  }
0x4: {  	_ = 	snop  }
0x5: {  	_ = 	snop  }
0x6: {  	_ = 	snop  }
0x7: {  	_ = 	snop  }
__scs_overlays_trampoline_lowered:
0x8: {  	[smem:$0x3FAB] =	sst s0  }
0x9: {  	[smem:$0x3FAC] =	sst s1  }
0xa: {  	[smem:$0x3FAD] =	sst s2  }
0xb: {  	[smem:$0x3FAE] =	sst s3  }
0xc: {  	[smem:$0x3FAF] =	sst s4  }
0xd: {  	[smem:$0x3FB0] =	sst s5  }
0xe: {  	[smem:$0x3FB1] =	sst s6  }
0xf: {  	[smem:$0x3FB2] =	sst s7  }
0x10: {  	[smem:$0x3FB3] =	sst s8  }
0x11: {  	[smem:$0x3FB4] =	sst s9;
	s0 =	simm.s32 @!p0 $0x0  }
0x12: {  	s1 =	sld [smem:$0x3F9A];
	s0 =	simm.s32 @p0 $0x1  }
0x13: {  	[smem:$0x3FB5] =	sst s0;
	s0 =	simm.s32 @!p1 $0x0  }
0x14: {  	s2 =	sld [smem:$0x3F99];
	s0 =	simm.s32 @p1 $0x1  }
0x15: {  	[smem:$0x3FB6] =	sst s0;
	s0 =	simm.s32 @!p2 $0x0  }
0x16: {  	s3 =	sld [smem:$0x3FDB];
	s0 =	simm.s32 @p2 $0x1  }
0x17: {  	s4 =	simm.s32 $0x1BF5;
	[smem:$0x3FB8] =	sst s0  }
0x18: {  	s0 =	sld [smem:$0x3F9B];
	_ =	swait.ge [sflag:s4], $0x0  }
0x19: {  	s7 =	sld [smem:$0x3F9C]  }
0x1a: {  	s8 =	sadd.s32 $0xFFFFE003, lr  }
0x1b: {  	s9 =	sadd.s32 $0xFFFFFEF7, lr;
	s5 =	simm.s32 $0xFFFFFFFF;
	p2 =	slt.u32 s8, $0xFFFFF086  }
0x1c: {  	p1 =	slt.u32 s9, $0xF7A;
	s5 =	simm.s32 @!p2 $0x0  }
0x1d: {  	s5 =	simm.s32 @p1 $0x1;
	p0 =	seq.s32 s7, s2  }
0x1e: {  	s7 =	smul.u32 @!p0 $0xF7A, s2;
	p2 =	seq.s32 @!p0 s5, $0x0  }
0x1f: {  	s9 =	smul.u32 $0xF7A, s1;
	s8 =	simm.s32 @!p0 $0x1BF5;
	p2 =	por !p2, p0  }
0x20: {  	[sflag:s8] =	ssyncset.s32 @!p0 $0xFFFFF086;
	s6 =	sadd.s32 @!p0 s3, s7;
	s7 =	simm.s32 @!p0 $0x108  }
0x21: {  	s3 =	sadd.s32 s3, s9;
	s6 =	sadd.s32 @!p0 $0x88, s6;
	s7 =	simm.s32 @p2 $0x1082  }
0x22: {  	[simem:s7], [sflag:s8] =	dma.local @!p0 [hbm:s6], $0xF7A  }
0x23: {  	s9 =	sor.u32 $0xD0000000, s2;
	s6 =	simm.s32 $0x108;
	_ =	swait.ge @!p0 [sflag:s8], $0x0  }
0x24: {  	s3 =	sadd.s32 $0x88, s3;
	s6 =	simm.s32 @!p1 $0x1082;
	[sflag:s4] =	ssyncset.s32 $0xFFFFF086  }
0x25: {  	[simem:s6], [sflag:s4] =	dma.local [hbm:s3], $0xF7A  }
0x26: {  	[smem:$0x3F9C] =	sst s1;
	(tag) =	ssettag s2;
	_ =	strace s9  }
0x27: {  	s1 =	sld [smem:$0x3FAC]  }
0x28: {  	s2 =	sld [smem:$0x3FAD]  }
0x29: {  	s4 =	sld [smem:$0x3FAF]  }
0x2a: {  	p0 =	seq.s32 s5, $0x0;
	s5 =	sld [smem:$0x3FB0]  }
0x2b: {  	s6 =	sld [smem:$0x3FB1]  }
0x2c: {  	s7 =	sld [smem:$0x3FB2]  }
0x2d: {  	s3 =	simm.s32 $0x108;
	s8 =	sld [smem:$0x3FB3]  }
0x2e: {  	s3 =	simm.s32 @!p0 $0x1082;
	s9 =	sld [smem:$0x3FB4]  }
0x2f: {  	lr =	sadd.s32 s0, s3;
	s0 =	sld [smem:$0x3FAB]  }
0x30: {  	s3 =	sld [smem:$0x3FAE]  }
0x31: {  	[smem:$0x3FB7] =	sst s10  }
0x32: {  	s10 =	sld [smem:$0x3FB5];
	_ =	sdelay $0x3  }
0x33: {  	p0 =	seq.s32 s10, $0x1;
	s10 =	sld [smem:$0x3FB7];
	_ =	sdelay $0x3  }
0x34: {  	[smem:$0x3FB7] =	sst s10  }
0x35: {  	s10 =	sld [smem:$0x3FB6];
	_ =	sdelay $0x3  }
0x36: {  	p1 =	seq.s32 s10, $0x1;
	s10 =	sld [smem:$0x3FB7];
	_ =	sdelay $0x3  }
0x37: {  	[smem:$0x3FB7] =	sst s10  }
0x38: {  	s10 =	sld [smem:$0x3FB8]  }
0x39: {  	_ = 	snop;
	(pc) =	sbr.ind lr, $3  }
0x3a: {  	_ = 	snop  }
0x3b: {  	_ = 	snop  }
0x3c: {  	p2 =	seq.s32 s10, $0x1;
	s10 =	sld [smem:$0x3FB7]  }
0x3d: {  	_ =	shalt  }
0x3e: {  	_ =	shalt  }
0x3f: {  	_ =	shalt  }
0x40: {  	_ =	shalt  }
0x41: {  	_ =	shalt  }
0x42: {  	_ =	shalt  }
0x43: {  	_ =	shalt  }
0x44: {  	_ =	shalt  }
0x45: {  	_ =	shalt  }
0x46: {  	_ =	shalt  }
0x47: {  	_ =	shalt  }
0x48: {  	_ =	shalt  }
0x49: {  	_ =	shalt  }
0x4a: {  	_ =	shalt  }
0x4b: {  	_ =	shalt  }
0x4c: {  	_ =	shalt  }
0x4d: {  	_ =	shalt  }
0x4e: {  	_ =	shalt  }
0x4f: {  	_ =	shalt  }
0x50: {  	_ =	shalt  }
0x51: {  	_ =	shalt  }
0x52: {  	_ =	shalt  }
0x53: {  	_ =	shalt  }
0x54: {  	_ =	shalt  }
0x55: {  	_ =	shalt  }
0x56: {  	_ =	shalt  }
0x57: {  	_ =	shalt  }
0x58: {  	_ =	shalt  }
0x59: {  	_ =	shalt  }
0x5a: {  	_ =	shalt  }
0x5b: {  	_ =	shalt  }
0x5c: {  	_ =	shalt  }
0x5d: {  	_ =	shalt  }
0x5e: {  	_ =	shalt  }
0x5f: {  	_ =	shalt  }
0x60: {  	_ =	shalt  }
0x61: {  	_ =	shalt  }
0x62: {  	_ =	shalt  }
0x63: {  	_ =	shalt  }
0x64: {  	_ =	shalt  }
0x65: {  	_ =	shalt  }
0x66: {  	_ =	shalt  }
0x67: {  	_ =	shalt  }
0x68: {  	_ =	shalt  }
0x69: {  	_ =	shalt  }
0x6a: {  	_ =	shalt  }
0x6b: {  	_ =	shalt  }
0x6c: {  	_ =	shalt  }
0x6d: {  	_ =	shalt  }
0x6e: {  	_ =	shalt  }
0x6f: {  	_ =	shalt  }
0x70: {  	_ =	shalt  }
0x71: {  	_ =	shalt  }
0x72: {  	_ =	shalt  }
0x73: {  	_ =	shalt  }
0x74: {  	_ =	shalt  }
0x75: {  	_ =	shalt  }
0x76: {  	_ =	shalt  }
0x77: {  	_ =	shalt  }
0x78: {  	_ =	shalt  }
0x79: {  	_ =	shalt  }
0x7a: {  	_ =	shalt  }
0x7b: {  	_ =	shalt  }
0x7c: {  	_ =	shalt  }
0x7d: {  	_ =	shalt  }
0x7e: {  	_ =	shalt  }
0x7f: {  	_ =	shalt  }
0x80: {  	_ =	shalt  }
0x81: {  	_ =	shalt  }
0x82: {  	_ =	shalt  }
0x83: {  	_ =	shalt  }
0x84: {  	_ =	shalt  }
0x85: {  	_ =	shalt  }
0x86: {  	_ =	shalt  }
0x87: {  	_ =	shalt  }
.Lfunc_end0:
.L_simem_size_0:
called_computation_lowered:
.L_overlay_start_0:
0x88: {  	s2 =	sld [smem:$0x3FD9]  }
0x89: {  	s3 =	sld [smem:$0x3FFE];
	_ =	sdelay $0x1  }
0x8a: {  	s1 =	srdreg.scid  }
0x8b: {  	s0 =	sand.u32 $0x1, s1  }
0x8c: {  	s17 =	sshll.u32 s0, $0xA;
	s2 =	sadd.s32 s3, s2  }
0x8d: {  	s2 =	sadd.s32 s2, s17  }
0x8e: {  	[smem:$0x3FC3] =	sst s2  }
0x8f: {  	_ = 	snop  }
0x90: {  	s2 =	sld [smem:$0x3FC9];
	(tm) =	ssettm $0x1  }
0x91: {  	s18 =	sld [smem:$0x3FFB];
	_ =	sdelay $0x3  }
0x92: {  	_ =	strace s18  }
0x93: {  	s3 =	sld [smem:$0x3FFC];
	_ =	sdelay $0x3  }
0x94: {  	_ =	strace s3  }
0x95: {  	s3 =	sld [smem:$0x3FFD];
	_ =	sdelay $0x3  }
0x96: {  	_ =	strace s3  }
0x97: {  	_ =	strace $0x8FFFFFFF  }
0x98: {  	s19 =	sld [smem:$0x3FDB];
	_ =	sdelay $0x1  }
0x99: {  	s4 =	simm.s32 $_scs_section_size  }
0x9a: {  	s5 =	simm.s32 $_size__tile_overlayer_lowered;
	s6 =	simm.s32 $_tile_overlayer_lowered  }
0x9b: {  	s22 =	simm.s32 $0x1BFF;
	s21 =	sshll.u32 s6, $0x1;
	s3 =	sadd.s32 s4, s19  }
0x9c: {  	s7 =	simm.s32 $0x0;
	s20 =	sshll.u32 s5, $0x1;
	s5 =	sadd.s32 s21, s3  }
0x9d: {  	[timem:s7], [sflag:s22] =	dma.local [hbm:s5], s20  }
0x9e: {  	_ =	swait.ge [sflag:s22], s20  }
0x9f: {  	s4 =	ssub.s32 $0x0, s20;
	[sflag:s22] =	ssyncset.done $0x0  }
0xa0: {  	[sflag:s22] =	ssyncadd.s32 s4;
	_ =	sdelay $0x1  }
0xa1: {  	s23 =	simm.s32 $0x1B8B  }
0xa2: {  	_ =	swait.ge [sflag:s23], $0x1  }
0xa3: {  	[sflag:s23] =	ssyncset.done $0x0  }
0xa4: {  	s25 =	simm.s32 $0x1B8E;
	s24 =	sld [smem:$0x3FFE];
	[sflag:s23] =	ssyncadd.s32 $0xFFFFFFFF  }
0xa5: {  	s26 =	simm.s32 $execute0_lowered;
	[smem:$0x3FD2] =	sst s25  }
0xa6: {  	s5 =	sshll.u32 s26, $0x1;
	_ =	strace $0x80000046;
	[dreg:$0x1] =	wrdreg $0xFFFFFFFF  }
0xa7: {  	s28 =	simm.s32 $_size_execute0_lowered;
	s3 =	sadd.s32 s3, s5;
	[dreg:$0x0] =	wrdreg $0x0  }
0xa8: {  	s5 =	sshll.u32 s28, $0x1;
	[dreg:$0x2] =	wrdreg s3  }
0xa9: {  	[dreg:$0x3] =	wrdreg s5  }
0xaa: {  	[dreg:$0x4] =	wrdreg $0xC0  }
0xab: {  	_ =	task [dreg:s7], $0x5FFFF  }
0xac: {  	[dreg:$0x1] =	wrdreg $0xFFFFFFFF  }
0xad: {  	[dreg:$0x0] =	wrdreg $0x60  }
0xae: {  	[dreg:$0x2] =	wrdreg s2  }
0xaf: {  	[dreg:$0x3] =	wrdreg s24  }
0xb0: {  	[dreg:$0x4] =	wrdreg $0x9  }
0xb1: {  	_ =	task.clear_ibuf [dreg:s7], $0x5FFFF;
	_ =	strace $0x90000046  }
0xb2: {  	s29 =	simm.s32 $0x9;
	_ =	strace $0x80000048  }
0xb3: {  	_ =	swait.ge [sflag:s29], $0x1  }
0xb4: {  	[sflag:s29] =	ssyncadd.s32 $0xFFFFFFFF  }
0xb5: {  	_ =	strace $0x90000048  }
0xb6: {  	_ =	sfence  }
0xb7: {  	s30 =	sld [smem:$0x0];
	_ =	sdelay $0x2  }
0xb8: {  	s31 =	sshll.u32 s1, $0xD;
	s1 =	sshrl.u32 s1, $0x2  }
0xb9: {  	s3 =	sand.u32 $0x4000, s31;
	s1 =	sadd.s32 s1, s30  }
0xba: {  	s0 =	sor.u32 s3, s0;
	s1 =	sshll.u32 s1, $0x11  }
0xbb: {  	s0 =	sor.u32 s1, s0  }
0xbc: {  	s0 =	sadd.s32 $0x8F2B, s0  }
0xbd: {  	[sflag:s0] =	ssyncadd.remote.s32 $0x1  }
0xbe: {  	_ =	sfence.sel $0xFFFF  }
0xbf: {  	[dreg:$0x0] =	wrdreg $0xFFFFFFFF;
	(pc) =	sbr.abs _section_cstart, $3  }
0xc0: {  	[dreg:$0x1] =	wrdreg $0xFFFFFFFF  }
0xc1: {  	_ =	task.clear_ibuf [dreg:s7], $0x2FFFF;
	_ =	strace $0x9FFFFFFF  }
0xc2: {  	(tm) =	ssettm $0x7FFFFFFF  }
0xc3: {  	_ =	shalt  }
tec
execute0_lowered:
.L_overlay_start_1:
0x0: {  	(tag) =	ssettag $0x1  }
0x1: {  	s1 =	rddreg [dreg:$0x0];
	s2 =	srdreg.scid  }
0x2: {  	s0 =	stileid.u32;
	s7 =	rddreg [dreg:$0x1]  }
0x3: {  	s11 =	simm.s32 $0x5;
	s12 =	simm.s32 $0x80;
	s13 =	simm.s32 $0x4080  }
0x4: {  	s14 =	simm.s32 $0x1;
	s15 =	simm.s32 $0x880;
	s16 =	simm.s32 $0x1080  }
0x5: {  	s17 =	simm.s32 $0x1880;
	s18 =	simm.s32 $0x2080;
	s19 =	simm.s32 $0x2880  }
0x6: {  	s20 =	simm.s32 $0x3080;
	s28 =	simm.s32 $0x6080;
	s29 =	simm.s32 $0x6880  }
0x7: {  	s30 =	simm.s32 $0x7080;
	s5 =	sand.u32 $0x1, s2;
	s21 =	sshll.u32 s0, $0x1  }
0x8: {  	s31 =	simm.s32 $0x7880;
	s2 =	simm.s32 $0x0;
	s3 =	sor.u32 s5, s21  }
0x9: {  	[smem:$0x7FF] =	sst s2;
	s5 =	ssub.s32 $0x2, s5;
	s21 =	simm.s32 $0x3880  }
0xa: {  	s4 =	sshll.u32 s3, $0x4;
	s3 =	sshll.u32 s3, $0xE;
	_ =	strace $0x80000047  }
0xb: {  	s23 =	sshrl.u32 s5, $0x1;
	s4 =	sadd.s32 s4, s7;
	s3 =	sand.u32 $0x3C000, s3  }
0xc: {  	s10 =	ssub.s32 s5, s23;
	s5 =	sadd.s32 $0x1300, s7;
	s23 =	simm.s32 $0x2  }
0xd: {  	s6 =	sadd.s32 $0x1000, s4;
	s3 =	sadd.s32 s1, s3;
	s4 =	sadd.s32 $0x1200, s7  }
0xe: {  	s10 =	smax.u32 s10, $0x1;
	[dreg:$0x3] =	wrdreg s6;
	s1 =	sadd.s32 $0x800, s3  }
0xf: {  	s22 =	sadd.s32 $0x1000, s3;
	s24 =	sadd.s32 $0x1800, s3;
	[dreg:$0x4] =	wrdreg s1  }
0x10: {  	s25 =	sadd.s32 $0x2000, s3;
	s26 =	sadd.s32 $0x2800, s3;
	[dreg:$0x5] =	wrdreg s22  }
0x11: {  	s6 =	sadd.s32 $0x1400, s7;
	s7 =	sadd.s32 $0x1500, s7;
	[dreg:$0x6] =	wrdreg s24  }
0x12: {  	v2 =	vlaneseq.u32;
	s8 =	sadd.s32 $0x3000, s3;
	s9 =	sadd.s32 $0x3800, s3;
	[dreg:$0x7] =	wrdreg s25  }
0x13: {  	vm0 =	vmmov $0xffff;
	v1 =	vshrl.u32 v2, $0x3;
	[dreg:$0x8] =	wrdreg s26;
	s22 =	simm.s32 $0x3;
	s24 =	simm.s32 $0x4880  }
0x14: {  	v0 =	vand.u32 $0x7, v2;
	v2 =	vor.u32 $0x8, v2;
	v1 =	vmul.u32 $0x8, v1;
	s25 =	simm.s32 $0x5080;
	s26 =	simm.s32 $0x5880;
	s1 =	simm.s32 $0x4  }
.LBB2_1:
0x15: {  	s0 =	rddreg [dreg:$0x3]  }
0x16: {  	[tilespmem:s2], [sflag:$0x5] =	stream.linear.gather [hbm4b:s0+s2], $0x80, $0x38;
	[tilespmem:$0x8080] =	vst v63  }
0x17: {  	_ =	swait.ge [sflag:s11], $0x80  }
0x18: {  	[sflag:s11] =	ssyncset.done $0x0  }
0x19: {  	[sflag:s11] =	ssyncadd.s32 $0xFFFFFF80  }
0x1a: {  	[tilespmem:s12], [sflag:$0x1] =	stream.linear.gather [hbm4b:s3+s2], $0x4000, $0x38;
	[tilespmem:$0x8080] =	vst v63  }
0x1b: {  	s0 =	rddreg [dreg:$0x4]  }
0x1c: {  	[tilespmem:s13], [sflag:$0x2] =	stream.linear.gather [hbm4b:s0+s2], $0x4000, $0x38;
	[tilespmem:$0x8080] =	vst v63  }
0x1d: {  	_ =	swait.ge [sflag:s14], $0x4000  }
0x1e: {  	[sflag:s14] =	ssyncset.done $0x0  }
0x1f: {  	[sflag:s14] =	ssyncadd.s32 $0xFFFFC000  }
0x20: {  	v3 =	vld [tilespmem:$0x0];
	_ =	sdelay $0x4  }
0x21: {  	v4 =	vshll.u32 v3, $0x3  }
0x22: {  	v3 =	vand.u32 $0x7, v3;
	v4 =	vand.u32 $0xFFFFFFC0, v4  }
0x23: {  	v3 =	vor.u32 v3, v4  }
0x24: {  	v4 =	vperm.xlane v3, v0;
	_ =	sdelay $0x1  }
0x25: {  	v4 =	vadd.s32 v1, v4;
	_ =	sdelay $0x4  }
0x26: {  	[hbm4b:s4+s2] =	stream.indirect_vreg.scatter [tilespmem:s12], [sflag:$0x3], $0x80, v4, vm0, $0xb8;
	[tilespmem:$0x8080] =	vst v63  }
0x27: {  	v3 =	vperm.xlane v3, v2  }
0x28: {  	[hbm4b:s5+s2] =	stream.indirect_vreg.scatter [tilespmem:s15], [sflag:$0x3], $0x80, v4, vm0, $0xb8;
	[tilespmem:$0x8080] =	vst v63  }
0x29: {  	v3 =	vadd.s32 v1, v3  }
0x2a: {  	[hbm4b:s6+s2] =	stream.indirect_vreg.scatter [tilespmem:s16], [sflag:$0x3], $0x80, v4, vm0, $0xb8;
	[tilespmem:$0x8080] =	vst v63  }
0x2b: {  	_ = 	snop  }
0x2c: {  	[hbm4b:s7+s2] =	stream.indirect_vreg.scatter [tilespmem:s17], [sflag:$0x3], $0x80, v4, vm0, $0xb8;
	[tilespmem:$0x8080] =	vst v63  }
0x2d: {  	_ = 	snop  }
0x2e: {  	[hbm4b:s4+s2] =	stream.indirect_vreg.scatter [tilespmem:s18], [sflag:$0x3], $0x80, v3, vm0, $0xb8;
	[tilespmem:$0x8080] =	vst v63  }
0x2f: {  	_ = 	snop  }
0x30: {  	[hbm4b:s5+s2] =	stream.indirect_vreg.scatter [tilespmem:s19], [sflag:$0x3], $0x80, v3, vm0, $0xb8;
	[tilespmem:$0x8080] =	vst v63  }
0x31: {  	_ = 	snop  }
0x32: {  	[hbm4b:s6+s2] =	stream.indirect_vreg.scatter [tilespmem:s20], [sflag:$0x3], $0x80, v3, vm0, $0xb8;
	[tilespmem:$0x8080] =	vst v63  }
0x33: {  	_ = 	snop  }
0x34: {  	[hbm4b:s7+s2] =	stream.indirect_vreg.scatter [tilespmem:s21], [sflag:$0x3], $0x80, v3, vm0, $0xb8;
	[tilespmem:$0x8080] =	vst v63  }
0x35: {  	_ =	swait.ge [sflag:s22], $0x4000  }
0x36: {  	[sflag:s22] =	ssyncset.done $0x0  }
0x37: {  	s0 =	rddreg [dreg:$0x5];
	[sflag:s22] =	ssyncadd.s32 $0xFFFFC000  }
0x38: {  	[tilespmem:s12], [sflag:$0x1] =	stream.linear.gather [hbm4b:s0+s2], $0x4000, $0x38;
	[tilespmem:$0x8080] =	vst v63  }
0x39: {  	_ =	swait.ge [sflag:s23], $0x4000  }
0x3a: {  	[sflag:s23] =	ssyncset.done $0x0  }
0x3b: {  	[sflag:s23] =	ssyncadd.s32 $0xFFFFC000  }
0x3c: {  	v3 =	vld [tilespmem:$0x10];
	_ =	sdelay $0x4  }
0x3d: {  	v57 =	vshll.u32 v3, $0x3  }
0x3e: {  	v3 =	vand.u32 $0x7, v3;
	v4 =	vand.u32 $0xFFFFFFC0, v57  }
0x3f: {  	v3 =	vor.u32 v3, v4  }
0x40: {  	v4 =	vperm.xlane v3, v0;
	_ =	sdelay $0x1  }
0x41: {  	v4 =	vadd.s32 v1, v4;
	_ =	sdelay $0x4  }
0x42: {  	[hbm4b:s4+s2] =	stream.indirect_vreg.scatter [tilespmem:s13], [sflag:$0x4], $0x80, v4, vm0, $0xb8;
	[tilespmem:$0x8080] =	vst v63  }
0x43: {  	v3 =	vperm.xlane v3, v2  }
0x44: {  	[hbm4b:s5+s2] =	stream.indirect_vreg.scatter [tilespmem:s24], [sflag:$0x4], $0x80, v4, vm0, $0xb8;
	[tilespmem:$0x8080] =	vst v63  }
0x45: {  	v3 =	vadd.s32 v1, v3  }
0x46: {  	[hbm4b:s6+s2] =	stream.indirect_vreg.scatter [tilespmem:s25], [sflag:$0x4], $0x80, v4, vm0, $0xb8;
	[tilespmem:$0x8080] =	vst v63  }
0x47: {  	_ = 	snop  }
0x48: {  	[hbm4b:s7+s2] =	stream.indirect_vreg.scatter [tilespmem:s26], [sflag:$0x4], $0x80, v4, vm0, $0xb8;
	[tilespmem:$0x8080] =	vst v63  }
0x49: {  	_ = 	snop  }
0x4a: {  	[hbm4b:s4+s2] =	stream.indirect_vreg.scatter [tilespmem:s28], [sflag:$0x4], $0x80, v3, vm0, $0xb8;
	[tilespmem:$0x8080] =	vst v63  }
0x4b: {  	_ = 	snop  }
0x4c: {  	[hbm4b:s5+s2] =	stream.indirect_vreg.scatter [tilespmem:s29], [sflag:$0x4], $0x80, v3, vm0, $0xb8;
	[tilespmem:$0x8080] =	vst v63  }
0x4d: {  	_ = 	snop  }
0x4e: {  	[hbm4b:s6+s2] =	stream.indirect_vreg.scatter [tilespmem:s30], [sflag:$0x4], $0x80, v3, vm0, $0xb8;
	[tilespmem:$0x8080] =	vst v63  }
0x4f: {  	_ = 	snop  }
0x50: {  	[hbm4b:s7+s2] =	stream.indirect_vreg.scatter [tilespmem:s31], [sflag:$0x4], $0x80, v3, vm0, $0xb8;
	[tilespmem:$0x8080] =	vst v63  }
0x51: {  	_ =	swait.ge [sflag:s1], $0x4000  }
0x52: {  	[sflag:s1] =	ssyncset.done $0x0  }
0x53: {  	s0 =	rddreg [dreg:$0x6];
	[sflag:s1] =	ssyncadd.s32 $0xFFFFC000  }
0x54: {  	[tilespmem:s13], [sflag:$0x2] =	stream.linear.gather [hbm4b:s0+s2], $0x4000, $0x38;
	[tilespmem:$0x8080] =	vst v63  }
0x55: {  	_ =	swait.ge [sflag:s14], $0x4000  }
0x56: {  	[sflag:s14] =	ssyncset.done $0x0  }
0x57: {  	[sflag:s14] =	ssyncadd.s32 $0xFFFFC000  }
0x58: {  	v3 =	vld [tilespmem:$0x20];
	_ =	sdelay $0x4  }
0x59: {  	v58 =	vshll.u32 v3, $0x3  }
0x5a: {  	v3 =	vand.u32 $0x7, v3;
	v4 =	vand.u32 $0xFFFFFFC0, v58  }
0x5b: {  	v3 =	vor.u32 v3, v4  }
0x5c: {  	v4 =	vperm.xlane v3, v0;
	_ =	sdelay $0x1  }
0x5d: {  	v4 =	vadd.s32 v1, v4;
	_ =	sdelay $0x4  }
0x5e: {  	[hbm4b:s4+s2] =	stream.indirect_vreg.scatter [tilespmem:s12], [sflag:$0x3], $0x80, v4, vm0, $0xb8;
	[tilespmem:$0x8080] =	vst v63  }
0x5f: {  	v3 =	vperm.xlane v3, v2  }
0x60: {  	[hbm4b:s5+s2] =	stream.indirect_vreg.scatter [tilespmem:s15], [sflag:$0x3], $0x80, v4, vm0, $0xb8;
	[tilespmem:$0x8080] =	vst v63  }
0x61: {  	v3 =	vadd.s32 v1, v3  }
0x62: {  	[hbm4b:s6+s2] =	stream.indirect_vreg.scatter [tilespmem:s16], [sflag:$0x3], $0x80, v4, vm0, $0xb8;
	[tilespmem:$0x8080] =	vst v63  }
0x63: {  	_ = 	snop  }
0x64: {  	[hbm4b:s7+s2] =	stream.indirect_vreg.scatter [tilespmem:s17], [sflag:$0x3], $0x80, v4, vm0, $0xb8;
	[tilespmem:$0x8080] =	vst v63  }
0x65: {  	_ = 	snop  }
0x66: {  	[hbm4b:s4+s2] =	stream.indirect_vreg.scatter [tilespmem:s18], [sflag:$0x3], $0x80, v3, vm0, $0xb8;
	[tilespmem:$0x8080] =	vst v63  }
0x67: {  	_ = 	snop  }
0x68: {  	[hbm4b:s5+s2] =	stream.indirect_vreg.scatter [tilespmem:s19], [sflag:$0x3], $0x80, v3, vm0, $0xb8;
	[tilespmem:$0x8080] =	vst v63  }
0x69: {  	_ = 	snop  }
0x6a: {  	[hbm4b:s6+s2] =	stream.indirect_vreg.scatter [tilespmem:s20], [sflag:$0x3], $0x80, v3, vm0, $0xb8;
	[tilespmem:$0x8080] =	vst v63  }
0x6b: {  	_ = 	snop  }
0x6c: {  	[hbm4b:s7+s2] =	stream.indirect_vreg.scatter [tilespmem:s21], [sflag:$0x3], $0x80, v3, vm0, $0xb8;
	[tilespmem:$0x8080] =	vst v63  }
0x6d: {  	_ =	swait.ge [sflag:s22], $0x4000  }
0x6e: {  	[sflag:s22] =	ssyncset.done $0x0  }
0x6f: {  	s0 =	rddreg [dreg:$0x7];
	[sflag:s22] =	ssyncadd.s32 $0xFFFFC000  }
0x70: {  	[tilespmem:s12], [sflag:$0x1] =	stream.linear.gather [hbm4b:s0+s2], $0x4000, $0x38;
	[tilespmem:$0x8080] =	vst v63  }
0x71: {  	_ =	swait.ge [sflag:s23], $0x4000  }
0x72: {  	[sflag:s23] =	ssyncset.done $0x0  }
0x73: {  	[sflag:s23] =	ssyncadd.s32 $0xFFFFC000  }
0x74: {  	v3 =	vld [tilespmem:$0x30];
	_ =	sdelay $0x4  }
0x75: {  	v59 =	vshll.u32 v3, $0x3  }
0x76: {  	v3 =	vand.u32 $0x7, v3;
	v4 =	vand.u32 $0xFFFFFFC0, v59  }
0x77: {  	v3 =	vor.u32 v3, v4  }
0x78: {  	v4 =	vperm.xlane v3, v0;
	_ =	sdelay $0x1  }
0x79: {  	v4 =	vadd.s32 v1, v4;
	_ =	sdelay $0x4  }
0x7a: {  	[hbm4b:s4+s2] =	stream.indirect_vreg.scatter [tilespmem:s13], [sflag:$0x4], $0x80, v4, vm0, $0xb8;
	[tilespmem:$0x8080] =	vst v63  }
0x7b: {  	v3 =	vperm.xlane v3, v2  }
0x7c: {  	[hbm4b:s5+s2] =	stream.indirect_vreg.scatter [tilespmem:s24], [sflag:$0x4], $0x80, v4, vm0, $0xb8;
	[tilespmem:$0x8080] =	vst v63  }
0x7d: {  	v3 =	vadd.s32 v1, v3  }
0x7e: {  	[hbm4b:s6+s2] =	stream.indirect_vreg.scatter [tilespmem:s25], [sflag:$0x4], $0x80, v4, vm0, $0xb8;
	[tilespmem:$0x8080] =	vst v63  }
0x7f: {  	_ = 	snop  }
0x80: {  	[hbm4b:s7+s2] =	stream.indirect_vreg.scatter [tilespmem:s26], [sflag:$0x4], $0x80, v4, vm0, $0xb8;
	[tilespmem:$0x8080] =	vst v63  }
0x81: {  	_ = 	snop  }
0x82: {  	[hbm4b:s4+s2] =	stream.indirect_vreg.scatter [tilespmem:s28], [sflag:$0x4], $0x80, v3, vm0, $0xb8;
	[tilespmem:$0x8080] =	vst v63  }
0x83: {  	_ = 	snop  }
0x84: {  	[hbm4b:s5+s2] =	stream.indirect_vreg.scatter [tilespmem:s29], [sflag:$0x4], $0x80, v3, vm0, $0xb8;
	[tilespmem:$0x8080] =	vst v63  }
0x85: {  	_ = 	snop  }
0x86: {  	[hbm4b:s6+s2] =	stream.indirect_vreg.scatter [tilespmem:s30], [sflag:$0x4], $0x80, v3, vm0, $0xb8;
	[tilespmem:$0x8080] =	vst v63  }
0x87: {  	_ = 	snop  }
0x88: {  	[hbm4b:s7+s2] =	stream.indirect_vreg.scatter [tilespmem:s31], [sflag:$0x4], $0x80, v3, vm0, $0xb8;
	[tilespmem:$0x8080] =	vst v63  }
0x89: {  	_ =	swait.ge [sflag:s1], $0x4000  }
0x8a: {  	[sflag:s1] =	ssyncset.done $0x0  }
0x8b: {  	s0 =	rddreg [dreg:$0x8];
	[sflag:s1] =	ssyncadd.s32 $0xFFFFC000  }
0x8c: {  	[tilespmem:s13], [sflag:$0x2] =	stream.linear.gather [hbm4b:s0+s2], $0x4000, $0x38;
	[tilespmem:$0x8080] =	vst v63  }
0x8d: {  	_ =	swait.ge [sflag:s14], $0x4000  }
0x8e: {  	[sflag:s14] =	ssyncset.done $0x0  }
0x8f: {  	[sflag:s14] =	ssyncadd.s32 $0xFFFFC000  }
0x90: {  	v3 =	vld [tilespmem:$0x40];
	_ =	sdelay $0x4  }
0x91: {  	v60 =	vshll.u32 v3, $0x3  }
0x92: {  	v3 =	vand.u32 $0x7, v3;
	v4 =	vand.u32 $0xFFFFFFC0, v60  }
0x93: {  	v3 =	vor.u32 v3, v4  }
0x94: {  	v4 =	vperm.xlane v3, v0;
	_ =	sdelay $0x1  }
0x95: {  	v4 =	vadd.s32 v1, v4;
	_ =	sdelay $0x4  }
0x96: {  	[hbm4b:s4+s2] =	stream.indirect_vreg.scatter [tilespmem:s12], [sflag:$0x3], $0x80, v4, vm0, $0xb8;
	[tilespmem:$0x8080] =	vst v63  }
0x97: {  	v3 =	vperm.xlane v3, v2  }
0x98: {  	[hbm4b:s5+s2] =	stream.indirect_vreg.scatter [tilespmem:s15], [sflag:$0x3], $0x80, v4, vm0, $0xb8;
	[tilespmem:$0x8080] =	vst v63  }
0x99: {  	v3 =	vadd.s32 v1, v3  }
0x9a: {  	[hbm4b:s6+s2] =	stream.indirect_vreg.scatter [tilespmem:s16], [sflag:$0x3], $0x80, v4, vm0, $0xb8;
	[tilespmem:$0x8080] =	vst v63  }
0x9b: {  	_ = 	snop  }
0x9c: {  	[hbm4b:s7+s2] =	stream.indirect_vreg.scatter [tilespmem:s17], [sflag:$0x3], $0x80, v4, vm0, $0xb8;
	[tilespmem:$0x8080] =	vst v63  }
0x9d: {  	_ = 	snop  }
0x9e: {  	[hbm4b:s4+s2] =	stream.indirect_vreg.scatter [tilespmem:s18], [sflag:$0x3], $0x80, v3, vm0, $0xb8;
	[tilespmem:$0x8080] =	vst v63  }
0x9f: {  	_ = 	snop  }
0xa0: {  	[hbm4b:s5+s2] =	stream.indirect_vreg.scatter [tilespmem:s19], [sflag:$0x3], $0x80, v3, vm0, $0xb8;
	[tilespmem:$0x8080] =	vst v63  }
0xa1: {  	_ = 	snop  }
0xa2: {  	[hbm4b:s6+s2] =	stream.indirect_vreg.scatter [tilespmem:s20], [sflag:$0x3], $0x80, v3, vm0, $0xb8;
	[tilespmem:$0x8080] =	vst v63  }
0xa3: {  	_ = 	snop  }
0xa4: {  	[hbm4b:s7+s2] =	stream.indirect_vreg.scatter [tilespmem:s21], [sflag:$0x3], $0x80, v3, vm0, $0xb8;
	[tilespmem:$0x8080] =	vst v63  }
0xa5: {  	_ =	swait.ge [sflag:s22], $0x4000  }
0xa6: {  	[sflag:s22] =	ssyncset.done $0x0  }
0xa7: {  	[sflag:s22] =	ssyncadd.s32 $0xFFFFC000  }
0xa8: {  	[tilespmem:s12], [sflag:$0x1] =	stream.linear.gather [hbm4b:s8+s2], $0x4000, $0x38;
	[tilespmem:$0x8080] =	vst v63  }
0xa9: {  	_ =	swait.ge [sflag:s23], $0x4000  }
0xaa: {  	[sflag:s23] =	ssyncset.done $0x0  }
0xab: {  	[sflag:s23] =	ssyncadd.s32 $0xFFFFC000  }
0xac: {  	v3 =	vld [tilespmem:$0x50];
	_ =	sdelay $0x4  }
0xad: {  	v61 =	vshll.u32 v3, $0x3  }
0xae: {  	v3 =	vand.u32 $0x7, v3;
	v4 =	vand.u32 $0xFFFFFFC0, v61  }
0xaf: {  	v3 =	vor.u32 v3, v4  }
0xb0: {  	v4 =	vperm.xlane v3, v0;
	_ =	sdelay $0x1  }
0xb1: {  	v4 =	vadd.s32 v1, v4;
	_ =	sdelay $0x4  }
0xb2: {  	[hbm4b:s4+s2] =	stream.indirect_vreg.scatter [tilespmem:s13], [sflag:$0x4], $0x80, v4, vm0, $0xb8;
	[tilespmem:$0x8080] =	vst v63  }
0xb3: {  	v3 =	vperm.xlane v3, v2  }
0xb4: {  	[hbm4b:s5+s2] =	stream.indirect_vreg.scatter [tilespmem:s24], [sflag:$0x4], $0x80, v4, vm0, $0xb8;
	[tilespmem:$0x8080] =	vst v63  }
0xb5: {  	v3 =	vadd.s32 v1, v3  }
0xb6: {  	[hbm4b:s6+s2] =	stream.indirect_vreg.scatter [tilespmem:s25], [sflag:$0x4], $0x80, v4, vm0, $0xb8;
	[tilespmem:$0x8080] =	vst v63  }
0xb7: {  	_ = 	snop  }
0xb8: {  	[hbm4b:s7+s2] =	stream.indirect_vreg.scatter [tilespmem:s26], [sflag:$0x4], $0x80, v4, vm0, $0xb8;
	[tilespmem:$0x8080] =	vst v63  }
0xb9: {  	_ = 	snop  }
0xba: {  	[hbm4b:s4+s2] =	stream.indirect_vreg.scatter [tilespmem:s28], [sflag:$0x4], $0x80, v3, vm0, $0xb8;
	[tilespmem:$0x8080] =	vst v63  }
0xbb: {  	_ = 	snop  }
0xbc: {  	[hbm4b:s5+s2] =	stream.indirect_vreg.scatter [tilespmem:s29], [sflag:$0x4], $0x80, v3, vm0, $0xb8;
	[tilespmem:$0x8080] =	vst v63  }
0xbd: {  	_ = 	snop  }
0xbe: {  	[hbm4b:s6+s2] =	stream.indirect_vreg.scatter [tilespmem:s30], [sflag:$0x4], $0x80, v3, vm0, $0xb8;
	[tilespmem:$0x8080] =	vst v63  }
0xbf: {  	_ = 	snop  }
0xc0: {  	[hbm4b:s7+s2] =	stream.indirect_vreg.scatter [tilespmem:s31], [sflag:$0x4], $0x80, v3, vm0, $0xb8;
	[tilespmem:$0x8080] =	vst v63  }
0xc1: {  	_ =	swait.ge [sflag:s1], $0x4000  }
0xc2: {  	[sflag:s1] =	ssyncset.done $0x0  }
0xc3: {  	[sflag:s1] =	ssyncadd.s32 $0xFFFFC000  }
0xc4: {  	[tilespmem:s13], [sflag:$0x2] =	stream.linear.gather [hbm4b:s9+s2], $0x4000, $0x38;
	[tilespmem:$0x8080] =	vst v63  }
0xc5: {  	_ =	swait.ge [sflag:s14], $0x4000  }
0xc6: {  	[sflag:s14] =	ssyncset.done $0x0  }
0xc7: {  	[sflag:s14] =	ssyncadd.s32 $0xFFFFC000  }
0xc8: {  	v3 =	vld [tilespmem:$0x60];
	_ =	sdelay $0x4  }
0xc9: {  	v62 =	vshll.u32 v3, $0x3  }
0xca: {  	v3 =	vand.u32 $0x7, v3;
	v4 =	vand.u32 $0xFFFFFFC0, v62  }
0xcb: {  	v3 =	vor.u32 v3, v4  }
0xcc: {  	v4 =	vperm.xlane v3, v0;
	_ =	sdelay $0x1  }
0xcd: {  	v4 =	vadd.s32 v1, v4;
	_ =	sdelay $0x4  }
0xce: {  	[hbm4b:s4+s2] =	stream.indirect_vreg.scatter [tilespmem:s12], [sflag:$0x3], $0x80, v4, vm0, $0xb8;
	[tilespmem:$0x8080] =	vst v63  }
0xcf: {  	v3 =	vperm.xlane v3, v2  }
0xd0: {  	[hbm4b:s5+s2] =	stream.indirect_vreg.scatter [tilespmem:s15], [sflag:$0x3], $0x80, v4, vm0, $0xb8;
	[tilespmem:$0x8080] =	vst v63  }
0xd1: {  	v3 =	vadd.s32 v1, v3  }
0xd2: {  	[hbm4b:s6+s2] =	stream.indirect_vreg.scatter [tilespmem:s16], [sflag:$0x3], $0x80, v4, vm0, $0xb8;
	[tilespmem:$0x8080] =	vst v63  }
0xd3: {  	_ = 	snop  }
0xd4: {  	[hbm4b:s7+s2] =	stream.indirect_vreg.scatter [tilespmem:s17], [sflag:$0x3], $0x80, v4, vm0, $0xb8;
	[tilespmem:$0x8080] =	vst v63  }
0xd5: {  	_ = 	snop  }
0xd6: {  	[hbm4b:s4+s2] =	stream.indirect_vreg.scatter [tilespmem:s18], [sflag:$0x3], $0x80, v3, vm0, $0xb8;
	[tilespmem:$0x8080] =	vst v63  }
0xd7: {  	_ = 	snop  }
0xd8: {  	[hbm4b:s5+s2] =	stream.indirect_vreg.scatter [tilespmem:s19], [sflag:$0x3], $0x80, v3, vm0, $0xb8;
	[tilespmem:$0x8080] =	vst v63  }
0xd9: {  	_ = 	snop  }
0xda: {  	[hbm4b:s6+s2] =	stream.indirect_vreg.scatter [tilespmem:s20], [sflag:$0x3], $0x80, v3, vm0, $0xb8;
	[tilespmem:$0x8080] =	vst v63  }
0xdb: {  	_ = 	snop  }
0xdc: {  	[hbm4b:s7+s2] =	stream.indirect_vreg.scatter [tilespmem:s21], [sflag:$0x3], $0x80, v3, vm0, $0xb8;
	[tilespmem:$0x8080] =	vst v63  }
0xdd: {  	_ =	swait.ge [sflag:s23], $0x4000  }
0xde: {  	[sflag:s23] =	ssyncset.done $0x0  }
0xdf: {  	[sflag:s23] =	ssyncadd.s32 $0xFFFFC000  }
0xe0: {  	v3 =	vld [tilespmem:$0x70];
	_ =	sdelay $0x4  }
0xe1: {  	v63 =	vshll.u32 v3, $0x3  }
0xe2: {  	v3 =	vand.u32 $0x7, v3;
	v4 =	vand.u32 $0xFFFFFFC0, v63  }
0xe3: {  	v3 =	vor.u32 v3, v4  }
0xe4: {  	v4 =	vperm.xlane v3, v0;
	_ =	sdelay $0x1  }
0xe5: {  	v4 =	vadd.s32 v1, v4;
	_ =	sdelay $0x4  }
0xe6: {  	[hbm4b:s4+s2] =	stream.indirect_vreg.scatter [tilespmem:s13], [sflag:$0x4], $0x80, v4, vm0, $0xb8;
	[tilespmem:$0x8080] =	vst v63  }
0xe7: {  	v3 =	vperm.xlane v3, v2  }
0xe8: {  	[hbm4b:s5+s2] =	stream.indirect_vreg.scatter [tilespmem:s24], [sflag:$0x4], $0x80, v4, vm0, $0xb8;
	[tilespmem:$0x8080] =	vst v63  }
0xe9: {  	v3 =	vadd.s32 v1, v3  }
0xea: {  	[hbm4b:s6+s2] =	stream.indirect_vreg.scatter [tilespmem:s25], [sflag:$0x4], $0x80, v4, vm0, $0xb8;
	[tilespmem:$0x8080] =	vst v63  }
0xeb: {  	_ = 	snop  }
0xec: {  	[hbm4b:s7+s2] =	stream.indirect_vreg.scatter [tilespmem:s26], [sflag:$0x4], $0x80, v4, vm0, $0xb8;
	[tilespmem:$0x8080] =	vst v63  }
0xed: {  	_ = 	snop  }
0xee: {  	[hbm4b:s4+s2] =	stream.indirect_vreg.scatter [tilespmem:s28], [sflag:$0x4], $0x80, v3, vm0, $0xb8;
	[tilespmem:$0x8080] =	vst v63  }
0xef: {  	_ = 	snop  }
0xf0: {  	[hbm4b:s5+s2] =	stream.indirect_vreg.scatter [tilespmem:s29], [sflag:$0x4], $0x80, v3, vm0, $0xb8;
	[tilespmem:$0x8080] =	vst v63  }
0xf1: {  	_ = 	snop  }
0xf2: {  	[hbm4b:s6+s2] =	stream.indirect_vreg.scatter [tilespmem:s30], [sflag:$0x4], $0x80, v3, vm0, $0xb8;
	[tilespmem:$0x8080] =	vst v63  }
0xf3: {  	_ = 	snop  }
0xf4: {  	[hbm4b:s7+s2] =	stream.indirect_vreg.scatter [tilespmem:s31], [sflag:$0x4], $0x80, v3, vm0, $0xb8;
	[tilespmem:$0x8080] =	vst v63  }
0xf5: {  	p0 =	sne.s32 s10, $0x1;
	_ =	swait.ge [sflag:s22], $0x4000  }
.Ltmp0:
0xf6: {  	[sflag:s22] =	ssyncset.done $0x0;
	(pc) =	sbr.rel @p0 .LBB2_1-.Ltmp0, $4  }
0xf7: {  	[sflag:s22] =	ssyncadd.s32 $0xFFFFC000  }
0xf8: {  	_ =	swait.ge [sflag:s1], $0x4000  }
0xf9: {  	[sflag:s1] =	ssyncset.done $0x0  }
0xfa: {  	s10 =	sadd.s32 $0xFFFFFFFF, s10;
	[sflag:s1] =	ssyncadd.s32 $0xFFFFC000  }
0xfb: {  	_ =	sfence.sel $0x180000  }
0xfc: {  	[bflag:$0x0] =	sbarrier.arrive $0xFFFF  }
0xfd: {  	_ =	strace $0x90000047  }
0xfe: {  	s0 =	stileid.u32;
	[bflag:$0x2] =	sbarrier.arrive $0xFFFF  }
0xff: {  	p0 =	sne.s32 s0, $0x0;
	s0 =	rddreg [dreg:$0x2]  }
0x100: {  	s0 =	sadd.s32 @!p0 $0x100000, s0  }
0x101: {  	[sflag:s0] =	ssyncadd.tile.s32 @!p0 $0x1;
	_ =	shalt  }
.Lfunc_end2:
_tile_overlayer_lowered:
.L_overlay_start_2:
0x102: {  	(tag) =	ssettag $0x2  }
0x103: {  	s0 =	rddreg [dreg:$0x0];
	s2 =	stileid.u32  }
0x104: {  	s1 =	rddreg [dreg:$0x1];
	p0 =	sne.s32 s2, $0x0  }
0x105: {  	s3 =	rddreg [dreg:$0x2];
	[bflag:$0x3] =	sbarrier.arrive $0xFFFF;
	s2 =	simm.s32 @!p0 $0x1C05  }
0x106: {  	[timem:s3], [sflag:s2] =	dma.local @!p0 [hbm:s0], s1  }
0x107: {  	s0 =	simm.s32 @!p0 $0x5  }
0x108: {  	_ =	swait.ge @!p0 [sflag:s0], s1  }
0x109: {  	s1 =	ssub.s32 @!p0 $0x0, s1;
	[sflag:s0] =	ssyncset.done @!p0 $0x0  }
0x10a: {  	[sflag:s0] =	ssyncadd.s32 @!p0 s1  }
0x10b: {  	[bflag:$0x3] =	sbarrier.arrive $0xFFFF  }
0x10c: {  	_ =	shalt  }

// kernel: kernel.9.cloned.1.call-start
scs
__scs_entry_jumppad:
0x0: {  	(pc) =	sbr.rel $0x88, $3  }
0x1: {  	(tag) =	ssettag $0x0;
	lr =	simm.s32 $0x1  }
0x2: {  	[smem:$0x3F9C] =	sst lr;
	_ =	strace $0xD0000000  }
0x3: {  	_ = 	snop  }
0x4: {  	_ = 	snop  }
0x5: {  	_ = 	snop  }
0x6: {  	_ = 	snop  }
0x7: {  	_ = 	snop  }
__scs_overlays_trampoline_lowered:
0x8: {  	[smem:$0x3FAB] =	sst s0  }
0x9: {  	[smem:$0x3FAC] =	sst s1  }
0xa: {  	[smem:$0x3FAD] =	sst s2  }
0xb: {  	[smem:$0x3FAE] =	sst s3  }
0xc: {  	[smem:$0x3FAF] =	sst s4  }
0xd: {  	[smem:$0x3FB0] =	sst s5  }
0xe: {  	[smem:$0x3FB1] =	sst s6  }
0xf: {  	[smem:$0x3FB2] =	sst s7  }
0x10: {  	[smem:$0x3FB3] =	sst s8  }
0x11: {  	[smem:$0x3FB4] =	sst s9;
	s0 =	simm.s32 @!p0 $0x0  }
0x12: {  	s1 =	sld [smem:$0x3F9A];
	s0 =	simm.s32 @p0 $0x1  }
0x13: {  	[smem:$0x3FB5] =	sst s0;
	s0 =	simm.s32 @!p1 $0x0  }
0x14: {  	s2 =	sld [smem:$0x3F99];
	s0 =	simm.s32 @p1 $0x1  }
0x15: {  	[smem:$0x3FB6] =	sst s0;
	s0 =	simm.s32 @!p2 $0x0  }
0x16: {  	s3 =	sld [smem:$0x3FDB];
	s0 =	simm.s32 @p2 $0x1  }
0x17: {  	s4 =	simm.s32 $0x1BF5;
	[smem:$0x3FB8] =	sst s0  }
0x18: {  	s0 =	sld [smem:$0x3F9B];
	_ =	swait.ge [sflag:s4], $0x0  }
0x19: {  	s7 =	sld [smem:$0x3F9C]  }
0x1a: {  	s8 =	sadd.s32 $0xFFFFE003, lr  }
0x1b: {  	s9 =	sadd.s32 $0xFFFFFEF7, lr;
	s5 =	simm.s32 $0xFFFFFFFF;
	p2 =	slt.u32 s8, $0xFFFFF086  }
0x1c: {  	p1 =	slt.u32 s9, $0xF7A;
	s5 =	simm.s32 @!p2 $0x0  }
0x1d: {  	s5 =	simm.s32 @p1 $0x1;
	p0 =	seq.s32 s7, s2  }
0x1e: {  	s7 =	smul.u32 @!p0 $0xF7A, s2;
	p2 =	seq.s32 @!p0 s5, $0x0  }
0x1f: {  	s9 =	smul.u32 $0xF7A, s1;
	s8 =	simm.s32 @!p0 $0x1BF5;
	p2 =	por !p2, p0  }
0x20: {  	[sflag:s8] =	ssyncset.s32 @!p0 $0xFFFFF086;
	s6 =	sadd.s32 @!p0 s3, s7;
	s7 =	simm.s32 @!p0 $0x108  }
0x21: {  	s3 =	sadd.s32 s3, s9;
	s6 =	sadd.s32 @!p0 $0x88, s6;
	s7 =	simm.s32 @p2 $0x1082  }
0x22: {  	[simem:s7], [sflag:s8] =	dma.local @!p0 [hbm:s6], $0xF7A  }
0x23: {  	s9 =	sor.u32 $0xD0000000, s2;
	s6 =	simm.s32 $0x108;
	_ =	swait.ge @!p0 [sflag:s8], $0x0  }
0x24: {  	s3 =	sadd.s32 $0x88, s3;
	s6 =	simm.s32 @!p1 $0x1082;
	[sflag:s4] =	ssyncset.s32 $0xFFFFF086  }
0x25: {  	[simem:s6], [sflag:s4] =	dma.local [hbm:s3], $0xF7A  }
0x26: {  	[smem:$0x3F9C] =	sst s1;
	(tag) =	ssettag s2;
	_ =	strace s9  }
0x27: {  	s1 =	sld [smem:$0x3FAC]  }
0x28: {  	s2 =	sld [smem:$0x3FAD]  }
0x29: {  	s4 =	sld [smem:$0x3FAF]  }
0x2a: {  	p0 =	seq.s32 s5, $0x0;
	s5 =	sld [smem:$0x3FB0]  }
0x2b: {  	s6 =	sld [smem:$0x3FB1]  }
0x2c: {  	s7 =	sld [smem:$0x3FB2]  }
0x2d: {  	s3 =	simm.s32 $0x108;
	s8 =	sld [smem:$0x3FB3]  }
0x2e: {  	s3 =	simm.s32 @!p0 $0x1082;
	s9 =	sld [smem:$0x3FB4]  }
0x2f: {  	lr =	sadd.s32 s0, s3;
	s0 =	sld [smem:$0x3FAB]  }
0x30: {  	s3 =	sld [smem:$0x3FAE]  }
0x31: {  	[smem:$0x3FB7] =	sst s10  }
0x32: {  	s10 =	sld [smem:$0x3FB5];
	_ =	sdelay $0x3  }
0x33: {  	p0 =	seq.s32 s10, $0x1;
	s10 =	sld [smem:$0x3FB7];
	_ =	sdelay $0x3  }
0x34: {  	[smem:$0x3FB7] =	sst s10  }
0x35: {  	s10 =	sld [smem:$0x3FB6];
	_ =	sdelay $0x3  }
0x36: {  	p1 =	seq.s32 s10, $0x1;
	s10 =	sld [smem:$0x3FB7];
	_ =	sdelay $0x3  }
0x37: {  	[smem:$0x3FB7] =	sst s10  }
0x38: {  	s10 =	sld [smem:$0x3FB8]  }
0x39: {  	_ = 	snop;
	(pc) =	sbr.ind lr, $3  }
0x3a: {  	_ = 	snop  }
0x3b: {  	_ = 	snop  }
0x3c: {  	p2 =	seq.s32 s10, $0x1;
	s10 =	sld [smem:$0x3FB7]  }
0x3d: {  	_ =	shalt  }
0x3e: {  	_ =	shalt  }
0x3f: {  	_ =	shalt  }
0x40: {  	_ =	shalt  }
0x41: {  	_ =	shalt  }
0x42: {  	_ =	shalt  }
0x43: {  	_ =	shalt  }
0x44: {  	_ =	shalt  }
0x45: {  	_ =	shalt  }
0x46: {  	_ =	shalt  }
0x47: {  	_ =	shalt  }
0x48: {  	_ =	shalt  }
0x49: {  	_ =	shalt  }
0x4a: {  	_ =	shalt  }
0x4b: {  	_ =	shalt  }
0x4c: {  	_ =	shalt  }
0x4d: {  	_ =	shalt  }
0x4e: {  	_ =	shalt  }
0x4f: {  	_ =	shalt  }
0x50: {  	_ =	shalt  }
0x51: {  	_ =	shalt  }
0x52: {  	_ =	shalt  }
0x53: {  	_ =	shalt  }
0x54: {  	_ =	shalt  }
0x55: {  	_ =	shalt  }
0x56: {  	_ =	shalt  }
0x57: {  	_ =	shalt  }
0x58: {  	_ =	shalt  }
0x59: {  	_ =	shalt  }
0x5a: {  	_ =	shalt  }
0x5b: {  	_ =	shalt  }
0x5c: {  	_ =	shalt  }
0x5d: {  	_ =	shalt  }
0x5e: {  	_ =	shalt  }
0x5f: {  	_ =	shalt  }
0x60: {  	_ =	shalt  }
0x61: {  	_ =	shalt  }
0x62: {  	_ =	shalt  }
0x63: {  	_ =	shalt  }
0x64: {  	_ =	shalt  }
0x65: {  	_ =	shalt  }
0x66: {  	_ =	shalt  }
0x67: {  	_ =	shalt  }
0x68: {  	_ =	shalt  }
0x69: {  	_ =	shalt  }
0x6a: {  	_ =	shalt  }
0x6b: {  	_ =	shalt  }
0x6c: {  	_ =	shalt  }
0x6d: {  	_ =	shalt  }
0x6e: {  	_ =	shalt  }
0x6f: {  	_ =	shalt  }
0x70: {  	_ =	shalt  }
0x71: {  	_ =	shalt  }
0x72: {  	_ =	shalt  }
0x73: {  	_ =	shalt  }
0x74: {  	_ =	shalt  }
0x75: {  	_ =	shalt  }
0x76: {  	_ =	shalt  }
0x77: {  	_ =	shalt  }
0x78: {  	_ =	shalt  }
0x79: {  	_ =	shalt  }
0x7a: {  	_ =	shalt  }
0x7b: {  	_ =	shalt  }
0x7c: {  	_ =	shalt  }
0x7d: {  	_ =	shalt  }
0x7e: {  	_ =	shalt  }
0x7f: {  	_ =	shalt  }
0x80: {  	_ =	shalt  }
0x81: {  	_ =	shalt  }
0x82: {  	_ =	shalt  }
0x83: {  	_ =	shalt  }
0x84: {  	_ =	shalt  }
0x85: {  	_ =	shalt  }
0x86: {  	_ =	shalt  }
0x87: {  	_ =	shalt  }
.Lfunc_end0:
.L_simem_size_0:
called_computation.1_lowered:
.L_overlay_start_0:
0x88: {  	s2 =	sld [smem:$0x3FD9]  }
0x89: {  	s3 =	sld [smem:$0x3FFE];
	_ =	sdelay $0x1  }
0x8a: {  	s1 =	srdreg.scid  }
0x8b: {  	s0 =	sand.u32 $0x1, s1  }
0x8c: {  	s17 =	sshll.u32 s0, $0xA;
	s2 =	sadd.s32 s3, s2  }
0x8d: {  	s2 =	sadd.s32 s2, s17  }
0x8e: {  	[smem:$0x3FC3] =	sst s2  }
0x8f: {  	_ = 	snop  }
0x90: {  	s2 =	sld [smem:$0x3FD0];
	(tm) =	ssettm $0x1  }
0x91: {  	s18 =	sld [smem:$0x3FFB];
	_ =	sdelay $0x3  }
0x92: {  	_ =	strace s18  }
0x93: {  	s3 =	sld [smem:$0x3FFC];
	_ =	sdelay $0x3  }
0x94: {  	_ =	strace s3  }
0x95: {  	s3 =	sld [smem:$0x3FFD];
	_ =	sdelay $0x3  }
0x96: {  	_ =	strace s3  }
0x97: {  	_ =	strace $0x8FFFFFFF  }
0x98: {  	s19 =	sld [smem:$0x3FDB];
	_ =	sdelay $0x1  }
0x99: {  	s4 =	simm.s32 $_scs_section_size  }
0x9a: {  	s5 =	simm.s32 $_size__tile_overlayer_lowered;
	s6 =	simm.s32 $_tile_overlayer_lowered  }
0x9b: {  	s22 =	simm.s32 $0x1BFF;
	s21 =	sshll.u32 s6, $0x1;
	s3 =	sadd.s32 s4, s19  }
0x9c: {  	s7 =	simm.s32 $0x0;
	s20 =	sshll.u32 s5, $0x1;
	s5 =	sadd.s32 s21, s3  }
0x9d: {  	[timem:s7], [sflag:s22] =	dma.local [hbm:s5], s20  }
0x9e: {  	_ =	swait.ge [sflag:s22], s20  }
0x9f: {  	s4 =	ssub.s32 $0x0, s20;
	[sflag:s22] =	ssyncset.done $0x0  }
0xa0: {  	[sflag:s22] =	ssyncadd.s32 s4;
	_ =	sdelay $0x1  }
0xa1: {  	s23 =	simm.s32 $0x1B8B  }
0xa2: {  	_ =	swait.ge [sflag:s23], $0x1  }
0xa3: {  	[sflag:s23] =	ssyncset.done $0x0  }
0xa4: {  	s25 =	simm.s32 $0x1B8E;
	s24 =	sld [smem:$0x3FFE];
	[sflag:s23] =	ssyncadd.s32 $0xFFFFFFFF  }
0xa5: {  	s26 =	simm.s32 $execute0_lowered;
	[smem:$0x3FD2] =	sst s25  }
0xa6: {  	s5 =	sshll.u32 s26, $0x1;
	_ =	strace $0x80000049;
	[dreg:$0x1] =	wrdreg $0xFFFFFFFF  }
0xa7: {  	s28 =	simm.s32 $_size_execute0_lowered;
	s3 =	sadd.s32 s3, s5;
	[dreg:$0x0] =	wrdreg $0x0  }
0xa8: {  	s5 =	sshll.u32 s28, $0x1;
	[dreg:$0x2] =	wrdreg s3  }
0xa9: {  	[dreg:$0x3] =	wrdreg s5  }
0xaa: {  	[dreg:$0x4] =	wrdreg $0xC0  }
0xab: {  	_ =	task [dreg:s7], $0x5FFFF  }
0xac: {  	[dreg:$0x1] =	wrdreg $0xFFFFFFFF  }
0xad: {  	[dreg:$0x0] =	wrdreg $0x60  }
0xae: {  	[dreg:$0x2] =	wrdreg s24  }
0xaf: {  	[dreg:$0x3] =	wrdreg s2  }
0xb0: {  	[dreg:$0x4] =	wrdreg $0x9  }
0xb1: {  	_ =	task.clear_ibuf [dreg:s7], $0x5FFFF;
	_ =	strace $0x90000049  }
0xb2: {  	s29 =	simm.s32 $0x9;
	_ =	strace $0x8000004B  }
0xb3: {  	_ =	swait.ge [sflag:s29], $0x1  }
0xb4: {  	[sflag:s29] =	ssyncadd.s32 $0xFFFFFFFF  }
0xb5: {  	_ =	strace $0x9000004B  }
0xb6: {  	_ =	sfence  }
0xb7: {  	s30 =	sld [smem:$0x0];
	_ =	sdelay $0x2  }
0xb8: {  	s31 =	sshll.u32 s1, $0xD;
	s1 =	sshrl.u32 s1, $0x2  }
0xb9: {  	s3 =	sand.u32 $0x4000, s31;
	s1 =	sadd.s32 s1, s30  }
0xba: {  	s0 =	sor.u32 s3, s0;
	s1 =	sshll.u32 s1, $0x11  }
0xbb: {  	s0 =	sor.u32 s1, s0  }
0xbc: {  	s0 =	sadd.s32 $0x8F2B, s0  }
0xbd: {  	[sflag:s0] =	ssyncadd.remote.s32 $0x1  }
0xbe: {  	_ =	sfence.sel $0xFFFF  }
0xbf: {  	[dreg:$0x0] =	wrdreg $0xFFFFFFFF;
	(pc) =	sbr.abs _section_cstart, $3  }
0xc0: {  	[dreg:$0x1] =	wrdreg $0xFFFFFFFF  }
0xc1: {  	_ =	task.clear_ibuf [dreg:s7], $0x2FFFF;
	_ =	strace $0x9FFFFFFF  }
0xc2: {  	(tm) =	ssettm $0x7FFFFFFF  }
0xc3: {  	_ =	shalt  }
tec
execute0_lowered:
.L_overlay_start_1:
0x0: {  	(tag) =	ssettag $0x1  }
0x1: {  	s0 =	rddreg [dreg:$0x0]  }
0x2: {  	s1 =	rddreg [dreg:$0x1];
	s3 =	srdreg.scid;
	s2 =	simm.s32 $0x0  }
0x3: {  	s5 =	stileid.u32;
	s16 =	simm.s32 $0x3;
	s31 =	simm.s32 $0xD200  }
0x4: {  	s17 =	simm.s32 $0xEA00;
	s18 =	simm.s32 $0xF200;
	s19 =	simm.s32 $0xFA00  }
0x5: {  	s20 =	simm.s32 $0x1;
	s21 =	simm.s32 $0x10200;
	s22 =	simm.s32 $0x2  }
0x6: {  	s23 =	simm.s32 $0x0;
	s4 =	sand.u32 $0x1, s3;
	[smem:$0x7FF] =	sst s2  }
0x7: {  	s5 =	sshll.u32 s5, $0x7;
	s3 =	sadd.s32 $0xF1400, s0;
	s29 =	sadd.s32 $0x1000, s0  }
0x8: {  	s7 =	sadd.s32 $0xF1200, s0;
	s6 =	sshll.u32 s4, $0x6;
	s4 =	ssub.s32 $0x2, s4  }
0x9: {  	s11 =	sadd.s32 $0xF1700, s0;
	s8 =	sor.u32 s6, s5;
	s9 =	sshrl.u32 s4, $0x1  }
0xa: {  	_ =	strace $0x8000004A;
	s6 =	sshrl.u32 s8, $0x3;
	s15 =	ssub.s32 s4, s9  }
0xb: {  	s30 =	sshll.u32 s8, $0x7;
	s8 =	sadd.s32 $0xF1500, s0;
	s9 =	sadd.s32 $0xF1600, s0  }
0xc: {  	s0 =	simm.s32 $0xDA00;
	s10 =	sor.u32 $0x100, s6;
	s4 =	sadd.s32 s29, s6  }
0xd: {  	v2 =	vlaneseq.u32;
	s6 =	sadd.s32 s7, s6;
	s15 =	smax.u32 s15, $0x1;
	s5 =	sadd.s32 s29, s10  }
0xe: {  	vm0 =	vmmov $0xffff;
	v1 =	vshrl.u32 v2, $0x3;
	s7 =	sadd.s32 s7, s10;
	s10 =	sadd.s32 s1, s30;
	s1 =	simm.s32 $0xE200  }
0xf: {  	v0 =	vand.u32 $0x7, v2;
	v2 =	vor.u32 $0x8, v2;
	v1 =	vmul.u32 $0x8, v1;
	s12 =	sadd.s32 $0x800, s10;
	s13 =	sadd.s32 $0x1000, s10;
	s14 =	sadd.s32 $0x1800, s10  }
.LBB2_1:
0x10: {  	[tilespmem:s2], [sflag:$0x3] =	stream.linear.gather [hbm4b:s4+s2], $0x40, $0x38;
	[tilespmem:$0x14200] =	vst v63  }
0x11: {  	_ =	swait.ge [sflag:s16], $0x40  }
0x12: {  	[sflag:s16] =	ssyncset.done $0x0  }
0x13: {  	s24 =	simm.s32 $0x80;
	[sflag:s16] =	ssyncadd.s32 $0xFFFFFFC0  }
0x14: {  	[tilespmem:s24], [sflag:$0x3] =	stream.linear.gather [hbm4b:s5+s2], $0x40, $0x38;
	[tilespmem:$0x14200] =	vst v63  }
0x15: {  	_ =	swait.ge [sflag:s16], $0x40  }
0x16: {  	[sflag:s16] =	ssyncset.done $0x0  }
0x17: {  	s29 =	simm.s32 $0x100;
	[sflag:s16] =	ssyncadd.s32 $0xFFFFFFC0  }
0x18: {  	[tilespmem:s29], [sflag:$0x3] =	stream.linear.gather [hbm4b:s6+s2], $0x40, $0x38;
	[tilespmem:$0x14200] =	vst v63  }
0x19: {  	_ =	swait.ge [sflag:s16], $0x40  }
0x1a: {  	[sflag:s16] =	ssyncset.done $0x0  }
0x1b: {  	s30 =	simm.s32 $0x180;
	[sflag:s16] =	ssyncadd.s32 $0xFFFFFFC0  }
0x1c: {  	[tilespmem:s30], [sflag:$0x3] =	stream.linear.gather [hbm4b:s7+s2], $0x40, $0x38;
	[tilespmem:$0x14200] =	vst v63  }
0x1d: {  	_ =	swait.ge [sflag:s16], $0x40  }
0x1e: {  	[sflag:s16] =	ssyncset.done $0x0  }
0x1f: {  	[sflag:s16] =	ssyncadd.s32 $0xFFFFFFC0  }
0x20: {  	v3 =	vld [tilespmem:$0x0];
	_ =	sdelay $0x4  }
0x21: {  	v4 =	vshll.u32 v3, $0x3  }
0x22: {  	v3 =	vand.u32 $0x7, v3;
	v4 =	vand.u32 $0xFFFFFFC0, v4  }
0x23: {  	v3 =	vor.u32 v3, v4  }
0x24: {  	v4 =	vperm.xlane v3, v0;
	_ =	sdelay $0x1  }
0x25: {  	v4 =	vadd.s32 v1, v4;
	_ =	sdelay $0x3  }
0x26: {  	s25 =	simm.s32 $0x200  }
0x27: {  	v5 =	vld [tilespmem:$0x80];
	[tilespmem:s25], [sflag:$0x1] =	stream.indirect_vreg.gather [hbm4b:s3+s2], $0x80, v4, vm0, $0xb8  }
0x28: {  	s26 =	simm.s32 $0xA00;
	v3 =	vperm.xlane v3, v2  }
0x29: {  	[tilespmem:s26], [sflag:$0x1] =	stream.indirect_vreg.gather [hbm4b:s8+s2], $0x80, v4, vm0, $0xb8;
	[tilespmem:$0x14200] =	vst v63  }
0x2a: {  	s29 =	simm.s32 $0x1200;
	v3 =	vadd.s32 v1, v3  }
0x2b: {  	[tilespmem:s29], [sflag:$0x1] =	stream.indirect_vreg.gather [hbm4b:s9+s2], $0x80, v4, vm0, $0xb8;
	[tilespmem:$0x14200] =	vst v63  }
0x2c: {  	s30 =	simm.s32 $0x1A00  }
0x2d: {  	[tilespmem:s30], [sflag:$0x1] =	stream.indirect_vreg.gather [hbm4b:s11+s2], $0x80, v4, vm0, $0xb8;
	v4 =	vshll.u32 v5, $0x3;
	[tilespmem:$0x14200] =	vst v63  }
0x2e: {  	s25 =	simm.s32 $0x2200;
	v5 =	vand.u32 $0x7, v5;
	v4 =	vand.u32 $0xFFFFFFC0, v4  }
0x2f: {  	[tilespmem:s25], [sflag:$0x1] =	stream.indirect_vreg.gather [hbm4b:s3+s2], $0x80, v3, vm0, $0xb8;
	v4 =	vor.u32 v5, v4;
	[tilespmem:$0x14200] =	vst v63  }
0x30: {  	s26 =	simm.s32 $0x2A00;
	v5 =	vperm.xlane v4, v0  }
0x31: {  	[tilespmem:s26], [sflag:$0x1] =	stream.indirect_vreg.gather [hbm4b:s8+s2], $0x80, v3, vm0, $0xb8;
	[tilespmem:$0x14200] =	vst v63  }
0x32: {  	s29 =	simm.s32 $0x3200;
	v5 =	vadd.s32 v1, v5  }
0x33: {  	[tilespmem:s29], [sflag:$0x1] =	stream.indirect_vreg.gather [hbm4b:s9+s2], $0x80, v3, vm0, $0xb8;
	[tilespmem:$0x14200] =	vst v63  }
0x34: {  	s30 =	simm.s32 $0x3A00  }
0x35: {  	[tilespmem:s30], [sflag:$0x1] =	stream.indirect_vreg.gather [hbm4b:s11+s2], $0x80, v3, vm0, $0xb8;
	[tilespmem:$0x14200] =	vst v63  }
0x36: {  	s25 =	simm.s32 $0x4200  }
0x37: {  	[tilespmem:s25], [sflag:$0x1] =	stream.indirect_vreg.gather [hbm4b:s3+s2], $0x80, v5, vm0, $0xb8;
	[tilespmem:$0x14200] =	vst v63  }
0x38: {  	s26 =	simm.s32 $0x4A00;
	v3 =	vperm.xlane v4, v2  }
0x39: {  	[tilespmem:s26], [sflag:$0x1] =	stream.indirect_vreg.gather [hbm4b:s8+s2], $0x80, v5, vm0, $0xb8;
	[tilespmem:$0x14200] =	vst v63  }
0x3a: {  	s29 =	simm.s32 $0x5200;
	v3 =	vadd.s32 v1, v3  }
0x3b: {  	[tilespmem:s29], [sflag:$0x1] =	stream.indirect_vreg.gather [hbm4b:s9+s2], $0x80, v5, vm0, $0xb8;
	[tilespmem:$0x14200] =	vst v63  }
0x3c: {  	s30 =	simm.s32 $0x5A00  }
0x3d: {  	[tilespmem:s30], [sflag:$0x1] =	stream.indirect_vreg.gather [hbm4b:s11+s2], $0x80, v5, vm0, $0xb8;
	[tilespmem:$0x14200] =	vst v63  }
0x3e: {  	s25 =	simm.s32 $0x6200  }
0x3f: {  	[tilespmem:s25], [sflag:$0x1] =	stream.indirect_vreg.gather [hbm4b:s3+s2], $0x80, v3, vm0, $0xb8;
	[tilespmem:$0x14200] =	vst v63  }
0x40: {  	s26 =	simm.s32 $0x6A00  }
0x41: {  	[tilespmem:s26], [sflag:$0x1] =	stream.indirect_vreg.gather [hbm4b:s8+s2], $0x80, v3, vm0, $0xb8;
	[tilespmem:$0x14200] =	vst v63  }
0x42: {  	s29 =	simm.s32 $0x7200  }
0x43: {  	[tilespmem:s29], [sflag:$0x1] =	stream.indirect_vreg.gather [hbm4b:s9+s2], $0x80, v3, vm0, $0xb8;
	[tilespmem:$0x14200] =	vst v63  }
0x44: {  	s30 =	simm.s32 $0x7A00  }
0x45: {  	[tilespmem:s30], [sflag:$0x1] =	stream.indirect_vreg.gather [hbm4b:s11+s2], $0x80, v3, vm0, $0xb8;
	[tilespmem:$0x14200] =	vst v63  }
0x46: {  	v3 =	vld [tilespmem:$0x10];
	_ =	sdelay $0x4  }
0x47: {  	v4 =	vshll.u32 v3, $0x3  }
0x48: {  	v3 =	vand.u32 $0x7, v3;
	v4 =	vand.u32 $0xFFFFFFC0, v4  }
0x49: {  	v3 =	vor.u32 v3, v4  }
0x4a: {  	v4 =	vperm.xlane v3, v0;
	_ =	sdelay $0x1  }
0x4b: {  	v4 =	vadd.s32 v1, v4;
	_ =	sdelay $0x3  }
0x4c: {  	s25 =	simm.s32 $0x8200  }
0x4d: {  	v5 =	vld [tilespmem:$0x90];
	[tilespmem:s25], [sflag:$0x2] =	stream.indirect_vreg.gather [hbm4b:s3+s2], $0x80, v4, vm0, $0xb8  }
0x4e: {  	s26 =	simm.s32 $0x8A00;
	v3 =	vperm.xlane v3, v2  }
0x4f: {  	[tilespmem:s26], [sflag:$0x2] =	stream.indirect_vreg.gather [hbm4b:s8+s2], $0x80, v4, vm0, $0xb8;
	[tilespmem:$0x14200] =	vst v63  }
0x50: {  	s29 =	simm.s32 $0x9200;
	v3 =	vadd.s32 v1, v3  }
0x51: {  	[tilespmem:s29], [sflag:$0x2] =	stream.indirect_vreg.gather [hbm4b:s9+s2], $0x80, v4, vm0, $0xb8;
	[tilespmem:$0x14200] =	vst v63  }
0x52: {  	s30 =	simm.s32 $0x9A00  }
0x53: {  	[tilespmem:s30], [sflag:$0x2] =	stream.indirect_vreg.gather [hbm4b:s11+s2], $0x80, v4, vm0, $0xb8;
	v4 =	vshll.u32 v5, $0x3;
	[tilespmem:$0x14200] =	vst v63  }
0x54: {  	s25 =	simm.s32 $0xA200;
	v5 =	vand.u32 $0x7, v5;
	v4 =	vand.u32 $0xFFFFFFC0, v4  }
0x55: {  	[tilespmem:s25], [sflag:$0x2] =	stream.indirect_vreg.gather [hbm4b:s3+s2], $0x80, v3, vm0, $0xb8;
	v4 =	vor.u32 v5, v4;
	[tilespmem:$0x14200] =	vst v63  }
0x56: {  	s26 =	simm.s32 $0xAA00;
	v5 =	vperm.xlane v4, v0  }
0x57: {  	[tilespmem:s26], [sflag:$0x2] =	stream.indirect_vreg.gather [hbm4b:s8+s2], $0x80, v3, vm0, $0xb8;
	[tilespmem:$0x14200] =	vst v63  }
0x58: {  	s29 =	simm.s32 $0xB200;
	v5 =	vadd.s32 v1, v5  }
0x59: {  	[tilespmem:s29], [sflag:$0x2] =	stream.indirect_vreg.gather [hbm4b:s9+s2], $0x80, v3, vm0, $0xb8;
	[tilespmem:$0x14200] =	vst v63  }
0x5a: {  	s30 =	simm.s32 $0xBA00  }
0x5b: {  	[tilespmem:s30], [sflag:$0x2] =	stream.indirect_vreg.gather [hbm4b:s11+s2], $0x80, v3, vm0, $0xb8;
	[tilespmem:$0x14200] =	vst v63  }
0x5c: {  	s25 =	simm.s32 $0xC200  }
0x5d: {  	[tilespmem:s25], [sflag:$0x2] =	stream.indirect_vreg.gather [hbm4b:s3+s2], $0x80, v5, vm0, $0xb8;
	[tilespmem:$0x14200] =	vst v63  }
0x5e: {  	s26 =	simm.s32 $0xCA00;
	v3 =	vperm.xlane v4, v2  }
0x5f: {  	[tilespmem:s26], [sflag:$0x2] =	stream.indirect_vreg.gather [hbm4b:s8+s2], $0x80, v5, vm0, $0xb8;
	[tilespmem:$0x14200] =	vst v63  }
0x60: {  	v3 =	vadd.s32 v1, v3  }
0x61: {  	[tilespmem:s31], [sflag:$0x2] =	stream.indirect_vreg.gather [hbm4b:s9+s2], $0x80, v5, vm0, $0xb8;
	[tilespmem:$0x14200] =	vst v63  }
0x62: {  	_ = 	snop  }
0x63: {  	[tilespmem:s0], [sflag:$0x2] =	stream.indirect_vreg.gather [hbm4b:s11+s2], $0x80, v5, vm0, $0xb8;
	[tilespmem:$0x14200] =	vst v63  }
0x64: {  	_ = 	snop  }
0x65: {  	[tilespmem:s1], [sflag:$0x2] =	stream.indirect_vreg.gather [hbm4b:s3+s2], $0x80, v3, vm0, $0xb8;
	[tilespmem:$0x14200] =	vst v63  }
0x66: {  	_ = 	snop  }
0x67: {  	[tilespmem:s17], [sflag:$0x2] =	stream.indirect_vreg.gather [hbm4b:s8+s2], $0x80, v3, vm0, $0xb8;
	[tilespmem:$0x14200] =	vst v63  }
0x68: {  	_ = 	snop  }
0x69: {  	[tilespmem:s18], [sflag:$0x2] =	stream.indirect_vreg.gather [hbm4b:s9+s2], $0x80, v3, vm0, $0xb8;
	[tilespmem:$0x14200] =	vst v63  }
0x6a: {  	_ = 	snop  }
0x6b: {  	[tilespmem:s19], [sflag:$0x2] =	stream.indirect_vreg.gather [hbm4b:s11+s2], $0x80, v3, vm0, $0xb8;
	[tilespmem:$0x14200] =	vst v63  }
0x6c: {  	_ =	swait.ge [sflag:s20], $0x4000  }
0x6d: {  	[sflag:s20] =	ssyncset.done $0x0  }
0x6e: {  	[sflag:s20] =	ssyncadd.s32 $0xFFFFC000  }
0x6f: {  	_ =	swait.ge [sflag:s20], $0x4000  }
0x70: {  	[sflag:s20] =	ssyncset.done $0x0  }
0x71: {  	[sflag:s20] =	ssyncadd.s32 $0xFFFFC000  }
0x72: {  	s29 =	sand.u32 $0x70, s2;
	s25 =	sand.u32 $0x1C00, s2;
	v3 =	vld [tilespmem:$0x100]  }
0x73: {  	s24 =	sor.u32 s29, s25;
	v4 =	vld [tilespmem:$0x180]  }
0x74: {  	v7 =	vld [tilespmem:s24+$0x200]  }
0x75: {  	v8 =	vld [tilespmem:s24+$0x4200];
	_ =	sdelay $0x1  }
0x76: {  	s30 =	simm.s32 $0x10;
	s26 =	simm.s32 $0x80  }
0x77: {  	s25 =	sand.u32 $0x70, s30;
	s26 =	sand.u32 $0x1C00, s26;
	v5 =	vbroadcast v3, $0x0;
	v6 =	vbroadcast v4, $0x0  }
0x78: {  	s25 =	sor.u32 s25, s26  }
0x79: {  	v9 =	vmul.f32 v7, v5;
	v10 =	vmul.f32 v8, v6;
	v7 =	vld [tilespmem:s25+$0x200]  }
0x7a: {  	v8 =	vld [tilespmem:s25+$0x4200]  }
0x7b: {  	s28 =	simm.s32 $0x100;
	s26 =	simm.s32 $0x20;
	v9 =	vadd.f32 v10, v9  }
.LBB2_2:
0x7c: {  	s29 =	sand.u32 $0x70, s26  }
0x7d: {  	s30 =	sand.u32 $0x1C00, s28;
	[tilespmem:s24+$0x10200] =	vst v9;
	s24 =	smov.u32 s25;
	p0 =	sne.s32 s26, $0x3F0  }
.Ltmp0:
0x7e: {  	s26 =	sadd.s32 $0x10, s26;
	s25 =	sor.u32 s29, s30;
	(pc) =	sbr.rel @p0 .LBB2_2-.Ltmp0, $4  }
0x7f: {  	v9 =	vmul.f32 v7, v5;
	v7 =	vld [tilespmem:s25+$0x200];
	v10 =	vmul.f32 v8, v6  }
0x80: {  	v8 =	vld [tilespmem:s25+$0x4200]  }
0x81: {  	v9 =	vadd.f32 v10, v9  }
0x82: {  	s28 =	sadd.s32 $0x80, s28  }
0x83: {  	_ =	sdelay $0x1  }
0x84: {  	v5 =	vmul.f32 v7, v5;
	v6 =	vmul.f32 v8, v6;
	_ =	sdelay $0x1  }
0x85: {  	s26 =	simm.s32 $0x0;
	v5 =	vadd.f32 v6, v5  }
0x86: {  	[tilespmem:s24+$0x10200] =	vst v9;
	s30 =	sand.u32 $0x70, s26;
	s26 =	sand.u32 $0x1C00, s26  }
0x87: {  	s24 =	sor.u32 s26, s30;
	[tilespmem:s25+$0x10200] =	vst v5  }
0x88: {  	v7 =	vld [tilespmem:s24+$0x280]  }
0x89: {  	v8 =	vld [tilespmem:s24+$0x4280];
	_ =	sdelay $0x1  }
0x8a: {  	s29 =	simm.s32 $0x10;
	s30 =	simm.s32 $0x80  }
0x8b: {  	s26 =	sand.u32 $0x1C00, s30;
	v6 =	vbroadcast v4, $0x1;
	v5 =	vbroadcast v3, $0x1;
	s25 =	sand.u32 $0x70, s29  }
0x8c: {  	s25 =	sor.u32 s26, s25  }
0x8d: {  	v9 =	vmul.f32 v7, v5;
	v10 =	vmul.f32 v8, v6;
	v7 =	vld [tilespmem:s25+$0x280]  }
0x8e: {  	v8 =	vld [tilespmem:s25+$0x4280]  }
0x8f: {  	s28 =	simm.s32 $0x100;
	s26 =	simm.s32 $0x20;
	v9 =	vadd.f32 v10, v9  }
.LBB2_4:
0x90: {  	s29 =	sand.u32 $0x70, s26  }
0x91: {  	s30 =	sand.u32 $0x1C00, s28;
	[tilespmem:s24+$0x10280] =	vst v9;
	s24 =	smov.u32 s25;
	p0 =	sne.s32 s26, $0x3F0  }
.Ltmp1:
0x92: {  	s26 =	sadd.s32 $0x10, s26;
	s25 =	sor.u32 s30, s29;
	(pc) =	sbr.rel @p0 .LBB2_4-.Ltmp1, $4  }
0x93: {  	v9 =	vmul.f32 v7, v5;
	v7 =	vld [tilespmem:s25+$0x280];
	v10 =	vmul.f32 v8, v6  }
0x94: {  	v8 =	vld [tilespmem:s25+$0x4280]  }
0x95: {  	v9 =	vadd.f32 v10, v9  }
0x96: {  	s28 =	sadd.s32 $0x80, s28  }
0x97: {  	_ =	sdelay $0x1  }
0x98: {  	v5 =	vmul.f32 v7, v5;
	v6 =	vmul.f32 v8, v6;
	_ =	sdelay $0x1  }
0x99: {  	s26 =	simm.s32 $0x0;
	v5 =	vadd.f32 v6, v5  }
0x9a: {  	[tilespmem:s24+$0x10280] =	vst v9;
	s30 =	sand.u32 $0x70, s26;
	s26 =	sand.u32 $0x1C00, s26  }
0x9b: {  	s24 =	sor.u32 s26, s30;
	[tilespmem:s25+$0x10280] =	vst v5  }
0x9c: {  	v7 =	vld [tilespmem:s24+$0x300]  }
0x9d: {  	v8 =	vld [tilespmem:s24+$0x4300];
	_ =	sdelay $0x1  }
0x9e: {  	s29 =	simm.s32 $0x10;
	s30 =	simm.s32 $0x80  }
0x9f: {  	s26 =	sand.u32 $0x1C00, s30;
	v6 =	vbroadcast v4, $0x2;
	v5 =	vbroadcast v3, $0x2;
	s25 =	sand.u32 $0x70, s29  }
0xa0: {  	s25 =	sor.u32 s26, s25  }
0xa1: {  	v9 =	vmul.f32 v7, v5;
	v10 =	vmul.f32 v8, v6;
	v7 =	vld [tilespmem:s25+$0x300]  }
0xa2: {  	v8 =	vld [tilespmem:s25+$0x4300]  }
0xa3: {  	s28 =	simm.s32 $0x100;
	s26 =	simm.s32 $0x20;
	v9 =	vadd.f32 v10, v9  }
.LBB2_6:
0xa4: {  	s29 =	sand.u32 $0x70, s26  }
0xa5: {  	s30 =	sand.u32 $0x1C00, s28;
	[tilespmem:s24+$0x10300] =	vst v9;
	s24 =	smov.u32 s25;
	p0 =	sne.s32 s26, $0x3F0  }
.Ltmp2:
0xa6: {  	s26 =	sadd.s32 $0x10, s26;
	s25 =	sor.u32 s30, s29;
	(pc) =	sbr.rel @p0 .LBB2_6-.Ltmp2, $4  }
0xa7: {  	v9 =	vmul.f32 v7, v5;
	v7 =	vld [tilespmem:s25+$0x300];
	v10 =	vmul.f32 v8, v6  }
0xa8: {  	v8 =	vld [tilespmem:s25+$0x4300]  }
0xa9: {  	v9 =	vadd.f32 v10, v9  }
0xaa: {  	s28 =	sadd.s32 $0x80, s28  }
0xab: {  	_ =	sdelay $0x1  }
0xac: {  	v5 =	vmul.f32 v7, v5;
	v6 =	vmul.f32 v8, v6;
	_ =	sdelay $0x1  }
0xad: {  	s26 =	simm.s32 $0x0;
	v5 =	vadd.f32 v6, v5  }
0xae: {  	[tilespmem:s24+$0x10300] =	vst v9;
	s30 =	sand.u32 $0x70, s26;
	s26 =	sand.u32 $0x1C00, s26  }
0xaf: {  	s24 =	sor.u32 s26, s30;
	[tilespmem:s25+$0x10300] =	vst v5  }
0xb0: {  	v7 =	vld [tilespmem:s24+$0x380]  }
0xb1: {  	v8 =	vld [tilespmem:s24+$0x4380];
	_ =	sdelay $0x1  }
0xb2: {  	s29 =	simm.s32 $0x10;
	s30 =	simm.s32 $0x80  }
0xb3: {  	s26 =	sand.u32 $0x1C00, s30;
	v6 =	vbroadcast v4, $0x3;
	v5 =	vbroadcast v3, $0x3;
	s25 =	sand.u32 $0x70, s29  }
0xb4: {  	s25 =	sor.u32 s26, s25  }
0xb5: {  	v9 =	vmul.f32 v7, v5;
	v10 =	vmul.f32 v8, v6;
	v7 =	vld [tilespmem:s25+$0x380]  }
0xb6: {  	v8 =	vld [tilespmem:s25+$0x4380]  }
0xb7: {  	s28 =	simm.s32 $0x100;
	s26 =	simm.s32 $0x20;
	v9 =	vadd.f32 v10, v9  }
.LBB2_8:
0xb8: {  	s29 =	sand.u32 $0x70, s26  }
0xb9: {  	s30 =	sand.u32 $0x1C00, s28;
	[tilespmem:s24+$0x10380] =	vst v9;
	s24 =	smov.u32 s25;
	p0 =	sne.s32 s26, $0x3F0  }
.Ltmp3:
0xba: {  	s26 =	sadd.s32 $0x10, s26;
	s25 =	sor.u32 s30, s29;
	(pc) =	sbr.rel @p0 .LBB2_8-.Ltmp3, $4  }
0xbb: {  	v9 =	vmul.f32 v7, v5;
	v7 =	vld [tilespmem:s25+$0x380];
	v10 =	vmul.f32 v8, v6  }
0xbc: {  	v8 =	vld [tilespmem:s25+$0x4380]  }
0xbd: {  	v9 =	vadd.f32 v10, v9  }
0xbe: {  	s28 =	sadd.s32 $0x80, s28  }
0xbf: {  	_ =	sdelay $0x1  }
0xc0: {  	v5 =	vmul.f32 v7, v5;
	v6 =	vmul.f32 v8, v6;
	_ =	sdelay $0x1  }
0xc1: {  	s26 =	simm.s32 $0x0;
	v5 =	vadd.f32 v6, v5  }
0xc2: {  	[tilespmem:s24+$0x10380] =	vst v9;
	s30 =	sand.u32 $0x70, s26;
	s26 =	sand.u32 $0x1C00, s26  }
0xc3: {  	s24 =	sor.u32 s26, s30;
	[tilespmem:s25+$0x10380] =	vst v5  }
0xc4: {  	v7 =	vld [tilespmem:s24+$0x400]  }
0xc5: {  	v8 =	vld [tilespmem:s24+$0x4400];
	_ =	sdelay $0x1  }
0xc6: {  	s29 =	simm.s32 $0x10;
	s30 =	simm.s32 $0x80  }
0xc7: {  	s26 =	sand.u32 $0x1C00, s30;
	v6 =	vbroadcast v4, $0x4;
	v5 =	vbroadcast v3, $0x4;
	s25 =	sand.u32 $0x70, s29  }
0xc8: {  	s25 =	sor.u32 s26, s25  }
0xc9: {  	v9 =	vmul.f32 v7, v5;
	v10 =	vmul.f32 v8, v6;
	v7 =	vld [tilespmem:s25+$0x400]  }
0xca: {  	v8 =	vld [tilespmem:s25+$0x4400]  }
0xcb: {  	s28 =	simm.s32 $0x100;
	s26 =	simm.s32 $0x20;
	v9 =	vadd.f32 v10, v9  }
.LBB2_10:
0xcc: {  	s29 =	sand.u32 $0x70, s26  }
0xcd: {  	s30 =	sand.u32 $0x1C00, s28;
	[tilespmem:s24+$0x10400] =	vst v9;
	s24 =	smov.u32 s25;
	p0 =	sne.s32 s26, $0x3F0  }
.Ltmp4:
0xce: {  	s26 =	sadd.s32 $0x10, s26;
	s25 =	sor.u32 s30, s29;
	(pc) =	sbr.rel @p0 .LBB2_10-.Ltmp4, $4  }
0xcf: {  	v9 =	vmul.f32 v7, v5;
	v7 =	vld [tilespmem:s25+$0x400];
	v10 =	vmul.f32 v8, v6  }
0xd0: {  	v8 =	vld [tilespmem:s25+$0x4400]  }
0xd1: {  	v9 =	vadd.f32 v10, v9  }
0xd2: {  	s28 =	sadd.s32 $0x80, s28  }
0xd3: {  	_ =	sdelay $0x1  }
0xd4: {  	v5 =	vmul.f32 v7, v5;
	v6 =	vmul.f32 v8, v6;
	_ =	sdelay $0x1  }
0xd5: {  	s26 =	simm.s32 $0x0;
	v5 =	vadd.f32 v6, v5  }
0xd6: {  	[tilespmem:s24+$0x10400] =	vst v9;
	s30 =	sand.u32 $0x70, s26;
	s26 =	sand.u32 $0x1C00, s26  }
0xd7: {  	s24 =	sor.u32 s26, s30;
	[tilespmem:s25+$0x10400] =	vst v5  }
0xd8: {  	v7 =	vld [tilespmem:s24+$0x480]  }
0xd9: {  	v8 =	vld [tilespmem:s24+$0x4480];
	_ =	sdelay $0x1  }
0xda: {  	s29 =	simm.s32 $0x10;
	s30 =	simm.s32 $0x80  }
0xdb: {  	s26 =	sand.u32 $0x1C00, s30;
	v6 =	vbroadcast v4, $0x5;
	v5 =	vbroadcast v3, $0x5;
	s25 =	sand.u32 $0x70, s29  }
0xdc: {  	s25 =	sor.u32 s26, s25  }
0xdd: {  	v9 =	vmul.f32 v7, v5;
	v10 =	vmul.f32 v8, v6;
	v7 =	vld [tilespmem:s25+$0x480]  }
0xde: {  	v8 =	vld [tilespmem:s25+$0x4480]  }
0xdf: {  	s28 =	simm.s32 $0x100;
	s26 =	simm.s32 $0x20;
	v9 =	vadd.f32 v10, v9  }
.LBB2_12:
0xe0: {  	s29 =	sand.u32 $0x70, s26  }
0xe1: {  	s30 =	sand.u32 $0x1C00, s28;
	[tilespmem:s24+$0x10480] =	vst v9;
	s24 =	smov.u32 s25;
	p0 =	sne.s32 s26, $0x3F0  }
.Ltmp5:
0xe2: {  	s26 =	sadd.s32 $0x10, s26;
	s25 =	sor.u32 s30, s29;
	(pc) =	sbr.rel @p0 .LBB2_12-.Ltmp5, $4  }
0xe3: {  	v9 =	vmul.f32 v7, v5;
	v7 =	vld [tilespmem:s25+$0x480];
	v10 =	vmul.f32 v8, v6  }
0xe4: {  	v8 =	vld [tilespmem:s25+$0x4480]  }
0xe5: {  	v9 =	vadd.f32 v10, v9  }
0xe6: {  	s28 =	sadd.s32 $0x80, s28  }
0xe7: {  	_ =	sdelay $0x1  }
0xe8: {  	v5 =	vmul.f32 v7, v5;
	v6 =	vmul.f32 v8, v6;
	_ =	sdelay $0x1  }
0xe9: {  	s26 =	simm.s32 $0x0;
	v5 =	vadd.f32 v6, v5  }
0xea: {  	[tilespmem:s24+$0x10480] =	vst v9;
	s30 =	sand.u32 $0x70, s26;
	s26 =	sand.u32 $0x1C00, s26  }
0xeb: {  	s24 =	sor.u32 s26, s30;
	[tilespmem:s25+$0x10480] =	vst v5  }
0xec: {  	v7 =	vld [tilespmem:s24+$0x500]  }
0xed: {  	v8 =	vld [tilespmem:s24+$0x4500];
	_ =	sdelay $0x1  }
0xee: {  	s29 =	simm.s32 $0x10;
	s30 =	simm.s32 $0x80  }
0xef: {  	s26 =	sand.u32 $0x1C00, s30;
	v6 =	vbroadcast v4, $0x6;
	v5 =	vbroadcast v3, $0x6;
	s25 =	sand.u32 $0x70, s29  }
0xf0: {  	s25 =	sor.u32 s26, s25  }
0xf1: {  	v9 =	vmul.f32 v7, v5;
	v10 =	vmul.f32 v8, v6;
	v7 =	vld [tilespmem:s25+$0x500]  }
0xf2: {  	v8 =	vld [tilespmem:s25+$0x4500]  }
0xf3: {  	s28 =	simm.s32 $0x100;
	s26 =	simm.s32 $0x20;
	v9 =	vadd.f32 v10, v9  }
.LBB2_14:
0xf4: {  	s29 =	sand.u32 $0x70, s26  }
0xf5: {  	s30 =	sand.u32 $0x1C00, s28;
	[tilespmem:s24+$0x10500] =	vst v9;
	s24 =	smov.u32 s25;
	p0 =	sne.s32 s26, $0x3F0  }
.Ltmp6:
0xf6: {  	s26 =	sadd.s32 $0x10, s26;
	s25 =	sor.u32 s30, s29;
	(pc) =	sbr.rel @p0 .LBB2_14-.Ltmp6, $4  }
0xf7: {  	v9 =	vmul.f32 v7, v5;
	v7 =	vld [tilespmem:s25+$0x500];
	v10 =	vmul.f32 v8, v6  }
0xf8: {  	v8 =	vld [tilespmem:s25+$0x4500]  }
0xf9: {  	v9 =	vadd.f32 v10, v9  }
0xfa: {  	s28 =	sadd.s32 $0x80, s28  }
0xfb: {  	_ =	sdelay $0x1  }
0xfc: {  	v5 =	vmul.f32 v7, v5;
	v6 =	vmul.f32 v8, v6;
	_ =	sdelay $0x1  }
0xfd: {  	s26 =	simm.s32 $0x0;
	v5 =	vadd.f32 v6, v5  }
0xfe: {  	[tilespmem:s24+$0x10500] =	vst v9;
	s26 =	sor.u32 s26, s26  }
0xff: {  	s24 =	sor.u32 $0x380, s26;
	[tilespmem:s25+$0x10500] =	vst v5  }
0x100: {  	v7 =	vld [tilespmem:s24+$0x200]  }
0x101: {  	v8 =	vld [tilespmem:s24+$0x4200];
	_ =	sdelay $0x1  }
0x102: {  	s29 =	simm.s32 $0x10;
	s30 =	simm.s32 $0x80  }
0x103: {  	v6 =	vbroadcast v4, $0x7;
	v5 =	vbroadcast v3, $0x7;
	s25 =	sor.u32 s30, s29  }
0x104: {  	s25 =	sor.u32 $0x380, s25  }
0x105: {  	v9 =	vmul.f32 v7, v5;
	v10 =	vmul.f32 v8, v6;
	v7 =	vld [tilespmem:s25+$0x200]  }
0x106: {  	v8 =	vld [tilespmem:s25+$0x4200]  }
0x107: {  	v9 =	vadd.f32 v10, v9  }
0x108: {  	s28 =	simm.s32 $0x100;
	s26 =	simm.s32 $0x20  }
.LBB2_16:
0x109: {  	s29 =	sor.u32 s28, s26;
	[tilespmem:s24+$0x10200] =	vst v9;
	s24 =	smov.u32 s25;
	p0 =	sne.s32 s26, $0x3F0  }
.Ltmp7:
0x10a: {  	s26 =	sadd.s32 $0x10, s26;
	s25 =	sor.u32 $0x380, s29;
	(pc) =	sbr.rel @p0 .LBB2_16-.Ltmp7, $4  }
0x10b: {  	v9 =	vmul.f32 v7, v5;
	v7 =	vld [tilespmem:s25+$0x200];
	v10 =	vmul.f32 v8, v6  }
0x10c: {  	v8 =	vld [tilespmem:s25+$0x4200]  }
0x10d: {  	v9 =	vadd.f32 v10, v9  }
0x10e: {  	s28 =	sadd.s32 $0x80, s28  }
0x10f: {  	_ =	sdelay $0x1  }
0x110: {  	v5 =	vmul.f32 v7, v5;
	v6 =	vmul.f32 v8, v6;
	_ =	sdelay $0x1  }
0x111: {  	s26 =	simm.s32 $0x0;
	v5 =	vadd.f32 v6, v5  }
0x112: {  	[tilespmem:s24+$0x10200] =	vst v9;
	s30 =	sand.u32 $0x70, s26;
	s26 =	sand.u32 $0x1C00, s26  }
0x113: {  	s24 =	sor.u32 s26, s30;
	[tilespmem:s25+$0x10200] =	vst v5  }
0x114: {  	v7 =	vld [tilespmem:s24+$0x2200]  }
0x115: {  	v8 =	vld [tilespmem:s24+$0x6200];
	_ =	sdelay $0x1  }
0x116: {  	s29 =	simm.s32 $0x10;
	s30 =	simm.s32 $0x80  }
0x117: {  	s26 =	sand.u32 $0x1C00, s30;
	v6 =	vbroadcast v4, $0x8;
	v5 =	vbroadcast v3, $0x8;
	s25 =	sand.u32 $0x70, s29  }
0x118: {  	s25 =	sor.u32 s26, s25  }
0x119: {  	v9 =	vmul.f32 v7, v5;
	v10 =	vmul.f32 v8, v6;
	v7 =	vld [tilespmem:s25+$0x2200]  }
0x11a: {  	v8 =	vld [tilespmem:s25+$0x6200]  }
0x11b: {  	s28 =	simm.s32 $0x100;
	s26 =	simm.s32 $0x20;
	v9 =	vadd.f32 v10, v9  }
.LBB2_18:
0x11c: {  	s29 =	sand.u32 $0x70, s26  }
0x11d: {  	s30 =	sand.u32 $0x1C00, s28;
	[tilespmem:s24+$0x12200] =	vst v9;
	s24 =	smov.u32 s25;
	p0 =	sne.s32 s26, $0x3F0  }
.Ltmp8:
0x11e: {  	s26 =	sadd.s32 $0x10, s26;
	s25 =	sor.u32 s30, s29;
	(pc) =	sbr.rel @p0 .LBB2_18-.Ltmp8, $4  }
0x11f: {  	v9 =	vmul.f32 v7, v5;
	v7 =	vld [tilespmem:s25+$0x2200];
	v10 =	vmul.f32 v8, v6  }
0x120: {  	v8 =	vld [tilespmem:s25+$0x6200]  }
0x121: {  	v9 =	vadd.f32 v10, v9  }
0x122: {  	s28 =	sadd.s32 $0x80, s28  }
0x123: {  	_ =	sdelay $0x1  }
0x124: {  	v5 =	vmul.f32 v7, v5;
	v6 =	vmul.f32 v8, v6;
	_ =	sdelay $0x1  }
0x125: {  	s26 =	simm.s32 $0x0;
	v5 =	vadd.f32 v6, v5  }
0x126: {  	[tilespmem:s24+$0x12200] =	vst v9;
	s30 =	sand.u32 $0x70, s26;
	s26 =	sand.u32 $0x1C00, s26  }
0x127: {  	s24 =	sor.u32 s26, s30;
	[tilespmem:s25+$0x12200] =	vst v5  }
0x128: {  	v7 =	vld [tilespmem:s24+$0x2280]  }
0x129: {  	v8 =	vld [tilespmem:s24+$0x6280];
	_ =	sdelay $0x1  }
0x12a: {  	s29 =	simm.s32 $0x10;
	s30 =	simm.s32 $0x80  }
0x12b: {  	s26 =	sand.u32 $0x1C00, s30;
	v6 =	vbroadcast v4, $0x9;
	v5 =	vbroadcast v3, $0x9;
	s25 =	sand.u32 $0x70, s29  }
0x12c: {  	s25 =	sor.u32 s26, s25  }
0x12d: {  	v9 =	vmul.f32 v7, v5;
	v10 =	vmul.f32 v8, v6;
	v7 =	vld [tilespmem:s25+$0x2280]  }
0x12e: {  	v8 =	vld [tilespmem:s25+$0x6280]  }
0x12f: {  	s28 =	simm.s32 $0x100;
	s26 =	simm.s32 $0x20;
	v9 =	vadd.f32 v10, v9  }
.LBB2_20:
0x130: {  	s29 =	sand.u32 $0x70, s26  }
0x131: {  	s30 =	sand.u32 $0x1C00, s28;
	[tilespmem:s24+$0x12280] =	vst v9;
	s24 =	smov.u32 s25;
	p0 =	sne.s32 s26, $0x3F0  }
.Ltmp9:
0x132: {  	s26 =	sadd.s32 $0x10, s26;
	s25 =	sor.u32 s30, s29;
	(pc) =	sbr.rel @p0 .LBB2_20-.Ltmp9, $4  }
0x133: {  	v9 =	vmul.f32 v7, v5;
	v7 =	vld [tilespmem:s25+$0x2280];
	v10 =	vmul.f32 v8, v6  }
0x134: {  	v8 =	vld [tilespmem:s25+$0x6280]  }
0x135: {  	v9 =	vadd.f32 v10, v9  }
0x136: {  	s28 =	sadd.s32 $0x80, s28  }
0x137: {  	_ =	sdelay $0x1  }
0x138: {  	v5 =	vmul.f32 v7, v5;
	v6 =	vmul.f32 v8, v6;
	_ =	sdelay $0x1  }
0x139: {  	s26 =	simm.s32 $0x0;
	v5 =	vadd.f32 v6, v5  }
0x13a: {  	[tilespmem:s24+$0x12280] =	vst v9;
	s30 =	sand.u32 $0x70, s26;
	s26 =	sand.u32 $0x1C00, s26  }
0x13b: {  	s24 =	sor.u32 s26, s30;
	[tilespmem:s25+$0x12280] =	vst v5  }
0x13c: {  	v7 =	vld [tilespmem:s24+$0x2300]  }
0x13d: {  	v8 =	vld [tilespmem:s24+$0x6300];
	_ =	sdelay $0x1  }
0x13e: {  	s29 =	simm.s32 $0x10;
	s30 =	simm.s32 $0x80  }
0x13f: {  	s26 =	sand.u32 $0x1C00, s30;
	v6 =	vbroadcast v4, $0xA;
	v5 =	vbroadcast v3, $0xA;
	s25 =	sand.u32 $0x70, s29  }
0x140: {  	s25 =	sor.u32 s26, s25  }
0x141: {  	v9 =	vmul.f32 v7, v5;
	v10 =	vmul.f32 v8, v6;
	v7 =	vld [tilespmem:s25+$0x2300]  }
0x142: {  	v8 =	vld [tilespmem:s25+$0x6300]  }
0x143: {  	s28 =	simm.s32 $0x100;
	s26 =	simm.s32 $0x20;
	v9 =	vadd.f32 v10, v9  }
.LBB2_22:
0x144: {  	s29 =	sand.u32 $0x70, s26  }
0x145: {  	s30 =	sand.u32 $0x1C00, s28;
	[tilespmem:s24+$0x12300] =	vst v9;
	s24 =	smov.u32 s25;
	p0 =	sne.s32 s26, $0x3F0  }
.Ltmp10:
0x146: {  	s26 =	sadd.s32 $0x10, s26;
	s25 =	sor.u32 s30, s29;
	(pc) =	sbr.rel @p0 .LBB2_22-.Ltmp10, $4  }
0x147: {  	v9 =	vmul.f32 v7, v5;
	v7 =	vld [tilespmem:s25+$0x2300];
	v10 =	vmul.f32 v8, v6  }
0x148: {  	v8 =	vld [tilespmem:s25+$0x6300]  }
0x149: {  	v9 =	vadd.f32 v10, v9  }
0x14a: {  	s28 =	sadd.s32 $0x80, s28  }
0x14b: {  	_ =	sdelay $0x1  }
0x14c: {  	v5 =	vmul.f32 v7, v5;
	v6 =	vmul.f32 v8, v6;
	_ =	sdelay $0x1  }
0x14d: {  	s26 =	simm.s32 $0x0;
	v5 =	vadd.f32 v6, v5  }
0x14e: {  	[tilespmem:s24+$0x12300] =	vst v9;
	s30 =	sand.u32 $0x70, s26;
	s26 =	sand.u32 $0x1C00, s26  }
0x14f: {  	s24 =	sor.u32 s26, s30;
	[tilespmem:s25+$0x12300] =	vst v5  }
0x150: {  	v7 =	vld [tilespmem:s24+$0x2380]  }
0x151: {  	v8 =	vld [tilespmem:s24+$0x6380];
	_ =	sdelay $0x1  }
0x152: {  	s29 =	simm.s32 $0x10;
	s30 =	simm.s32 $0x80  }
0x153: {  	s26 =	sand.u32 $0x1C00, s30;
	v6 =	vbroadcast v4, $0xB;
	v5 =	vbroadcast v3, $0xB;
	s25 =	sand.u32 $0x70, s29  }
0x154: {  	s25 =	sor.u32 s26, s25  }
0x155: {  	v9 =	vmul.f32 v7, v5;
	v10 =	vmul.f32 v8, v6;
	v7 =	vld [tilespmem:s25+$0x2380]  }
0x156: {  	v8 =	vld [tilespmem:s25+$0x6380]  }
0x157: {  	s28 =	simm.s32 $0x100;
	s26 =	simm.s32 $0x20;
	v9 =	vadd.f32 v10, v9  }
.LBB2_24:
0x158: {  	s29 =	sand.u32 $0x70, s26  }
0x159: {  	s30 =	sand.u32 $0x1C00, s28;
	[tilespmem:s24+$0x12380] =	vst v9;
	s24 =	smov.u32 s25;
	p0 =	sne.s32 s26, $0x3F0  }
.Ltmp11:
0x15a: {  	s26 =	sadd.s32 $0x10, s26;
	s25 =	sor.u32 s30, s29;
	(pc) =	sbr.rel @p0 .LBB2_24-.Ltmp11, $4  }
0x15b: {  	v9 =	vmul.f32 v7, v5;
	v7 =	vld [tilespmem:s25+$0x2380];
	v10 =	vmul.f32 v8, v6  }
0x15c: {  	v8 =	vld [tilespmem:s25+$0x6380]  }
0x15d: {  	v9 =	vadd.f32 v10, v9  }
0x15e: {  	s28 =	sadd.s32 $0x80, s28  }
0x15f: {  	_ =	sdelay $0x1  }
0x160: {  	v5 =	vmul.f32 v7, v5;
	v6 =	vmul.f32 v8, v6;
	_ =	sdelay $0x1  }
0x161: {  	s26 =	simm.s32 $0x0;
	v5 =	vadd.f32 v6, v5  }
0x162: {  	[tilespmem:s24+$0x12380] =	vst v9;
	s30 =	sand.u32 $0x70, s26;
	s26 =	sand.u32 $0x1C00, s26  }
0x163: {  	s24 =	sor.u32 s26, s30;
	[tilespmem:s25+$0x12380] =	vst v5  }
0x164: {  	v7 =	vld [tilespmem:s24+$0x2400]  }
0x165: {  	v8 =	vld [tilespmem:s24+$0x6400];
	_ =	sdelay $0x1  }
0x166: {  	s29 =	simm.s32 $0x10;
	s30 =	simm.s32 $0x80  }
0x167: {  	s26 =	sand.u32 $0x1C00, s30;
	v6 =	vbroadcast v4, $0xC;
	v5 =	vbroadcast v3, $0xC;
	s25 =	sand.u32 $0x70, s29  }
0x168: {  	s25 =	sor.u32 s26, s25  }
0x169: {  	v9 =	vmul.f32 v7, v5;
	v10 =	vmul.f32 v8, v6;
	v7 =	vld [tilespmem:s25+$0x2400]  }
0x16a: {  	v8 =	vld [tilespmem:s25+$0x6400]  }
0x16b: {  	s28 =	simm.s32 $0x100;
	s26 =	simm.s32 $0x20;
	v9 =	vadd.f32 v10, v9  }
.LBB2_26:
0x16c: {  	s29 =	sand.u32 $0x70, s26  }
0x16d: {  	s30 =	sand.u32 $0x1C00, s28;
	[tilespmem:s24+$0x12400] =	vst v9;
	s24 =	smov.u32 s25;
	p0 =	sne.s32 s26, $0x3F0  }
.Ltmp12:
0x16e: {  	s26 =	sadd.s32 $0x10, s26;
	s25 =	sor.u32 s30, s29;
	(pc) =	sbr.rel @p0 .LBB2_26-.Ltmp12, $4  }
0x16f: {  	v9 =	vmul.f32 v7, v5;
	v7 =	vld [tilespmem:s25+$0x2400];
	v10 =	vmul.f32 v8, v6  }
0x170: {  	v8 =	vld [tilespmem:s25+$0x6400]  }
0x171: {  	v9 =	vadd.f32 v10, v9  }
0x172: {  	s28 =	sadd.s32 $0x80, s28  }
0x173: {  	_ =	sdelay $0x1  }
0x174: {  	v5 =	vmul.f32 v7, v5;
	v6 =	vmul.f32 v8, v6;
	_ =	sdelay $0x1  }
0x175: {  	s26 =	simm.s32 $0x0;
	v5 =	vadd.f32 v6, v5  }
0x176: {  	[tilespmem:s24+$0x12400] =	vst v9;
	s30 =	sand.u32 $0x70, s26;
	s26 =	sand.u32 $0x1C00, s26  }
0x177: {  	s24 =	sor.u32 s26, s30;
	[tilespmem:s25+$0x12400] =	vst v5  }
0x178: {  	v7 =	vld [tilespmem:s24+$0x2480]  }
0x179: {  	v8 =	vld [tilespmem:s24+$0x6480];
	_ =	sdelay $0x1  }
0x17a: {  	s29 =	simm.s32 $0x10;
	s30 =	simm.s32 $0x80  }
0x17b: {  	s26 =	sand.u32 $0x1C00, s30;
	v6 =	vbroadcast v4, $0xD;
	v5 =	vbroadcast v3, $0xD;
	s25 =	sand.u32 $0x70, s29  }
0x17c: {  	s25 =	sor.u32 s26, s25  }
0x17d: {  	v9 =	vmul.f32 v7, v5;
	v10 =	vmul.f32 v8, v6;
	v7 =	vld [tilespmem:s25+$0x2480]  }
0x17e: {  	v8 =	vld [tilespmem:s25+$0x6480]  }
0x17f: {  	s28 =	simm.s32 $0x100;
	s26 =	simm.s32 $0x20;
	v9 =	vadd.f32 v10, v9  }
.LBB2_28:
0x180: {  	s29 =	sand.u32 $0x70, s26  }
0x181: {  	s30 =	sand.u32 $0x1C00, s28;
	[tilespmem:s24+$0x12480] =	vst v9;
	s24 =	smov.u32 s25;
	p0 =	sne.s32 s26, $0x3F0  }
.Ltmp13:
0x182: {  	s26 =	sadd.s32 $0x10, s26;
	s25 =	sor.u32 s30, s29;
	(pc) =	sbr.rel @p0 .LBB2_28-.Ltmp13, $4  }
0x183: {  	v9 =	vmul.f32 v7, v5;
	v7 =	vld [tilespmem:s25+$0x2480];
	v10 =	vmul.f32 v8, v6  }
0x184: {  	v8 =	vld [tilespmem:s25+$0x6480]  }
0x185: {  	v9 =	vadd.f32 v10, v9  }
0x186: {  	s28 =	sadd.s32 $0x80, s28  }
0x187: {  	_ =	sdelay $0x1  }
0x188: {  	v5 =	vmul.f32 v7, v5;
	v6 =	vmul.f32 v8, v6;
	_ =	sdelay $0x1  }
0x189: {  	s26 =	simm.s32 $0x0;
	v5 =	vadd.f32 v6, v5  }
0x18a: {  	[tilespmem:s24+$0x12480] =	vst v9;
	s30 =	sand.u32 $0x70, s26;
	s26 =	sand.u32 $0x1C00, s26  }
0x18b: {  	s24 =	sor.u32 s26, s30;
	[tilespmem:s25+$0x12480] =	vst v5  }
0x18c: {  	v7 =	vld [tilespmem:s24+$0x2500]  }
0x18d: {  	v8 =	vld [tilespmem:s24+$0x6500];
	_ =	sdelay $0x1  }
0x18e: {  	s29 =	simm.s32 $0x10;
	s30 =	simm.s32 $0x80  }
0x18f: {  	s26 =	sand.u32 $0x1C00, s30;
	v6 =	vbroadcast v4, $0xE;
	v5 =	vbroadcast v3, $0xE;
	s25 =	sand.u32 $0x70, s29  }
0x190: {  	s25 =	sor.u32 s26, s25  }
0x191: {  	v9 =	vmul.f32 v7, v5;
	v10 =	vmul.f32 v8, v6;
	v7 =	vld [tilespmem:s25+$0x2500]  }
0x192: {  	v8 =	vld [tilespmem:s25+$0x6500]  }
0x193: {  	s28 =	simm.s32 $0x100;
	s26 =	simm.s32 $0x20;
	v9 =	vadd.f32 v10, v9  }
.LBB2_30:
0x194: {  	s29 =	sand.u32 $0x70, s26  }
0x195: {  	s30 =	sand.u32 $0x1C00, s28;
	[tilespmem:s24+$0x12500] =	vst v9;
	s24 =	smov.u32 s25;
	p0 =	sne.s32 s26, $0x3F0  }
.Ltmp14:
0x196: {  	s26 =	sadd.s32 $0x10, s26;
	s25 =	sor.u32 s30, s29;
	(pc) =	sbr.rel @p0 .LBB2_30-.Ltmp14, $4  }
0x197: {  	v9 =	vmul.f32 v7, v5;
	v7 =	vld [tilespmem:s25+$0x2500];
	v10 =	vmul.f32 v8, v6  }
0x198: {  	v8 =	vld [tilespmem:s25+$0x6500]  }
0x199: {  	v9 =	vadd.f32 v10, v9  }
0x19a: {  	s28 =	sadd.s32 $0x80, s28  }
0x19b: {  	_ =	sdelay $0x1  }
0x19c: {  	v5 =	vmul.f32 v7, v5;
	v6 =	vmul.f32 v8, v6;
	_ =	sdelay $0x1  }
0x19d: {  	s26 =	simm.s32 $0x0;
	v5 =	vadd.f32 v6, v5  }
0x19e: {  	[tilespmem:s24+$0x12500] =	vst v9;
	s26 =	sor.u32 s26, s26  }
0x19f: {  	s24 =	sor.u32 $0x2380, s26;
	[tilespmem:s25+$0x12500] =	vst v5  }
0x1a0: {  	v5 =	vld [tilespmem:s24+$0x200]  }
0x1a1: {  	v6 =	vld [tilespmem:s24+$0x4200];
	_ =	sdelay $0x1  }
0x1a2: {  	s29 =	simm.s32 $0x10;
	s30 =	simm.s32 $0x80  }
0x1a3: {  	v3 =	vbroadcast v3, $0xF;
	v4 =	vbroadcast v4, $0xF;
	s25 =	sor.u32 s30, s29  }
0x1a4: {  	s25 =	sor.u32 $0x2380, s25  }
0x1a5: {  	v7 =	vmul.f32 v5, v3;
	v8 =	vmul.f32 v6, v4;
	v5 =	vld [tilespmem:s25+$0x200]  }
0x1a6: {  	v6 =	vld [tilespmem:s25+$0x4200]  }
0x1a7: {  	v7 =	vadd.f32 v8, v7  }
0x1a8: {  	s28 =	simm.s32 $0x100;
	s26 =	simm.s32 $0x20  }
.LBB2_32:
0x1a9: {  	s29 =	sor.u32 s28, s26;
	[tilespmem:s24+$0x10200] =	vst v7;
	s24 =	smov.u32 s25;
	p0 =	sne.s32 s26, $0x3F0  }
.Ltmp15:
0x1aa: {  	s26 =	sadd.s32 $0x10, s26;
	s25 =	sor.u32 $0x2380, s29;
	(pc) =	sbr.rel @p0 .LBB2_32-.Ltmp15, $4  }
0x1ab: {  	v7 =	vmul.f32 v5, v3;
	v5 =	vld [tilespmem:s25+$0x200];
	v8 =	vmul.f32 v6, v4  }
0x1ac: {  	v6 =	vld [tilespmem:s25+$0x4200]  }
0x1ad: {  	v7 =	vadd.f32 v8, v7  }
0x1ae: {  	s28 =	sadd.s32 $0x80, s28  }
0x1af: {  	_ =	sdelay $0x1  }
0x1b0: {  	v3 =	vmul.f32 v5, v3;
	v4 =	vmul.f32 v6, v4;
	_ =	sdelay $0x1  }
0x1b1: {  	v3 =	vadd.f32 v4, v3  }
0x1b2: {  	[tilespmem:s24+$0x10200] =	vst v7  }
0x1b3: {  	s24 =	simm.s32 $0x0;
	[tilespmem:s25+$0x10200] =	vst v3  }
0x1b4: {  	[hbm4b:s10+s24] =	stream.linear.scatter [tilespmem:s21], [sflag:$0x3], $0x4000, $0x38;
	[tilespmem:$0x14200] =	vst v63  }
0x1b5: {  	_ =	swait.ge [sflag:s16], $0x4000  }
0x1b6: {  	[sflag:s16] =	ssyncset.done $0x0  }
0x1b7: {  	[sflag:s16] =	ssyncadd.s32 $0xFFFFC000  }
0x1b8: {  	v3 =	vld [tilespmem:$0x20];
	_ =	sdelay $0x4  }
0x1b9: {  	v4 =	vshll.u32 v3, $0x3  }
0x1ba: {  	v3 =	vand.u32 $0x7, v3;
	v4 =	vand.u32 $0xFFFFFFC0, v4  }
0x1bb: {  	v3 =	vor.u32 v3, v4  }
0x1bc: {  	v4 =	vperm.xlane v3, v0;
	_ =	sdelay $0x1  }
0x1bd: {  	v4 =	vadd.s32 v1, v4;
	_ =	sdelay $0x3  }
0x1be: {  	s26 =	simm.s32 $0x200  }
0x1bf: {  	v5 =	vld [tilespmem:$0xA0];
	[tilespmem:s26], [sflag:$0x1] =	stream.indirect_vreg.gather [hbm4b:s3+s24], $0x80, v4, vm0, $0xb8  }
0x1c0: {  	s29 =	simm.s32 $0xA00;
	v3 =	vperm.xlane v3, v2  }
0x1c1: {  	[tilespmem:s29], [sflag:$0x1] =	stream.indirect_vreg.gather [hbm4b:s8+s24], $0x80, v4, vm0, $0xb8;
	[tilespmem:$0x14200] =	vst v63  }
0x1c2: {  	s30 =	simm.s32 $0x1200;
	v3 =	vadd.s32 v1, v3  }
0x1c3: {  	[tilespmem:s30], [sflag:$0x1] =	stream.indirect_vreg.gather [hbm4b:s9+s24], $0x80, v4, vm0, $0xb8;
	[tilespmem:$0x14200] =	vst v63  }
0x1c4: {  	s26 =	simm.s32 $0x1A00  }
0x1c5: {  	[tilespmem:s26], [sflag:$0x1] =	stream.indirect_vreg.gather [hbm4b:s11+s24], $0x80, v4, vm0, $0xb8;
	v4 =	vshll.u32 v5, $0x3;
	[tilespmem:$0x14200] =	vst v63  }
0x1c6: {  	s29 =	simm.s32 $0x2200;
	v5 =	vand.u32 $0x7, v5;
	v4 =	vand.u32 $0xFFFFFFC0, v4  }
0x1c7: {  	[tilespmem:s29], [sflag:$0x1] =	stream.indirect_vreg.gather [hbm4b:s3+s24], $0x80, v3, vm0, $0xb8;
	v4 =	vor.u32 v5, v4;
	[tilespmem:$0x14200] =	vst v63  }
0x1c8: {  	s30 =	simm.s32 $0x2A00;
	v5 =	vperm.xlane v4, v0  }
0x1c9: {  	[tilespmem:s30], [sflag:$0x1] =	stream.indirect_vreg.gather [hbm4b:s8+s24], $0x80, v3, vm0, $0xb8;
	[tilespmem:$0x14200] =	vst v63  }
0x1ca: {  	s26 =	simm.s32 $0x3200;
	v5 =	vadd.s32 v1, v5  }
0x1cb: {  	[tilespmem:s26], [sflag:$0x1] =	stream.indirect_vreg.gather [hbm4b:s9+s24], $0x80, v3, vm0, $0xb8;
	[tilespmem:$0x14200] =	vst v63  }
0x1cc: {  	s29 =	simm.s32 $0x3A00  }
0x1cd: {  	[tilespmem:s29], [sflag:$0x1] =	stream.indirect_vreg.gather [hbm4b:s11+s24], $0x80, v3, vm0, $0xb8;
	[tilespmem:$0x14200] =	vst v63  }
0x1ce: {  	s30 =	simm.s32 $0x4200  }
0x1cf: {  	[tilespmem:s30], [sflag:$0x1] =	stream.indirect_vreg.gather [hbm4b:s3+s24], $0x80, v5, vm0, $0xb8;
	[tilespmem:$0x14200] =	vst v63  }
0x1d0: {  	s26 =	simm.s32 $0x4A00;
	v3 =	vperm.xlane v4, v2  }
0x1d1: {  	[tilespmem:s26], [sflag:$0x1] =	stream.indirect_vreg.gather [hbm4b:s8+s24], $0x80, v5, vm0, $0xb8;
	[tilespmem:$0x14200] =	vst v63  }
0x1d2: {  	s29 =	simm.s32 $0x5200;
	v3 =	vadd.s32 v1, v3  }
0x1d3: {  	[tilespmem:s29], [sflag:$0x1] =	stream.indirect_vreg.gather [hbm4b:s9+s24], $0x80, v5, vm0, $0xb8;
	[tilespmem:$0x14200] =	vst v63  }
0x1d4: {  	s30 =	simm.s32 $0x5A00  }
0x1d5: {  	[tilespmem:s30], [sflag:$0x1] =	stream.indirect_vreg.gather [hbm4b:s11+s24], $0x80, v5, vm0, $0xb8;
	[tilespmem:$0x14200] =	vst v63  }
0x1d6: {  	s26 =	simm.s32 $0x6200  }
0x1d7: {  	[tilespmem:s26], [sflag:$0x1] =	stream.indirect_vreg.gather [hbm4b:s3+s24], $0x80, v3, vm0, $0xb8;
	[tilespmem:$0x14200] =	vst v63  }
0x1d8: {  	s29 =	simm.s32 $0x6A00  }
0x1d9: {  	[tilespmem:s29], [sflag:$0x1] =	stream.indirect_vreg.gather [hbm4b:s8+s24], $0x80, v3, vm0, $0xb8;
	[tilespmem:$0x14200] =	vst v63  }
0x1da: {  	s30 =	simm.s32 $0x7200  }
0x1db: {  	[tilespmem:s30], [sflag:$0x1] =	stream.indirect_vreg.gather [hbm4b:s9+s24], $0x80, v3, vm0, $0xb8;
	[tilespmem:$0x14200] =	vst v63  }
0x1dc: {  	s26 =	simm.s32 $0x7A00  }
0x1dd: {  	[tilespmem:s26], [sflag:$0x1] =	stream.indirect_vreg.gather [hbm4b:s11+s24], $0x80, v3, vm0, $0xb8;
	[tilespmem:$0x14200] =	vst v63  }
0x1de: {  	_ =	swait.ge [sflag:s22], $0x4000  }
0x1df: {  	[sflag:s22] =	ssyncset.done $0x0  }
0x1e0: {  	[sflag:s22] =	ssyncadd.s32 $0xFFFFC000  }
0x1e1: {  	_ =	swait.ge [sflag:s22], $0x4000  }
0x1e2: {  	[sflag:s22] =	ssyncset.done $0x0  }
0x1e3: {  	[sflag:s22] =	ssyncadd.s32 $0xFFFFC000  }
0x1e4: {  	s29 =	sand.u32 $0x70, s24;
	s24 =	sand.u32 $0x1C00, s24;
	v3 =	vld [tilespmem:$0x110]  }
0x1e5: {  	s24 =	sor.u32 s29, s24;
	v4 =	vld [tilespmem:$0x190]  }
0x1e6: {  	v7 =	vld [tilespmem:s24+$0x8200]  }
0x1e7: {  	v8 =	vld [tilespmem:s24+$0xC200];
	_ =	sdelay $0x1  }
0x1e8: {  	s30 =	simm.s32 $0x10;
	s26 =	simm.s32 $0x80  }
0x1e9: {  	s25 =	sand.u32 $0x70, s30;
	s26 =	sand.u32 $0x1C00, s26;
	v5 =	vbroadcast v3, $0x0;
	v6 =	vbroadcast v4, $0x0  }
0x1ea: {  	s25 =	sor.u32 s25, s26  }
0x1eb: {  	v9 =	vmul.f32 v7, v5;
	v10 =	vmul.f32 v8, v6;
	v7 =	vld [tilespmem:s25+$0x8200]  }
0x1ec: {  	v8 =	vld [tilespmem:s25+$0xC200]  }
0x1ed: {  	s28 =	simm.s32 $0x100;
	s26 =	simm.s32 $0x20;
	v9 =	vadd.f32 v10, v9  }
.LBB2_34:
0x1ee: {  	s29 =	sand.u32 $0x70, s26  }
0x1ef: {  	s30 =	sand.u32 $0x1C00, s28;
	[tilespmem:s24+$0x10200] =	vst v9;
	s24 =	smov.u32 s25;
	p0 =	sne.s32 s26, $0x3F0  }
.Ltmp16:
0x1f0: {  	s26 =	sadd.s32 $0x10, s26;
	s25 =	sor.u32 s29, s30;
	(pc) =	sbr.rel @p0 .LBB2_34-.Ltmp16, $4  }
0x1f1: {  	v9 =	vmul.f32 v7, v5;
	v7 =	vld [tilespmem:s25+$0x8200];
	v10 =	vmul.f32 v8, v6  }
0x1f2: {  	v8 =	vld [tilespmem:s25+$0xC200]  }
0x1f3: {  	v9 =	vadd.f32 v10, v9  }
0x1f4: {  	s28 =	sadd.s32 $0x80, s28  }
0x1f5: {  	_ =	sdelay $0x1  }
0x1f6: {  	v5 =	vmul.f32 v7, v5;
	v6 =	vmul.f32 v8, v6;
	_ =	sdelay $0x1  }
0x1f7: {  	s26 =	simm.s32 $0x0;
	v5 =	vadd.f32 v6, v5  }
0x1f8: {  	[tilespmem:s24+$0x10200] =	vst v9;
	s30 =	sand.u32 $0x70, s26;
	s26 =	sand.u32 $0x1C00, s26  }
0x1f9: {  	s24 =	sor.u32 s26, s30;
	[tilespmem:s25+$0x10200] =	vst v5  }
0x1fa: {  	v7 =	vld [tilespmem:s24+$0x8280]  }
0x1fb: {  	v8 =	vld [tilespmem:s24+$0xC280];
	_ =	sdelay $0x1  }
0x1fc: {  	s29 =	simm.s32 $0x10;
	s30 =	simm.s32 $0x80  }
0x1fd: {  	s26 =	sand.u32 $0x1C00, s30;
	v6 =	vbroadcast v4, $0x1;
	v5 =	vbroadcast v3, $0x1;
	s25 =	sand.u32 $0x70, s29  }
0x1fe: {  	s25 =	sor.u32 s26, s25  }
0x1ff: {  	v9 =	vmul.f32 v7, v5;
	v10 =	vmul.f32 v8, v6;
	v7 =	vld [tilespmem:s25+$0x8280]  }
0x200: {  	v8 =	vld [tilespmem:s25+$0xC280]  }
0x201: {  	s28 =	simm.s32 $0x100;
	s26 =	simm.s32 $0x20;
	v9 =	vadd.f32 v10, v9  }
.LBB2_36:
0x202: {  	s29 =	sand.u32 $0x70, s26  }
0x203: {  	s30 =	sand.u32 $0x1C00, s28;
	[tilespmem:s24+$0x10280] =	vst v9;
	s24 =	smov.u32 s25;
	p0 =	sne.s32 s26, $0x3F0  }
.Ltmp17:
0x204: {  	s26 =	sadd.s32 $0x10, s26;
	s25 =	sor.u32 s30, s29;
	(pc) =	sbr.rel @p0 .LBB2_36-.Ltmp17, $4  }
0x205: {  	v9 =	vmul.f32 v7, v5;
	v7 =	vld [tilespmem:s25+$0x8280];
	v10 =	vmul.f32 v8, v6  }
0x206: {  	v8 =	vld [tilespmem:s25+$0xC280]  }
0x207: {  	v9 =	vadd.f32 v10, v9  }
0x208: {  	s28 =	sadd.s32 $0x80, s28  }
0x209: {  	_ =	sdelay $0x1  }
0x20a: {  	v5 =	vmul.f32 v7, v5;
	v6 =	vmul.f32 v8, v6;
	_ =	sdelay $0x1  }
0x20b: {  	s26 =	simm.s32 $0x0;
	v5 =	vadd.f32 v6, v5  }
0x20c: {  	[tilespmem:s24+$0x10280] =	vst v9;
	s30 =	sand.u32 $0x70, s26;
	s26 =	sand.u32 $0x1C00, s26  }
0x20d: {  	s24 =	sor.u32 s26, s30;
	[tilespmem:s25+$0x10280] =	vst v5  }
0x20e: {  	v7 =	vld [tilespmem:s24+$0x8300]  }
0x20f: {  	v8 =	vld [tilespmem:s24+$0xC300];
	_ =	sdelay $0x1  }
0x210: {  	s29 =	simm.s32 $0x10;
	s30 =	simm.s32 $0x80  }
0x211: {  	s26 =	sand.u32 $0x1C00, s30;
	v6 =	vbroadcast v4, $0x2;
	v5 =	vbroadcast v3, $0x2;
	s25 =	sand.u32 $0x70, s29  }
0x212: {  	s25 =	sor.u32 s26, s25  }
0x213: {  	v9 =	vmul.f32 v7, v5;
	v10 =	vmul.f32 v8, v6;
	v7 =	vld [tilespmem:s25+$0x8300]  }
0x214: {  	v8 =	vld [tilespmem:s25+$0xC300]  }
0x215: {  	s28 =	simm.s32 $0x100;
	s26 =	simm.s32 $0x20;
	v9 =	vadd.f32 v10, v9  }
.LBB2_38:
0x216: {  	s29 =	sand.u32 $0x70, s26  }
0x217: {  	s30 =	sand.u32 $0x1C00, s28;
	[tilespmem:s24+$0x10300] =	vst v9;
	s24 =	smov.u32 s25;
	p0 =	sne.s32 s26, $0x3F0  }
.Ltmp18:
0x218: {  	s26 =	sadd.s32 $0x10, s26;
	s25 =	sor.u32 s30, s29;
	(pc) =	sbr.rel @p0 .LBB2_38-.Ltmp18, $4  }
0x219: {  	v9 =	vmul.f32 v7, v5;
	v7 =	vld [tilespmem:s25+$0x8300];
	v10 =	vmul.f32 v8, v6  }
0x21a: {  	v8 =	vld [tilespmem:s25+$0xC300]  }
0x21b: {  	v9 =	vadd.f32 v10, v9  }
0x21c: {  	s28 =	sadd.s32 $0x80, s28  }
0x21d: {  	_ =	sdelay $0x1  }
0x21e: {  	v5 =	vmul.f32 v7, v5;
	v6 =	vmul.f32 v8, v6;
	_ =	sdelay $0x1  }
0x21f: {  	s26 =	simm.s32 $0x0;
	v5 =	vadd.f32 v6, v5  }
0x220: {  	[tilespmem:s24+$0x10300] =	vst v9;
	s30 =	sand.u32 $0x70, s26;
	s26 =	sand.u32 $0x1C00, s26  }
0x221: {  	s24 =	sor.u32 s26, s30;
	[tilespmem:s25+$0x10300] =	vst v5  }
0x222: {  	v7 =	vld [tilespmem:s24+$0x8380]  }
0x223: {  	v8 =	vld [tilespmem:s24+$0xC380];
	_ =	sdelay $0x1  }
0x224: {  	s29 =	simm.s32 $0x10;
	s30 =	simm.s32 $0x80  }
0x225: {  	s26 =	sand.u32 $0x1C00, s30;
	v6 =	vbroadcast v4, $0x3;
	v5 =	vbroadcast v3, $0x3;
	s25 =	sand.u32 $0x70, s29  }
0x226: {  	s25 =	sor.u32 s26, s25  }
0x227: {  	v9 =	vmul.f32 v7, v5;
	v10 =	vmul.f32 v8, v6;
	v7 =	vld [tilespmem:s25+$0x8380]  }
0x228: {  	v8 =	vld [tilespmem:s25+$0xC380]  }
0x229: {  	s28 =	simm.s32 $0x100;
	s26 =	simm.s32 $0x20;
	v9 =	vadd.f32 v10, v9  }
.LBB2_40:
0x22a: {  	s29 =	sand.u32 $0x70, s26  }
0x22b: {  	s30 =	sand.u32 $0x1C00, s28;
	[tilespmem:s24+$0x10380] =	vst v9;
	s24 =	smov.u32 s25;
	p0 =	sne.s32 s26, $0x3F0  }
.Ltmp19:
0x22c: {  	s26 =	sadd.s32 $0x10, s26;
	s25 =	sor.u32 s30, s29;
	(pc) =	sbr.rel @p0 .LBB2_40-.Ltmp19, $4  }
0x22d: {  	v9 =	vmul.f32 v7, v5;
	v7 =	vld [tilespmem:s25+$0x8380];
	v10 =	vmul.f32 v8, v6  }
0x22e: {  	v8 =	vld [tilespmem:s25+$0xC380]  }
0x22f: {  	v9 =	vadd.f32 v10, v9  }
0x230: {  	s28 =	sadd.s32 $0x80, s28  }
0x231: {  	_ =	sdelay $0x1  }
0x232: {  	v5 =	vmul.f32 v7, v5;
	v6 =	vmul.f32 v8, v6;
	_ =	sdelay $0x1  }
0x233: {  	s26 =	simm.s32 $0x0;
	v5 =	vadd.f32 v6, v5  }
0x234: {  	[tilespmem:s24+$0x10380] =	vst v9;
	s30 =	sand.u32 $0x70, s26;
	s26 =	sand.u32 $0x1C00, s26  }
0x235: {  	s24 =	sor.u32 s26, s30;
	[tilespmem:s25+$0x10380] =	vst v5  }
0x236: {  	v7 =	vld [tilespmem:s24+$0x8400]  }
0x237: {  	v8 =	vld [tilespmem:s24+$0xC400];
	_ =	sdelay $0x1  }
0x238: {  	s29 =	simm.s32 $0x10;
	s30 =	simm.s32 $0x80  }
0x239: {  	s26 =	sand.u32 $0x1C00, s30;
	v6 =	vbroadcast v4, $0x4;
	v5 =	vbroadcast v3, $0x4;
	s25 =	sand.u32 $0x70, s29  }
0x23a: {  	s25 =	sor.u32 s26, s25  }
0x23b: {  	v9 =	vmul.f32 v7, v5;
	v10 =	vmul.f32 v8, v6;
	v7 =	vld [tilespmem:s25+$0x8400]  }
0x23c: {  	v8 =	vld [tilespmem:s25+$0xC400]  }
0x23d: {  	s28 =	simm.s32 $0x100;
	s26 =	simm.s32 $0x20;
	v9 =	vadd.f32 v10, v9  }
.LBB2_42:
0x23e: {  	s29 =	sand.u32 $0x70, s26  }
0x23f: {  	s30 =	sand.u32 $0x1C00, s28;
	[tilespmem:s24+$0x10400] =	vst v9;
	s24 =	smov.u32 s25;
	p0 =	sne.s32 s26, $0x3F0  }
.Ltmp20:
0x240: {  	s26 =	sadd.s32 $0x10, s26;
	s25 =	sor.u32 s30, s29;
	(pc) =	sbr.rel @p0 .LBB2_42-.Ltmp20, $4  }
0x241: {  	v9 =	vmul.f32 v7, v5;
	v7 =	vld [tilespmem:s25+$0x8400];
	v10 =	vmul.f32 v8, v6  }
0x242: {  	v8 =	vld [tilespmem:s25+$0xC400]  }
0x243: {  	v9 =	vadd.f32 v10, v9  }
0x244: {  	s28 =	sadd.s32 $0x80, s28  }
0x245: {  	_ =	sdelay $0x1  }
0x246: {  	v5 =	vmul.f32 v7, v5;
	v6 =	vmul.f32 v8, v6;
	_ =	sdelay $0x1  }
0x247: {  	s26 =	simm.s32 $0x0;
	v5 =	vadd.f32 v6, v5  }
0x248: {  	[tilespmem:s24+$0x10400] =	vst v9;
	s30 =	sand.u32 $0x70, s26;
	s26 =	sand.u32 $0x1C00, s26  }
0x249: {  	s24 =	sor.u32 s26, s30;
	[tilespmem:s25+$0x10400] =	vst v5  }
0x24a: {  	v7 =	vld [tilespmem:s24+$0x8480]  }
0x24b: {  	v8 =	vld [tilespmem:s24+$0xC480];
	_ =	sdelay $0x1  }
0x24c: {  	s29 =	simm.s32 $0x10;
	s30 =	simm.s32 $0x80  }
0x24d: {  	s26 =	sand.u32 $0x1C00, s30;
	v6 =	vbroadcast v4, $0x5;
	v5 =	vbroadcast v3, $0x5;
	s25 =	sand.u32 $0x70, s29  }
0x24e: {  	s25 =	sor.u32 s26, s25  }
0x24f: {  	v9 =	vmul.f32 v7, v5;
	v10 =	vmul.f32 v8, v6;
	v7 =	vld [tilespmem:s25+$0x8480]  }
0x250: {  	v8 =	vld [tilespmem:s25+$0xC480]  }
0x251: {  	s28 =	simm.s32 $0x100;
	s26 =	simm.s32 $0x20;
	v9 =	vadd.f32 v10, v9  }
.LBB2_44:
0x252: {  	s29 =	sand.u32 $0x70, s26  }
0x253: {  	s30 =	sand.u32 $0x1C00, s28;
	[tilespmem:s24+$0x10480] =	vst v9;
	s24 =	smov.u32 s25;
	p0 =	sne.s32 s26, $0x3F0  }
.Ltmp21:
0x254: {  	s26 =	sadd.s32 $0x10, s26;
	s25 =	sor.u32 s30, s29;
	(pc) =	sbr.rel @p0 .LBB2_44-.Ltmp21, $4  }
0x255: {  	v9 =	vmul.f32 v7, v5;
	v7 =	vld [tilespmem:s25+$0x8480];
	v10 =	vmul.f32 v8, v6  }
0x256: {  	v8 =	vld [tilespmem:s25+$0xC480]  }
0x257: {  	v9 =	vadd.f32 v10, v9  }
0x258: {  	s28 =	sadd.s32 $0x80, s28  }
0x259: {  	_ =	sdelay $0x1  }
0x25a: {  	v5 =	vmul.f32 v7, v5;
	v6 =	vmul.f32 v8, v6;
	_ =	sdelay $0x1  }
0x25b: {  	s26 =	simm.s32 $0x0;
	v5 =	vadd.f32 v6, v5  }
0x25c: {  	[tilespmem:s24+$0x10480] =	vst v9;
	s30 =	sand.u32 $0x70, s26;
	s26 =	sand.u32 $0x1C00, s26  }
0x25d: {  	s24 =	sor.u32 s26, s30;
	[tilespmem:s25+$0x10480] =	vst v5  }
0x25e: {  	v7 =	vld [tilespmem:s24+$0x8500]  }
0x25f: {  	v8 =	vld [tilespmem:s24+$0xC500];
	_ =	sdelay $0x1  }
0x260: {  	s29 =	simm.s32 $0x10;
	s30 =	simm.s32 $0x80  }
0x261: {  	s26 =	sand.u32 $0x1C00, s30;
	v6 =	vbroadcast v4, $0x6;
	v5 =	vbroadcast v3, $0x6;
	s25 =	sand.u32 $0x70, s29  }
0x262: {  	s25 =	sor.u32 s26, s25  }
0x263: {  	v9 =	vmul.f32 v7, v5;
	v10 =	vmul.f32 v8, v6;
	v7 =	vld [tilespmem:s25+$0x8500]  }
0x264: {  	v8 =	vld [tilespmem:s25+$0xC500]  }
0x265: {  	s28 =	simm.s32 $0x100;
	s26 =	simm.s32 $0x20;
	v9 =	vadd.f32 v10, v9  }
.LBB2_46:
0x266: {  	s29 =	sand.u32 $0x70, s26  }
0x267: {  	s30 =	sand.u32 $0x1C00, s28;
	[tilespmem:s24+$0x10500] =	vst v9;
	s24 =	smov.u32 s25;
	p0 =	sne.s32 s26, $0x3F0  }
.Ltmp22:
0x268: {  	s26 =	sadd.s32 $0x10, s26;
	s25 =	sor.u32 s30, s29;
	(pc) =	sbr.rel @p0 .LBB2_46-.Ltmp22, $4  }
0x269: {  	v9 =	vmul.f32 v7, v5;
	v7 =	vld [tilespmem:s25+$0x8500];
	v10 =	vmul.f32 v8, v6  }
0x26a: {  	v8 =	vld [tilespmem:s25+$0xC500]  }
0x26b: {  	v9 =	vadd.f32 v10, v9  }
0x26c: {  	s28 =	sadd.s32 $0x80, s28  }
0x26d: {  	_ =	sdelay $0x1  }
0x26e: {  	v5 =	vmul.f32 v7, v5;
	v6 =	vmul.f32 v8, v6;
	_ =	sdelay $0x1  }
0x26f: {  	s26 =	simm.s32 $0x0;
	v5 =	vadd.f32 v6, v5  }
0x270: {  	[tilespmem:s24+$0x10500] =	vst v9;
	s26 =	sor.u32 s26, s26  }
0x271: {  	s24 =	sor.u32 $0x380, s26;
	[tilespmem:s25+$0x10500] =	vst v5  }
0x272: {  	v7 =	vld [tilespmem:s24+$0x8200]  }
0x273: {  	v8 =	vld [tilespmem:s24+$0xC200];
	_ =	sdelay $0x1  }
0x274: {  	s29 =	simm.s32 $0x10;
	s30 =	simm.s32 $0x80  }
0x275: {  	v6 =	vbroadcast v4, $0x7;
	v5 =	vbroadcast v3, $0x7;
	s25 =	sor.u32 s30, s29  }
0x276: {  	s25 =	sor.u32 $0x380, s25  }
0x277: {  	v9 =	vmul.f32 v7, v5;
	v10 =	vmul.f32 v8, v6;
	v7 =	vld [tilespmem:s25+$0x8200]  }
0x278: {  	v8 =	vld [tilespmem:s25+$0xC200]  }
0x279: {  	v9 =	vadd.f32 v10, v9  }
0x27a: {  	s28 =	simm.s32 $0x100;
	s26 =	simm.s32 $0x20  }
.LBB2_48:
0x27b: {  	s29 =	sor.u32 s28, s26;
	[tilespmem:s24+$0x10200] =	vst v9;
	s24 =	smov.u32 s25;
	p0 =	sne.s32 s26, $0x3F0  }
.Ltmp23:
0x27c: {  	s26 =	sadd.s32 $0x10, s26;
	s25 =	sor.u32 $0x380, s29;
	(pc) =	sbr.rel @p0 .LBB2_48-.Ltmp23, $4  }
0x27d: {  	v9 =	vmul.f32 v7, v5;
	v7 =	vld [tilespmem:s25+$0x8200];
	v10 =	vmul.f32 v8, v6  }
0x27e: {  	v8 =	vld [tilespmem:s25+$0xC200]  }
0x27f: {  	v9 =	vadd.f32 v10, v9  }
0x280: {  	s28 =	sadd.s32 $0x80, s28  }
0x281: {  	_ =	sdelay $0x1  }
0x282: {  	v5 =	vmul.f32 v7, v5;
	v6 =	vmul.f32 v8, v6;
	_ =	sdelay $0x1  }
0x283: {  	s26 =	simm.s32 $0x0;
	v5 =	vadd.f32 v6, v5  }
0x284: {  	[tilespmem:s24+$0x10200] =	vst v9;
	s30 =	sand.u32 $0x70, s26;
	s26 =	sand.u32 $0x1C00, s26  }
0x285: {  	s24 =	sor.u32 s26, s30;
	[tilespmem:s25+$0x10200] =	vst v5  }
0x286: {  	v7 =	vld [tilespmem:s24+$0xA200]  }
0x287: {  	v8 =	vld [tilespmem:s24+$0xE200];
	_ =	sdelay $0x1  }
0x288: {  	s29 =	simm.s32 $0x10;
	s30 =	simm.s32 $0x80  }
0x289: {  	s26 =	sand.u32 $0x1C00, s30;
	v6 =	vbroadcast v4, $0x8;
	v5 =	vbroadcast v3, $0x8;
	s25 =	sand.u32 $0x70, s29  }
0x28a: {  	s25 =	sor.u32 s26, s25  }
0x28b: {  	v9 =	vmul.f32 v7, v5;
	v10 =	vmul.f32 v8, v6;
	v7 =	vld [tilespmem:s25+$0xA200]  }
0x28c: {  	v8 =	vld [tilespmem:s25+$0xE200]  }
0x28d: {  	s28 =	simm.s32 $0x100;
	s26 =	simm.s32 $0x20;
	v9 =	vadd.f32 v10, v9  }
.LBB2_50:
0x28e: {  	s29 =	sand.u32 $0x70, s26  }
0x28f: {  	s30 =	sand.u32 $0x1C00, s28;
	[tilespmem:s24+$0x12200] =	vst v9;
	s24 =	smov.u32 s25;
	p0 =	sne.s32 s26, $0x3F0  }
.Ltmp24:
0x290: {  	s26 =	sadd.s32 $0x10, s26;
	s25 =	sor.u32 s30, s29;
	(pc) =	sbr.rel @p0 .LBB2_50-.Ltmp24, $4  }
0x291: {  	v9 =	vmul.f32 v7, v5;
	v7 =	vld [tilespmem:s25+$0xA200];
	v10 =	vmul.f32 v8, v6  }
0x292: {  	v8 =	vld [tilespmem:s25+$0xE200]  }
0x293: {  	v9 =	vadd.f32 v10, v9  }
0x294: {  	s28 =	sadd.s32 $0x80, s28  }
0x295: {  	_ =	sdelay $0x1  }
0x296: {  	v5 =	vmul.f32 v7, v5;
	v6 =	vmul.f32 v8, v6;
	_ =	sdelay $0x1  }
0x297: {  	s26 =	simm.s32 $0x0;
	v5 =	vadd.f32 v6, v5  }
0x298: {  	[tilespmem:s24+$0x12200] =	vst v9;
	s30 =	sand.u32 $0x70, s26;
	s26 =	sand.u32 $0x1C00, s26  }
0x299: {  	s24 =	sor.u32 s26, s30;
	[tilespmem:s25+$0x12200] =	vst v5  }
0x29a: {  	v7 =	vld [tilespmem:s24+$0xA280]  }
0x29b: {  	v8 =	vld [tilespmem:s24+$0xE280];
	_ =	sdelay $0x1  }
0x29c: {  	s29 =	simm.s32 $0x10;
	s30 =	simm.s32 $0x80  }
0x29d: {  	s26 =	sand.u32 $0x1C00, s30;
	v6 =	vbroadcast v4, $0x9;
	v5 =	vbroadcast v3, $0x9;
	s25 =	sand.u32 $0x70, s29  }
0x29e: {  	s25 =	sor.u32 s26, s25  }
0x29f: {  	v9 =	vmul.f32 v7, v5;
	v10 =	vmul.f32 v8, v6;
	v7 =	vld [tilespmem:s25+$0xA280]  }
0x2a0: {  	v8 =	vld [tilespmem:s25+$0xE280]  }
0x2a1: {  	s28 =	simm.s32 $0x100;
	s26 =	simm.s32 $0x20;
	v9 =	vadd.f32 v10, v9  }
.LBB2_52:
0x2a2: {  	s29 =	sand.u32 $0x70, s26  }
0x2a3: {  	s30 =	sand.u32 $0x1C00, s28;
	[tilespmem:s24+$0x12280] =	vst v9;
	s24 =	smov.u32 s25;
	p0 =	sne.s32 s26, $0x3F0  }
.Ltmp25:
0x2a4: {  	s26 =	sadd.s32 $0x10, s26;
	s25 =	sor.u32 s30, s29;
	(pc) =	sbr.rel @p0 .LBB2_52-.Ltmp25, $4  }
0x2a5: {  	v9 =	vmul.f32 v7, v5;
	v7 =	vld [tilespmem:s25+$0xA280];
	v10 =	vmul.f32 v8, v6  }
0x2a6: {  	v8 =	vld [tilespmem:s25+$0xE280]  }
0x2a7: {  	v9 =	vadd.f32 v10, v9  }
0x2a8: {  	s28 =	sadd.s32 $0x80, s28  }
0x2a9: {  	_ =	sdelay $0x1  }
0x2aa: {  	v5 =	vmul.f32 v7, v5;
	v6 =	vmul.f32 v8, v6;
	_ =	sdelay $0x1  }
0x2ab: {  	s26 =	simm.s32 $0x0;
	v5 =	vadd.f32 v6, v5  }
0x2ac: {  	[tilespmem:s24+$0x12280] =	vst v9;
	s30 =	sand.u32 $0x70, s26;
	s26 =	sand.u32 $0x1C00, s26  }
0x2ad: {  	s24 =	sor.u32 s26, s30;
	[tilespmem:s25+$0x12280] =	vst v5  }
0x2ae: {  	v7 =	vld [tilespmem:s24+$0xA300]  }
0x2af: {  	v8 =	vld [tilespmem:s24+$0xE300];
	_ =	sdelay $0x1  }
0x2b0: {  	s29 =	simm.s32 $0x10;
	s30 =	simm.s32 $0x80  }
0x2b1: {  	s26 =	sand.u32 $0x1C00, s30;
	v6 =	vbroadcast v4, $0xA;
	v5 =	vbroadcast v3, $0xA;
	s25 =	sand.u32 $0x70, s29  }
0x2b2: {  	s25 =	sor.u32 s26, s25  }
0x2b3: {  	v9 =	vmul.f32 v7, v5;
	v10 =	vmul.f32 v8, v6;
	v7 =	vld [tilespmem:s25+$0xA300]  }
0x2b4: {  	v8 =	vld [tilespmem:s25+$0xE300]  }
0x2b5: {  	s28 =	simm.s32 $0x100;
	s26 =	simm.s32 $0x20;
	v9 =	vadd.f32 v10, v9  }
.LBB2_54:
0x2b6: {  	s29 =	sand.u32 $0x70, s26  }
0x2b7: {  	s30 =	sand.u32 $0x1C00, s28;
	[tilespmem:s24+$0x12300] =	vst v9;
	s24 =	smov.u32 s25;
	p0 =	sne.s32 s26, $0x3F0  }
.Ltmp26:
0x2b8: {  	s26 =	sadd.s32 $0x10, s26;
	s25 =	sor.u32 s30, s29;
	(pc) =	sbr.rel @p0 .LBB2_54-.Ltmp26, $4  }
0x2b9: {  	v9 =	vmul.f32 v7, v5;
	v7 =	vld [tilespmem:s25+$0xA300];
	v10 =	vmul.f32 v8, v6  }
0x2ba: {  	v8 =	vld [tilespmem:s25+$0xE300]  }
0x2bb: {  	v9 =	vadd.f32 v10, v9  }
0x2bc: {  	s28 =	sadd.s32 $0x80, s28  }
0x2bd: {  	_ =	sdelay $0x1  }
0x2be: {  	v5 =	vmul.f32 v7, v5;
	v6 =	vmul.f32 v8, v6;
	_ =	sdelay $0x1  }
0x2bf: {  	s26 =	simm.s32 $0x0;
	v5 =	vadd.f32 v6, v5  }
0x2c0: {  	[tilespmem:s24+$0x12300] =	vst v9;
	s30 =	sand.u32 $0x70, s26;
	s26 =	sand.u32 $0x1C00, s26  }
0x2c1: {  	s24 =	sor.u32 s26, s30;
	[tilespmem:s25+$0x12300] =	vst v5  }
0x2c2: {  	v7 =	vld [tilespmem:s24+$0xA380]  }
0x2c3: {  	v8 =	vld [tilespmem:s24+$0xE380];
	_ =	sdelay $0x1  }
0x2c4: {  	s29 =	simm.s32 $0x10;
	s30 =	simm.s32 $0x80  }
0x2c5: {  	s26 =	sand.u32 $0x1C00, s30;
	v6 =	vbroadcast v4, $0xB;
	v5 =	vbroadcast v3, $0xB;
	s25 =	sand.u32 $0x70, s29  }
0x2c6: {  	s25 =	sor.u32 s26, s25  }
0x2c7: {  	v9 =	vmul.f32 v7, v5;
	v10 =	vmul.f32 v8, v6;
	v7 =	vld [tilespmem:s25+$0xA380]  }
0x2c8: {  	v8 =	vld [tilespmem:s25+$0xE380]  }
0x2c9: {  	s28 =	simm.s32 $0x100;
	s26 =	simm.s32 $0x20;
	v9 =	vadd.f32 v10, v9  }
.LBB2_56:
0x2ca: {  	s29 =	sand.u32 $0x70, s26  }
0x2cb: {  	s30 =	sand.u32 $0x1C00, s28;
	[tilespmem:s24+$0x12380] =	vst v9;
	s24 =	smov.u32 s25;
	p0 =	sne.s32 s26, $0x3F0  }
.Ltmp27:
0x2cc: {  	s26 =	sadd.s32 $0x10, s26;
	s25 =	sor.u32 s30, s29;
	(pc) =	sbr.rel @p0 .LBB2_56-.Ltmp27, $4  }
0x2cd: {  	v9 =	vmul.f32 v7, v5;
	v7 =	vld [tilespmem:s25+$0xA380];
	v10 =	vmul.f32 v8, v6  }
0x2ce: {  	v8 =	vld [tilespmem:s25+$0xE380]  }
0x2cf: {  	v9 =	vadd.f32 v10, v9  }
0x2d0: {  	s28 =	sadd.s32 $0x80, s28  }
0x2d1: {  	_ =	sdelay $0x1  }
0x2d2: {  	v5 =	vmul.f32 v7, v5;
	v6 =	vmul.f32 v8, v6;
	_ =	sdelay $0x1  }
0x2d3: {  	s26 =	simm.s32 $0x0;
	v5 =	vadd.f32 v6, v5  }
0x2d4: {  	[tilespmem:s24+$0x12380] =	vst v9;
	s30 =	sand.u32 $0x70, s26;
	s26 =	sand.u32 $0x1C00, s26  }
0x2d5: {  	s24 =	sor.u32 s26, s30;
	[tilespmem:s25+$0x12380] =	vst v5  }
0x2d6: {  	v7 =	vld [tilespmem:s24+$0xA400]  }
0x2d7: {  	v8 =	vld [tilespmem:s24+$0xE400];
	_ =	sdelay $0x1  }
0x2d8: {  	s29 =	simm.s32 $0x10;
	s30 =	simm.s32 $0x80  }
0x2d9: {  	s26 =	sand.u32 $0x1C00, s30;
	v6 =	vbroadcast v4, $0xC;
	v5 =	vbroadcast v3, $0xC;
	s25 =	sand.u32 $0x70, s29  }
0x2da: {  	s25 =	sor.u32 s26, s25  }
0x2db: {  	v9 =	vmul.f32 v7, v5;
	v10 =	vmul.f32 v8, v6;
	v7 =	vld [tilespmem:s25+$0xA400]  }
0x2dc: {  	v8 =	vld [tilespmem:s25+$0xE400]  }
0x2dd: {  	s28 =	simm.s32 $0x100;
	s26 =	simm.s32 $0x20;
	v9 =	vadd.f32 v10, v9  }
.LBB2_58:
0x2de: {  	s29 =	sand.u32 $0x70, s26  }
0x2df: {  	s30 =	sand.u32 $0x1C00, s28;
	[tilespmem:s24+$0x12400] =	vst v9;
	s24 =	smov.u32 s25;
	p0 =	sne.s32 s26, $0x3F0  }
.Ltmp28:
0x2e0: {  	s26 =	sadd.s32 $0x10, s26;
	s25 =	sor.u32 s30, s29;
	(pc) =	sbr.rel @p0 .LBB2_58-.Ltmp28, $4  }
0x2e1: {  	v9 =	vmul.f32 v7, v5;
	v7 =	vld [tilespmem:s25+$0xA400];
	v10 =	vmul.f32 v8, v6  }
0x2e2: {  	v8 =	vld [tilespmem:s25+$0xE400]  }
0x2e3: {  	v9 =	vadd.f32 v10, v9  }
0x2e4: {  	s28 =	sadd.s32 $0x80, s28  }
0x2e5: {  	_ =	sdelay $0x1  }
0x2e6: {  	v5 =	vmul.f32 v7, v5;
	v6 =	vmul.f32 v8, v6;
	_ =	sdelay $0x1  }
0x2e7: {  	s26 =	simm.s32 $0x0;
	v5 =	vadd.f32 v6, v5  }
0x2e8: {  	[tilespmem:s24+$0x12400] =	vst v9;
	s30 =	sand.u32 $0x70, s26;
	s26 =	sand.u32 $0x1C00, s26  }
0x2e9: {  	s24 =	sor.u32 s26, s30;
	[tilespmem:s25+$0x12400] =	vst v5  }
0x2ea: {  	v7 =	vld [tilespmem:s24+$0xA480]  }
0x2eb: {  	v8 =	vld [tilespmem:s24+$0xE480];
	_ =	sdelay $0x1  }
0x2ec: {  	s29 =	simm.s32 $0x10;
	s30 =	simm.s32 $0x80  }
0x2ed: {  	s26 =	sand.u32 $0x1C00, s30;
	v6 =	vbroadcast v4, $0xD;
	v5 =	vbroadcast v3, $0xD;
	s25 =	sand.u32 $0x70, s29  }
0x2ee: {  	s25 =	sor.u32 s26, s25  }
0x2ef: {  	v9 =	vmul.f32 v7, v5;
	v10 =	vmul.f32 v8, v6;
	v7 =	vld [tilespmem:s25+$0xA480]  }
0x2f0: {  	v8 =	vld [tilespmem:s25+$0xE480]  }
0x2f1: {  	s28 =	simm.s32 $0x100;
	s26 =	simm.s32 $0x20;
	v9 =	vadd.f32 v10, v9  }
.LBB2_60:
0x2f2: {  	s29 =	sand.u32 $0x70, s26  }
0x2f3: {  	s30 =	sand.u32 $0x1C00, s28;
	[tilespmem:s24+$0x12480] =	vst v9;
	s24 =	smov.u32 s25;
	p0 =	sne.s32 s26, $0x3F0  }
.Ltmp29:
0x2f4: {  	s26 =	sadd.s32 $0x10, s26;
	s25 =	sor.u32 s30, s29;
	(pc) =	sbr.rel @p0 .LBB2_60-.Ltmp29, $4  }
0x2f5: {  	v9 =	vmul.f32 v7, v5;
	v7 =	vld [tilespmem:s25+$0xA480];
	v10 =	vmul.f32 v8, v6  }
0x2f6: {  	v8 =	vld [tilespmem:s25+$0xE480]  }
0x2f7: {  	v9 =	vadd.f32 v10, v9  }
0x2f8: {  	s28 =	sadd.s32 $0x80, s28  }
0x2f9: {  	_ =	sdelay $0x1  }
0x2fa: {  	v5 =	vmul.f32 v7, v5;
	v6 =	vmul.f32 v8, v6;
	_ =	sdelay $0x1  }
0x2fb: {  	s26 =	simm.s32 $0x0;
	v5 =	vadd.f32 v6, v5  }
0x2fc: {  	[tilespmem:s24+$0x12480] =	vst v9;
	s30 =	sand.u32 $0x70, s26;
	s26 =	sand.u32 $0x1C00, s26  }
0x2fd: {  	s24 =	sor.u32 s26, s30;
	[tilespmem:s25+$0x12480] =	vst v5  }
0x2fe: {  	v7 =	vld [tilespmem:s24+$0xA500]  }
0x2ff: {  	v8 =	vld [tilespmem:s24+$0xE500];
	_ =	sdelay $0x1  }
0x300: {  	s29 =	simm.s32 $0x10;
	s30 =	simm.s32 $0x80  }
0x301: {  	s26 =	sand.u32 $0x1C00, s30;
	v6 =	vbroadcast v4, $0xE;
	v5 =	vbroadcast v3, $0xE;
	s25 =	sand.u32 $0x70, s29  }
0x302: {  	s25 =	sor.u32 s26, s25  }
0x303: {  	v9 =	vmul.f32 v7, v5;
	v10 =	vmul.f32 v8, v6;
	v7 =	vld [tilespmem:s25+$0xA500]  }
0x304: {  	v8 =	vld [tilespmem:s25+$0xE500]  }
0x305: {  	s28 =	simm.s32 $0x100;
	s26 =	simm.s32 $0x20;
	v9 =	vadd.f32 v10, v9  }
.LBB2_62:
0x306: {  	s29 =	sand.u32 $0x70, s26  }
0x307: {  	s30 =	sand.u32 $0x1C00, s28;
	[tilespmem:s24+$0x12500] =	vst v9;
	s24 =	smov.u32 s25;
	p0 =	sne.s32 s26, $0x3F0  }
.Ltmp30:
0x308: {  	s26 =	sadd.s32 $0x10, s26;
	s25 =	sor.u32 s30, s29;
	(pc) =	sbr.rel @p0 .LBB2_62-.Ltmp30, $4  }
0x309: {  	v9 =	vmul.f32 v7, v5;
	v7 =	vld [tilespmem:s25+$0xA500];
	v10 =	vmul.f32 v8, v6  }
0x30a: {  	v8 =	vld [tilespmem:s25+$0xE500]  }
0x30b: {  	v9 =	vadd.f32 v10, v9  }
0x30c: {  	s28 =	sadd.s32 $0x80, s28  }
0x30d: {  	_ =	sdelay $0x1  }
0x30e: {  	v5 =	vmul.f32 v7, v5;
	v6 =	vmul.f32 v8, v6;
	_ =	sdelay $0x1  }
0x30f: {  	s26 =	simm.s32 $0x0;
	v5 =	vadd.f32 v6, v5  }
0x310: {  	[tilespmem:s24+$0x12500] =	vst v9;
	s26 =	sor.u32 s26, s26  }
0x311: {  	s24 =	sor.u32 $0x2380, s26;
	[tilespmem:s25+$0x12500] =	vst v5  }
0x312: {  	v5 =	vld [tilespmem:s24+$0x8200]  }
0x313: {  	v6 =	vld [tilespmem:s24+$0xC200];
	_ =	sdelay $0x1  }
0x314: {  	s29 =	simm.s32 $0x10;
	s30 =	simm.s32 $0x80  }
0x315: {  	v3 =	vbroadcast v3, $0xF;
	v4 =	vbroadcast v4, $0xF;
	s25 =	sor.u32 s30, s29  }
0x316: {  	s25 =	sor.u32 $0x2380, s25  }
0x317: {  	v7 =	vmul.f32 v5, v3;
	v8 =	vmul.f32 v6, v4;
	v5 =	vld [tilespmem:s25+$0x8200]  }
0x318: {  	v6 =	vld [tilespmem:s25+$0xC200]  }
0x319: {  	v7 =	vadd.f32 v8, v7  }
0x31a: {  	s28 =	simm.s32 $0x100;
	s26 =	simm.s32 $0x20  }
.LBB2_64:
0x31b: {  	s29 =	sor.u32 s28, s26;
	[tilespmem:s24+$0x10200] =	vst v7;
	s24 =	smov.u32 s25;
	p0 =	sne.s32 s26, $0x3F0  }
.Ltmp31:
0x31c: {  	s26 =	sadd.s32 $0x10, s26;
	s25 =	sor.u32 $0x2380, s29;
	(pc) =	sbr.rel @p0 .LBB2_64-.Ltmp31, $4  }
0x31d: {  	v7 =	vmul.f32 v5, v3;
	v5 =	vld [tilespmem:s25+$0x8200];
	v8 =	vmul.f32 v6, v4  }
0x31e: {  	v6 =	vld [tilespmem:s25+$0xC200]  }
0x31f: {  	v7 =	vadd.f32 v8, v7  }
0x320: {  	s28 =	sadd.s32 $0x80, s28  }
0x321: {  	_ =	sdelay $0x1  }
0x322: {  	v3 =	vmul.f32 v5, v3;
	v4 =	vmul.f32 v6, v4;
	_ =	sdelay $0x1  }
0x323: {  	v3 =	vadd.f32 v4, v3  }
0x324: {  	[tilespmem:s24+$0x10200] =	vst v7  }
0x325: {  	s24 =	simm.s32 $0x0;
	[tilespmem:s25+$0x10200] =	vst v3  }
0x326: {  	[hbm4b:s12+s24] =	stream.linear.scatter [tilespmem:s21], [sflag:$0x3], $0x4000, $0x38;
	[tilespmem:$0x14200] =	vst v63  }
0x327: {  	_ =	swait.ge [sflag:s16], $0x4000  }
0x328: {  	[sflag:s16] =	ssyncset.done $0x0  }
0x329: {  	[sflag:s16] =	ssyncadd.s32 $0xFFFFC000  }
0x32a: {  	v3 =	vld [tilespmem:$0x30];
	_ =	sdelay $0x4  }
0x32b: {  	v4 =	vshll.u32 v3, $0x3  }
0x32c: {  	v3 =	vand.u32 $0x7, v3;
	v4 =	vand.u32 $0xFFFFFFC0, v4  }
0x32d: {  	v3 =	vor.u32 v3, v4  }
0x32e: {  	v4 =	vperm.xlane v3, v0;
	_ =	sdelay $0x1  }
0x32f: {  	v4 =	vadd.s32 v1, v4;
	_ =	sdelay $0x3  }
0x330: {  	s26 =	simm.s32 $0x8200  }
0x331: {  	v5 =	vld [tilespmem:$0xB0];
	[tilespmem:s26], [sflag:$0x2] =	stream.indirect_vreg.gather [hbm4b:s3+s24], $0x80, v4, vm0, $0xb8  }
0x332: {  	s29 =	simm.s32 $0x8A00;
	v3 =	vperm.xlane v3, v2  }
0x333: {  	[tilespmem:s29], [sflag:$0x2] =	stream.indirect_vreg.gather [hbm4b:s8+s24], $0x80, v4, vm0, $0xb8;
	[tilespmem:$0x14200] =	vst v63  }
0x334: {  	s30 =	simm.s32 $0x9200;
	v3 =	vadd.s32 v1, v3  }
0x335: {  	[tilespmem:s30], [sflag:$0x2] =	stream.indirect_vreg.gather [hbm4b:s9+s24], $0x80, v4, vm0, $0xb8;
	[tilespmem:$0x14200] =	vst v63  }
0x336: {  	s26 =	simm.s32 $0x9A00  }
0x337: {  	[tilespmem:s26], [sflag:$0x2] =	stream.indirect_vreg.gather [hbm4b:s11+s24], $0x80, v4, vm0, $0xb8;
	v4 =	vshll.u32 v5, $0x3;
	[tilespmem:$0x14200] =	vst v63  }
0x338: {  	s29 =	simm.s32 $0xA200;
	v5 =	vand.u32 $0x7, v5;
	v4 =	vand.u32 $0xFFFFFFC0, v4  }
0x339: {  	[tilespmem:s29], [sflag:$0x2] =	stream.indirect_vreg.gather [hbm4b:s3+s24], $0x80, v3, vm0, $0xb8;
	v4 =	vor.u32 v5, v4;
	[tilespmem:$0x14200] =	vst v63  }
0x33a: {  	s30 =	simm.s32 $0xAA00;
	v5 =	vperm.xlane v4, v0  }
0x33b: {  	[tilespmem:s30], [sflag:$0x2] =	stream.indirect_vreg.gather [hbm4b:s8+s24], $0x80, v3, vm0, $0xb8;
	[tilespmem:$0x14200] =	vst v63  }
0x33c: {  	s26 =	simm.s32 $0xB200;
	v5 =	vadd.s32 v1, v5  }
0x33d: {  	[tilespmem:s26], [sflag:$0x2] =	stream.indirect_vreg.gather [hbm4b:s9+s24], $0x80, v3, vm0, $0xb8;
	[tilespmem:$0x14200] =	vst v63  }
0x33e: {  	s29 =	simm.s32 $0xBA00  }
0x33f: {  	[tilespmem:s29], [sflag:$0x2] =	stream.indirect_vreg.gather [hbm4b:s11+s24], $0x80, v3, vm0, $0xb8;
	[tilespmem:$0x14200] =	vst v63  }
0x340: {  	s30 =	simm.s32 $0xC200  }
0x341: {  	[tilespmem:s30], [sflag:$0x2] =	stream.indirect_vreg.gather [hbm4b:s3+s24], $0x80, v5, vm0, $0xb8;
	[tilespmem:$0x14200] =	vst v63  }
0x342: {  	s26 =	simm.s32 $0xCA00;
	v3 =	vperm.xlane v4, v2  }
0x343: {  	[tilespmem:s26], [sflag:$0x2] =	stream.indirect_vreg.gather [hbm4b:s8+s24], $0x80, v5, vm0, $0xb8;
	[tilespmem:$0x14200] =	vst v63  }
0x344: {  	v3 =	vadd.s32 v1, v3  }
0x345: {  	[tilespmem:s31], [sflag:$0x2] =	stream.indirect_vreg.gather [hbm4b:s9+s24], $0x80, v5, vm0, $0xb8;
	[tilespmem:$0x14200] =	vst v63  }
0x346: {  	_ = 	snop  }
0x347: {  	[tilespmem:s0], [sflag:$0x2] =	stream.indirect_vreg.gather [hbm4b:s11+s24], $0x80, v5, vm0, $0xb8;
	[tilespmem:$0x14200] =	vst v63  }
0x348: {  	_ = 	snop  }
0x349: {  	[tilespmem:s1], [sflag:$0x2] =	stream.indirect_vreg.gather [hbm4b:s3+s24], $0x80, v3, vm0, $0xb8;
	[tilespmem:$0x14200] =	vst v63  }
0x34a: {  	_ = 	snop  }
0x34b: {  	[tilespmem:s17], [sflag:$0x2] =	stream.indirect_vreg.gather [hbm4b:s8+s24], $0x80, v3, vm0, $0xb8;
	[tilespmem:$0x14200] =	vst v63  }
0x34c: {  	_ = 	snop  }
0x34d: {  	[tilespmem:s18], [sflag:$0x2] =	stream.indirect_vreg.gather [hbm4b:s9+s24], $0x80, v3, vm0, $0xb8;
	[tilespmem:$0x14200] =	vst v63  }
0x34e: {  	_ = 	snop  }
0x34f: {  	[tilespmem:s19], [sflag:$0x2] =	stream.indirect_vreg.gather [hbm4b:s11+s24], $0x80, v3, vm0, $0xb8;
	[tilespmem:$0x14200] =	vst v63  }
0x350: {  	_ =	swait.ge [sflag:s20], $0x4000  }
0x351: {  	[sflag:s20] =	ssyncset.done $0x0  }
0x352: {  	[sflag:s20] =	ssyncadd.s32 $0xFFFFC000  }
0x353: {  	_ =	swait.ge [sflag:s20], $0x4000  }
0x354: {  	[sflag:s20] =	ssyncset.done $0x0  }
0x355: {  	[sflag:s20] =	ssyncadd.s32 $0xFFFFC000  }
0x356: {  	s29 =	sand.u32 $0x70, s24;
	s24 =	sand.u32 $0x1C00, s24;
	v3 =	vld [tilespmem:$0x120]  }
0x357: {  	s24 =	sor.u32 s29, s24;
	v4 =	vld [tilespmem:$0x1A0]  }
0x358: {  	v7 =	vld [tilespmem:s24+$0x200]  }
0x359: {  	v8 =	vld [tilespmem:s24+$0x4200];
	_ =	sdelay $0x1  }
0x35a: {  	s30 =	simm.s32 $0x10;
	s26 =	simm.s32 $0x80  }
0x35b: {  	s25 =	sand.u32 $0x70, s30;
	s26 =	sand.u32 $0x1C00, s26;
	v5 =	vbroadcast v3, $0x0;
	v6 =	vbroadcast v4, $0x0  }
0x35c: {  	s25 =	sor.u32 s25, s26  }
0x35d: {  	v9 =	vmul.f32 v7, v5;
	v10 =	vmul.f32 v8, v6;
	v7 =	vld [tilespmem:s25+$0x200]  }
0x35e: {  	v8 =	vld [tilespmem:s25+$0x4200]  }
0x35f: {  	s28 =	simm.s32 $0x100;
	s26 =	simm.s32 $0x20;
	v9 =	vadd.f32 v10, v9  }
.LBB2_66:
0x360: {  	s29 =	sand.u32 $0x70, s26  }
0x361: {  	s30 =	sand.u32 $0x1C00, s28;
	[tilespmem:s24+$0x10200] =	vst v9;
	s24 =	smov.u32 s25;
	p0 =	sne.s32 s26, $0x3F0  }
.Ltmp32:
0x362: {  	s26 =	sadd.s32 $0x10, s26;
	s25 =	sor.u32 s29, s30;
	(pc) =	sbr.rel @p0 .LBB2_66-.Ltmp32, $4  }
0x363: {  	v9 =	vmul.f32 v7, v5;
	v7 =	vld [tilespmem:s25+$0x200];
	v10 =	vmul.f32 v8, v6  }
0x364: {  	v8 =	vld [tilespmem:s25+$0x4200]  }
0x365: {  	v9 =	vadd.f32 v10, v9  }
0x366: {  	s28 =	sadd.s32 $0x80, s28  }
0x367: {  	_ =	sdelay $0x1  }
0x368: {  	v5 =	vmul.f32 v7, v5;
	v6 =	vmul.f32 v8, v6;
	_ =	sdelay $0x1  }
0x369: {  	s26 =	simm.s32 $0x0;
	v5 =	vadd.f32 v6, v5  }
0x36a: {  	[tilespmem:s24+$0x10200] =	vst v9;
	s30 =	sand.u32 $0x70, s26;
	s26 =	sand.u32 $0x1C00, s26  }
0x36b: {  	s24 =	sor.u32 s26, s30;
	[tilespmem:s25+$0x10200] =	vst v5  }
0x36c: {  	v7 =	vld [tilespmem:s24+$0x280]  }
0x36d: {  	v8 =	vld [tilespmem:s24+$0x4280];
	_ =	sdelay $0x1  }
0x36e: {  	s29 =	simm.s32 $0x10;
	s30 =	simm.s32 $0x80  }
0x36f: {  	s26 =	sand.u32 $0x1C00, s30;
	v6 =	vbroadcast v4, $0x1;
	v5 =	vbroadcast v3, $0x1;
	s25 =	sand.u32 $0x70, s29  }
0x370: {  	s25 =	sor.u32 s26, s25  }
0x371: {  	v9 =	vmul.f32 v7, v5;
	v10 =	vmul.f32 v8, v6;
	v7 =	vld [tilespmem:s25+$0x280]  }
0x372: {  	v8 =	vld [tilespmem:s25+$0x4280]  }
0x373: {  	s28 =	simm.s32 $0x100;
	s26 =	simm.s32 $0x20;
	v9 =	vadd.f32 v10, v9  }
.LBB2_68:
0x374: {  	s29 =	sand.u32 $0x70, s26  }
0x375: {  	s30 =	sand.u32 $0x1C00, s28;
	[tilespmem:s24+$0x10280] =	vst v9;
	s24 =	smov.u32 s25;
	p0 =	sne.s32 s26, $0x3F0  }
.Ltmp33:
0x376: {  	s26 =	sadd.s32 $0x10, s26;
	s25 =	sor.u32 s30, s29;
	(pc) =	sbr.rel @p0 .LBB2_68-.Ltmp33, $4  }
0x377: {  	v9 =	vmul.f32 v7, v5;
	v7 =	vld [tilespmem:s25+$0x280];
	v10 =	vmul.f32 v8, v6  }
0x378: {  	v8 =	vld [tilespmem:s25+$0x4280]  }
0x379: {  	v9 =	vadd.f32 v10, v9  }
0x37a: {  	s28 =	sadd.s32 $0x80, s28  }
0x37b: {  	_ =	sdelay $0x1  }
0x37c: {  	v5 =	vmul.f32 v7, v5;
	v6 =	vmul.f32 v8, v6;
	_ =	sdelay $0x1  }
0x37d: {  	s26 =	simm.s32 $0x0;
	v5 =	vadd.f32 v6, v5  }
0x37e: {  	[tilespmem:s24+$0x10280] =	vst v9;
	s30 =	sand.u32 $0x70, s26;
	s26 =	sand.u32 $0x1C00, s26  }
0x37f: {  	s24 =	sor.u32 s26, s30;
	[tilespmem:s25+$0x10280] =	vst v5  }
0x380: {  	v7 =	vld [tilespmem:s24+$0x300]  }
0x381: {  	v8 =	vld [tilespmem:s24+$0x4300];
	_ =	sdelay $0x1  }
0x382: {  	s29 =	simm.s32 $0x10;
	s30 =	simm.s32 $0x80  }
0x383: {  	s26 =	sand.u32 $0x1C00, s30;
	v6 =	vbroadcast v4, $0x2;
	v5 =	vbroadcast v3, $0x2;
	s25 =	sand.u32 $0x70, s29  }
0x384: {  	s25 =	sor.u32 s26, s25  }
0x385: {  	v9 =	vmul.f32 v7, v5;
	v10 =	vmul.f32 v8, v6;
	v7 =	vld [tilespmem:s25+$0x300]  }
0x386: {  	v8 =	vld [tilespmem:s25+$0x4300]  }
0x387: {  	s28 =	simm.s32 $0x100;
	s26 =	simm.s32 $0x20;
	v9 =	vadd.f32 v10, v9  }
.LBB2_70:
0x388: {  	s29 =	sand.u32 $0x70, s26  }
0x389: {  	s30 =	sand.u32 $0x1C00, s28;
	[tilespmem:s24+$0x10300] =	vst v9;
	s24 =	smov.u32 s25;
	p0 =	sne.s32 s26, $0x3F0  }
.Ltmp34:
0x38a: {  	s26 =	sadd.s32 $0x10, s26;
	s25 =	sor.u32 s30, s29;
	(pc) =	sbr.rel @p0 .LBB2_70-.Ltmp34, $4  }
0x38b: {  	v9 =	vmul.f32 v7, v5;
	v7 =	vld [tilespmem:s25+$0x300];
	v10 =	vmul.f32 v8, v6  }
0x38c: {  	v8 =	vld [tilespmem:s25+$0x4300]  }
0x38d: {  	v9 =	vadd.f32 v10, v9  }
0x38e: {  	s28 =	sadd.s32 $0x80, s28  }
0x38f: {  	_ =	sdelay $0x1  }
0x390: {  	v5 =	vmul.f32 v7, v5;
	v6 =	vmul.f32 v8, v6;
	_ =	sdelay $0x1  }
0x391: {  	s26 =	simm.s32 $0x0;
	v5 =	vadd.f32 v6, v5  }
0x392: {  	[tilespmem:s24+$0x10300] =	vst v9;
	s30 =	sand.u32 $0x70, s26;
	s26 =	sand.u32 $0x1C00, s26  }
0x393: {  	s24 =	sor.u32 s26, s30;
	[tilespmem:s25+$0x10300] =	vst v5  }
0x394: {  	v7 =	vld [tilespmem:s24+$0x380]  }
0x395: {  	v8 =	vld [tilespmem:s24+$0x4380];
	_ =	sdelay $0x1  }
0x396: {  	s29 =	simm.s32 $0x10;
	s30 =	simm.s32 $0x80  }
0x397: {  	s26 =	sand.u32 $0x1C00, s30;
	v6 =	vbroadcast v4, $0x3;
	v5 =	vbroadcast v3, $0x3;
	s25 =	sand.u32 $0x70, s29  }
0x398: {  	s25 =	sor.u32 s26, s25  }
0x399: {  	v9 =	vmul.f32 v7, v5;
	v10 =	vmul.f32 v8, v6;
	v7 =	vld [tilespmem:s25+$0x380]  }
0x39a: {  	v8 =	vld [tilespmem:s25+$0x4380]  }
0x39b: {  	s28 =	simm.s32 $0x100;
	s26 =	simm.s32 $0x20;
	v9 =	vadd.f32 v10, v9  }
.LBB2_72:
0x39c: {  	s29 =	sand.u32 $0x70, s26  }
0x39d: {  	s30 =	sand.u32 $0x1C00, s28;
	[tilespmem:s24+$0x10380] =	vst v9;
	s24 =	smov.u32 s25;
	p0 =	sne.s32 s26, $0x3F0  }
.Ltmp35:
0x39e: {  	s26 =	sadd.s32 $0x10, s26;
	s25 =	sor.u32 s30, s29;
	(pc) =	sbr.rel @p0 .LBB2_72-.Ltmp35, $4  }
0x39f: {  	v9 =	vmul.f32 v7, v5;
	v7 =	vld [tilespmem:s25+$0x380];
	v10 =	vmul.f32 v8, v6  }
0x3a0: {  	v8 =	vld [tilespmem:s25+$0x4380]  }
0x3a1: {  	v9 =	vadd.f32 v10, v9  }
0x3a2: {  	s28 =	sadd.s32 $0x80, s28  }
0x3a3: {  	_ =	sdelay $0x1  }
0x3a4: {  	v5 =	vmul.f32 v7, v5;
	v6 =	vmul.f32 v8, v6;
	_ =	sdelay $0x1  }
0x3a5: {  	s26 =	simm.s32 $0x0;
	v5 =	vadd.f32 v6, v5  }
0x3a6: {  	[tilespmem:s24+$0x10380] =	vst v9;
	s30 =	sand.u32 $0x70, s26;
	s26 =	sand.u32 $0x1C00, s26  }
0x3a7: {  	s24 =	sor.u32 s26, s30;
	[tilespmem:s25+$0x10380] =	vst v5  }
0x3a8: {  	v7 =	vld [tilespmem:s24+$0x400]  }
0x3a9: {  	v8 =	vld [tilespmem:s24+$0x4400];
	_ =	sdelay $0x1  }
0x3aa: {  	s29 =	simm.s32 $0x10;
	s30 =	simm.s32 $0x80  }
0x3ab: {  	s26 =	sand.u32 $0x1C00, s30;
	v6 =	vbroadcast v4, $0x4;
	v5 =	vbroadcast v3, $0x4;
	s25 =	sand.u32 $0x70, s29  }
0x3ac: {  	s25 =	sor.u32 s26, s25  }
0x3ad: {  	v9 =	vmul.f32 v7, v5;
	v10 =	vmul.f32 v8, v6;
	v7 =	vld [tilespmem:s25+$0x400]  }
0x3ae: {  	v8 =	vld [tilespmem:s25+$0x4400]  }
0x3af: {  	s28 =	simm.s32 $0x100;
	s26 =	simm.s32 $0x20;
	v9 =	vadd.f32 v10, v9  }
.LBB2_74:
0x3b0: {  	s29 =	sand.u32 $0x70, s26  }
0x3b1: {  	s30 =	sand.u32 $0x1C00, s28;
	[tilespmem:s24+$0x10400] =	vst v9;
	s24 =	smov.u32 s25;
	p0 =	sne.s32 s26, $0x3F0  }
.Ltmp36:
0x3b2: {  	s26 =	sadd.s32 $0x10, s26;
	s25 =	sor.u32 s30, s29;
	(pc) =	sbr.rel @p0 .LBB2_74-.Ltmp36, $4  }
0x3b3: {  	v9 =	vmul.f32 v7, v5;
	v7 =	vld [tilespmem:s25+$0x400];
	v10 =	vmul.f32 v8, v6  }
0x3b4: {  	v8 =	vld [tilespmem:s25+$0x4400]  }
0x3b5: {  	v9 =	vadd.f32 v10, v9  }
0x3b6: {  	s28 =	sadd.s32 $0x80, s28  }
0x3b7: {  	_ =	sdelay $0x1  }
0x3b8: {  	v5 =	vmul.f32 v7, v5;
	v6 =	vmul.f32 v8, v6;
	_ =	sdelay $0x1  }
0x3b9: {  	s26 =	simm.s32 $0x0;
	v5 =	vadd.f32 v6, v5  }
0x3ba: {  	[tilespmem:s24+$0x10400] =	vst v9;
	s30 =	sand.u32 $0x70, s26;
	s26 =	sand.u32 $0x1C00, s26  }
0x3bb: {  	s24 =	sor.u32 s26, s30;
	[tilespmem:s25+$0x10400] =	vst v5  }
0x3bc: {  	v7 =	vld [tilespmem:s24+$0x480]  }
0x3bd: {  	v8 =	vld [tilespmem:s24+$0x4480];
	_ =	sdelay $0x1  }
0x3be: {  	s29 =	simm.s32 $0x10;
	s30 =	simm.s32 $0x80  }
0x3bf: {  	s26 =	sand.u32 $0x1C00, s30;
	v6 =	vbroadcast v4, $0x5;
	v5 =	vbroadcast v3, $0x5;
	s25 =	sand.u32 $0x70, s29  }
0x3c0: {  	s25 =	sor.u32 s26, s25  }
0x3c1: {  	v9 =	vmul.f32 v7, v5;
	v10 =	vmul.f32 v8, v6;
	v7 =	vld [tilespmem:s25+$0x480]  }
0x3c2: {  	v8 =	vld [tilespmem:s25+$0x4480]  }
0x3c3: {  	s28 =	simm.s32 $0x100;
	s26 =	simm.s32 $0x20;
	v9 =	vadd.f32 v10, v9  }
.LBB2_76:
0x3c4: {  	s29 =	sand.u32 $0x70, s26  }
0x3c5: {  	s30 =	sand.u32 $0x1C00, s28;
	[tilespmem:s24+$0x10480] =	vst v9;
	s24 =	smov.u32 s25;
	p0 =	sne.s32 s26, $0x3F0  }
.Ltmp37:
0x3c6: {  	s26 =	sadd.s32 $0x10, s26;
	s25 =	sor.u32 s30, s29;
	(pc) =	sbr.rel @p0 .LBB2_76-.Ltmp37, $4  }
0x3c7: {  	v9 =	vmul.f32 v7, v5;
	v7 =	vld [tilespmem:s25+$0x480];
	v10 =	vmul.f32 v8, v6  }
0x3c8: {  	v8 =	vld [tilespmem:s25+$0x4480]  }
0x3c9: {  	v9 =	vadd.f32 v10, v9  }
0x3ca: {  	s28 =	sadd.s32 $0x80, s28  }
0x3cb: {  	_ =	sdelay $0x1  }
0x3cc: {  	v5 =	vmul.f32 v7, v5;
	v6 =	vmul.f32 v8, v6;
	_ =	sdelay $0x1  }
0x3cd: {  	s26 =	simm.s32 $0x0;
	v5 =	vadd.f32 v6, v5  }
0x3ce: {  	[tilespmem:s24+$0x10480] =	vst v9;
	s30 =	sand.u32 $0x70, s26;
	s26 =	sand.u32 $0x1C00, s26  }
0x3cf: {  	s24 =	sor.u32 s26, s30;
	[tilespmem:s25+$0x10480] =	vst v5  }
0x3d0: {  	v7 =	vld [tilespmem:s24+$0x500]  }
0x3d1: {  	v8 =	vld [tilespmem:s24+$0x4500];
	_ =	sdelay $0x1  }
0x3d2: {  	s29 =	simm.s32 $0x10;
	s30 =	simm.s32 $0x80  }
0x3d3: {  	s26 =	sand.u32 $0x1C00, s30;
	v6 =	vbroadcast v4, $0x6;
	v5 =	vbroadcast v3, $0x6;
	s25 =	sand.u32 $0x70, s29  }
0x3d4: {  	s25 =	sor.u32 s26, s25  }
0x3d5: {  	v9 =	vmul.f32 v7, v5;
	v10 =	vmul.f32 v8, v6;
	v7 =	vld [tilespmem:s25+$0x500]  }
0x3d6: {  	v8 =	vld [tilespmem:s25+$0x4500]  }
0x3d7: {  	s28 =	simm.s32 $0x100;
	s26 =	simm.s32 $0x20;
	v9 =	vadd.f32 v10, v9  }
.LBB2_78:
0x3d8: {  	s29 =	sand.u32 $0x70, s26  }
0x3d9: {  	s30 =	sand.u32 $0x1C00, s28;
	[tilespmem:s24+$0x10500] =	vst v9;
	s24 =	smov.u32 s25;
	p0 =	sne.s32 s26, $0x3F0  }
.Ltmp38:
0x3da: {  	s26 =	sadd.s32 $0x10, s26;
	s25 =	sor.u32 s30, s29;
	(pc) =	sbr.rel @p0 .LBB2_78-.Ltmp38, $4  }
0x3db: {  	v9 =	vmul.f32 v7, v5;
	v7 =	vld [tilespmem:s25+$0x500];
	v10 =	vmul.f32 v8, v6  }
0x3dc: {  	v8 =	vld [tilespmem:s25+$0x4500]  }
0x3dd: {  	v9 =	vadd.f32 v10, v9  }
0x3de: {  	s28 =	sadd.s32 $0x80, s28  }
0x3df: {  	_ =	sdelay $0x1  }
0x3e0: {  	v5 =	vmul.f32 v7, v5;
	v6 =	vmul.f32 v8, v6;
	_ =	sdelay $0x1  }
0x3e1: {  	s26 =	simm.s32 $0x0;
	v5 =	vadd.f32 v6, v5  }
0x3e2: {  	[tilespmem:s24+$0x10500] =	vst v9;
	s26 =	sor.u32 s26, s26  }
0x3e3: {  	s24 =	sor.u32 $0x380, s26;
	[tilespmem:s25+$0x10500] =	vst v5  }
0x3e4: {  	v7 =	vld [tilespmem:s24+$0x200]  }
0x3e5: {  	v8 =	vld [tilespmem:s24+$0x4200];
	_ =	sdelay $0x1  }
0x3e6: {  	s29 =	simm.s32 $0x10;
	s30 =	simm.s32 $0x80  }
0x3e7: {  	v6 =	vbroadcast v4, $0x7;
	v5 =	vbroadcast v3, $0x7;
	s25 =	sor.u32 s30, s29  }
0x3e8: {  	s25 =	sor.u32 $0x380, s25  }
0x3e9: {  	v9 =	vmul.f32 v7, v5;
	v10 =	vmul.f32 v8, v6;
	v7 =	vld [tilespmem:s25+$0x200]  }
0x3ea: {  	v8 =	vld [tilespmem:s25+$0x4200]  }
0x3eb: {  	v9 =	vadd.f32 v10, v9  }
0x3ec: {  	s28 =	simm.s32 $0x100;
	s26 =	simm.s32 $0x20  }
.LBB2_80:
0x3ed: {  	s29 =	sor.u32 s28, s26;
	[tilespmem:s24+$0x10200] =	vst v9;
	s24 =	smov.u32 s25;
	p0 =	sne.s32 s26, $0x3F0  }
.Ltmp39:
0x3ee: {  	s26 =	sadd.s32 $0x10, s26;
	s25 =	sor.u32 $0x380, s29;
	(pc) =	sbr.rel @p0 .LBB2_80-.Ltmp39, $4  }
0x3ef: {  	v9 =	vmul.f32 v7, v5;
	v7 =	vld [tilespmem:s25+$0x200];
	v10 =	vmul.f32 v8, v6  }
0x3f0: {  	v8 =	vld [tilespmem:s25+$0x4200]  }
0x3f1: {  	v9 =	vadd.f32 v10, v9  }
0x3f2: {  	s28 =	sadd.s32 $0x80, s28  }
0x3f3: {  	_ =	sdelay $0x1  }
0x3f4: {  	v5 =	vmul.f32 v7, v5;
	v6 =	vmul.f32 v8, v6;
	_ =	sdelay $0x1  }
0x3f5: {  	s26 =	simm.s32 $0x0;
	v5 =	vadd.f32 v6, v5  }
0x3f6: {  	[tilespmem:s24+$0x10200] =	vst v9;
	s30 =	sand.u32 $0x70, s26;
	s26 =	sand.u32 $0x1C00, s26  }
0x3f7: {  	s24 =	sor.u32 s26, s30;
	[tilespmem:s25+$0x10200] =	vst v5  }
0x3f8: {  	v7 =	vld [tilespmem:s24+$0x2200]  }
0x3f9: {  	v8 =	vld [tilespmem:s24+$0x6200];
	_ =	sdelay $0x1  }
0x3fa: {  	s29 =	simm.s32 $0x10;
	s30 =	simm.s32 $0x80  }
0x3fb: {  	s26 =	sand.u32 $0x1C00, s30;
	v6 =	vbroadcast v4, $0x8;
	v5 =	vbroadcast v3, $0x8;
	s25 =	sand.u32 $0x70, s29  }
0x3fc: {  	s25 =	sor.u32 s26, s25  }
0x3fd: {  	v9 =	vmul.f32 v7, v5;
	v10 =	vmul.f32 v8, v6;
	v7 =	vld [tilespmem:s25+$0x2200]  }
0x3fe: {  	v8 =	vld [tilespmem:s25+$0x6200]  }
0x3ff: {  	s28 =	simm.s32 $0x100;
	s26 =	simm.s32 $0x20;
	v9 =	vadd.f32 v10, v9  }
.LBB2_82:
0x400: {  	s29 =	sand.u32 $0x70, s26  }
0x401: {  	s30 =	sand.u32 $0x1C00, s28;
	[tilespmem:s24+$0x12200] =	vst v9;
	s24 =	smov.u32 s25;
	p0 =	sne.s32 s26, $0x3F0  }
.Ltmp40:
0x402: {  	s26 =	sadd.s32 $0x10, s26;
	s25 =	sor.u32 s30, s29;
	(pc) =	sbr.rel @p0 .LBB2_82-.Ltmp40, $4  }
0x403: {  	v9 =	vmul.f32 v7, v5;
	v7 =	vld [tilespmem:s25+$0x2200];
	v10 =	vmul.f32 v8, v6  }
0x404: {  	v8 =	vld [tilespmem:s25+$0x6200]  }
0x405: {  	v9 =	vadd.f32 v10, v9  }
0x406: {  	s28 =	sadd.s32 $0x80, s28  }
0x407: {  	_ =	sdelay $0x1  }
0x408: {  	v5 =	vmul.f32 v7, v5;
	v6 =	vmul.f32 v8, v6;
	_ =	sdelay $0x1  }
0x409: {  	s26 =	simm.s32 $0x0;
	v5 =	vadd.f32 v6, v5  }
0x40a: {  	[tilespmem:s24+$0x12200] =	vst v9;
	s30 =	sand.u32 $0x70, s26;
	s26 =	sand.u32 $0x1C00, s26  }
0x40b: {  	s24 =	sor.u32 s26, s30;
	[tilespmem:s25+$0x12200] =	vst v5  }
0x40c: {  	v7 =	vld [tilespmem:s24+$0x2280]  }
0x40d: {  	v8 =	vld [tilespmem:s24+$0x6280];
	_ =	sdelay $0x1  }
0x40e: {  	s29 =	simm.s32 $0x10;
	s30 =	simm.s32 $0x80  }
0x40f: {  	s26 =	sand.u32 $0x1C00, s30;
	v6 =	vbroadcast v4, $0x9;
	v5 =	vbroadcast v3, $0x9;
	s25 =	sand.u32 $0x70, s29  }
0x410: {  	s25 =	sor.u32 s26, s25  }
0x411: {  	v9 =	vmul.f32 v7, v5;
	v10 =	vmul.f32 v8, v6;
	v7 =	vld [tilespmem:s25+$0x2280]  }
0x412: {  	v8 =	vld [tilespmem:s25+$0x6280]  }
0x413: {  	s28 =	simm.s32 $0x100;
	s26 =	simm.s32 $0x20;
	v9 =	vadd.f32 v10, v9  }
.LBB2_84:
0x414: {  	s29 =	sand.u32 $0x70, s26  }
0x415: {  	s30 =	sand.u32 $0x1C00, s28;
	[tilespmem:s24+$0x12280] =	vst v9;
	s24 =	smov.u32 s25;
	p0 =	sne.s32 s26, $0x3F0  }
.Ltmp41:
0x416: {  	s26 =	sadd.s32 $0x10, s26;
	s25 =	sor.u32 s30, s29;
	(pc) =	sbr.rel @p0 .LBB2_84-.Ltmp41, $4  }
0x417: {  	v9 =	vmul.f32 v7, v5;
	v7 =	vld [tilespmem:s25+$0x2280];
	v10 =	vmul.f32 v8, v6  }
0x418: {  	v8 =	vld [tilespmem:s25+$0x6280]  }
0x419: {  	v9 =	vadd.f32 v10, v9  }
0x41a: {  	s28 =	sadd.s32 $0x80, s28  }
0x41b: {  	_ =	sdelay $0x1  }
0x41c: {  	v5 =	vmul.f32 v7, v5;
	v6 =	vmul.f32 v8, v6;
	_ =	sdelay $0x1  }
0x41d: {  	s26 =	simm.s32 $0x0;
	v5 =	vadd.f32 v6, v5  }
0x41e: {  	[tilespmem:s24+$0x12280] =	vst v9;
	s30 =	sand.u32 $0x70, s26;
	s26 =	sand.u32 $0x1C00, s26  }
0x41f: {  	s24 =	sor.u32 s26, s30;
	[tilespmem:s25+$0x12280] =	vst v5  }
0x420: {  	v7 =	vld [tilespmem:s24+$0x2300]  }
0x421: {  	v8 =	vld [tilespmem:s24+$0x6300];
	_ =	sdelay $0x1  }
0x422: {  	s29 =	simm.s32 $0x10;
	s30 =	simm.s32 $0x80  }
0x423: {  	s26 =	sand.u32 $0x1C00, s30;
	v6 =	vbroadcast v4, $0xA;
	v5 =	vbroadcast v3, $0xA;
	s25 =	sand.u32 $0x70, s29  }
0x424: {  	s25 =	sor.u32 s26, s25  }
0x425: {  	v9 =	vmul.f32 v7, v5;
	v10 =	vmul.f32 v8, v6;
	v7 =	vld [tilespmem:s25+$0x2300]  }
0x426: {  	v8 =	vld [tilespmem:s25+$0x6300]  }
0x427: {  	s28 =	simm.s32 $0x100;
	s26 =	simm.s32 $0x20;
	v9 =	vadd.f32 v10, v9  }
.LBB2_86:
0x428: {  	s29 =	sand.u32 $0x70, s26  }
0x429: {  	s30 =	sand.u32 $0x1C00, s28;
	[tilespmem:s24+$0x12300] =	vst v9;
	s24 =	smov.u32 s25;
	p0 =	sne.s32 s26, $0x3F0  }
.Ltmp42:
0x42a: {  	s26 =	sadd.s32 $0x10, s26;
	s25 =	sor.u32 s30, s29;
	(pc) =	sbr.rel @p0 .LBB2_86-.Ltmp42, $4  }
0x42b: {  	v9 =	vmul.f32 v7, v5;
	v7 =	vld [tilespmem:s25+$0x2300];
	v10 =	vmul.f32 v8, v6  }
0x42c: {  	v8 =	vld [tilespmem:s25+$0x6300]  }
0x42d: {  	v9 =	vadd.f32 v10, v9  }
0x42e: {  	s28 =	sadd.s32 $0x80, s28  }
0x42f: {  	_ =	sdelay $0x1  }
0x430: {  	v5 =	vmul.f32 v7, v5;
	v6 =	vmul.f32 v8, v6;
	_ =	sdelay $0x1  }
0x431: {  	s26 =	simm.s32 $0x0;
	v5 =	vadd.f32 v6, v5  }
0x432: {  	[tilespmem:s24+$0x12300] =	vst v9;
	s30 =	sand.u32 $0x70, s26;
	s26 =	sand.u32 $0x1C00, s26  }
0x433: {  	s24 =	sor.u32 s26, s30;
	[tilespmem:s25+$0x12300] =	vst v5  }
0x434: {  	v7 =	vld [tilespmem:s24+$0x2380]  }
0x435: {  	v8 =	vld [tilespmem:s24+$0x6380];
	_ =	sdelay $0x1  }
0x436: {  	s29 =	simm.s32 $0x10;
	s30 =	simm.s32 $0x80  }
0x437: {  	s26 =	sand.u32 $0x1C00, s30;
	v6 =	vbroadcast v4, $0xB;
	v5 =	vbroadcast v3, $0xB;
	s25 =	sand.u32 $0x70, s29  }
0x438: {  	s25 =	sor.u32 s26, s25  }
0x439: {  	v9 =	vmul.f32 v7, v5;
	v10 =	vmul.f32 v8, v6;
	v7 =	vld [tilespmem:s25+$0x2380]  }
0x43a: {  	v8 =	vld [tilespmem:s25+$0x6380]  }
0x43b: {  	s28 =	simm.s32 $0x100;
	s26 =	simm.s32 $0x20;
	v9 =	vadd.f32 v10, v9  }
.LBB2_88:
0x43c: {  	s29 =	sand.u32 $0x70, s26  }
0x43d: {  	s30 =	sand.u32 $0x1C00, s28;
	[tilespmem:s24+$0x12380] =	vst v9;
	s24 =	smov.u32 s25;
	p0 =	sne.s32 s26, $0x3F0  }
.Ltmp43:
0x43e: {  	s26 =	sadd.s32 $0x10, s26;
	s25 =	sor.u32 s30, s29;
	(pc) =	sbr.rel @p0 .LBB2_88-.Ltmp43, $4  }
0x43f: {  	v9 =	vmul.f32 v7, v5;
	v7 =	vld [tilespmem:s25+$0x2380];
	v10 =	vmul.f32 v8, v6  }
0x440: {  	v8 =	vld [tilespmem:s25+$0x6380]  }
0x441: {  	v9 =	vadd.f32 v10, v9  }
0x442: {  	s28 =	sadd.s32 $0x80, s28  }
0x443: {  	_ =	sdelay $0x1  }
0x444: {  	v5 =	vmul.f32 v7, v5;
	v6 =	vmul.f32 v8, v6;
	_ =	sdelay $0x1  }
0x445: {  	s26 =	simm.s32 $0x0;
	v5 =	vadd.f32 v6, v5  }
0x446: {  	[tilespmem:s24+$0x12380] =	vst v9;
	s30 =	sand.u32 $0x70, s26;
	s26 =	sand.u32 $0x1C00, s26  }
0x447: {  	s24 =	sor.u32 s26, s30;
	[tilespmem:s25+$0x12380] =	vst v5  }
0x448: {  	v7 =	vld [tilespmem:s24+$0x2400]  }
0x449: {  	v8 =	vld [tilespmem:s24+$0x6400];
	_ =	sdelay $0x1  }
0x44a: {  	s29 =	simm.s32 $0x10;
	s30 =	simm.s32 $0x80  }
0x44b: {  	s26 =	sand.u32 $0x1C00, s30;
	v6 =	vbroadcast v4, $0xC;
	v5 =	vbroadcast v3, $0xC;
	s25 =	sand.u32 $0x70, s29  }
0x44c: {  	s25 =	sor.u32 s26, s25  }
0x44d: {  	v9 =	vmul.f32 v7, v5;
	v10 =	vmul.f32 v8, v6;
	v7 =	vld [tilespmem:s25+$0x2400]  }
0x44e: {  	v8 =	vld [tilespmem:s25+$0x6400]  }
0x44f: {  	s28 =	simm.s32 $0x100;
	s26 =	simm.s32 $0x20;
	v9 =	vadd.f32 v10, v9  }
.LBB2_90:
0x450: {  	s29 =	sand.u32 $0x70, s26  }
0x451: {  	s30 =	sand.u32 $0x1C00, s28;
	[tilespmem:s24+$0x12400] =	vst v9;
	s24 =	smov.u32 s25;
	p0 =	sne.s32 s26, $0x3F0  }
.Ltmp44:
0x452: {  	s26 =	sadd.s32 $0x10, s26;
	s25 =	sor.u32 s30, s29;
	(pc) =	sbr.rel @p0 .LBB2_90-.Ltmp44, $4  }
0x453: {  	v9 =	vmul.f32 v7, v5;
	v7 =	vld [tilespmem:s25+$0x2400];
	v10 =	vmul.f32 v8, v6  }
0x454: {  	v8 =	vld [tilespmem:s25+$0x6400]  }
0x455: {  	v9 =	vadd.f32 v10, v9  }
0x456: {  	s28 =	sadd.s32 $0x80, s28  }
0x457: {  	_ =	sdelay $0x1  }
0x458: {  	v5 =	vmul.f32 v7, v5;
	v6 =	vmul.f32 v8, v6;
	_ =	sdelay $0x1  }
0x459: {  	s26 =	simm.s32 $0x0;
	v5 =	vadd.f32 v6, v5  }
0x45a: {  	[tilespmem:s24+$0x12400] =	vst v9;
	s30 =	sand.u32 $0x70, s26;
	s26 =	sand.u32 $0x1C00, s26  }
0x45b: {  	s24 =	sor.u32 s26, s30;
	[tilespmem:s25+$0x12400] =	vst v5  }
0x45c: {  	v7 =	vld [tilespmem:s24+$0x2480]  }
0x45d: {  	v8 =	vld [tilespmem:s24+$0x6480];
	_ =	sdelay $0x1  }
0x45e: {  	s29 =	simm.s32 $0x10;
	s30 =	simm.s32 $0x80  }
0x45f: {  	s26 =	sand.u32 $0x1C00, s30;
	v6 =	vbroadcast v4, $0xD;
	v5 =	vbroadcast v3, $0xD;
	s25 =	sand.u32 $0x70, s29  }
0x460: {  	s25 =	sor.u32 s26, s25  }
0x461: {  	v9 =	vmul.f32 v7, v5;
	v10 =	vmul.f32 v8, v6;
	v7 =	vld [tilespmem:s25+$0x2480]  }
0x462: {  	v8 =	vld [tilespmem:s25+$0x6480]  }
0x463: {  	s28 =	simm.s32 $0x100;
	s26 =	simm.s32 $0x20;
	v9 =	vadd.f32 v10, v9  }
.LBB2_92:
0x464: {  	s29 =	sand.u32 $0x70, s26  }
0x465: {  	s30 =	sand.u32 $0x1C00, s28;
	[tilespmem:s24+$0x12480] =	vst v9;
	s24 =	smov.u32 s25;
	p0 =	sne.s32 s26, $0x3F0  }
.Ltmp45:
0x466: {  	s26 =	sadd.s32 $0x10, s26;
	s25 =	sor.u32 s30, s29;
	(pc) =	sbr.rel @p0 .LBB2_92-.Ltmp45, $4  }
0x467: {  	v9 =	vmul.f32 v7, v5;
	v7 =	vld [tilespmem:s25+$0x2480];
	v10 =	vmul.f32 v8, v6  }
0x468: {  	v8 =	vld [tilespmem:s25+$0x6480]  }
0x469: {  	v9 =	vadd.f32 v10, v9  }
0x46a: {  	s28 =	sadd.s32 $0x80, s28  }
0x46b: {  	_ =	sdelay $0x1  }
0x46c: {  	v5 =	vmul.f32 v7, v5;
	v6 =	vmul.f32 v8, v6;
	_ =	sdelay $0x1  }
0x46d: {  	s26 =	simm.s32 $0x0;
	v5 =	vadd.f32 v6, v5  }
0x46e: {  	[tilespmem:s24+$0x12480] =	vst v9;
	s30 =	sand.u32 $0x70, s26;
	s26 =	sand.u32 $0x1C00, s26  }
0x46f: {  	s24 =	sor.u32 s26, s30;
	[tilespmem:s25+$0x12480] =	vst v5  }
0x470: {  	v7 =	vld [tilespmem:s24+$0x2500]  }
0x471: {  	v8 =	vld [tilespmem:s24+$0x6500];
	_ =	sdelay $0x1  }
0x472: {  	s29 =	simm.s32 $0x10;
	s30 =	simm.s32 $0x80  }
0x473: {  	s26 =	sand.u32 $0x1C00, s30;
	v6 =	vbroadcast v4, $0xE;
	v5 =	vbroadcast v3, $0xE;
	s25 =	sand.u32 $0x70, s29  }
0x474: {  	s25 =	sor.u32 s26, s25  }
0x475: {  	v9 =	vmul.f32 v7, v5;
	v10 =	vmul.f32 v8, v6;
	v7 =	vld [tilespmem:s25+$0x2500]  }
0x476: {  	v8 =	vld [tilespmem:s25+$0x6500]  }
0x477: {  	s28 =	simm.s32 $0x100;
	s26 =	simm.s32 $0x20;
	v9 =	vadd.f32 v10, v9  }
.LBB2_94:
0x478: {  	s29 =	sand.u32 $0x70, s26  }
0x479: {  	s30 =	sand.u32 $0x1C00, s28;
	[tilespmem:s24+$0x12500] =	vst v9;
	s24 =	smov.u32 s25;
	p0 =	sne.s32 s26, $0x3F0  }
.Ltmp46:
0x47a: {  	s26 =	sadd.s32 $0x10, s26;
	s25 =	sor.u32 s30, s29;
	(pc) =	sbr.rel @p0 .LBB2_94-.Ltmp46, $4  }
0x47b: {  	v9 =	vmul.f32 v7, v5;
	v7 =	vld [tilespmem:s25+$0x2500];
	v10 =	vmul.f32 v8, v6  }
0x47c: {  	v8 =	vld [tilespmem:s25+$0x6500]  }
0x47d: {  	v9 =	vadd.f32 v10, v9  }
0x47e: {  	s28 =	sadd.s32 $0x80, s28  }
0x47f: {  	_ =	sdelay $0x1  }
0x480: {  	v5 =	vmul.f32 v7, v5;
	v6 =	vmul.f32 v8, v6;
	_ =	sdelay $0x1  }
0x481: {  	s26 =	simm.s32 $0x0;
	v5 =	vadd.f32 v6, v5  }
0x482: {  	[tilespmem:s24+$0x12500] =	vst v9;
	s26 =	sor.u32 s26, s26  }
0x483: {  	s24 =	sor.u32 $0x2380, s26;
	[tilespmem:s25+$0x12500] =	vst v5  }
0x484: {  	v5 =	vld [tilespmem:s24+$0x200]  }
0x485: {  	v6 =	vld [tilespmem:s24+$0x4200];
	_ =	sdelay $0x1  }
0x486: {  	s29 =	simm.s32 $0x10;
	s30 =	simm.s32 $0x80  }
0x487: {  	v3 =	vbroadcast v3, $0xF;
	v4 =	vbroadcast v4, $0xF;
	s25 =	sor.u32 s30, s29  }
0x488: {  	s25 =	sor.u32 $0x2380, s25  }
0x489: {  	v7 =	vmul.f32 v5, v3;
	v8 =	vmul.f32 v6, v4;
	v5 =	vld [tilespmem:s25+$0x200]  }
0x48a: {  	v6 =	vld [tilespmem:s25+$0x4200]  }
0x48b: {  	v7 =	vadd.f32 v8, v7  }
0x48c: {  	s28 =	simm.s32 $0x100;
	s26 =	simm.s32 $0x20  }
.LBB2_96:
0x48d: {  	s29 =	sor.u32 s28, s26;
	[tilespmem:s24+$0x10200] =	vst v7;
	s24 =	smov.u32 s25;
	p0 =	sne.s32 s26, $0x3F0  }
.Ltmp47:
0x48e: {  	s26 =	sadd.s32 $0x10, s26;
	s25 =	sor.u32 $0x2380, s29;
	(pc) =	sbr.rel @p0 .LBB2_96-.Ltmp47, $4  }
0x48f: {  	v7 =	vmul.f32 v5, v3;
	v5 =	vld [tilespmem:s25+$0x200];
	v8 =	vmul.f32 v6, v4  }
0x490: {  	v6 =	vld [tilespmem:s25+$0x4200]  }
0x491: {  	v7 =	vadd.f32 v8, v7  }
0x492: {  	s28 =	sadd.s32 $0x80, s28  }
0x493: {  	_ =	sdelay $0x1  }
0x494: {  	v3 =	vmul.f32 v5, v3;
	v4 =	vmul.f32 v6, v4;
	_ =	sdelay $0x1  }
0x495: {  	v3 =	vadd.f32 v4, v3  }
0x496: {  	[tilespmem:s24+$0x10200] =	vst v7  }
0x497: {  	s26 =	simm.s32 $0x0;
	[tilespmem:s25+$0x10200] =	vst v3  }
0x498: {  	[hbm4b:s13+s26] =	stream.linear.scatter [tilespmem:s21], [sflag:$0x3], $0x4000, $0x38;
	[tilespmem:$0x14200] =	vst v63  }
0x499: {  	_ =	swait.ge [sflag:s16], $0x4000  }
0x49a: {  	[sflag:s16] =	ssyncset.done $0x0  }
0x49b: {  	[sflag:s16] =	ssyncadd.s32 $0xFFFFC000  }
0x49c: {  	_ =	swait.ge [sflag:s22], $0x4000  }
0x49d: {  	[sflag:s22] =	ssyncset.done $0x0  }
0x49e: {  	[sflag:s22] =	ssyncadd.s32 $0xFFFFC000  }
0x49f: {  	_ =	swait.ge [sflag:s22], $0x4000  }
0x4a0: {  	[sflag:s22] =	ssyncset.done $0x0  }
0x4a1: {  	[sflag:s22] =	ssyncadd.s32 $0xFFFFC000  }
0x4a2: {  	s29 =	sand.u32 $0x70, s26;
	s24 =	sand.u32 $0x1C00, s26;
	v3 =	vld [tilespmem:$0x130]  }
0x4a3: {  	s24 =	sor.u32 s29, s24;
	v4 =	vld [tilespmem:$0x1B0]  }
0x4a4: {  	v7 =	vld [tilespmem:s24+$0x8200]  }
0x4a5: {  	v8 =	vld [tilespmem:s24+$0xC200];
	_ =	sdelay $0x1  }
0x4a6: {  	s30 =	simm.s32 $0x10;
	s26 =	simm.s32 $0x80  }
0x4a7: {  	s25 =	sand.u32 $0x70, s30;
	s26 =	sand.u32 $0x1C00, s26;
	v5 =	vbroadcast v3, $0x0;
	v6 =	vbroadcast v4, $0x0  }
0x4a8: {  	s25 =	sor.u32 s25, s26  }
0x4a9: {  	v9 =	vmul.f32 v7, v5;
	v10 =	vmul.f32 v8, v6;
	v7 =	vld [tilespmem:s25+$0x8200]  }
0x4aa: {  	v8 =	vld [tilespmem:s25+$0xC200]  }
0x4ab: {  	s28 =	simm.s32 $0x100;
	s26 =	simm.s32 $0x20;
	v9 =	vadd.f32 v10, v9  }
.LBB2_98:
0x4ac: {  	s29 =	sand.u32 $0x70, s26  }
0x4ad: {  	s30 =	sand.u32 $0x1C00, s28;
	[tilespmem:s24+$0x10200] =	vst v9;
	s24 =	smov.u32 s25;
	p0 =	sne.s32 s26, $0x3F0  }
.Ltmp48:
0x4ae: {  	s26 =	sadd.s32 $0x10, s26;
	s25 =	sor.u32 s29, s30;
	(pc) =	sbr.rel @p0 .LBB2_98-.Ltmp48, $4  }
0x4af: {  	v9 =	vmul.f32 v7, v5;
	v7 =	vld [tilespmem:s25+$0x8200];
	v10 =	vmul.f32 v8, v6  }
0x4b0: {  	v8 =	vld [tilespmem:s25+$0xC200]  }
0x4b1: {  	v9 =	vadd.f32 v10, v9  }
0x4b2: {  	s28 =	sadd.s32 $0x80, s28  }
0x4b3: {  	_ =	sdelay $0x1  }
0x4b4: {  	v5 =	vmul.f32 v7, v5;
	v6 =	vmul.f32 v8, v6;
	_ =	sdelay $0x1  }
0x4b5: {  	s26 =	simm.s32 $0x0;
	v5 =	vadd.f32 v6, v5  }
0x4b6: {  	[tilespmem:s24+$0x10200] =	vst v9;
	s30 =	sand.u32 $0x70, s26;
	s26 =	sand.u32 $0x1C00, s26  }
0x4b7: {  	s24 =	sor.u32 s26, s30;
	[tilespmem:s25+$0x10200] =	vst v5  }
0x4b8: {  	v7 =	vld [tilespmem:s24+$0x8280]  }
0x4b9: {  	v8 =	vld [tilespmem:s24+$0xC280];
	_ =	sdelay $0x1  }
0x4ba: {  	s29 =	simm.s32 $0x10;
	s30 =	simm.s32 $0x80  }
0x4bb: {  	s26 =	sand.u32 $0x1C00, s30;
	v6 =	vbroadcast v4, $0x1;
	v5 =	vbroadcast v3, $0x1;
	s25 =	sand.u32 $0x70, s29  }
0x4bc: {  	s25 =	sor.u32 s26, s25  }
0x4bd: {  	v9 =	vmul.f32 v7, v5;
	v10 =	vmul.f32 v8, v6;
	v7 =	vld [tilespmem:s25+$0x8280]  }
0x4be: {  	v8 =	vld [tilespmem:s25+$0xC280]  }
0x4bf: {  	s28 =	simm.s32 $0x100;
	s26 =	simm.s32 $0x20;
	v9 =	vadd.f32 v10, v9  }
.LBB2_100:
0x4c0: {  	s29 =	sand.u32 $0x70, s26  }
0x4c1: {  	s30 =	sand.u32 $0x1C00, s28;
	[tilespmem:s24+$0x10280] =	vst v9;
	s24 =	smov.u32 s25;
	p0 =	sne.s32 s26, $0x3F0  }
.Ltmp49:
0x4c2: {  	s26 =	sadd.s32 $0x10, s26;
	s25 =	sor.u32 s30, s29;
	(pc) =	sbr.rel @p0 .LBB2_100-.Ltmp49, $4  }
0x4c3: {  	v9 =	vmul.f32 v7, v5;
	v7 =	vld [tilespmem:s25+$0x8280];
	v10 =	vmul.f32 v8, v6  }
0x4c4: {  	v8 =	vld [tilespmem:s25+$0xC280]  }
0x4c5: {  	v9 =	vadd.f32 v10, v9  }
0x4c6: {  	s28 =	sadd.s32 $0x80, s28  }
0x4c7: {  	_ =	sdelay $0x1  }
0x4c8: {  	v5 =	vmul.f32 v7, v5;
	v6 =	vmul.f32 v8, v6;
	_ =	sdelay $0x1  }
0x4c9: {  	s26 =	simm.s32 $0x0;
	v5 =	vadd.f32 v6, v5  }
0x4ca: {  	[tilespmem:s24+$0x10280] =	vst v9;
	s30 =	sand.u32 $0x70, s26;
	s26 =	sand.u32 $0x1C00, s26  }
0x4cb: {  	s24 =	sor.u32 s26, s30;
	[tilespmem:s25+$0x10280] =	vst v5  }
0x4cc: {  	v7 =	vld [tilespmem:s24+$0x8300]  }
0x4cd: {  	v8 =	vld [tilespmem:s24+$0xC300];
	_ =	sdelay $0x1  }
0x4ce: {  	s29 =	simm.s32 $0x10;
	s30 =	simm.s32 $0x80  }
0x4cf: {  	s26 =	sand.u32 $0x1C00, s30;
	v6 =	vbroadcast v4, $0x2;
	v5 =	vbroadcast v3, $0x2;
	s25 =	sand.u32 $0x70, s29  }
0x4d0: {  	s25 =	sor.u32 s26, s25  }
0x4d1: {  	v9 =	vmul.f32 v7, v5;
	v10 =	vmul.f32 v8, v6;
	v7 =	vld [tilespmem:s25+$0x8300]  }
0x4d2: {  	v8 =	vld [tilespmem:s25+$0xC300]  }
0x4d3: {  	s28 =	simm.s32 $0x100;
	s26 =	simm.s32 $0x20;
	v9 =	vadd.f32 v10, v9  }
.LBB2_102:
0x4d4: {  	s29 =	sand.u32 $0x70, s26  }
0x4d5: {  	s30 =	sand.u32 $0x1C00, s28;
	[tilespmem:s24+$0x10300] =	vst v9;
	s24 =	smov.u32 s25;
	p0 =	sne.s32 s26, $0x3F0  }
.Ltmp50:
0x4d6: {  	s26 =	sadd.s32 $0x10, s26;
	s25 =	sor.u32 s30, s29;
	(pc) =	sbr.rel @p0 .LBB2_102-.Ltmp50, $4  }
0x4d7: {  	v9 =	vmul.f32 v7, v5;
	v7 =	vld [tilespmem:s25+$0x8300];
	v10 =	vmul.f32 v8, v6  }
0x4d8: {  	v8 =	vld [tilespmem:s25+$0xC300]  }
0x4d9: {  	v9 =	vadd.f32 v10, v9  }
0x4da: {  	s28 =	sadd.s32 $0x80, s28  }
0x4db: {  	_ =	sdelay $0x1  }
0x4dc: {  	v5 =	vmul.f32 v7, v5;
	v6 =	vmul.f32 v8, v6;
	_ =	sdelay $0x1  }
0x4dd: {  	s26 =	simm.s32 $0x0;
	v5 =	vadd.f32 v6, v5  }
0x4de: {  	[tilespmem:s24+$0x10300] =	vst v9;
	s30 =	sand.u32 $0x70, s26;
	s26 =	sand.u32 $0x1C00, s26  }
0x4df: {  	s24 =	sor.u32 s26, s30;
	[tilespmem:s25+$0x10300] =	vst v5  }
0x4e0: {  	v7 =	vld [tilespmem:s24+$0x8380]  }
0x4e1: {  	v8 =	vld [tilespmem:s24+$0xC380];
	_ =	sdelay $0x1  }
0x4e2: {  	s29 =	simm.s32 $0x10;
	s30 =	simm.s32 $0x80  }
0x4e3: {  	s26 =	sand.u32 $0x1C00, s30;
	v6 =	vbroadcast v4, $0x3;
	v5 =	vbroadcast v3, $0x3;
	s25 =	sand.u32 $0x70, s29  }
0x4e4: {  	s25 =	sor.u32 s26, s25  }
0x4e5: {  	v9 =	vmul.f32 v7, v5;
	v10 =	vmul.f32 v8, v6;
	v7 =	vld [tilespmem:s25+$0x8380]  }
0x4e6: {  	v8 =	vld [tilespmem:s25+$0xC380]  }
0x4e7: {  	s28 =	simm.s32 $0x100;
	s26 =	simm.s32 $0x20;
	v9 =	vadd.f32 v10, v9  }
.LBB2_104:
0x4e8: {  	s29 =	sand.u32 $0x70, s26  }
0x4e9: {  	s30 =	sand.u32 $0x1C00, s28;
	[tilespmem:s24+$0x10380] =	vst v9;
	s24 =	smov.u32 s25;
	p0 =	sne.s32 s26, $0x3F0  }
.Ltmp51:
0x4ea: {  	s26 =	sadd.s32 $0x10, s26;
	s25 =	sor.u32 s30, s29;
	(pc) =	sbr.rel @p0 .LBB2_104-.Ltmp51, $4  }
0x4eb: {  	v9 =	vmul.f32 v7, v5;
	v7 =	vld [tilespmem:s25+$0x8380];
	v10 =	vmul.f32 v8, v6  }
0x4ec: {  	v8 =	vld [tilespmem:s25+$0xC380]  }
0x4ed: {  	v9 =	vadd.f32 v10, v9  }
0x4ee: {  	s28 =	sadd.s32 $0x80, s28  }
0x4ef: {  	_ =	sdelay $0x1  }
0x4f0: {  	v5 =	vmul.f32 v7, v5;
	v6 =	vmul.f32 v8, v6;
	_ =	sdelay $0x1  }
0x4f1: {  	s26 =	simm.s32 $0x0;
	v5 =	vadd.f32 v6, v5  }
0x4f2: {  	[tilespmem:s24+$0x10380] =	vst v9;
	s30 =	sand.u32 $0x70, s26;
	s26 =	sand.u32 $0x1C00, s26  }
0x4f3: {  	s24 =	sor.u32 s26, s30;
	[tilespmem:s25+$0x10380] =	vst v5  }
0x4f4: {  	v7 =	vld [tilespmem:s24+$0x8400]  }
0x4f5: {  	v8 =	vld [tilespmem:s24+$0xC400];
	_ =	sdelay $0x1  }
0x4f6: {  	s29 =	simm.s32 $0x10;
	s30 =	simm.s32 $0x80  }
0x4f7: {  	s26 =	sand.u32 $0x1C00, s30;
	v6 =	vbroadcast v4, $0x4;
	v5 =	vbroadcast v3, $0x4;
	s25 =	sand.u32 $0x70, s29  }
0x4f8: {  	s25 =	sor.u32 s26, s25  }
0x4f9: {  	v9 =	vmul.f32 v7, v5;
	v10 =	vmul.f32 v8, v6;
	v7 =	vld [tilespmem:s25+$0x8400]  }
0x4fa: {  	v8 =	vld [tilespmem:s25+$0xC400]  }
0x4fb: {  	s28 =	simm.s32 $0x100;
	s26 =	simm.s32 $0x20;
	v9 =	vadd.f32 v10, v9  }
.LBB2_106:
0x4fc: {  	s29 =	sand.u32 $0x70, s26  }
0x4fd: {  	s30 =	sand.u32 $0x1C00, s28;
	[tilespmem:s24+$0x10400] =	vst v9;
	s24 =	smov.u32 s25;
	p0 =	sne.s32 s26, $0x3F0  }
.Ltmp52:
0x4fe: {  	s26 =	sadd.s32 $0x10, s26;
	s25 =	sor.u32 s30, s29;
	(pc) =	sbr.rel @p0 .LBB2_106-.Ltmp52, $4  }
0x4ff: {  	v9 =	vmul.f32 v7, v5;
	v7 =	vld [tilespmem:s25+$0x8400];
	v10 =	vmul.f32 v8, v6  }
0x500: {  	v8 =	vld [tilespmem:s25+$0xC400]  }
0x501: {  	v9 =	vadd.f32 v10, v9  }
0x502: {  	s28 =	sadd.s32 $0x80, s28  }
0x503: {  	_ =	sdelay $0x1  }
0x504: {  	v5 =	vmul.f32 v7, v5;
	v6 =	vmul.f32 v8, v6;
	_ =	sdelay $0x1  }
0x505: {  	s26 =	simm.s32 $0x0;
	v5 =	vadd.f32 v6, v5  }
0x506: {  	[tilespmem:s24+$0x10400] =	vst v9;
	s30 =	sand.u32 $0x70, s26;
	s26 =	sand.u32 $0x1C00, s26  }
0x507: {  	s24 =	sor.u32 s26, s30;
	[tilespmem:s25+$0x10400] =	vst v5  }
0x508: {  	v7 =	vld [tilespmem:s24+$0x8480]  }
0x509: {  	v8 =	vld [tilespmem:s24+$0xC480];
	_ =	sdelay $0x1  }
0x50a: {  	s29 =	simm.s32 $0x10;
	s30 =	simm.s32 $0x80  }
0x50b: {  	s26 =	sand.u32 $0x1C00, s30;
	v6 =	vbroadcast v4, $0x5;
	v5 =	vbroadcast v3, $0x5;
	s25 =	sand.u32 $0x70, s29  }
0x50c: {  	s25 =	sor.u32 s26, s25  }
0x50d: {  	v9 =	vmul.f32 v7, v5;
	v10 =	vmul.f32 v8, v6;
	v7 =	vld [tilespmem:s25+$0x8480]  }
0x50e: {  	v8 =	vld [tilespmem:s25+$0xC480]  }
0x50f: {  	s28 =	simm.s32 $0x100;
	s26 =	simm.s32 $0x20;
	v9 =	vadd.f32 v10, v9  }
.LBB2_108:
0x510: {  	s29 =	sand.u32 $0x70, s26  }
0x511: {  	s30 =	sand.u32 $0x1C00, s28;
	[tilespmem:s24+$0x10480] =	vst v9;
	s24 =	smov.u32 s25;
	p0 =	sne.s32 s26, $0x3F0  }
.Ltmp53:
0x512: {  	s26 =	sadd.s32 $0x10, s26;
	s25 =	sor.u32 s30, s29;
	(pc) =	sbr.rel @p0 .LBB2_108-.Ltmp53, $4  }
0x513: {  	v9 =	vmul.f32 v7, v5;
	v7 =	vld [tilespmem:s25+$0x8480];
	v10 =	vmul.f32 v8, v6  }
0x514: {  	v8 =	vld [tilespmem:s25+$0xC480]  }
0x515: {  	v9 =	vadd.f32 v10, v9  }
0x516: {  	s28 =	sadd.s32 $0x80, s28  }
0x517: {  	_ =	sdelay $0x1  }
0x518: {  	v5 =	vmul.f32 v7, v5;
	v6 =	vmul.f32 v8, v6;
	_ =	sdelay $0x1  }
0x519: {  	s26 =	simm.s32 $0x0;
	v5 =	vadd.f32 v6, v5  }
0x51a: {  	[tilespmem:s24+$0x10480] =	vst v9;
	s30 =	sand.u32 $0x70, s26;
	s26 =	sand.u32 $0x1C00, s26  }
0x51b: {  	s24 =	sor.u32 s26, s30;
	[tilespmem:s25+$0x10480] =	vst v5  }
0x51c: {  	v7 =	vld [tilespmem:s24+$0x8500]  }
0x51d: {  	v8 =	vld [tilespmem:s24+$0xC500];
	_ =	sdelay $0x1  }
0x51e: {  	s29 =	simm.s32 $0x10;
	s30 =	simm.s32 $0x80  }
0x51f: {  	s26 =	sand.u32 $0x1C00, s30;
	v6 =	vbroadcast v4, $0x6;
	v5 =	vbroadcast v3, $0x6;
	s25 =	sand.u32 $0x70, s29  }
0x520: {  	s25 =	sor.u32 s26, s25  }
0x521: {  	v9 =	vmul.f32 v7, v5;
	v10 =	vmul.f32 v8, v6;
	v7 =	vld [tilespmem:s25+$0x8500]  }
0x522: {  	v8 =	vld [tilespmem:s25+$0xC500]  }
0x523: {  	s28 =	simm.s32 $0x100;
	s26 =	simm.s32 $0x20;
	v9 =	vadd.f32 v10, v9  }
.LBB2_110:
0x524: {  	s29 =	sand.u32 $0x70, s26  }
0x525: {  	s30 =	sand.u32 $0x1C00, s28;
	[tilespmem:s24+$0x10500] =	vst v9;
	s24 =	smov.u32 s25;
	p0 =	sne.s32 s26, $0x3F0  }
.Ltmp54:
0x526: {  	s26 =	sadd.s32 $0x10, s26;
	s25 =	sor.u32 s30, s29;
	(pc) =	sbr.rel @p0 .LBB2_110-.Ltmp54, $4  }
0x527: {  	v9 =	vmul.f32 v7, v5;
	v7 =	vld [tilespmem:s25+$0x8500];
	v10 =	vmul.f32 v8, v6  }
0x528: {  	v8 =	vld [tilespmem:s25+$0xC500]  }
0x529: {  	v9 =	vadd.f32 v10, v9  }
0x52a: {  	s28 =	sadd.s32 $0x80, s28  }
0x52b: {  	_ =	sdelay $0x1  }
0x52c: {  	v5 =	vmul.f32 v7, v5;
	v6 =	vmul.f32 v8, v6;
	_ =	sdelay $0x1  }
0x52d: {  	s26 =	simm.s32 $0x0;
	v5 =	vadd.f32 v6, v5  }
0x52e: {  	[tilespmem:s24+$0x10500] =	vst v9;
	s26 =	sor.u32 s26, s26  }
0x52f: {  	s24 =	sor.u32 $0x380, s26;
	[tilespmem:s25+$0x10500] =	vst v5  }
0x530: {  	v7 =	vld [tilespmem:s24+$0x8200]  }
0x531: {  	v8 =	vld [tilespmem:s24+$0xC200];
	_ =	sdelay $0x1  }
0x532: {  	s29 =	simm.s32 $0x10;
	s30 =	simm.s32 $0x80  }
0x533: {  	v6 =	vbroadcast v4, $0x7;
	v5 =	vbroadcast v3, $0x7;
	s25 =	sor.u32 s30, s29  }
0x534: {  	s25 =	sor.u32 $0x380, s25  }
0x535: {  	v9 =	vmul.f32 v7, v5;
	v10 =	vmul.f32 v8, v6;
	v7 =	vld [tilespmem:s25+$0x8200]  }
0x536: {  	v8 =	vld [tilespmem:s25+$0xC200]  }
0x537: {  	v9 =	vadd.f32 v10, v9  }
0x538: {  	s28 =	simm.s32 $0x100;
	s26 =	simm.s32 $0x20  }
.LBB2_112:
0x539: {  	s29 =	sor.u32 s28, s26;
	[tilespmem:s24+$0x10200] =	vst v9;
	s24 =	smov.u32 s25;
	p0 =	sne.s32 s26, $0x3F0  }
.Ltmp55:
0x53a: {  	s26 =	sadd.s32 $0x10, s26;
	s25 =	sor.u32 $0x380, s29;
	(pc) =	sbr.rel @p0 .LBB2_112-.Ltmp55, $4  }
0x53b: {  	v9 =	vmul.f32 v7, v5;
	v7 =	vld [tilespmem:s25+$0x8200];
	v10 =	vmul.f32 v8, v6  }
0x53c: {  	v8 =	vld [tilespmem:s25+$0xC200]  }
0x53d: {  	v9 =	vadd.f32 v10, v9  }
0x53e: {  	s28 =	sadd.s32 $0x80, s28  }
0x53f: {  	_ =	sdelay $0x1  }
0x540: {  	v5 =	vmul.f32 v7, v5;
	v6 =	vmul.f32 v8, v6;
	_ =	sdelay $0x1  }
0x541: {  	s26 =	simm.s32 $0x0;
	v5 =	vadd.f32 v6, v5  }
0x542: {  	[tilespmem:s24+$0x10200] =	vst v9;
	s30 =	sand.u32 $0x70, s26;
	s26 =	sand.u32 $0x1C00, s26  }
0x543: {  	s24 =	sor.u32 s26, s30;
	[tilespmem:s25+$0x10200] =	vst v5  }
0x544: {  	v7 =	vld [tilespmem:s24+$0xA200]  }
0x545: {  	v8 =	vld [tilespmem:s24+$0xE200];
	_ =	sdelay $0x1  }
0x546: {  	s29 =	simm.s32 $0x10;
	s30 =	simm.s32 $0x80  }
0x547: {  	s26 =	sand.u32 $0x1C00, s30;
	v6 =	vbroadcast v4, $0x8;
	v5 =	vbroadcast v3, $0x8;
	s25 =	sand.u32 $0x70, s29  }
0x548: {  	s25 =	sor.u32 s26, s25  }
0x549: {  	v9 =	vmul.f32 v7, v5;
	v10 =	vmul.f32 v8, v6;
	v7 =	vld [tilespmem:s25+$0xA200]  }
0x54a: {  	v8 =	vld [tilespmem:s25+$0xE200]  }
0x54b: {  	s28 =	simm.s32 $0x100;
	s26 =	simm.s32 $0x20;
	v9 =	vadd.f32 v10, v9  }
.LBB2_114:
0x54c: {  	s29 =	sand.u32 $0x70, s26  }
0x54d: {  	s30 =	sand.u32 $0x1C00, s28;
	[tilespmem:s24+$0x12200] =	vst v9;
	s24 =	smov.u32 s25;
	p0 =	sne.s32 s26, $0x3F0  }
.Ltmp56:
0x54e: {  	s26 =	sadd.s32 $0x10, s26;
	s25 =	sor.u32 s30, s29;
	(pc) =	sbr.rel @p0 .LBB2_114-.Ltmp56, $4  }
0x54f: {  	v9 =	vmul.f32 v7, v5;
	v7 =	vld [tilespmem:s25+$0xA200];
	v10 =	vmul.f32 v8, v6  }
0x550: {  	v8 =	vld [tilespmem:s25+$0xE200]  }
0x551: {  	v9 =	vadd.f32 v10, v9  }
0x552: {  	s28 =	sadd.s32 $0x80, s28  }
0x553: {  	_ =	sdelay $0x1  }
0x554: {  	v5 =	vmul.f32 v7, v5;
	v6 =	vmul.f32 v8, v6;
	_ =	sdelay $0x1  }
0x555: {  	s26 =	simm.s32 $0x0;
	v5 =	vadd.f32 v6, v5  }
0x556: {  	[tilespmem:s24+$0x12200] =	vst v9;
	s30 =	sand.u32 $0x70, s26;
	s26 =	sand.u32 $0x1C00, s26  }
0x557: {  	s24 =	sor.u32 s26, s30;
	[tilespmem:s25+$0x12200] =	vst v5  }
0x558: {  	v7 =	vld [tilespmem:s24+$0xA280]  }
0x559: {  	v8 =	vld [tilespmem:s24+$0xE280];
	_ =	sdelay $0x1  }
0x55a: {  	s29 =	simm.s32 $0x10;
	s30 =	simm.s32 $0x80  }
0x55b: {  	s26 =	sand.u32 $0x1C00, s30;
	v6 =	vbroadcast v4, $0x9;
	v5 =	vbroadcast v3, $0x9;
	s25 =	sand.u32 $0x70, s29  }
0x55c: {  	s25 =	sor.u32 s26, s25  }
0x55d: {  	v9 =	vmul.f32 v7, v5;
	v10 =	vmul.f32 v8, v6;
	v7 =	vld [tilespmem:s25+$0xA280]  }
0x55e: {  	v8 =	vld [tilespmem:s25+$0xE280]  }
0x55f: {  	s28 =	simm.s32 $0x100;
	s26 =	simm.s32 $0x20;
	v9 =	vadd.f32 v10, v9  }
.LBB2_116:
0x560: {  	s29 =	sand.u32 $0x70, s26  }
0x561: {  	s30 =	sand.u32 $0x1C00, s28;
	[tilespmem:s24+$0x12280] =	vst v9;
	s24 =	smov.u32 s25;
	p0 =	sne.s32 s26, $0x3F0  }
.Ltmp57:
0x562: {  	s26 =	sadd.s32 $0x10, s26;
	s25 =	sor.u32 s30, s29;
	(pc) =	sbr.rel @p0 .LBB2_116-.Ltmp57, $4  }
0x563: {  	v9 =	vmul.f32 v7, v5;
	v7 =	vld [tilespmem:s25+$0xA280];
	v10 =	vmul.f32 v8, v6  }
0x564: {  	v8 =	vld [tilespmem:s25+$0xE280]  }
0x565: {  	v9 =	vadd.f32 v10, v9  }
0x566: {  	s28 =	sadd.s32 $0x80, s28  }
0x567: {  	_ =	sdelay $0x1  }
0x568: {  	v5 =	vmul.f32 v7, v5;
	v6 =	vmul.f32 v8, v6;
	_ =	sdelay $0x1  }
0x569: {  	s26 =	simm.s32 $0x0;
	v5 =	vadd.f32 v6, v5  }
0x56a: {  	[tilespmem:s24+$0x12280] =	vst v9;
	s30 =	sand.u32 $0x70, s26;
	s26 =	sand.u32 $0x1C00, s26  }
0x56b: {  	s24 =	sor.u32 s26, s30;
	[tilespmem:s25+$0x12280] =	vst v5  }
0x56c: {  	v7 =	vld [tilespmem:s24+$0xA300]  }
0x56d: {  	v8 =	vld [tilespmem:s24+$0xE300];
	_ =	sdelay $0x1  }
0x56e: {  	s29 =	simm.s32 $0x10;
	s30 =	simm.s32 $0x80  }
0x56f: {  	s26 =	sand.u32 $0x1C00, s30;
	v6 =	vbroadcast v4, $0xA;
	v5 =	vbroadcast v3, $0xA;
	s25 =	sand.u32 $0x70, s29  }
0x570: {  	s25 =	sor.u32 s26, s25  }
0x571: {  	v9 =	vmul.f32 v7, v5;
	v10 =	vmul.f32 v8, v6;
	v7 =	vld [tilespmem:s25+$0xA300]  }
0x572: {  	v8 =	vld [tilespmem:s25+$0xE300]  }
0x573: {  	s28 =	simm.s32 $0x100;
	s26 =	simm.s32 $0x20;
	v9 =	vadd.f32 v10, v9  }
.LBB2_118:
0x574: {  	s29 =	sand.u32 $0x70, s26  }
0x575: {  	s30 =	sand.u32 $0x1C00, s28;
	[tilespmem:s24+$0x12300] =	vst v9;
	s24 =	smov.u32 s25;
	p0 =	sne.s32 s26, $0x3F0  }
.Ltmp58:
0x576: {  	s26 =	sadd.s32 $0x10, s26;
	s25 =	sor.u32 s30, s29;
	(pc) =	sbr.rel @p0 .LBB2_118-.Ltmp58, $4  }
0x577: {  	v9 =	vmul.f32 v7, v5;
	v7 =	vld [tilespmem:s25+$0xA300];
	v10 =	vmul.f32 v8, v6  }
0x578: {  	v8 =	vld [tilespmem:s25+$0xE300]  }
0x579: {  	v9 =	vadd.f32 v10, v9  }
0x57a: {  	s28 =	sadd.s32 $0x80, s28  }
0x57b: {  	_ =	sdelay $0x1  }
0x57c: {  	v5 =	vmul.f32 v7, v5;
	v6 =	vmul.f32 v8, v6;
	_ =	sdelay $0x1  }
0x57d: {  	s26 =	simm.s32 $0x0;
	v5 =	vadd.f32 v6, v5  }
0x57e: {  	[tilespmem:s24+$0x12300] =	vst v9;
	s30 =	sand.u32 $0x70, s26;
	s26 =	sand.u32 $0x1C00, s26  }
0x57f: {  	s24 =	sor.u32 s26, s30;
	[tilespmem:s25+$0x12300] =	vst v5  }
0x580: {  	v7 =	vld [tilespmem:s24+$0xA380]  }
0x581: {  	v8 =	vld [tilespmem:s24+$0xE380];
	_ =	sdelay $0x1  }
0x582: {  	s29 =	simm.s32 $0x10;
	s30 =	simm.s32 $0x80  }
0x583: {  	s26 =	sand.u32 $0x1C00, s30;
	v6 =	vbroadcast v4, $0xB;
	v5 =	vbroadcast v3, $0xB;
	s25 =	sand.u32 $0x70, s29  }
0x584: {  	s25 =	sor.u32 s26, s25  }
0x585: {  	v9 =	vmul.f32 v7, v5;
	v10 =	vmul.f32 v8, v6;
	v7 =	vld [tilespmem:s25+$0xA380]  }
0x586: {  	v8 =	vld [tilespmem:s25+$0xE380]  }
0x587: {  	s28 =	simm.s32 $0x100;
	s26 =	simm.s32 $0x20;
	v9 =	vadd.f32 v10, v9  }
.LBB2_120:
0x588: {  	s29 =	sand.u32 $0x70, s26  }
0x589: {  	s30 =	sand.u32 $0x1C00, s28;
	[tilespmem:s24+$0x12380] =	vst v9;
	s24 =	smov.u32 s25;
	p0 =	sne.s32 s26, $0x3F0  }
.Ltmp59:
0x58a: {  	s26 =	sadd.s32 $0x10, s26;
	s25 =	sor.u32 s30, s29;
	(pc) =	sbr.rel @p0 .LBB2_120-.Ltmp59, $4  }
0x58b: {  	v9 =	vmul.f32 v7, v5;
	v7 =	vld [tilespmem:s25+$0xA380];
	v10 =	vmul.f32 v8, v6  }
0x58c: {  	v8 =	vld [tilespmem:s25+$0xE380]  }
0x58d: {  	v9 =	vadd.f32 v10, v9  }
0x58e: {  	s28 =	sadd.s32 $0x80, s28  }
0x58f: {  	_ =	sdelay $0x1  }
0x590: {  	v5 =	vmul.f32 v7, v5;
	v6 =	vmul.f32 v8, v6;
	_ =	sdelay $0x1  }
0x591: {  	s26 =	simm.s32 $0x0;
	v5 =	vadd.f32 v6, v5  }
0x592: {  	[tilespmem:s24+$0x12380] =	vst v9;
	s30 =	sand.u32 $0x70, s26;
	s26 =	sand.u32 $0x1C00, s26  }
0x593: {  	s24 =	sor.u32 s26, s30;
	[tilespmem:s25+$0x12380] =	vst v5  }
0x594: {  	v7 =	vld [tilespmem:s24+$0xA400]  }
0x595: {  	v8 =	vld [tilespmem:s24+$0xE400];
	_ =	sdelay $0x1  }
0x596: {  	s29 =	simm.s32 $0x10;
	s30 =	simm.s32 $0x80  }
0x597: {  	s26 =	sand.u32 $0x1C00, s30;
	v6 =	vbroadcast v4, $0xC;
	v5 =	vbroadcast v3, $0xC;
	s25 =	sand.u32 $0x70, s29  }
0x598: {  	s25 =	sor.u32 s26, s25  }
0x599: {  	v9 =	vmul.f32 v7, v5;
	v10 =	vmul.f32 v8, v6;
	v7 =	vld [tilespmem:s25+$0xA400]  }
0x59a: {  	v8 =	vld [tilespmem:s25+$0xE400]  }
0x59b: {  	s28 =	simm.s32 $0x100;
	s26 =	simm.s32 $0x20;
	v9 =	vadd.f32 v10, v9  }
.LBB2_122:
0x59c: {  	s29 =	sand.u32 $0x70, s26  }
0x59d: {  	s30 =	sand.u32 $0x1C00, s28;
	[tilespmem:s24+$0x12400] =	vst v9;
	s24 =	smov.u32 s25;
	p0 =	sne.s32 s26, $0x3F0  }
.Ltmp60:
0x59e: {  	s26 =	sadd.s32 $0x10, s26;
	s25 =	sor.u32 s30, s29;
	(pc) =	sbr.rel @p0 .LBB2_122-.Ltmp60, $4  }
0x59f: {  	v9 =	vmul.f32 v7, v5;
	v7 =	vld [tilespmem:s25+$0xA400];
	v10 =	vmul.f32 v8, v6  }
0x5a0: {  	v8 =	vld [tilespmem:s25+$0xE400]  }
0x5a1: {  	v9 =	vadd.f32 v10, v9  }
0x5a2: {  	s28 =	sadd.s32 $0x80, s28  }
0x5a3: {  	_ =	sdelay $0x1  }
0x5a4: {  	v5 =	vmul.f32 v7, v5;
	v6 =	vmul.f32 v8, v6;
	_ =	sdelay $0x1  }
0x5a5: {  	s26 =	simm.s32 $0x0;
	v5 =	vadd.f32 v6, v5  }
0x5a6: {  	[tilespmem:s24+$0x12400] =	vst v9;
	s30 =	sand.u32 $0x70, s26;
	s26 =	sand.u32 $0x1C00, s26  }
0x5a7: {  	s24 =	sor.u32 s26, s30;
	[tilespmem:s25+$0x12400] =	vst v5  }
0x5a8: {  	v7 =	vld [tilespmem:s24+$0xA480]  }
0x5a9: {  	v8 =	vld [tilespmem:s24+$0xE480];
	_ =	sdelay $0x1  }
0x5aa: {  	s29 =	simm.s32 $0x10;
	s30 =	simm.s32 $0x80  }
0x5ab: {  	s26 =	sand.u32 $0x1C00, s30;
	v6 =	vbroadcast v4, $0xD;
	v5 =	vbroadcast v3, $0xD;
	s25 =	sand.u32 $0x70, s29  }
0x5ac: {  	s25 =	sor.u32 s26, s25  }
0x5ad: {  	v9 =	vmul.f32 v7, v5;
	v10 =	vmul.f32 v8, v6;
	v7 =	vld [tilespmem:s25+$0xA480]  }
0x5ae: {  	v8 =	vld [tilespmem:s25+$0xE480]  }
0x5af: {  	s28 =	simm.s32 $0x100;
	s26 =	simm.s32 $0x20;
	v9 =	vadd.f32 v10, v9  }
.LBB2_124:
0x5b0: {  	s29 =	sand.u32 $0x70, s26  }
0x5b1: {  	s30 =	sand.u32 $0x1C00, s28;
	[tilespmem:s24+$0x12480] =	vst v9;
	s24 =	smov.u32 s25;
	p0 =	sne.s32 s26, $0x3F0  }
.Ltmp61:
0x5b2: {  	s26 =	sadd.s32 $0x10, s26;
	s25 =	sor.u32 s30, s29;
	(pc) =	sbr.rel @p0 .LBB2_124-.Ltmp61, $4  }
0x5b3: {  	v9 =	vmul.f32 v7, v5;
	v7 =	vld [tilespmem:s25+$0xA480];
	v10 =	vmul.f32 v8, v6  }
0x5b4: {  	v8 =	vld [tilespmem:s25+$0xE480]  }
0x5b5: {  	v9 =	vadd.f32 v10, v9  }
0x5b6: {  	s28 =	sadd.s32 $0x80, s28  }
0x5b7: {  	_ =	sdelay $0x1  }
0x5b8: {  	v5 =	vmul.f32 v7, v5;
	v6 =	vmul.f32 v8, v6;
	_ =	sdelay $0x1  }
0x5b9: {  	s26 =	simm.s32 $0x0;
	v5 =	vadd.f32 v6, v5  }
0x5ba: {  	[tilespmem:s24+$0x12480] =	vst v9;
	s30 =	sand.u32 $0x70, s26;
	s26 =	sand.u32 $0x1C00, s26  }
0x5bb: {  	s24 =	sor.u32 s26, s30;
	[tilespmem:s25+$0x12480] =	vst v5  }
0x5bc: {  	v7 =	vld [tilespmem:s24+$0xA500]  }
0x5bd: {  	v8 =	vld [tilespmem:s24+$0xE500];
	_ =	sdelay $0x1  }
0x5be: {  	s29 =	simm.s32 $0x10;
	s30 =	simm.s32 $0x80  }
0x5bf: {  	s26 =	sand.u32 $0x1C00, s30;
	v6 =	vbroadcast v4, $0xE;
	v5 =	vbroadcast v3, $0xE;
	s25 =	sand.u32 $0x70, s29  }
0x5c0: {  	s25 =	sor.u32 s26, s25  }
0x5c1: {  	v9 =	vmul.f32 v7, v5;
	v10 =	vmul.f32 v8, v6;
	v7 =	vld [tilespmem:s25+$0xA500]  }
0x5c2: {  	v8 =	vld [tilespmem:s25+$0xE500]  }
0x5c3: {  	s28 =	simm.s32 $0x100;
	s26 =	simm.s32 $0x20;
	v9 =	vadd.f32 v10, v9  }
.LBB2_126:
0x5c4: {  	s29 =	sand.u32 $0x70, s26  }
0x5c5: {  	s30 =	sand.u32 $0x1C00, s28;
	[tilespmem:s24+$0x12500] =	vst v9;
	s24 =	smov.u32 s25;
	p0 =	sne.s32 s26, $0x3F0  }
.Ltmp62:
0x5c6: {  	s26 =	sadd.s32 $0x10, s26;
	s25 =	sor.u32 s30, s29;
	(pc) =	sbr.rel @p0 .LBB2_126-.Ltmp62, $4  }
0x5c7: {  	v9 =	vmul.f32 v7, v5;
	v7 =	vld [tilespmem:s25+$0xA500];
	v10 =	vmul.f32 v8, v6  }
0x5c8: {  	v8 =	vld [tilespmem:s25+$0xE500]  }
0x5c9: {  	v9 =	vadd.f32 v10, v9  }
0x5ca: {  	s28 =	sadd.s32 $0x80, s28  }
0x5cb: {  	_ =	sdelay $0x1  }
0x5cc: {  	v5 =	vmul.f32 v7, v5;
	v6 =	vmul.f32 v8, v6;
	_ =	sdelay $0x1  }
0x5cd: {  	s26 =	simm.s32 $0x0;
	v5 =	vadd.f32 v6, v5  }
0x5ce: {  	[tilespmem:s24+$0x12500] =	vst v9;
	s26 =	sor.u32 s26, s26  }
0x5cf: {  	s24 =	sor.u32 $0x2380, s26;
	[tilespmem:s25+$0x12500] =	vst v5  }
0x5d0: {  	v5 =	vld [tilespmem:s24+$0x8200]  }
0x5d1: {  	v6 =	vld [tilespmem:s24+$0xC200];
	_ =	sdelay $0x1  }
0x5d2: {  	s29 =	simm.s32 $0x10;
	s30 =	simm.s32 $0x80  }
0x5d3: {  	v3 =	vbroadcast v3, $0xF;
	v4 =	vbroadcast v4, $0xF;
	s25 =	sor.u32 s30, s29  }
0x5d4: {  	s25 =	sor.u32 $0x2380, s25  }
0x5d5: {  	v7 =	vmul.f32 v5, v3;
	v8 =	vmul.f32 v6, v4;
	v5 =	vld [tilespmem:s25+$0x8200]  }
0x5d6: {  	v6 =	vld [tilespmem:s25+$0xC200]  }
0x5d7: {  	v7 =	vadd.f32 v8, v7  }
0x5d8: {  	s28 =	simm.s32 $0x100;
	s26 =	simm.s32 $0x20  }
.LBB2_128:
0x5d9: {  	s29 =	sor.u32 s28, s26;
	[tilespmem:s24+$0x10200] =	vst v7;
	s24 =	smov.u32 s25;
	p0 =	sne.s32 s26, $0x3F0  }
.Ltmp63:
0x5da: {  	s26 =	sadd.s32 $0x10, s26;
	s25 =	sor.u32 $0x2380, s29;
	(pc) =	sbr.rel @p0 .LBB2_128-.Ltmp63, $4  }
0x5db: {  	v7 =	vmul.f32 v5, v3;
	v5 =	vld [tilespmem:s25+$0x8200];
	v8 =	vmul.f32 v6, v4  }
0x5dc: {  	v6 =	vld [tilespmem:s25+$0xC200]  }
0x5dd: {  	v7 =	vadd.f32 v8, v7  }
0x5de: {  	s28 =	sadd.s32 $0x80, s28  }
0x5df: {  	_ =	sdelay $0x1  }
0x5e0: {  	v3 =	vmul.f32 v5, v3;
	v4 =	vmul.f32 v6, v4;
	_ =	sdelay $0x1  }
0x5e1: {  	s23 =	sadd.s32 $0x1, s23;
	v3 =	vadd.f32 v4, v3  }
0x5e2: {  	[tilespmem:s24+$0x10200] =	vst v7;
	p0 =	sne.s32 s23, s15  }
.Ltmp64:
0x5e3: {  	[tilespmem:s25+$0x10200] =	vst v3;
	(pc) =	sbr.rel @p0 .LBB2_1-.Ltmp64, $4  }
0x5e4: {  	[hbm4b:s14+s2] =	stream.linear.scatter [tilespmem:s21], [sflag:$0x3], $0x4000, $0x38;
	[tilespmem:$0x14200] =	vst v63  }
0x5e5: {  	_ =	swait.ge [sflag:s16], $0x4000  }
0x5e6: {  	[sflag:s16] =	ssyncset.done $0x0  }
0x5e7: {  	[sflag:s16] =	ssyncadd.s32 $0xFFFFC000  }
0x5e8: {  	_ =	sfence.sel $0x180000  }
0x5e9: {  	[bflag:$0x0] =	sbarrier.arrive $0xFFFF  }
0x5ea: {  	_ =	strace $0x9000004A  }
0x5eb: {  	s0 =	stileid.u32;
	[bflag:$0x2] =	sbarrier.arrive $0xFFFF  }
0x5ec: {  	p0 =	sne.s32 s0, $0x0;
	s0 =	rddreg [dreg:$0x2]  }
0x5ed: {  	s0 =	sadd.s32 @!p0 $0x100000, s0  }
0x5ee: {  	[sflag:s0] =	ssyncadd.tile.s32 @!p0 $0x1;
	_ =	shalt  }
.Lfunc_end2:
_tile_overlayer_lowered:
.L_overlay_start_2:
0x5ef: {  	(tag) =	ssettag $0x2  }
0x5f0: {  	s0 =	rddreg [dreg:$0x0];
	s2 =	stileid.u32  }
0x5f1: {  	s1 =	rddreg [dreg:$0x1];
	p0 =	sne.s32 s2, $0x0  }
0x5f2: {  	s3 =	rddreg [dreg:$0x2];
	[bflag:$0x3] =	sbarrier.arrive $0xFFFF;
	s2 =	simm.s32 @!p0 $0x1C03  }
0x5f3: {  	[timem:s3], [sflag:s2] =	dma.local @!p0 [hbm:s0], s1  }
0x5f4: {  	s0 =	simm.s32 @!p0 $0x3  }
0x5f5: {  	_ =	swait.ge @!p0 [sflag:s0], s1  }
0x5f6: {  	s1 =	ssub.s32 @!p0 $0x0, s1;
	[sflag:s0] =	ssyncset.done @!p0 $0x0  }
0x5f7: {  	[sflag:s0] =	ssyncadd.s32 @!p0 s1  }
0x5f8: {  	[bflag:$0x3] =	sbarrier.arrive $0xFFFF  }
0x5f9: {  	_ =	shalt  }

</sc_bundles>
